<compile_context>
chip_gen: v7x
topology: tpu7x:2x2x1
jax: 0.10.2.dev20260603
libtpu: 0.0.44.dev20260713+nightly
codegen_flags: <defaults>
</compile_context>

<pallas_src>
import functools

import jax
import jax.numpy as jnp
from jax import lax
from jax.experimental import pallas as pl
from jax.experimental.pallas import tpu as pltpu
from jax.experimental.pallas import tpu_sc as plsc

D = 128
B = 256
T = 32
NLAYERS = 2
ROWS_PER_TENSOR = B * T * 3
TENSORS_PER_HALF = 3
HROWS = TENSORS_PER_HALF * ROWS_PER_TENSOR

NW = 32
CHUNK = 128
T_CHUNKS = ROWS_PER_TENSOR // (NW * CHUNK)
NODE_PER_WORKER = B // NW

RB = 3072
BATCHES_PER_BLOCK = RB // (T * 3)
H_BLOCKS = HROWS // RB


def _sc_gather_tensor_body(with_node, table, idx, nidx, out, nout, idx_v,
                           nidx_v, bufs, nrows_v, gsems, ssem):
    wid = lax.axis_index("s") * 2 + lax.axis_index("c")
    pltpu.sync_copy(idx.at[wid], idx_v)

    for c in range(T_CHUNKS):
        pltpu.async_copy(table.at[idx_v.at[c]], bufs[c], gsems[c])
    for c in range(T_CHUNKS):
        ch = wid * T_CHUNKS + c
        pltpu.make_async_copy(table.at[idx_v.at[c]], bufs[c], gsems[c]).wait()
        pltpu.async_copy(bufs[c], out.at[ch // 64, ch % 64], ssem)
    for c in range(T_CHUNKS):
        pltpu.make_async_copy(bufs[c], out.at[0, 0], ssem).wait()

    if with_node:
        pltpu.sync_copy(nidx.at[wid], nidx_v)
        pltpu.async_copy(table.at[nidx_v], nrows_v, gsems[0]).wait()
        pltpu.sync_copy(nrows_v, nout.at[wid])


@functools.cache
def _get_sc_gather(with_node):
    out_type = [jax.ShapeDtypeStruct(
        (3, ROWS_PER_TENSOR // (3 * CHUNK), CHUNK, D), jnp.float32)]
    scratch = [
        pltpu.VMEM((T_CHUNKS, CHUNK), jnp.int32),
        pltpu.VMEM((NODE_PER_WORKER,), jnp.int32),
        [pltpu.VMEM((CHUNK, D), jnp.float32)] * T_CHUNKS,
        pltpu.VMEM((NODE_PER_WORKER, D), jnp.float32),
        [pltpu.SemaphoreType.DMA] * T_CHUNKS,
        pltpu.SemaphoreType.DMA,
    ]
    if with_node:
        out_type.append(jax.ShapeDtypeStruct((NW, NODE_PER_WORKER, D), jnp.float32))

        def body(table, idx, nidx, out, nout, idx_v, nidx_v, bufs, nv, gs, ss):
            _sc_gather_tensor_body(True, table, idx, nidx, out, nout, idx_v,
                                   nidx_v, bufs, nv, gs, ss)
    else:
        def body(table, idx, out, idx_v, nidx_v, bufs, nv, gs, ss):
            _sc_gather_tensor_body(False, table, idx, None, out, None, idx_v,
                                   nidx_v, bufs, nv, gs, ss)

    return pl.kernel(
        body,
        out_type=tuple(out_type),
        mesh=plsc.VectorSubcoreMesh(core_axis_name="c", subcore_axis_name="s"),
        scratch_types=scratch,
        compiler_params=pltpu.CompilerParams(use_tc_tiling_on_sc=True),
    )


def _graphlet_relu(x_ref, ws_ref, wm_ref, b_ref):
    g = RB // 3
    x3 = x_ref[...].reshape(3, g, D)
    ws = ws_ref[...]
    wm = wm_ref[...]
    b = b_ref[...]
    s = x3[0] + x3[1] + x3[2]
    t = lax.dot(s, wm, preferred_element_type=jnp.float32) + b
    xf = x3.reshape(RB, D)
    tb = jnp.broadcast_to(t[None], (3, g, D)).reshape(RB, D)
    z = lax.dot(xf, ws - wm, preferred_element_type=jnp.float32) + tb
    return jnp.maximum(z, 0.0)


def _mp_plain_body(x_ref, ws_ref, wm_ref, b_ref, m_ref):
    g = RB // 3
    y = _graphlet_relu(x_ref, ws_ref, wm_ref, b_ref).reshape(3, g, D)
    part = y[0] + y[1] + y[2]
    num = part.reshape(BATCHES_PER_BLOCK, T, D).sum(axis=1)
    m_ref[...] = (num * (1.0 / (T * 3 + 1e-6)))[None]


def _mp_masked_body(x_ref, ws_ref, wm_ref, b_ref, wmat_ref, m_ref):
    y = _graphlet_relu(x_ref, ws_ref, wm_ref, b_ref)
    wmat = wmat_ref[0]
    num = lax.dot(wmat, y, preferred_element_type=jnp.float32)
    den = jnp.sum(wmat, axis=1, keepdims=True)
    m_ref[...] = (num / (den + 1e-6))[None]


_BLKS = RB // 3 // CHUNK


def _mp_plain(rows, ws, wm, b):
    return pl.pallas_call(
        _mp_plain_body,
        grid=(8,),
        in_specs=[
            pl.BlockSpec((3, _BLKS, CHUNK, D), lambda i: (0, i, 0, 0)),
            pl.BlockSpec((D, D), lambda i: (0, 0)),
            pl.BlockSpec((D, D), lambda i: (0, 0)),
            pl.BlockSpec((1, D), lambda i: (0, 0)),
        ],
        out_specs=pl.BlockSpec((1, BATCHES_PER_BLOCK, D), lambda i: (i, 0, 0)),
        out_shape=jax.ShapeDtypeStruct((8, BATCHES_PER_BLOCK, D), jnp.float32),
    )(rows, ws, wm, b)


def _mp_masked(rows, ws, wm, b, wmat):
    return pl.pallas_call(
        _mp_masked_body,
        grid=(8,),
        in_specs=[
            pl.BlockSpec((3, _BLKS, CHUNK, D), lambda i: (0, i, 0, 0)),
            pl.BlockSpec((D, D), lambda i: (0, 0)),
            pl.BlockSpec((D, D), lambda i: (0, 0)),
            pl.BlockSpec((1, D), lambda i: (0, 0)),
            pl.BlockSpec((1, BATCHES_PER_BLOCK, RB), lambda i: (i, 0, 0)),
        ],
        out_specs=pl.BlockSpec((1, BATCHES_PER_BLOCK, D), lambda i: (i, 0, 0)),
        out_shape=jax.ShapeDtypeStruct((8, BATCHES_PER_BLOCK, D), jnp.float32),
    )(rows, ws, wm, b, wmat)


def _combine_body(t0_ref, nt0_ref, tn0_ref, t1_ref, nt1_ref, tn1_ref, ne_ref,
                  wg_ref, bg_ref, w1_ref, b1_ref, w2_ref, b2_ref, o_ref):
    def agg(m_ref, k):
        return (lax.dot(m_ref[...].reshape(B, D), wg_ref[k],
                        preferred_element_type=jnp.float32) + bg_ref[k])

    t_mean = 0.25 * (agg(t0_ref, 0) - agg(nt0_ref, 1)
                     + agg(t1_ref, 3) - agg(nt1_ref, 4))
    n_mean = 0.5 * (agg(tn0_ref, 2) + agg(tn1_ref, 5))
    h = (lax.dot(ne_ref[...].reshape(B, D), w1_ref[0],
                 preferred_element_type=jnp.float32)
         + lax.dot(t_mean, w1_ref[1], preferred_element_type=jnp.float32)
         + lax.dot(n_mean, w1_ref[2], preferred_element_type=jnp.float32)
         + b1_ref[...])
    h1 = jnp.maximum(h, 0.0)
    o_ref[...] = jnp.sum(h1 * w2_ref[...], axis=1, keepdims=True) + b2_ref[...]


def _combine(ms, node_e, wg_all, bg_all, w1, b1, w2, b2):
    return pl.pallas_call(
        _combine_body,
        out_shape=jax.ShapeDtypeStruct((B, 1), jnp.float32),
    )(*ms, node_e, wg_all, bg_all, w1, b1, w2, b2)


def kernel(params, node_id, trianglelogic, squarelogic, triangle, notriangle,
           square, nosquare, triangle_neighbor, triangle_mask, square_neighbor,
           square_mask):
    emb = params['embedding']
    eye = jnp.eye(BATCHES_PER_BLOCK, dtype=jnp.float32)

    def node_major_idx(a):
        return (jnp.transpose(a, (2, 0, 1)).reshape(-1)
                .astype(jnp.int32).reshape(NW, T_CHUNKS, CHUNK))

    def build_wmat(mask_l):
        mt = jnp.transpose(mask_l, (2, 0, 1)).reshape(3, 8, BATCHES_PER_BLOCK, T)
        wm5 = (mt.transpose(1, 0, 2, 3)[:, None]
               * eye[None, :, None, :, None])
        return wm5.reshape(8, BATCHES_PER_BLOCK, RB)

    wg_l, bg_l = [], []
    for l in range(NLAYERS):
        for name in ('tpa', 'tga', 'tna'):
            wg, bg = params[name][l][0]
            wg_l.append(wg)
            bg_l.append(bg)
    nidx = node_id.astype(jnp.int32).reshape(NW, NODE_PER_WORKER)
    wg_all = jnp.stack(wg_l)
    bg_all = jnp.stack(bg_l).reshape(2 * TENSORS_PER_HALF, 1, D)
    (w1, b1), (w2, b2) = params['combine']
    w1r = w1.reshape(3, D, D)
    b1r = b1.reshape(1, D)
    w2r = w2.reshape(1, D)
    b2r = b2.reshape(1, 1)

    ms = []
    node_e = None
    for l in range(NLAYERS):
        (ws_t, wm_t, bias_t) = params['tmp'][l][0]
        (ws_n, wm_n, bias_n) = params['tnp'][l][0]
        wmat = build_wmat(triangle_mask[:, l])
        for src, ws, wm, bias, masked in (
                (triangle, ws_t, wm_t, bias_t, False),
                (notriangle, ws_t, wm_t, bias_t, False),
                (triangle_neighbor, ws_n, wm_n, bias_n, True)):
            idx = node_major_idx(src[:, l])
            if node_e is None:
                rows, node_e = _get_sc_gather(True)(emb, idx, nidx)
            else:
                rows, = _get_sc_gather(False)(emb, idx)
            br = bias.reshape(1, D)
            if masked:
                ms.append(_mp_masked(rows, ws, wm, br, wmat))
            else:
                ms.append(_mp_plain(rows, ws, wm, br))
    return _combine(ms, node_e, wg_all, bg_all, w1r, b1r, w2r, b2r)

# --- scband reference (transcript-rebuilt; emitter-appended) ---
"""Pipeline reference for scband-angel-26310969655383 (READ-ONLY COPY).

The authoritative reference and input builder live on the scoring server;
editing this copy changes nothing except your own understanding.
"""

import jax, jax.numpy as jnp
import numpy as np

V = 100000
D = 128
B = 256
L = 2
T = 32
TN = 32
PASS_NUM = 1
AGG_NUM = 1
LABEL_NUM = 1


def _mk_mlp(key, sizes):
    layers = []
    for i in range(len(sizes) - 1):
        key, k1 = jax.random.split(key)
        W = jax.random.normal(k1, (sizes[i], sizes[i + 1]), jnp.float32) / jnp.sqrt(sizes[i])
        b = jnp.zeros((sizes[i + 1],), jnp.float32)
        layers.append((W, b))
    return key, layers


def _mk_pass(key, num):
    layers = []
    for _ in range(num):
        key, k1, k2 = jax.random.split(key, 3)
        Ws = jax.random.normal(k1, (D, D), jnp.float32) / jnp.sqrt(D)
        Wm = jax.random.normal(k2, (D, D), jnp.float32) / jnp.sqrt(3.0 * D)
        b = jnp.zeros((D,), jnp.float32)
        layers.append((Ws, Wm, b))
    return key, layers


def _make_params(key):
    key, ke = jax.random.split(key)
    params = {
        'embedding': jax.random.normal(ke, (V, D), jnp.float32),
        'tmp': [], 'tnp': [], 'tpa': [], 'tga': [], 'tna': [],
    }
    for _ in range(L):
        key, p = _mk_pass(key, PASS_NUM); params['tmp'].append(p)
        key, p = _mk_pass(key, PASS_NUM); params['tnp'].append(p)
        key, p = _mk_mlp(key, [D] * (AGG_NUM + 1)); params['tpa'].append(p)
        key, p = _mk_mlp(key, [D] * (AGG_NUM + 1)); params['tga'].append(p)
        key, p = _mk_mlp(key, [D] * (AGG_NUM + 1)); params['tna'].append(p)
    key, p = _mk_mlp(key, [3 * D, D, LABEL_NUM]); params['combine'] = p
    return params


def _message_pass(layers, x):
    # x: [B, G, n_nodes, D]; each graphlet node receives sum of other nodes' states
    for (Ws, Wm, b) in layers:
        m = jnp.sum(x, axis=2, keepdims=True) - x
        x = jax.nn.relu(x @ Ws + m @ Wm + b)
    return x


def _mlp(layers, h):
    n = len(layers)
    for i, (W, b) in enumerate(layers):
        h = h @ W + b
        if i < n - 1:
            h = jax.nn.relu(h)
    return h


def _aggregate(layers, x, sign):
    h = jnp.mean(x, axis=(1, 2))
    return sign * _mlp(layers, h)


def _aggregate_masked(layers, x, mask):
    num = jnp.sum(x * mask[..., None], axis=(1, 2))
    den = jnp.sum(mask, axis=(1, 2))[:, None] + 1e-6
    return _mlp(layers, num / den)


def _forward(params, node_id, triangle, notriangle, triangle_neighbor, triangle_mask):
    emb = params['embedding']
    t_embeds, n_embeds = [], []
    for l in range(L):
        tn_e = jnp.take(emb, triangle_neighbor[:, l], axis=0)   # [B, TN, 3, D]
        t_e = jnp.take(emb, triangle[:, l], axis=0)             # [B, T, 3, D]
        nt_e = jnp.take(emb, notriangle[:, l], axis=0)          # [B, T, 3, D]
        tn_e = _message_pass(params['tnp'][l], tn_e)
        n_embeds.append(_aggregate_masked(params['tna'][l], tn_e, triangle_mask[:, l]))
        t_e = _message_pass(params['tmp'][l], t_e)
        t_embeds.append(_aggregate(params['tpa'][l], t_e, 1.0))
        nt_e = _message_pass(params['tmp'][l], nt_e)
        t_embeds.append(_aggregate(params['tga'][l], nt_e, -1.0))
    t_stack = jnp.stack(t_embeds, axis=1)   # [B, 2L, D]
    n_stack = jnp.stack(n_embeds, axis=1)   # [B, L, D]
    node_e = jnp.take(emb, node_id, axis=0)  # [B, D]
    h = jnp.concatenate([node_e, jnp.mean(t_stack, axis=1), jnp.mean(n_stack, axis=1)], axis=-1)
    return _mlp(params['combine'], h)


def setup_inputs(seed: int = 0):
    key = jax.random.key(seed)
    key, kp = jax.random.split(key)
    params = _make_params(kp)
    ks = jax.random.split(key, 6)
    return {
        'params': params,
        'node_id': jax.random.randint(ks[0], (B,), 0, V),
        'trianglelogic': jnp.arange(L, dtype=jnp.int32),
        'squarelogic': jnp.zeros((1,), jnp.int32),
        'triangle': jax.random.randint(ks[1], (B, L, T, 3), 0, V),
        'notriangle': jax.random.randint(ks[2], (B, L, T, 3), 0, V),
        'square': jnp.zeros((B, 1, 1, 4), jnp.int32),
        'nosquare': jnp.zeros((B, 1, 1, 4), jnp.int32),
        'triangle_neighbor': jax.random.randint(ks[3], (B, L, TN, 3), 0, V),
        'triangle_mask': jax.random.uniform(ks[4], (B, L, TN, 3), jnp.float32),
        'square_neighbor': jnp.zeros((B, 1, 1, 4), jnp.int32),
        'square_mask': jnp.ones((B, 1, 1, 4), jnp.float32),
    }


def reference(params, node_id, trianglelogic, squarelogic, triangle, notriangle, square, nosquare, triangle_neighbor, triangle_mask, square_neighbor, square_mask):
    # square_signal=False -> square branch is skipped, matching the torch module
    return _forward(params, node_id, triangle, notriangle, triangle_neighbor, triangle_mask)

if __name__ == "__main__":
    import jax
    _d = setup_inputs()
    print(jax.jit(kernel)(*tuple(_d.values())))

</pallas_src>

<mosaic_0001>
#map = affine_map<(d0, d1) -> (0, 0)>
#map1 = affine_map<(d0, d1) -> (0, 0, 0)>
#map2 = affine_map<(d0, d1) -> (0, 0, 0, 0)>
module attributes {stable_mosaic.version = 14 : i64} {
  func.func @body(%arg0: i32, %arg1: i32, %arg2: memref<100000x128xf32, #tpu.memory_space<hbm>>, %arg3: memref<32x6x128xi32, #tpu.memory_space<hbm>>, %arg4: memref<3x64x128x128xf32, #tpu.memory_space<hbm>>, %arg5: memref<6x128xi32, #tpu.memory_space<vmem>>, %arg6: memref<8xi32, #tpu.memory_space<vmem>>, %arg7: memref<128x128xf32, #tpu.memory_space<vmem>>, %arg8: memref<128x128xf32, #tpu.memory_space<vmem>>, %arg9: memref<128x128xf32, #tpu.memory_space<vmem>>, %arg10: memref<128x128xf32, #tpu.memory_space<vmem>>, %arg11: memref<128x128xf32, #tpu.memory_space<vmem>>, %arg12: memref<128x128xf32, #tpu.memory_space<vmem>>, %arg13: memref<8x128xf32, #tpu.memory_space<vmem>>, %arg14: memref<!tpu.dma_semaphore, #tpu.memory_space<semaphore_mem>>, %arg15: memref<!tpu.dma_semaphore, #tpu.memory_space<semaphore_mem>>, %arg16: memref<!tpu.dma_semaphore, #tpu.memory_space<semaphore_mem>>, %arg17: memref<!tpu.dma_semaphore, #tpu.memory_space<semaphore_mem>>, %arg18: memref<!tpu.dma_semaphore, #tpu.memory_space<semaphore_mem>>, %arg19: memref<!tpu.dma_semaphore, #tpu.memory_space<semaphore_mem>>, %arg20: memref<!tpu.dma_semaphore, #tpu.memory_space<semaphore_mem>>) attributes {dimension_semantics = [#tpu.dimension_semantics<core_parallel>, #tpu.dimension_semantics<subcore_parallel>], iteration_bounds = array<i64: 2, 16>, scalar_prefetch = 0 : i64, scratch_operands = 16 : i64, tpu.core_type = #tpu.core_type<sc_vector_subcore>, window_params = [{transform_indices = #map}, {transform_indices = #map1}, {transform_indices = #map2}]} {
    %mul3A = arith.constant 2 : i32
    %mul3A_0 = arith.muli %arg1, %mul3A : i32
    %add3A = arith.addi %mul3A_0, %arg0 : i32
    "tpu.region"() ({
      %run_scoped3A = tpu.sem_alloc : memref<!tpu.dma_semaphore, #tpu.memory_space<semaphore_mem>>
      %dma_start3A_445 = arith.constant 0 : i32
      %dma_start3A_446 = arith.constant 0 : i32
      %dma_start3A_447 = tpu.memref_slice %arg3[%add3A, %dma_start3A_445, %dma_start3A_446] : memref<32x6x128xi32, #tpu.memory_space<hbm>> -> memref<1x6x128xi32, #tpu.memory_space<hbm>>
      %dma_start3A_448 = tpu.memref_squeeze %dma_start3A_447 : memref<1x6x128xi32, #tpu.memory_space<hbm>> -> memref<6x128xi32, #tpu.memory_space<hbm>>
      %dma_start3A_449 = arith.constant 0 : i32
      %dma_start3A_450 = arith.constant 0 : i32
      %dma_start3A_451 = tpu.memref_slice %arg3[%add3A, %dma_start3A_449, %dma_start3A_450] : memref<32x6x128xi32, #tpu.memory_space<hbm>> -> memref<1x6x128xi32, #tpu.memory_space<hbm>>
      %dma_start3A_452 = tpu.memref_squeeze %dma_start3A_451 : memref<1x6x128xi32, #tpu.memory_space<hbm>> -> memref<6x128xi32, #tpu.memory_space<hbm>>
      tpu.enqueue_dma source(%dma_start3A_452 : memref<6x128xi32, #tpu.memory_space<hbm>>) target(%arg5 : memref<6x128xi32, #tpu.memory_space<vmem>>) target_semaphore(%run_scoped3A : memref<!tpu.dma_semaphore, #tpu.memory_space<semaphore_mem>>)
      %dma_wait3A_453 = arith.constant 0 : i32
      %dma_wait3A_454 = arith.constant 0 : i32
      %dma_wait3A_455 = tpu.memref_slice %arg3[%add3A, %dma_wait3A_453, %dma_wait3A_454] : memref<32x6x128xi32, #tpu.memory_space<hbm>> -> memref<1x6x128xi32, #tpu.memory_space<hbm>>
      %dma_wait3A_456 = tpu.memref_squeeze %dma_wait3A_455 : memref<1x6x128xi32, #tpu.memory_space<hbm>> -> memref<6x128xi32, #tpu.memory_space<hbm>>
      %dma_wait3A_457 = arith.constant 0 : i32
      %dma_wait3A_458 = arith.constant 0 : i32
      %dma_wait3A_459 = tpu.memref_slice %arg3[%add3A, %dma_wait3A_457, %dma_wait3A_458] : memref<32x6x128xi32, #tpu.memory_space<hbm>> -> memref<1x6x128xi32, #tpu.memory_space<hbm>>
      %dma_wait3A_460 = tpu.memref_squeeze %dma_wait3A_459 : memref<1x6x128xi32, #tpu.memory_space<hbm>> -> memref<6x128xi32, #tpu.memory_space<hbm>>
      tpu.wait_dma2 semaphore(%run_scoped3A : memref<!tpu.dma_semaphore, #tpu.memory_space<semaphore_mem>>) src(%dma_wait3A_460 : memref<6x128xi32, #tpu.memory_space<hbm>>) dst(%arg5 : memref<6x128xi32, #tpu.memory_space<vmem>>)
      tpu.yield
    }) : () -> ()
    %dma_start3A = arith.constant 0 : i32
    %dma_start3A_1 = arith.constant 0 : i32
    %dma_start3A_2 = tpu.memref_slice %arg5[%dma_start3A, %dma_start3A_1] : memref<6x128xi32, #tpu.memory_space<vmem>> -> memref<1x128xi32, #tpu.memory_space<vmem>>
    %dma_start3A_3 = tpu.memref_squeeze %dma_start3A_2 : memref<1x128xi32, #tpu.memory_space<vmem>> -> memref<128xi32, #tpu.memory_space<vmem>>
    %dma_start3A_4 = arith.constant 0 : i32
    %dma_start3A_5 = arith.constant 0 : i32
    %dma_start3A_6 = tpu.memref_slice %arg2[%dma_start3A_4, %dma_start3A_5] : memref<100000x128xf32, #tpu.memory_space<hbm>> -> memref<100000x128xf32, #tpu.memory_space<hbm>>
    tpu.enqueue_indirect_dma source(%dma_start3A_6 : memref<100000x128xf32, #tpu.memory_space<hbm>>) target(%arg7 : memref<128x128xf32, #tpu.memory_space<vmem>>) offsets(%dma_start3A_3 : memref<128xi32, #tpu.memory_space<vmem>>) semaphore(%arg14 : memref<!tpu.dma_semaphore, #tpu.memory_space<semaphore_mem>>)
    %dma_start3A_7 = arith.constant 1 : i32
    %dma_start3A_8 = arith.constant 0 : i32
    %dma_start3A_9 = tpu.memref_slice %arg5[%dma_start3A_7, %dma_start3A_8] : memref<6x128xi32, #tpu.memory_space<vmem>> -> memref<1x128xi32, #tpu.memory_space<vmem>>
    %dma_start3A_10 = tpu.memref_squeeze %dma_start3A_9 : memref<1x128xi32, #tpu.memory_space<vmem>> -> memref<128xi32, #tpu.memory_space<vmem>>
    %dma_start3A_11 = arith.constant 0 : i32
    %dma_start3A_12 = arith.constant 0 : i32
    %dma_start3A_13 = tpu.memref_slice %arg2[%dma_start3A_11, %dma_start3A_12] : memref<100000x128xf32, #tpu.memory_space<hbm>> -> memref<100000x128xf32, #tpu.memory_space<hbm>>
    tpu.enqueue_indirect_dma source(%dma_start3A_13 : memref<100000x128xf32, #tpu.memory_space<hbm>>) target(%arg8 : memref<128x128xf32, #tpu.memory_space<vmem>>) offsets(%dma_start3A_10 : memref<128xi32, #tpu.memory_space<vmem>>) semaphore(%arg15 : memref<!tpu.dma_semaphore, #tpu.memory_space<semaphore_mem>>)
    %dma_start3A_14 = arith.constant 2 : i32
    %dma_start3A_15 = arith.constant 0 : i32
    %dma_start3A_16 = tpu.memref_slice %arg5[%dma_start3A_14, %dma_start3A_15] : memref<6x128xi32, #tpu.memory_space<vmem>> -> memref<1x128xi32, #tpu.memory_space<vmem>>
    %dma_start3A_17 = tpu.memref_squeeze %dma_start3A_16 : memref<1x128xi32, #tpu.memory_space<vmem>> -> memref<128xi32, #tpu.memory_space<vmem>>
    %dma_start3A_18 = arith.constant 0 : i32
    %dma_start3A_19 = arith.constant 0 : i32
    %dma_start3A_20 = tpu.memref_slice %arg2[%dma_start3A_18, %dma_start3A_19] : memref<100000x128xf32, #tpu.memory_space<hbm>> -> memref<100000x128xf32, #tpu.memory_space<hbm>>
    tpu.enqueue_indirect_dma source(%dma_start3A_20 : memref<100000x128xf32, #tpu.memory_space<hbm>>) target(%arg9 : memref<128x128xf32, #tpu.memory_space<vmem>>) offsets(%dma_start3A_17 : memref<128xi32, #tpu.memory_space<vmem>>) semaphore(%arg16 : memref<!tpu.dma_semaphore, #tpu.memory_space<semaphore_mem>>)
    %dma_start3A_21 = arith.constant 3 : i32
    %dma_start3A_22 = arith.constant 0 : i32
    %dma_start3A_23 = tpu.memref_slice %arg5[%dma_start3A_21, %dma_start3A_22] : memref<6x128xi32, #tpu.memory_space<vmem>> -> memref<1x128xi32, #tpu.memory_space<vmem>>
    %dma_start3A_24 = tpu.memref_squeeze %dma_start3A_23 : memref<1x128xi32, #tpu.memory_space<vmem>> -> memref<128xi32, #tpu.memory_space<vmem>>
    %dma_start3A_25 = arith.constant 0 : i32
    %dma_start3A_26 = arith.constant 0 : i32
    %dma_start3A_27 = tpu.memref_slice %arg2[%dma_start3A_25, %dma_start3A_26] : memref<100000x128xf32, #tpu.memory_space<hbm>> -> memref<100000x128xf32, #tpu.memory_space<hbm>>
    tpu.enqueue_indirect_dma source(%dma_start3A_27 : memref<100000x128xf32, #tpu.memory_space<hbm>>) target(%arg10 : memref<128x128xf32, #tpu.memory_space<vmem>>) offsets(%dma_start3A_24 : memref<128xi32, #tpu.memory_space<vmem>>) semaphore(%arg17 : memref<!tpu.dma_semaphore, #tpu.memory_space<semaphore_mem>>)
    %dma_start3A_28 = arith.constant 4 : i32
    %dma_start3A_29 = arith.constant 0 : i32
    %dma_start3A_30 = tpu.memref_slice %arg5[%dma_start3A_28, %dma_start3A_29] : memref<6x128xi32, #tpu.memory_space<vmem>> -> memref<1x128xi32, #tpu.memory_space<vmem>>
    %dma_start3A_31 = tpu.memref_squeeze %dma_start3A_30 : memref<1x128xi32, #tpu.memory_space<vmem>> -> memref<128xi32, #tpu.memory_space<vmem>>
    %dma_start3A_32 = arith.constant 0 : i32
    %dma_start3A_33 = arith.constant 0 : i32
    %dma_start3A_34 = tpu.memref_slice %arg2[%dma_start3A_32, %dma_start3A_33] : memref<100000x128xf32, #tpu.memory_space<hbm>> -> memref<100000x128xf32, #tpu.memory_space<hbm>>
    tpu.enqueue_indirect_dma source(%dma_start3A_34 : memref<100000x128xf32, #tpu.memory_space<hbm>>) target(%arg11 : memref<128x128xf32, #tpu.memory_space<vmem>>) offsets(%dma_start3A_31 : memref<128xi32, #tpu.memory_space<vmem>>) semaphore(%arg18 : memref<!tpu.dma_semaphore, #tpu.memory_space<semaphore_mem>>)
    %dma_start3A_35 = arith.constant 5 : i32
    %dma_start3A_36 = arith.constant 0 : i32
    %dma_start3A_37 = tpu.memref_slice %arg5[%dma_start3A_35, %dma_start3A_36] : memref<6x128xi32, #tpu.memory_space<vmem>> -> memref<1x128xi32, #tpu.memory_space<vmem>>
    %dma_start3A_38 = tpu.memref_squeeze %dma_start3A_37 : memref<1x128xi32, #tpu.memory_space<vmem>> -> memref<128xi32, #tpu.memory_space<vmem>>
    %dma_start3A_39 = arith.constant 0 : i32
    %dma_start3A_40 = arith.constant 0 : i32
    %dma_start3A_41 = tpu.memref_slice %arg2[%dma_start3A_39, %dma_start3A_40] : memref<100000x128xf32, #tpu.memory_space<hbm>> -> memref<100000x128xf32, #tpu.memory_space<hbm>>
    tpu.enqueue_indirect_dma source(%dma_start3A_41 : memref<100000x128xf32, #tpu.memory_space<hbm>>) target(%arg12 : memref<128x128xf32, #tpu.memory_space<vmem>>) offsets(%dma_start3A_38 : memref<128xi32, #tpu.memory_space<vmem>>) semaphore(%arg19 : memref<!tpu.dma_semaphore, #tpu.memory_space<semaphore_mem>>)
    %mul3A_42 = arith.constant 6 : i32
    %mul3A_43 = arith.muli %add3A, %mul3A_42 : i32
    %add3A_44 = arith.constant 0 : i32
    %add3A_45 = arith.addi %mul3A_43, %add3A_44 : i32
    %dma_wait3A = arith.constant 0 : i32
    %dma_wait3A_46 = arith.constant 0 : i32
    %dma_wait3A_47 = tpu.memref_slice %arg5[%dma_wait3A, %dma_wait3A_46] : memref<6x128xi32, #tpu.memory_space<vmem>> -> memref<1x128xi32, #tpu.memory_space<vmem>>
    %dma_wait3A_48 = tpu.memref_squeeze %dma_wait3A_47 : memref<1x128xi32, #tpu.memory_space<vmem>> -> memref<128xi32, #tpu.memory_space<vmem>>
    %dma_wait3A_49 = arith.constant 0 : i32
    %dma_wait3A_50 = arith.constant 0 : i32
    %dma_wait3A_51 = tpu.memref_slice %arg2[%dma_wait3A_49, %dma_wait3A_50] : memref<100000x128xf32, #tpu.memory_space<hbm>> -> memref<100000x128xf32, #tpu.memory_space<hbm>>
    tpu.wait_indirect_dma semaphore(%arg14 : memref<!tpu.dma_semaphore, #tpu.memory_space<semaphore_mem>>) src(%dma_wait3A_51 : memref<100000x128xf32, #tpu.memory_space<hbm>>) dst(%arg7 : memref<128x128xf32, #tpu.memory_space<vmem>>)
    %jit3A = arith.constant 64 : i32
    %div3A = arith.divsi %add3A_45, %jit3A : i32
    %sign3A = arith.constant 0 : i32
    %sign3A_52 = arith.cmpi sgt, %add3A_45, %sign3A : i32
    %sign3A_53 = arith.extui %sign3A_52 : i1 to i32
    %sign3A_54 = arith.constant 0 : i32
    %sign3A_55 = arith.cmpi slt, %add3A_45, %sign3A_54 : i32
    %sign3A_56 = arith.extui %sign3A_55 : i1 to i32
    %sign3A_57 = arith.subi %sign3A_53, %sign3A_56 : i32
    %sign3A_58 = arith.constant 0 : i32
    %sign3A_59 = arith.cmpi sgt, %jit3A, %sign3A_58 : i32
    %sign3A_60 = arith.extui %sign3A_59 : i1 to i32
    %sign3A_61 = arith.constant 0 : i32
    %sign3A_62 = arith.cmpi slt, %jit3A, %sign3A_61 : i32
    %sign3A_63 = arith.extui %sign3A_62 : i1 to i32
    %sign3A_64 = arith.subi %sign3A_60, %sign3A_63 : i32
    %ne3A = arith.cmpi ne, %sign3A_57, %sign3A_64 : i32
    %rem3A = arith.remsi %add3A_45, %jit3A : i32
    %ne3A_65 = arith.constant 0 : i32
    %ne3A_66 = arith.cmpi ne, %rem3A, %ne3A_65 : i32
    %and3A = arith.andi %ne3A, %ne3A_66 : i1
    %sub3A = arith.constant 1 : i32
    %sub3A_67 = arith.subi %div3A, %sub3A : i32
    %select_n3A = arith.select %and3A, %sub3A_67, %div3A : i32
    %jit3A_68 = arith.constant 64 : i32
    %eq3A = arith.constant 0 : i32
    %eq3A_69 = arith.cmpi eq, %jit3A_68, %eq3A : i32
    %jit3A_70 = arith.constant 1 : i32
    %select_n3A_71 = arith.select %eq3A_69, %jit3A_70, %jit3A_68 : i32
    %rem3A_72 = arith.remsi %add3A_45, %select_n3A_71 : i32
    %ne3A_73 = arith.constant 0 : i32
    %ne3A_74 = arith.cmpi ne, %rem3A_72, %ne3A_73 : i32
    %lt3A = arith.constant 0 : i32
    %lt3A_75 = arith.cmpi slt, %rem3A_72, %lt3A : i32
    %lt3A_76 = arith.constant 0 : i32
    %lt3A_77 = arith.cmpi slt, %select_n3A_71, %lt3A_76 : i32
    %ne3A_78 = arith.xori %lt3A_75, %lt3A_77 : i1
    %and3A_79 = arith.andi %ne3A_78, %ne3A_74 : i1
    %add3A_80 = arith.addi %rem3A_72, %select_n3A_71 : i32
    %select_n3A_81 = arith.select %and3A_79, %add3A_80, %rem3A_72 : i32
    %dma_start3A_82 = arith.constant 0 : i32
    %dma_start3A_83 = arith.constant 0 : i32
    %dma_start3A_84 = tpu.memref_slice %arg4[%select_n3A, %select_n3A_81, %dma_start3A_82, %dma_start3A_83] : memref<3x64x128x128xf32, #tpu.memory_space<hbm>> -> memref<1x1x128x128xf32, #tpu.memory_space<hbm>>
    %dma_start3A_85 = tpu.memref_squeeze %dma_start3A_84 : memref<1x1x128x128xf32, #tpu.memory_space<hbm>> -> memref<128x128xf32, #tpu.memory_space<hbm>>
    %dma_start3A_86 = arith.constant 0 : i32
    %dma_start3A_87 = arith.constant 0 : i32
    %dma_start3A_88 = tpu.memref_slice %arg4[%select_n3A, %select_n3A_81, %dma_start3A_86, %dma_start3A_87] : memref<3x64x128x128xf32, #tpu.memory_space<hbm>> -> memref<1x1x128x128xf32, #tpu.memory_space<hbm>>
    %dma_start3A_89 = tpu.memref_squeeze %dma_start3A_88 : memref<1x1x128x128xf32, #tpu.memory_space<hbm>> -> memref<128x128xf32, #tpu.memory_space<hbm>>
    tpu.enqueue_dma source(%arg7 : memref<128x128xf32, #tpu.memory_space<vmem>>) target(%dma_start3A_89 : memref<128x128xf32, #tpu.memory_space<hbm>>) target_semaphore(%arg20 : memref<!tpu.dma_semaphore, #tpu.memory_space<semaphore_mem>>)
    %mul3A_90 = arith.constant 6 : i32
    %mul3A_91 = arith.muli %add3A, %mul3A_90 : i32
    %add3A_92 = arith.constant 1 : i32
    %add3A_93 = arith.addi %mul3A_91, %add3A_92 : i32
    %dma_wait3A_94 = arith.constant 1 : i32
    %dma_wait3A_95 = arith.constant 0 : i32
    %dma_wait3A_96 = tpu.memref_slice %arg5[%dma_wait3A_94, %dma_wait3A_95] : memref<6x128xi32, #tpu.memory_space<vmem>> -> memref<1x128xi32, #tpu.memory_space<vmem>>
    %dma_wait3A_97 = tpu.memref_squeeze %dma_wait3A_96 : memref<1x128xi32, #tpu.memory_space<vmem>> -> memref<128xi32, #tpu.memory_space<vmem>>
    %dma_wait3A_98 = arith.constant 0 : i32
    %dma_wait3A_99 = arith.constant 0 : i32
    %dma_wait3A_100 = tpu.memref_slice %arg2[%dma_wait3A_98, %dma_wait3A_99] : memref<100000x128xf32, #tpu.memory_space<hbm>> -> memref<100000x128xf32, #tpu.memory_space<hbm>>
    tpu.wait_indirect_dma semaphore(%arg15 : memref<!tpu.dma_semaphore, #tpu.memory_space<semaphore_mem>>) src(%dma_wait3A_100 : memref<100000x128xf32, #tpu.memory_space<hbm>>) dst(%arg8 : memref<128x128xf32, #tpu.memory_space<vmem>>)
    %jit3A_101 = arith.constant 64 : i32
    %div3A_102 = arith.divsi %add3A_93, %jit3A_101 : i32
    %sign3A_103 = arith.constant 0 : i32
    %sign3A_104 = arith.cmpi sgt, %add3A_93, %sign3A_103 : i32
    %sign3A_105 = arith.extui %sign3A_104 : i1 to i32
    %sign3A_106 = arith.constant 0 : i32
    %sign3A_107 = arith.cmpi slt, %add3A_93, %sign3A_106 : i32
    %sign3A_108 = arith.extui %sign3A_107 : i1 to i32
    %sign3A_109 = arith.subi %sign3A_105, %sign3A_108 : i32
    %sign3A_110 = arith.constant 0 : i32
    %sign3A_111 = arith.cmpi sgt, %jit3A_101, %sign3A_110 : i32
    %sign3A_112 = arith.extui %sign3A_111 : i1 to i32
    %sign3A_113 = arith.constant 0 : i32
    %sign3A_114 = arith.cmpi slt, %jit3A_101, %sign3A_113 : i32
    %sign3A_115 = arith.extui %sign3A_114 : i1 to i32
    %sign3A_116 = arith.subi %sign3A_112, %sign3A_115 : i32
    %ne3A_117 = arith.cmpi ne, %sign3A_109, %sign3A_116 : i32
    %rem3A_118 = arith.remsi %add3A_93, %jit3A_101 : i32
    %ne3A_119 = arith.constant 0 : i32
    %ne3A_120 = arith.cmpi ne, %rem3A_118, %ne3A_119 : i32
    %and3A_121 = arith.andi %ne3A_117, %ne3A_120 : i1
    %sub3A_122 = arith.constant 1 : i32
    %sub3A_123 = arith.subi %div3A_102, %sub3A_122 : i32
    %select_n3A_124 = arith.select %and3A_121, %sub3A_123, %div3A_102 : i32
    %jit3A_125 = arith.constant 64 : i32
    %eq3A_126 = arith.constant 0 : i32
    %eq3A_127 = arith.cmpi eq, %jit3A_125, %eq3A_126 : i32
    %jit3A_128 = arith.constant 1 : i32
    %select_n3A_129 = arith.select %eq3A_127, %jit3A_128, %jit3A_125 : i32
    %rem3A_130 = arith.remsi %add3A_93, %select_n3A_129 : i32
    %ne3A_131 = arith.constant 0 : i32
    %ne3A_132 = arith.cmpi ne, %rem3A_130, %ne3A_131 : i32
    %lt3A_133 = arith.constant 0 : i32
    %lt3A_134 = arith.cmpi slt, %rem3A_130, %lt3A_133 : i32
    %lt3A_135 = arith.constant 0 : i32
    %lt3A_136 = arith.cmpi slt, %select_n3A_129, %lt3A_135 : i32
    %ne3A_137 = arith.xori %lt3A_134, %lt3A_136 : i1
    %and3A_138 = arith.andi %ne3A_137, %ne3A_132 : i1
    %add3A_139 = arith.addi %rem3A_130, %select_n3A_129 : i32
    %select_n3A_140 = arith.select %and3A_138, %add3A_139, %rem3A_130 : i32
    %dma_start3A_141 = arith.constant 0 : i32
    %dma_start3A_142 = arith.constant 0 : i32
    %dma_start3A_143 = tpu.memref_slice %arg4[%select_n3A_124, %select_n3A_140, %dma_start3A_141, %dma_start3A_142] : memref<3x64x128x128xf32, #tpu.memory_space<hbm>> -> memref<1x1x128x128xf32, #tpu.memory_space<hbm>>
    %dma_start3A_144 = tpu.memref_squeeze %dma_start3A_143 : memref<1x1x128x128xf32, #tpu.memory_space<hbm>> -> memref<128x128xf32, #tpu.memory_space<hbm>>
    %dma_start3A_145 = arith.constant 0 : i32
    %dma_start3A_146 = arith.constant 0 : i32
    %dma_start3A_147 = tpu.memref_slice %arg4[%select_n3A_124, %select_n3A_140, %dma_start3A_145, %dma_start3A_146] : memref<3x64x128x128xf32, #tpu.memory_space<hbm>> -> memref<1x1x128x128xf32, #tpu.memory_space<hbm>>
    %dma_start3A_148 = tpu.memref_squeeze %dma_start3A_147 : memref<1x1x128x128xf32, #tpu.memory_space<hbm>> -> memref<128x128xf32, #tpu.memory_space<hbm>>
    tpu.enqueue_dma source(%arg8 : memref<128x128xf32, #tpu.memory_space<vmem>>) target(%dma_start3A_148 : memref<128x128xf32, #tpu.memory_space<hbm>>) target_semaphore(%arg20 : memref<!tpu.dma_semaphore, #tpu.memory_space<semaphore_mem>>)
    %mul3A_149 = arith.constant 6 : i32
    %mul3A_150 = arith.muli %add3A, %mul3A_149 : i32
    %add3A_151 = arith.constant 2 : i32
    %add3A_152 = arith.addi %mul3A_150, %add3A_151 : i32
    %dma_wait3A_153 = arith.constant 2 : i32
    %dma_wait3A_154 = arith.constant 0 : i32
    %dma_wait3A_155 = tpu.memref_slice %arg5[%dma_wait3A_153, %dma_wait3A_154] : memref<6x128xi32, #tpu.memory_space<vmem>> -> memref<1x128xi32, #tpu.memory_space<vmem>>
    %dma_wait3A_156 = tpu.memref_squeeze %dma_wait3A_155 : memref<1x128xi32, #tpu.memory_space<vmem>> -> memref<128xi32, #tpu.memory_space<vmem>>
    %dma_wait3A_157 = arith.constant 0 : i32
    %dma_wait3A_158 = arith.constant 0 : i32
    %dma_wait3A_159 = tpu.memref_slice %arg2[%dma_wait3A_157, %dma_wait3A_158] : memref<100000x128xf32, #tpu.memory_space<hbm>> -> memref<100000x128xf32, #tpu.memory_space<hbm>>
    tpu.wait_indirect_dma semaphore(%arg16 : memref<!tpu.dma_semaphore, #tpu.memory_space<semaphore_mem>>) src(%dma_wait3A_159 : memref<100000x128xf32, #tpu.memory_space<hbm>>) dst(%arg9 : memref<128x128xf32, #tpu.memory_space<vmem>>)
    %jit3A_160 = arith.constant 64 : i32
    %div3A_161 = arith.divsi %add3A_152, %jit3A_160 : i32
    %sign3A_162 = arith.constant 0 : i32
    %sign3A_163 = arith.cmpi sgt, %add3A_152, %sign3A_162 : i32
    %sign3A_164 = arith.extui %sign3A_163 : i1 to i32
    %sign3A_165 = arith.constant 0 : i32
    %sign3A_166 = arith.cmpi slt, %add3A_152, %sign3A_165 : i32
    %sign3A_167 = arith.extui %sign3A_166 : i1 to i32
    %sign3A_168 = arith.subi %sign3A_164, %sign3A_167 : i32
    %sign3A_169 = arith.constant 0 : i32
    %sign3A_170 = arith.cmpi sgt, %jit3A_160, %sign3A_169 : i32
    %sign3A_171 = arith.extui %sign3A_170 : i1 to i32
    %sign3A_172 = arith.constant 0 : i32
    %sign3A_173 = arith.cmpi slt, %jit3A_160, %sign3A_172 : i32
    %sign3A_174 = arith.extui %sign3A_173 : i1 to i32
    %sign3A_175 = arith.subi %sign3A_171, %sign3A_174 : i32
    %ne3A_176 = arith.cmpi ne, %sign3A_168, %sign3A_175 : i32
    %rem3A_177 = arith.remsi %add3A_152, %jit3A_160 : i32
    %ne3A_178 = arith.constant 0 : i32
    %ne3A_179 = arith.cmpi ne, %rem3A_177, %ne3A_178 : i32
    %and3A_180 = arith.andi %ne3A_176, %ne3A_179 : i1
    %sub3A_181 = arith.constant 1 : i32
    %sub3A_182 = arith.subi %div3A_161, %sub3A_181 : i32
    %select_n3A_183 = arith.select %and3A_180, %sub3A_182, %div3A_161 : i32
    %jit3A_184 = arith.constant 64 : i32
    %eq3A_185 = arith.constant 0 : i32
    %eq3A_186 = arith.cmpi eq, %jit3A_184, %eq3A_185 : i32
    %jit3A_187 = arith.constant 1 : i32
    %select_n3A_188 = arith.select %eq3A_186, %jit3A_187, %jit3A_184 : i32
    %rem3A_189 = arith.remsi %add3A_152, %select_n3A_188 : i32
    %ne3A_190 = arith.constant 0 : i32
    %ne3A_191 = arith.cmpi ne, %rem3A_189, %ne3A_190 : i32
    %lt3A_192 = arith.constant 0 : i32
    %lt3A_193 = arith.cmpi slt, %rem3A_189, %lt3A_192 : i32
    %lt3A_194 = arith.constant 0 : i32
    %lt3A_195 = arith.cmpi slt, %select_n3A_188, %lt3A_194 : i32
    %ne3A_196 = arith.xori %lt3A_193, %lt3A_195 : i1
    %and3A_197 = arith.andi %ne3A_196, %ne3A_191 : i1
    %add3A_198 = arith.addi %rem3A_189, %select_n3A_188 : i32
    %select_n3A_199 = arith.select %and3A_197, %add3A_198, %rem3A_189 : i32
    %dma_start3A_200 = arith.constant 0 : i32
    %dma_start3A_201 = arith.constant 0 : i32
    %dma_start3A_202 = tpu.memref_slice %arg4[%select_n3A_183, %select_n3A_199, %dma_start3A_200, %dma_start3A_201] : memref<3x64x128x128xf32, #tpu.memory_space<hbm>> -> memref<1x1x128x128xf32, #tpu.memory_space<hbm>>
    %dma_start3A_203 = tpu.memref_squeeze %dma_start3A_202 : memref<1x1x128x128xf32, #tpu.memory_space<hbm>> -> memref<128x128xf32, #tpu.memory_space<hbm>>
    %dma_start3A_204 = arith.constant 0 : i32
    %dma_start3A_205 = arith.constant 0 : i32
    %dma_start3A_206 = tpu.memref_slice %arg4[%select_n3A_183, %select_n3A_199, %dma_start3A_204, %dma_start3A_205] : memref<3x64x128x128xf32, #tpu.memory_space<hbm>> -> memref<1x1x128x128xf32, #tpu.memory_space<hbm>>
    %dma_start3A_207 = tpu.memref_squeeze %dma_start3A_206 : memref<1x1x128x128xf32, #tpu.memory_space<hbm>> -> memref<128x128xf32, #tpu.memory_space<hbm>>
    tpu.enqueue_dma source(%arg9 : memref<128x128xf32, #tpu.memory_space<vmem>>) target(%dma_start3A_207 : memref<128x128xf32, #tpu.memory_space<hbm>>) target_semaphore(%arg20 : memref<!tpu.dma_semaphore, #tpu.memory_space<semaphore_mem>>)
    %mul3A_208 = arith.constant 6 : i32
    %mul3A_209 = arith.muli %add3A, %mul3A_208 : i32
    %add3A_210 = arith.constant 3 : i32
    %add3A_211 = arith.addi %mul3A_209, %add3A_210 : i32
    %dma_wait3A_212 = arith.constant 3 : i32
    %dma_wait3A_213 = arith.constant 0 : i32
    %dma_wait3A_214 = tpu.memref_slice %arg5[%dma_wait3A_212, %dma_wait3A_213] : memref<6x128xi32, #tpu.memory_space<vmem>> -> memref<1x128xi32, #tpu.memory_space<vmem>>
    %dma_wait3A_215 = tpu.memref_squeeze %dma_wait3A_214 : memref<1x128xi32, #tpu.memory_space<vmem>> -> memref<128xi32, #tpu.memory_space<vmem>>
    %dma_wait3A_216 = arith.constant 0 : i32
    %dma_wait3A_217 = arith.constant 0 : i32
    %dma_wait3A_218 = tpu.memref_slice %arg2[%dma_wait3A_216, %dma_wait3A_217] : memref<100000x128xf32, #tpu.memory_space<hbm>> -> memref<100000x128xf32, #tpu.memory_space<hbm>>
    tpu.wait_indirect_dma semaphore(%arg17 : memref<!tpu.dma_semaphore, #tpu.memory_space<semaphore_mem>>) src(%dma_wait3A_218 : memref<100000x128xf32, #tpu.memory_space<hbm>>) dst(%arg10 : memref<128x128xf32, #tpu.memory_space<vmem>>)
    %jit3A_219 = arith.constant 64 : i32
    %div3A_220 = arith.divsi %add3A_211, %jit3A_219 : i32
    %sign3A_221 = arith.constant 0 : i32
    %sign3A_222 = arith.cmpi sgt, %add3A_211, %sign3A_221 : i32
    %sign3A_223 = arith.extui %sign3A_222 : i1 to i32
    %sign3A_224 = arith.constant 0 : i32
    %sign3A_225 = arith.cmpi slt, %add3A_211, %sign3A_224 : i32
    %sign3A_226 = arith.extui %sign3A_225 : i1 to i32
    %sign3A_227 = arith.subi %sign3A_223, %sign3A_226 : i32
    %sign3A_228 = arith.constant 0 : i32
    %sign3A_229 = arith.cmpi sgt, %jit3A_219, %sign3A_228 : i32
    %sign3A_230 = arith.extui %sign3A_229 : i1 to i32
    %sign3A_231 = arith.constant 0 : i32
    %sign3A_232 = arith.cmpi slt, %jit3A_219, %sign3A_231 : i32
    %sign3A_233 = arith.extui %sign3A_232 : i1 to i32
    %sign3A_234 = arith.subi %sign3A_230, %sign3A_233 : i32
    %ne3A_235 = arith.cmpi ne, %sign3A_227, %sign3A_234 : i32
    %rem3A_236 = arith.remsi %add3A_211, %jit3A_219 : i32
    %ne3A_237 = arith.constant 0 : i32
    %ne3A_238 = arith.cmpi ne, %rem3A_236, %ne3A_237 : i32
    %and3A_239 = arith.andi %ne3A_235, %ne3A_238 : i1
    %sub3A_240 = arith.constant 1 : i32
    %sub3A_241 = arith.subi %div3A_220, %sub3A_240 : i32
    %select_n3A_242 = arith.select %and3A_239, %sub3A_241, %div3A_220 : i32
    %jit3A_243 = arith.constant 64 : i32
    %eq3A_244 = arith.constant 0 : i32
    %eq3A_245 = arith.cmpi eq, %jit3A_243, %eq3A_244 : i32
    %jit3A_246 = arith.constant 1 : i32
    %select_n3A_247 = arith.select %eq3A_245, %jit3A_246, %jit3A_243 : i32
    %rem3A_248 = arith.remsi %add3A_211, %select_n3A_247 : i32
    %ne3A_249 = arith.constant 0 : i32
    %ne3A_250 = arith.cmpi ne, %rem3A_248, %ne3A_249 : i32
    %lt3A_251 = arith.constant 0 : i32
    %lt3A_252 = arith.cmpi slt, %rem3A_248, %lt3A_251 : i32
    %lt3A_253 = arith.constant 0 : i32
    %lt3A_254 = arith.cmpi slt, %select_n3A_247, %lt3A_253 : i32
    %ne3A_255 = arith.xori %lt3A_252, %lt3A_254 : i1
    %and3A_256 = arith.andi %ne3A_255, %ne3A_250 : i1
    %add3A_257 = arith.addi %rem3A_248, %select_n3A_247 : i32
    %select_n3A_258 = arith.select %and3A_256, %add3A_257, %rem3A_248 : i32
    %dma_start3A_259 = arith.constant 0 : i32
    %dma_start3A_260 = arith.constant 0 : i32
    %dma_start3A_261 = tpu.memref_slice %arg4[%select_n3A_242, %select_n3A_258, %dma_start3A_259, %dma_start3A_260] : memref<3x64x128x128xf32, #tpu.memory_space<hbm>> -> memref<1x1x128x128xf32, #tpu.memory_space<hbm>>
    %dma_start3A_262 = tpu.memref_squeeze %dma_start3A_261 : memref<1x1x128x128xf32, #tpu.memory_space<hbm>> -> memref<128x128xf32, #tpu.memory_space<hbm>>
    %dma_start3A_263 = arith.constant 0 : i32
    %dma_start3A_264 = arith.constant 0 : i32
    %dma_start3A_265 = tpu.memref_slice %arg4[%select_n3A_242, %select_n3A_258, %dma_start3A_263, %dma_start3A_264] : memref<3x64x128x128xf32, #tpu.memory_space<hbm>> -> memref<1x1x128x128xf32, #tpu.memory_space<hbm>>
    %dma_start3A_266 = tpu.memref_squeeze %dma_start3A_265 : memref<1x1x128x128xf32, #tpu.memory_space<hbm>> -> memref<128x128xf32, #tpu.memory_space<hbm>>
    tpu.enqueue_dma source(%arg10 : memref<128x128xf32, #tpu.memory_space<vmem>>) target(%dma_start3A_266 : memref<128x128xf32, #tpu.memory_space<hbm>>) target_semaphore(%arg20 : memref<!tpu.dma_semaphore, #tpu.memory_space<semaphore_mem>>)
    %mul3A_267 = arith.constant 6 : i32
    %mul3A_268 = arith.muli %add3A, %mul3A_267 : i32
    %add3A_269 = arith.constant 4 : i32
    %add3A_270 = arith.addi %mul3A_268, %add3A_269 : i32
    %dma_wait3A_271 = arith.constant 4 : i32
    %dma_wait3A_272 = arith.constant 0 : i32
    %dma_wait3A_273 = tpu.memref_slice %arg5[%dma_wait3A_271, %dma_wait3A_272] : memref<6x128xi32, #tpu.memory_space<vmem>> -> memref<1x128xi32, #tpu.memory_space<vmem>>
    %dma_wait3A_274 = tpu.memref_squeeze %dma_wait3A_273 : memref<1x128xi32, #tpu.memory_space<vmem>> -> memref<128xi32, #tpu.memory_space<vmem>>
    %dma_wait3A_275 = arith.constant 0 : i32
    %dma_wait3A_276 = arith.constant 0 : i32
    %dma_wait3A_277 = tpu.memref_slice %arg2[%dma_wait3A_275, %dma_wait3A_276] : memref<100000x128xf32, #tpu.memory_space<hbm>> -> memref<100000x128xf32, #tpu.memory_space<hbm>>
    tpu.wait_indirect_dma semaphore(%arg18 : memref<!tpu.dma_semaphore, #tpu.memory_space<semaphore_mem>>) src(%dma_wait3A_277 : memref<100000x128xf32, #tpu.memory_space<hbm>>) dst(%arg11 : memref<128x128xf32, #tpu.memory_space<vmem>>)
    %jit3A_278 = arith.constant 64 : i32
    %div3A_279 = arith.divsi %add3A_270, %jit3A_278 : i32
    %sign3A_280 = arith.constant 0 : i32
    %sign3A_281 = arith.cmpi sgt, %add3A_270, %sign3A_280 : i32
    %sign3A_282 = arith.extui %sign3A_281 : i1 to i32
    %sign3A_283 = arith.constant 0 : i32
    %sign3A_284 = arith.cmpi slt, %add3A_270, %sign3A_283 : i32
    %sign3A_285 = arith.extui %sign3A_284 : i1 to i32
    %sign3A_286 = arith.subi %sign3A_282, %sign3A_285 : i32
    %sign3A_287 = arith.constant 0 : i32
    %sign3A_288 = arith.cmpi sgt, %jit3A_278, %sign3A_287 : i32
    %sign3A_289 = arith.extui %sign3A_288 : i1 to i32
    %sign3A_290 = arith.constant 0 : i32
    %sign3A_291 = arith.cmpi slt, %jit3A_278, %sign3A_290 : i32
    %sign3A_292 = arith.extui %sign3A_291 : i1 to i32
    %sign3A_293 = arith.subi %sign3A_289, %sign3A_292 : i32
    %ne3A_294 = arith.cmpi ne, %sign3A_286, %sign3A_293 : i32
    %rem3A_295 = arith.remsi %add3A_270, %jit3A_278 : i32
    %ne3A_296 = arith.constant 0 : i32
    %ne3A_297 = arith.cmpi ne, %rem3A_295, %ne3A_296 : i32
    %and3A_298 = arith.andi %ne3A_294, %ne3A_297 : i1
    %sub3A_299 = arith.constant 1 : i32
    %sub3A_300 = arith.subi %div3A_279, %sub3A_299 : i32
    %select_n3A_301 = arith.select %and3A_298, %sub3A_300, %div3A_279 : i32
    %jit3A_302 = arith.constant 64 : i32
    %eq3A_303 = arith.constant 0 : i32
    %eq3A_304 = arith.cmpi eq, %jit3A_302, %eq3A_303 : i32
    %jit3A_305 = arith.constant 1 : i32
    %select_n3A_306 = arith.select %eq3A_304, %jit3A_305, %jit3A_302 : i32
    %rem3A_307 = arith.remsi %add3A_270, %select_n3A_306 : i32
    %ne3A_308 = arith.constant 0 : i32
    %ne3A_309 = arith.cmpi ne, %rem3A_307, %ne3A_308 : i32
    %lt3A_310 = arith.constant 0 : i32
    %lt3A_311 = arith.cmpi slt, %rem3A_307, %lt3A_310 : i32
    %lt3A_312 = arith.constant 0 : i32
    %lt3A_313 = arith.cmpi slt, %select_n3A_306, %lt3A_312 : i32
    %ne3A_314 = arith.xori %lt3A_311, %lt3A_313 : i1
    %and3A_315 = arith.andi %ne3A_314, %ne3A_309 : i1
    %add3A_316 = arith.addi %rem3A_307, %select_n3A_306 : i32
    %select_n3A_317 = arith.select %and3A_315, %add3A_316, %rem3A_307 : i32
    %dma_start3A_318 = arith.constant 0 : i32
    %dma_start3A_319 = arith.constant 0 : i32
    %dma_start3A_320 = tpu.memref_slice %arg4[%select_n3A_301, %select_n3A_317, %dma_start3A_318, %dma_start3A_319] : memref<3x64x128x128xf32, #tpu.memory_space<hbm>> -> memref<1x1x128x128xf32, #tpu.memory_space<hbm>>
    %dma_start3A_321 = tpu.memref_squeeze %dma_start3A_320 : memref<1x1x128x128xf32, #tpu.memory_space<hbm>> -> memref<128x128xf32, #tpu.memory_space<hbm>>
    %dma_start3A_322 = arith.constant 0 : i32
    %dma_start3A_323 = arith.constant 0 : i32
    %dma_start3A_324 = tpu.memref_slice %arg4[%select_n3A_301, %select_n3A_317, %dma_start3A_322, %dma_start3A_323] : memref<3x64x128x128xf32, #tpu.memory_space<hbm>> -> memref<1x1x128x128xf32, #tpu.memory_space<hbm>>
    %dma_start3A_325 = tpu.memref_squeeze %dma_start3A_324 : memref<1x1x128x128xf32, #tpu.memory_space<hbm>> -> memref<128x128xf32, #tpu.memory_space<hbm>>
    tpu.enqueue_dma source(%arg11 : memref<128x128xf32, #tpu.memory_space<vmem>>) target(%dma_start3A_325 : memref<128x128xf32, #tpu.memory_space<hbm>>) target_semaphore(%arg20 : memref<!tpu.dma_semaphore, #tpu.memory_space<semaphore_mem>>)
    %mul3A_326 = arith.constant 6 : i32
    %mul3A_327 = arith.muli %add3A, %mul3A_326 : i32
    %add3A_328 = arith.constant 5 : i32
    %add3A_329 = arith.addi %mul3A_327, %add3A_328 : i32
    %dma_wait3A_330 = arith.constant 5 : i32
    %dma_wait3A_331 = arith.constant 0 : i32
    %dma_wait3A_332 = tpu.memref_slice %arg5[%dma_wait3A_330, %dma_wait3A_331] : memref<6x128xi32, #tpu.memory_space<vmem>> -> memref<1x128xi32, #tpu.memory_space<vmem>>
    %dma_wait3A_333 = tpu.memref_squeeze %dma_wait3A_332 : memref<1x128xi32, #tpu.memory_space<vmem>> -> memref<128xi32, #tpu.memory_space<vmem>>
    %dma_wait3A_334 = arith.constant 0 : i32
    %dma_wait3A_335 = arith.constant 0 : i32
    %dma_wait3A_336 = tpu.memref_slice %arg2[%dma_wait3A_334, %dma_wait3A_335] : memref<100000x128xf32, #tpu.memory_space<hbm>> -> memref<100000x128xf32, #tpu.memory_space<hbm>>
    tpu.wait_indirect_dma semaphore(%arg19 : memref<!tpu.dma_semaphore, #tpu.memory_space<semaphore_mem>>) src(%dma_wait3A_336 : memref<100000x128xf32, #tpu.memory_space<hbm>>) dst(%arg12 : memref<128x128xf32, #tpu.memory_space<vmem>>)
    %jit3A_337 = arith.constant 64 : i32
    %div3A_338 = arith.divsi %add3A_329, %jit3A_337 : i32
    %sign3A_339 = arith.constant 0 : i32
    %sign3A_340 = arith.cmpi sgt, %add3A_329, %sign3A_339 : i32
    %sign3A_341 = arith.extui %sign3A_340 : i1 to i32
    %sign3A_342 = arith.constant 0 : i32
    %sign3A_343 = arith.cmpi slt, %add3A_329, %sign3A_342 : i32
    %sign3A_344 = arith.extui %sign3A_343 : i1 to i32
    %sign3A_345 = arith.subi %sign3A_341, %sign3A_344 : i32
    %sign3A_346 = arith.constant 0 : i32
    %sign3A_347 = arith.cmpi sgt, %jit3A_337, %sign3A_346 : i32
    %sign3A_348 = arith.extui %sign3A_347 : i1 to i32
    %sign3A_349 = arith.constant 0 : i32
    %sign3A_350 = arith.cmpi slt, %jit3A_337, %sign3A_349 : i32
    %sign3A_351 = arith.extui %sign3A_350 : i1 to i32
    %sign3A_352 = arith.subi %sign3A_348, %sign3A_351 : i32
    %ne3A_353 = arith.cmpi ne, %sign3A_345, %sign3A_352 : i32
    %rem3A_354 = arith.remsi %add3A_329, %jit3A_337 : i32
    %ne3A_355 = arith.constant 0 : i32
    %ne3A_356 = arith.cmpi ne, %rem3A_354, %ne3A_355 : i32
    %and3A_357 = arith.andi %ne3A_353, %ne3A_356 : i1
    %sub3A_358 = arith.constant 1 : i32
    %sub3A_359 = arith.subi %div3A_338, %sub3A_358 : i32
    %select_n3A_360 = arith.select %and3A_357, %sub3A_359, %div3A_338 : i32
    %jit3A_361 = arith.constant 64 : i32
    %eq3A_362 = arith.constant 0 : i32
    %eq3A_363 = arith.cmpi eq, %jit3A_361, %eq3A_362 : i32
    %jit3A_364 = arith.constant 1 : i32
    %select_n3A_365 = arith.select %eq3A_363, %jit3A_364, %jit3A_361 : i32
    %rem3A_366 = arith.remsi %add3A_329, %select_n3A_365 : i32
    %ne3A_367 = arith.constant 0 : i32
    %ne3A_368 = arith.cmpi ne, %rem3A_366, %ne3A_367 : i32
    %lt3A_369 = arith.constant 0 : i32
    %lt3A_370 = arith.cmpi slt, %rem3A_366, %lt3A_369 : i32
    %lt3A_371 = arith.constant 0 : i32
    %lt3A_372 = arith.cmpi slt, %select_n3A_365, %lt3A_371 : i32
    %ne3A_373 = arith.xori %lt3A_370, %lt3A_372 : i1
    %and3A_374 = arith.andi %ne3A_373, %ne3A_368 : i1
    %add3A_375 = arith.addi %rem3A_366, %select_n3A_365 : i32
    %select_n3A_376 = arith.select %and3A_374, %add3A_375, %rem3A_366 : i32
    %dma_start3A_377 = arith.constant 0 : i32
    %dma_start3A_378 = arith.constant 0 : i32
    %dma_start3A_379 = tpu.memref_slice %arg4[%select_n3A_360, %select_n3A_376, %dma_start3A_377, %dma_start3A_378] : memref<3x64x128x128xf32, #tpu.memory_space<hbm>> -> memref<1x1x128x128xf32, #tpu.memory_space<hbm>>
    %dma_start3A_380 = tpu.memref_squeeze %dma_start3A_379 : memref<1x1x128x128xf32, #tpu.memory_space<hbm>> -> memref<128x128xf32, #tpu.memory_space<hbm>>
    %dma_start3A_381 = arith.constant 0 : i32
    %dma_start3A_382 = arith.constant 0 : i32
    %dma_start3A_383 = tpu.memref_slice %arg4[%select_n3A_360, %select_n3A_376, %dma_start3A_381, %dma_start3A_382] : memref<3x64x128x128xf32, #tpu.memory_space<hbm>> -> memref<1x1x128x128xf32, #tpu.memory_space<hbm>>
    %dma_start3A_384 = tpu.memref_squeeze %dma_start3A_383 : memref<1x1x128x128xf32, #tpu.memory_space<hbm>> -> memref<128x128xf32, #tpu.memory_space<hbm>>
    tpu.enqueue_dma source(%arg12 : memref<128x128xf32, #tpu.memory_space<vmem>>) target(%dma_start3A_384 : memref<128x128xf32, #tpu.memory_space<hbm>>) target_semaphore(%arg20 : memref<!tpu.dma_semaphore, #tpu.memory_space<semaphore_mem>>)
    %dma_wait3A_385 = arith.constant 0 : i32
    %dma_wait3A_386 = arith.constant 0 : i32
    %dma_wait3A_387 = arith.constant 0 : i32
    %dma_wait3A_388 = arith.constant 0 : i32
    %dma_wait3A_389 = tpu.memref_slice %arg4[%dma_wait3A_385, %dma_wait3A_386, %dma_wait3A_387, %dma_wait3A_388] : memref<3x64x128x128xf32, #tpu.memory_space<hbm>> -> memref<1x1x128x128xf32, #tpu.memory_space<hbm>>
    %dma_wait3A_390 = tpu.memref_squeeze %dma_wait3A_389 : memref<1x1x128x128xf32, #tpu.memory_space<hbm>> -> memref<128x128xf32, #tpu.memory_space<hbm>>
    %dma_wait3A_391 = arith.constant 0 : i32
    %dma_wait3A_392 = arith.constant 0 : i32
    %dma_wait3A_393 = tpu.memref_slice %arg4[%dma_wait3A_385, %dma_wait3A_386, %dma_wait3A_391, %dma_wait3A_392] : memref<3x64x128x128xf32, #tpu.memory_space<hbm>> -> memref<1x1x128x128xf32, #tpu.memory_space<hbm>>
    %dma_wait3A_394 = tpu.memref_squeeze %dma_wait3A_393 : memref<1x1x128x128xf32, #tpu.memory_space<hbm>> -> memref<128x128xf32, #tpu.memory_space<hbm>>
    tpu.wait_dma2 semaphore(%arg20 : memref<!tpu.dma_semaphore, #tpu.memory_space<semaphore_mem>>) src(%arg7 : memref<128x128xf32, #tpu.memory_space<vmem>>) dst(%dma_wait3A_394 : memref<128x128xf32, #tpu.memory_space<hbm>>)
    %dma_wait3A_395 = arith.constant 0 : i32
    %dma_wait3A_396 = arith.constant 0 : i32
    %dma_wait3A_397 = arith.constant 0 : i32
    %dma_wait3A_398 = arith.constant 0 : i32
    %dma_wait3A_399 = tpu.memref_slice %arg4[%dma_wait3A_395, %dma_wait3A_396, %dma_wait3A_397, %dma_wait3A_398] : memref<3x64x128x128xf32, #tpu.memory_space<hbm>> -> memref<1x1x128x128xf32, #tpu.memory_space<hbm>>
    %dma_wait3A_400 = tpu.memref_squeeze %dma_wait3A_399 : memref<1x1x128x128xf32, #tpu.memory_space<hbm>> -> memref<128x128xf32, #tpu.memory_space<hbm>>
    %dma_wait3A_401 = arith.constant 0 : i32
    %dma_wait3A_402 = arith.constant 0 : i32
    %dma_wait3A_403 = tpu.memref_slice %arg4[%dma_wait3A_395, %dma_wait3A_396, %dma_wait3A_401, %dma_wait3A_402] : memref<3x64x128x128xf32, #tpu.memory_space<hbm>> -> memref<1x1x128x128xf32, #tpu.memory_space<hbm>>
    %dma_wait3A_404 = tpu.memref_squeeze %dma_wait3A_403 : memref<1x1x128x128xf32, #tpu.memory_space<hbm>> -> memref<128x128xf32, #tpu.memory_space<hbm>>
    tpu.wait_dma2 semaphore(%arg20 : memref<!tpu.dma_semaphore, #tpu.memory_space<semaphore_mem>>) src(%arg8 : memref<128x128xf32, #tpu.memory_space<vmem>>) dst(%dma_wait3A_404 : memref<128x128xf32, #tpu.memory_space<hbm>>)
    %dma_wait3A_405 = arith.constant 0 : i32
    %dma_wait3A_406 = arith.constant 0 : i32
    %dma_wait3A_407 = arith.constant 0 : i32
    %dma_wait3A_408 = arith.constant 0 : i32
    %dma_wait3A_409 = tpu.memref_slice %arg4[%dma_wait3A_405, %dma_wait3A_406, %dma_wait3A_407, %dma_wait3A_408] : memref<3x64x128x128xf32, #tpu.memory_space<hbm>> -> memref<1x1x128x128xf32, #tpu.memory_space<hbm>>
    %dma_wait3A_410 = tpu.memref_squeeze %dma_wait3A_409 : memref<1x1x128x128xf32, #tpu.memory_space<hbm>> -> memref<128x128xf32, #tpu.memory_space<hbm>>
    %dma_wait3A_411 = arith.constant 0 : i32
    %dma_wait3A_412 = arith.constant 0 : i32
    %dma_wait3A_413 = tpu.memref_slice %arg4[%dma_wait3A_405, %dma_wait3A_406, %dma_wait3A_411, %dma_wait3A_412] : memref<3x64x128x128xf32, #tpu.memory_space<hbm>> -> memref<1x1x128x128xf32, #tpu.memory_space<hbm>>
    %dma_wait3A_414 = tpu.memref_squeeze %dma_wait3A_413 : memref<1x1x128x128xf32, #tpu.memory_space<hbm>> -> memref<128x128xf32, #tpu.memory_space<hbm>>
    tpu.wait_dma2 semaphore(%arg20 : memref<!tpu.dma_semaphore, #tpu.memory_space<semaphore_mem>>) src(%arg9 : memref<128x128xf32, #tpu.memory_space<vmem>>) dst(%dma_wait3A_414 : memref<128x128xf32, #tpu.memory_space<hbm>>)
    %dma_wait3A_415 = arith.constant 0 : i32
    %dma_wait3A_416 = arith.constant 0 : i32
    %dma_wait3A_417 = arith.constant 0 : i32
    %dma_wait3A_418 = arith.constant 0 : i32
    %dma_wait3A_419 = tpu.memref_slice %arg4[%dma_wait3A_415, %dma_wait3A_416, %dma_wait3A_417, %dma_wait3A_418] : memref<3x64x128x128xf32, #tpu.memory_space<hbm>> -> memref<1x1x128x128xf32, #tpu.memory_space<hbm>>
    %dma_wait3A_420 = tpu.memref_squeeze %dma_wait3A_419 : memref<1x1x128x128xf32, #tpu.memory_space<hbm>> -> memref<128x128xf32, #tpu.memory_space<hbm>>
    %dma_wait3A_421 = arith.constant 0 : i32
    %dma_wait3A_422 = arith.constant 0 : i32
    %dma_wait3A_423 = tpu.memref_slice %arg4[%dma_wait3A_415, %dma_wait3A_416, %dma_wait3A_421, %dma_wait3A_422] : memref<3x64x128x128xf32, #tpu.memory_space<hbm>> -> memref<1x1x128x128xf32, #tpu.memory_space<hbm>>
    %dma_wait3A_424 = tpu.memref_squeeze %dma_wait3A_423 : memref<1x1x128x128xf32, #tpu.memory_space<hbm>> -> memref<128x128xf32, #tpu.memory_space<hbm>>
    tpu.wait_dma2 semaphore(%arg20 : memref<!tpu.dma_semaphore, #tpu.memory_space<semaphore_mem>>) src(%arg10 : memref<128x128xf32, #tpu.memory_space<vmem>>) dst(%dma_wait3A_424 : memref<128x128xf32, #tpu.memory_space<hbm>>)
    %dma_wait3A_425 = arith.constant 0 : i32
    %dma_wait3A_426 = arith.constant 0 : i32
    %dma_wait3A_427 = arith.constant 0 : i32
    %dma_wait3A_428 = arith.constant 0 : i32
    %dma_wait3A_429 = tpu.memref_slice %arg4[%dma_wait3A_425, %dma_wait3A_426, %dma_wait3A_427, %dma_wait3A_428] : memref<3x64x128x128xf32, #tpu.memory_space<hbm>> -> memref<1x1x128x128xf32, #tpu.memory_space<hbm>>
    %dma_wait3A_430 = tpu.memref_squeeze %dma_wait3A_429 : memref<1x1x128x128xf32, #tpu.memory_space<hbm>> -> memref<128x128xf32, #tpu.memory_space<hbm>>
    %dma_wait3A_431 = arith.constant 0 : i32
    %dma_wait3A_432 = arith.constant 0 : i32
    %dma_wait3A_433 = tpu.memref_slice %arg4[%dma_wait3A_425, %dma_wait3A_426, %dma_wait3A_431, %dma_wait3A_432] : memref<3x64x128x128xf32, #tpu.memory_space<hbm>> -> memref<1x1x128x128xf32, #tpu.memory_space<hbm>>
    %dma_wait3A_434 = tpu.memref_squeeze %dma_wait3A_433 : memref<1x1x128x128xf32, #tpu.memory_space<hbm>> -> memref<128x128xf32, #tpu.memory_space<hbm>>
    tpu.wait_dma2 semaphore(%arg20 : memref<!tpu.dma_semaphore, #tpu.memory_space<semaphore_mem>>) src(%arg11 : memref<128x128xf32, #tpu.memory_space<vmem>>) dst(%dma_wait3A_434 : memref<128x128xf32, #tpu.memory_space<hbm>>)
    %dma_wait3A_435 = arith.constant 0 : i32
    %dma_wait3A_436 = arith.constant 0 : i32
    %dma_wait3A_437 = arith.constant 0 : i32
    %dma_wait3A_438 = arith.constant 0 : i32
    %dma_wait3A_439 = tpu.memref_slice %arg4[%dma_wait3A_435, %dma_wait3A_436, %dma_wait3A_437, %dma_wait3A_438] : memref<3x64x128x128xf32, #tpu.memory_space<hbm>> -> memref<1x1x128x128xf32, #tpu.memory_space<hbm>>
    %dma_wait3A_440 = tpu.memref_squeeze %dma_wait3A_439 : memref<1x1x128x128xf32, #tpu.memory_space<hbm>> -> memref<128x128xf32, #tpu.memory_space<hbm>>
    %dma_wait3A_441 = arith.constant 0 : i32
    %dma_wait3A_442 = arith.constant 0 : i32
    %dma_wait3A_443 = tpu.memref_slice %arg4[%dma_wait3A_435, %dma_wait3A_436, %dma_wait3A_441, %dma_wait3A_442] : memref<3x64x128x128xf32, #tpu.memory_space<hbm>> -> memref<1x1x128x128xf32, #tpu.memory_space<hbm>>
    %dma_wait3A_444 = tpu.memref_squeeze %dma_wait3A_443 : memref<1x1x128x128xf32, #tpu.memory_space<hbm>> -> memref<128x128xf32, #tpu.memory_space<hbm>>
    tpu.wait_dma2 semaphore(%arg20 : memref<!tpu.dma_semaphore, #tpu.memory_space<semaphore_mem>>) src(%arg12 : memref<128x128xf32, #tpu.memory_space<vmem>>) dst(%dma_wait3A_444 : memref<128x128xf32, #tpu.memory_space<hbm>>)
    return
  }
}

#map = affine_map<(d0, d1) -> (0, 0)>
#map1 = affine_map<(d0, d1) -> (0, 0, 0)>
#map2 = affine_map<(d0, d1) -> (0, 0, 0, 0)>
module attributes {stable_mosaic.version = 14 : i64} {
  func.func @body(%arg0: i32, %arg1: i32, %arg2: memref<100000x128xf32, #tpu.memory_space<hbm>>, %arg3: memref<32x6x128xi32, #tpu.memory_space<hbm>>, %arg4: memref<3x64x128x128xf32, #tpu.memory_space<hbm>>, %arg5: memref<6x128xi32, #tpu.memory_space<vmem>>, %arg6: memref<8xi32, #tpu.memory_space<vmem>>, %arg7: memref<128x128xf32, #tpu.memory_space<vmem>>, %arg8: memref<128x128xf32, #tpu.memory_space<vmem>>, %arg9: memref<128x128xf32, #tpu.memory_space<vmem>>, %arg10: memref<128x128xf32, #tpu.memory_space<vmem>>, %arg11: memref<128x128xf32, #tpu.memory_space<vmem>>, %arg12: memref<128x128xf32, #tpu.memory_space<vmem>>, %arg13: memref<8x128xf32, #tpu.memory_space<vmem>>, %arg14: memref<!tpu.dma_semaphore, #tpu.memory_space<semaphore_mem>>, %arg15: memref<!tpu.dma_semaphore, #tpu.memory_space<semaphore_mem>>, %arg16: memref<!tpu.dma_semaphore, #tpu.memory_space<semaphore_mem>>, %arg17: memref<!tpu.dma_semaphore, #tpu.memory_space<semaphore_mem>>, %arg18: memref<!tpu.dma_semaphore, #tpu.memory_space<semaphore_mem>>, %arg19: memref<!tpu.dma_semaphore, #tpu.memory_space<semaphore_mem>>, %arg20: memref<!tpu.dma_semaphore, #tpu.memory_space<semaphore_mem>>) attributes {dimension_semantics = [#tpu.dimension_semantics<core_parallel>, #tpu.dimension_semantics<subcore_parallel>], iteration_bounds = array<i64: 2, 16>, scalar_prefetch = 0 : i64, scratch_operands = 16 : i64, tpu.core_type = #tpu.core_type<sc_vector_subcore>, window_params = [{transform_indices = #map}, {transform_indices = #map1}, {transform_indices = #map2}]} {
    %mul3A = arith.constant 2 : i32
    %mul3A_0 = arith.muli %arg1, %mul3A : i32
    %add3A = arith.addi %mul3A_0, %arg0 : i32
    "tpu.region"() ({
      %run_scoped3A = tpu.sem_alloc : memref<!tpu.dma_semaphore, #tpu.memory_space<semaphore_mem>>
      %dma_start3A_445 = arith.constant 0 : i32
      %dma_start3A_446 = arith.constant 0 : i32
      %dma_start3A_447 = tpu.memref_slice %arg3[%add3A, %dma_start3A_445, %dma_start3A_446] : memref<32x6x128xi32, #tpu.memory_space<hbm>> -> memref<1x6x128xi32, #tpu.memory_space<hbm>>
      %dma_start3A_448 = tpu.memref_squeeze %dma_start3A_447 : memref<1x6x128xi32, #tpu.memory_space<hbm>> -> memref<6x128xi32, #tpu.memory_space<hbm>>
      %dma_start3A_449 = arith.constant 0 : i32
      %dma_start3A_450 = arith.constant 0 : i32
      %dma_start3A_451 = tpu.memref_slice %arg3[%add3A, %dma_start3A_449, %dma_start3A_450] : memref<32x6x128xi32, #tpu.memory_space<hbm>> -> memref<1x6x128xi32, #tpu.memory_space<hbm>>
      %dma_start3A_452 = tpu.memref_squeeze %dma_start3A_451 : memref<1x6x128xi32, #tpu.memory_space<hbm>> -> memref<6x128xi32, #tpu.memory_space<hbm>>
      tpu.enqueue_dma source(%dma_start3A_452 : memref<6x128xi32, #tpu.memory_space<hbm>>) target(%arg5 : memref<6x128xi32, #tpu.memory_space<vmem>>) target_semaphore(%run_scoped3A : memref<!tpu.dma_semaphore, #tpu.memory_space<semaphore_mem>>)
      %dma_wait3A_453 = arith.constant 0 : i32
      %dma_wait3A_454 = arith.constant 0 : i32
      %dma_wait3A_455 = tpu.memref_slice %arg3[%add3A, %dma_wait3A_453, %dma_wait3A_454] : memref<32x6x128xi32, #tpu.memory_space<hbm>> -> memref<1x6x128xi32, #tpu.memory_space<hbm>>
      %dma_wait3A_456 = tpu.memref_squeeze %dma_wait3A_455 : memref<1x6x128xi32, #tpu.memory_space<hbm>> -> memref<6x128xi32, #tpu.memory_space<hbm>>
      %dma_wait3A_457 = arith.constant 0 : i32
      %dma_wait3A_458 = arith.constant 0 : i32
      %dma_wait3A_459 = tpu.memref_slice %arg3[%add3A, %dma_wait3A_457, %dma_wait3A_458] : memref<32x6x128xi32, #tpu.memory_space<hbm>> -> memref<1x6x128xi32, #tpu.memory_space<hbm>>
      %dma_wait3A_460 = tpu.memref_squeeze %dma_wait3A_459 : memref<1x6x128xi32, #tpu.memory_space<hbm>> -> memref<6x128xi32, #tpu.memory_space<hbm>>
      tpu.wait_dma2 semaphore(%run_scoped3A : memref<!tpu.dma_semaphore, #tpu.memory_space<semaphore_mem>>) src(%dma_wait3A_460 : memref<6x128xi32, #tpu.memory_space<hbm>>) dst(%arg5 : memref<6x128xi32, #tpu.memory_space<vmem>>)
      tpu.yield
    }) : () -> ()
    %dma_start3A = arith.constant 0 : i32
    %dma_start3A_1 = arith.constant 0 : i32
    %dma_start3A_2 = tpu.memref_slice %arg5[%dma_start3A, %dma_start3A_1] : memref<6x128xi32, #tpu.memory_space<vmem>> -> memref<1x128xi32, #tpu.memory_space<vmem>>
    %dma_start3A_3 = tpu.memref_squeeze %dma_start3A_2 : memref<1x128xi32, #tpu.memory_space<vmem>> -> memref<128xi32, #tpu.memory_space<vmem>>
    %dma_start3A_4 = arith.constant 0 : i32
    %dma_start3A_5 = arith.constant 0 : i32
    %dma_start3A_6 = tpu.memref_slice %arg2[%dma_start3A_4, %dma_start3A_5] : memref<100000x128xf32, #tpu.memory_space<hbm>> -> memref<100000x128xf32, #tpu.memory_space<hbm>>
    tpu.enqueue_indirect_dma source(%dma_start3A_6 : memref<100000x128xf32, #tpu.memory_space<hbm>>) target(%arg7 : memref<128x128xf32, #tpu.memory_space<vmem>>) offsets(%dma_start3A_3 : memref<128xi32, #tpu.memory_space<vmem>>) semaphore(%arg14 : memref<!tpu.dma_semaphore, #tpu.memory_space<semaphore_mem>>)
    %dma_start3A_7 = arith.constant 1 : i32
    %dma_start3A_8 = arith.constant 0 : i32
    %dma_start3A_9 = tpu.memref_slice %arg5[%dma_start3A_7, %dma_start3A_8] : memref<6x128xi32, #tpu.memory_space<vmem>> -> memref<1x128xi32, #tpu.memory_space<vmem>>
    %dma_start3A_10 = tpu.memref_squeeze %dma_start3A_9 : memref<1x128xi32, #tpu.memory_space<vmem>> -> memref<128xi32, #tpu.memory_space<vmem>>
    %dma_start3A_11 = arith.constant 0 : i32
    %dma_start3A_12 = arith.constant 0 : i32
    %dma_start3A_13 = tpu.memref_slice %arg2[%dma_start3A_11, %dma_start3A_12] : memref<100000x128xf32, #tpu.memory_space<hbm>> -> memref<100000x128xf32, #tpu.memory_space<hbm>>
    tpu.enqueue_indirect_dma source(%dma_start3A_13 : memref<100000x128xf32, #tpu.memory_space<hbm>>) target(%arg8 : memref<128x128xf32, #tpu.memory_space<vmem>>) offsets(%dma_start3A_10 : memref<128xi32, #tpu.memory_space<vmem>>) semaphore(%arg15 : memref<!tpu.dma_semaphore, #tpu.memory_space<semaphore_mem>>)
    %dma_start3A_14 = arith.constant 2 : i32
    %dma_start3A_15 = arith.constant 0 : i32
    %dma_start3A_16 = tpu.memref_slice %arg5[%dma_start3A_14, %dma_start3A_15] : memref<6x128xi32, #tpu.memory_space<vmem>> -> memref<1x128xi32, #tpu.memory_space<vmem>>
    %dma_start3A_17 = tpu.memref_squeeze %dma_start3A_16 : memref<1x128xi32, #tpu.memory_space<vmem>> -> memref<128xi32, #tpu.memory_space<vmem>>
    %dma_start3A_18 = arith.constant 0 : i32
    %dma_start3A_19 = arith.constant 0 : i32
    %dma_start3A_20 = tpu.memref_slice %arg2[%dma_start3A_18, %dma_start3A_19] : memref<100000x128xf32, #tpu.memory_space<hbm>> -> memref<100000x128xf32, #tpu.memory_space<hbm>>
    tpu.enqueue_indirect_dma source(%dma_start3A_20 : memref<100000x128xf32, #tpu.memory_space<hbm>>) target(%arg9 : memref<128x128xf32, #tpu.memory_space<vmem>>) offsets(%dma_start3A_17 : memref<128xi32, #tpu.memory_space<vmem>>) semaphore(%arg16 : memref<!tpu.dma_semaphore, #tpu.memory_space<semaphore_mem>>)
    %dma_start3A_21 = arith.constant 3 : i32
    %dma_start3A_22 = arith.constant 0 : i32
    %dma_start3A_23 = tpu.memref_slice %arg5[%dma_start3A_21, %dma_start3A_22] : memref<6x128xi32, #tpu.memory_space<vmem>> -> memref<1x128xi32, #tpu.memory_space<vmem>>
    %dma_start3A_24 = tpu.memref_squeeze %dma_start3A_23 : memref<1x128xi32, #tpu.memory_space<vmem>> -> memref<128xi32, #tpu.memory_space<vmem>>
    %dma_start3A_25 = arith.constant 0 : i32
    %dma_start3A_26 = arith.constant 0 : i32
    %dma_start3A_27 = tpu.memref_slice %arg2[%dma_start3A_25, %dma_start3A_26] : memref<100000x128xf32, #tpu.memory_space<hbm>> -> memref<100000x128xf32, #tpu.memory_space<hbm>>
    tpu.enqueue_indirect_dma source(%dma_start3A_27 : memref<100000x128xf32, #tpu.memory_space<hbm>>) target(%arg10 : memref<128x128xf32, #tpu.memory_space<vmem>>) offsets(%dma_start3A_24 : memref<128xi32, #tpu.memory_space<vmem>>) semaphore(%arg17 : memref<!tpu.dma_semaphore, #tpu.memory_space<semaphore_mem>>)
    %dma_start3A_28 = arith.constant 4 : i32
    %dma_start3A_29 = arith.constant 0 : i32
    %dma_start3A_30 = tpu.memref_slice %arg5[%dma_start3A_28, %dma_start3A_29] : memref<6x128xi32, #tpu.memory_space<vmem>> -> memref<1x128xi32, #tpu.memory_space<vmem>>
    %dma_start3A_31 = tpu.memref_squeeze %dma_start3A_30 : memref<1x128xi32, #tpu.memory_space<vmem>> -> memref<128xi32, #tpu.memory_space<vmem>>
    %dma_start3A_32 = arith.constant 0 : i32
    %dma_start3A_33 = arith.constant 0 : i32
    %dma_start3A_34 = tpu.memref_slice %arg2[%dma_start3A_32, %dma_start3A_33] : memref<100000x128xf32, #tpu.memory_space<hbm>> -> memref<100000x128xf32, #tpu.memory_space<hbm>>
    tpu.enqueue_indirect_dma source(%dma_start3A_34 : memref<100000x128xf32, #tpu.memory_space<hbm>>) target(%arg11 : memref<128x128xf32, #tpu.memory_space<vmem>>) offsets(%dma_start3A_31 : memref<128xi32, #tpu.memory_space<vmem>>) semaphore(%arg18 : memref<!tpu.dma_semaphore, #tpu.memory_space<semaphore_mem>>)
    %dma_start3A_35 = arith.constant 5 : i32
    %dma_start3A_36 = arith.constant 0 : i32
    %dma_start3A_37 = tpu.memref_slice %arg5[%dma_start3A_35, %dma_start3A_36] : memref<6x128xi32, #tpu.memory_space<vmem>> -> memref<1x128xi32, #tpu.memory_space<vmem>>
    %dma_start3A_38 = tpu.memref_squeeze %dma_start3A_37 : memref<1x128xi32, #tpu.memory_space<vmem>> -> memref<128xi32, #tpu.memory_space<vmem>>
    %dma_start3A_39 = arith.constant 0 : i32
    %dma_start3A_40 = arith.constant 0 : i32
    %dma_start3A_41 = tpu.memref_slice %arg2[%dma_start3A_39, %dma_start3A_40] : memref<100000x128xf32, #tpu.memory_space<hbm>> -> memref<100000x128xf32, #tpu.memory_space<hbm>>
    tpu.enqueue_indirect_dma source(%dma_start3A_41 : memref<100000x128xf32, #tpu.memory_space<hbm>>) target(%arg12 : memref<128x128xf32, #tpu.memory_space<vmem>>) offsets(%dma_start3A_38 : memref<128xi32, #tpu.memory_space<vmem>>) semaphore(%arg19 : memref<!tpu.dma_semaphore, #tpu.memory_space<semaphore_mem>>)
    %mul3A_42 = arith.constant 6 : i32
    %mul3A_43 = arith.muli %add3A, %mul3A_42 : i32
    %add3A_44 = arith.constant 0 : i32
    %add3A_45 = arith.addi %mul3A_43, %add3A_44 : i32
    %dma_wait3A = arith.constant 0 : i32
    %dma_wait3A_46 = arith.constant 0 : i32
    %dma_wait3A_47 = tpu.memref_slice %arg5[%dma_wait3A, %dma_wait3A_46] : memref<6x128xi32, #tpu.memory_space<vmem>> -> memref<1x128xi32, #tpu.memory_space<vmem>>
    %dma_wait3A_48 = tpu.memref_squeeze %dma_wait3A_47 : memref<1x128xi32, #tpu.memory_space<vmem>> -> memref<128xi32, #tpu.memory_space<vmem>>
    %dma_wait3A_49 = arith.constant 0 : i32
    %dma_wait3A_50 = arith.constant 0 : i32
    %dma_wait3A_51 = tpu.memref_slice %arg2[%dma_wait3A_49, %dma_wait3A_50] : memref<100000x128xf32, #tpu.memory_space<hbm>> -> memref<100000x128xf32, #tpu.memory_space<hbm>>
    tpu.wait_indirect_dma semaphore(%arg14 : memref<!tpu.dma_semaphore, #tpu.memory_space<semaphore_mem>>) src(%dma_wait3A_51 : memref<100000x128xf32, #tpu.memory_space<hbm>>) dst(%arg7 : memref<128x128xf32, #tpu.memory_space<vmem>>)
    %jit3A = arith.constant 64 : i32
    %div3A = arith.divsi %add3A_45, %jit3A : i32
    %sign3A = arith.constant 0 : i32
    %sign3A_52 = arith.cmpi sgt, %add3A_45, %sign3A : i32
    %sign3A_53 = arith.extui %sign3A_52 : i1 to i32
    %sign3A_54 = arith.constant 0 : i32
    %sign3A_55 = arith.cmpi slt, %add3A_45, %sign3A_54 : i32
    %sign3A_56 = arith.extui %sign3A_55 : i1 to i32
    %sign3A_57 = arith.subi %sign3A_53, %sign3A_56 : i32
    %sign3A_58 = arith.constant 0 : i32
    %sign3A_59 = arith.cmpi sgt, %jit3A, %sign3A_58 : i32
    %sign3A_60 = arith.extui %sign3A_59 : i1 to i32
    %sign3A_61 = arith.constant 0 : i32
    %sign3A_62 = arith.cmpi slt, %jit3A, %sign3A_61 : i32
    %sign3A_63 = arith.extui %sign3A_62 : i1 to i32
    %sign3A_64 = arith.subi %sign3A_60, %sign3A_63 : i32
    %ne3A = arith.cmpi ne, %sign3A_57, %sign3A_64 : i32
    %rem3A = arith.remsi %add3A_45, %jit3A : i32
    %ne3A_65 = arith.constant 0 : i32
    %ne3A_66 = arith.cmpi ne, %rem3A, %ne3A_65 : i32
    %and3A = arith.andi %ne3A, %ne3A_66 : i1
    %sub3A = arith.constant 1 : i32
    %sub3A_67 = arith.subi %div3A, %sub3A : i32
    %select_n3A = arith.select %and3A, %sub3A_67, %div3A : i32
    %jit3A_68 = arith.constant 64 : i32
    %eq3A = arith.constant 0 : i32
    %eq3A_69 = arith.cmpi eq, %jit3A_68, %eq3A : i32
    %jit3A_70 = arith.constant 1 : i32
    %select_n3A_71 = arith.select %eq3A_69, %jit3A_70, %jit3A_68 : i32
    %rem3A_72 = arith.remsi %add3A_45, %select_n3A_71 : i32
    %ne3A_73 = arith.constant 0 : i32
    %ne3A_74 = arith.cmpi ne, %rem3A_72, %ne3A_73 : i32
    %lt3A = arith.constant 0 : i32
    %lt3A_75 = arith.cmpi slt, %rem3A_72, %lt3A : i32
    %lt3A_76 = arith.constant 0 : i32
    %lt3A_77 = arith.cmpi slt, %select_n3A_71, %lt3A_76 : i32
    %ne3A_78 = arith.xori %lt3A_75, %lt3A_77 : i1
    %and3A_79 = arith.andi %ne3A_78, %ne3A_74 : i1
    %add3A_80 = arith.addi %rem3A_72, %select_n3A_71 : i32
    %select_n3A_81 = arith.select %and3A_79, %add3A_80, %rem3A_72 : i32
    %dma_start3A_82 = arith.constant 0 : i32
    %dma_start3A_83 = arith.constant 0 : i32
    %dma_start3A_84 = tpu.memref_slice %arg4[%select_n3A, %select_n3A_81, %dma_start3A_82, %dma_start3A_83] : memref<3x64x128x128xf32, #tpu.memory_space<hbm>> -> memref<1x1x128x128xf32, #tpu.memory_space<hbm>>
    %dma_start3A_85 = tpu.memref_squeeze %dma_start3A_84 : memref<1x1x128x128xf32, #tpu.memory_space<hbm>> -> memref<128x128xf32, #tpu.memory_space<hbm>>
    %dma_start3A_86 = arith.constant 0 : i32
    %dma_start3A_87 = arith.constant 0 : i32
    %dma_start3A_88 = tpu.memref_slice %arg4[%select_n3A, %select_n3A_81, %dma_start3A_86, %dma_start3A_87] : memref<3x64x128x128xf32, #tpu.memory_space<hbm>> -> memref<1x1x128x128xf32, #tpu.memory_space<hbm>>
    %dma_start3A_89 = tpu.memref_squeeze %dma_start3A_88 : memref<1x1x128x128xf32, #tpu.memory_space<hbm>> -> memref<128x128xf32, #tpu.memory_space<hbm>>
    tpu.enqueue_dma source(%arg7 : memref<128x128xf32, #tpu.memory_space<vmem>>) target(%dma_start3A_89 : memref<128x128xf32, #tpu.memory_space<hbm>>) target_semaphore(%arg20 : memref<!tpu.dma_semaphore, #tpu.memory_space<semaphore_mem>>)
    %mul3A_90 = arith.constant 6 : i32
    %mul3A_91 = arith.muli %add3A, %mul3A_90 : i32
    %add3A_92 = arith.constant 1 : i32
    %add3A_93 = arith.addi %mul3A_91, %add3A_92 : i32
    %dma_wait3A_94 = arith.constant 1 : i32
    %dma_wait3A_95 = arith.constant 0 : i32
    %dma_wait3A_96 = tpu.memref_slice %arg5[%dma_wait3A_94, %dma_wait3A_95] : memref<6x128xi32, #tpu.memory_space<vmem>> -> memref<1x128xi32, #tpu.memory_space<vmem>>
    %dma_wait3A_97 = tpu.memref_squeeze %dma_wait3A_96 : memref<1x128xi32, #tpu.memory_space<vmem>> -> memref<128xi32, #tpu.memory_space<vmem>>
    %dma_wait3A_98 = arith.constant 0 : i32
    %dma_wait3A_99 = arith.constant 0 : i32
    %dma_wait3A_100 = tpu.memref_slice %arg2[%dma_wait3A_98, %dma_wait3A_99] : memref<100000x128xf32, #tpu.memory_space<hbm>> -> memref<100000x128xf32, #tpu.memory_space<hbm>>
    tpu.wait_indirect_dma semaphore(%arg15 : memref<!tpu.dma_semaphore, #tpu.memory_space<semaphore_mem>>) src(%dma_wait3A_100 : memref<100000x128xf32, #tpu.memory_space<hbm>>) dst(%arg8 : memref<128x128xf32, #tpu.memory_space<vmem>>)
    %jit3A_101 = arith.constant 64 : i32
    %div3A_102 = arith.divsi %add3A_93, %jit3A_101 : i32
    %sign3A_103 = arith.constant 0 : i32
    %sign3A_104 = arith.cmpi sgt, %add3A_93, %sign3A_103 : i32
    %sign3A_105 = arith.extui %sign3A_104 : i1 to i32
    %sign3A_106 = arith.constant 0 : i32
    %sign3A_107 = arith.cmpi slt, %add3A_93, %sign3A_106 : i32
    %sign3A_108 = arith.extui %sign3A_107 : i1 to i32
    %sign3A_109 = arith.subi %sign3A_105, %sign3A_108 : i32
    %sign3A_110 = arith.constant 0 : i32
    %sign3A_111 = arith.cmpi sgt, %jit3A_101, %sign3A_110 : i32
    %sign3A_112 = arith.extui %sign3A_111 : i1 to i32
    %sign3A_113 = arith.constant 0 : i32
    %sign3A_114 = arith.cmpi slt, %jit3A_101, %sign3A_113 : i32
    %sign3A_115 = arith.extui %sign3A_114 : i1 to i32
    %sign3A_116 = arith.subi %sign3A_112, %sign3A_115 : i32
    %ne3A_117 = arith.cmpi ne, %sign3A_109, %sign3A_116 : i32
    %rem3A_118 = arith.remsi %add3A_93, %jit3A_101 : i32
    %ne3A_119 = arith.constant 0 : i32
    %ne3A_120 = arith.cmpi ne, %rem3A_118, %ne3A_119 : i32
    %and3A_121 = arith.andi %ne3A_117, %ne3A_120 : i1
    %sub3A_122 = arith.constant 1 : i32
    %sub3A_123 = arith.subi %div3A_102, %sub3A_122 : i32
    %select_n3A_124 = arith.select %and3A_121, %sub3A_123, %div3A_102 : i32
    %jit3A_125 = arith.constant 64 : i32
    %eq3A_126 = arith.constant 0 : i32
    %eq3A_127 = arith.cmpi eq, %jit3A_125, %eq3A_126 : i32
    %jit3A_128 = arith.constant 1 : i32
    %select_n3A_129 = arith.select %eq3A_127, %jit3A_128, %jit3A_125 : i32
    %rem3A_130 = arith.remsi %add3A_93, %select_n3A_129 : i32
    %ne3A_131 = arith.constant 0 : i32
    %ne3A_132 = arith.cmpi ne, %rem3A_130, %ne3A_131 : i32
    %lt3A_133 = arith.constant 0 : i32
    %lt3A_134 = arith.cmpi slt, %rem3A_130, %lt3A_133 : i32
    %lt3A_135 = arith.constant 0 : i32
    %lt3A_136 = arith.cmpi slt, %select_n3A_129, %lt3A_135 : i32
    %ne3A_137 = arith.xori %lt3A_134, %lt3A_136 : i1
    %and3A_138 = arith.andi %ne3A_137, %ne3A_132 : i1
    %add3A_139 = arith.addi %rem3A_130, %select_n3A_129 : i32
    %select_n3A_140 = arith.select %and3A_138, %add3A_139, %rem3A_130 : i32
    %dma_start3A_141 = arith.constant 0 : i32
    %dma_start3A_142 = arith.constant 0 : i32
    %dma_start3A_143 = tpu.memref_slice %arg4[%select_n3A_124, %select_n3A_140, %dma_start3A_141, %dma_start3A_142] : memref<3x64x128x128xf32, #tpu.memory_space<hbm>> -> memref<1x1x128x128xf32, #tpu.memory_space<hbm>>
    %dma_start3A_144 = tpu.memref_squeeze %dma_start3A_143 : memref<1x1x128x128xf32, #tpu.memory_space<hbm>> -> memref<128x128xf32, #tpu.memory_space<hbm>>
    %dma_start3A_145 = arith.constant 0 : i32
    %dma_start3A_146 = arith.constant 0 : i32
    %dma_start3A_147 = tpu.memref_slice %arg4[%select_n3A_124, %select_n3A_140, %dma_start3A_145, %dma_start3A_146] : memref<3x64x128x128xf32, #tpu.memory_space<hbm>> -> memref<1x1x128x128xf32, #tpu.memory_space<hbm>>
    %dma_start3A_148 = tpu.memref_squeeze %dma_start3A_147 : memref<1x1x128x128xf32, #tpu.memory_space<hbm>> -> memref<128x128xf32, #tpu.memory_space<hbm>>
    tpu.enqueue_dma source(%arg8 : memref<128x128xf32, #tpu.memory_space<vmem>>) target(%dma_start3A_148 : memref<128x128xf32, #tpu.memory_space<hbm>>) target_semaphore(%arg20 : memref<!tpu.dma_semaphore, #tpu.memory_space<semaphore_mem>>)
    %mul3A_149 = arith.constant 6 : i32
    %mul3A_150 = arith.muli %add3A, %mul3A_149 : i32
    %add3A_151 = arith.constant 2 : i32
    %add3A_152 = arith.addi %mul3A_150, %add3A_151 : i32
    %dma_wait3A_153 = arith.constant 2 : i32
    %dma_wait3A_154 = arith.constant 0 : i32
    %dma_wait3A_155 = tpu.memref_slice %arg5[%dma_wait3A_153, %dma_wait3A_154] : memref<6x128xi32, #tpu.memory_space<vmem>> -> memref<1x128xi32, #tpu.memory_space<vmem>>
    %dma_wait3A_156 = tpu.memref_squeeze %dma_wait3A_155 : memref<1x128xi32, #tpu.memory_space<vmem>> -> memref<128xi32, #tpu.memory_space<vmem>>
    %dma_wait3A_157 = arith.constant 0 : i32
    %dma_wait3A_158 = arith.constant 0 : i32
    %dma_wait3A_159 = tpu.memref_slice %arg2[%dma_wait3A_157, %dma_wait3A_158] : memref<100000x128xf32, #tpu.memory_space<hbm>> -> memref<100000x128xf32, #tpu.memory_space<hbm>>
    tpu.wait_indirect_dma semaphore(%arg16 : memref<!tpu.dma_semaphore, #tpu.memory_space<semaphore_mem>>) src(%dma_wait3A_159 : memref<100000x128xf32, #tpu.memory_space<hbm>>) dst(%arg9 : memref<128x128xf32, #tpu.memory_space<vmem>>)
    %jit3A_160 = arith.constant 64 : i32
    %div3A_161 = arith.divsi %add3A_152, %jit3A_160 : i32
    %sign3A_162 = arith.constant 0 : i32
    %sign3A_163 = arith.cmpi sgt, %add3A_152, %sign3A_162 : i32
    %sign3A_164 = arith.extui %sign3A_163 : i1 to i32
    %sign3A_165 = arith.constant 0 : i32
    %sign3A_166 = arith.cmpi slt, %add3A_152, %sign3A_165 : i32
    %sign3A_167 = arith.extui %sign3A_166 : i1 to i32
    %sign3A_168 = arith.subi %sign3A_164, %sign3A_167 : i32
    %sign3A_169 = arith.constant 0 : i32
    %sign3A_170 = arith.cmpi sgt, %jit3A_160, %sign3A_169 : i32
    %sign3A_171 = arith.extui %sign3A_170 : i1 to i32
    %sign3A_172 = arith.constant 0 : i32
    %sign3A_173 = arith.cmpi slt, %jit3A_160, %sign3A_172 : i32
    %sign3A_174 = arith.extui %sign3A_173 : i1 to i32
    %sign3A_175 = arith.subi %sign3A_171, %sign3A_174 : i32
    %ne3A_176 = arith.cmpi ne, %sign3A_168, %sign3A_175 : i32
    %rem3A_177 = arith.remsi %add3A_152, %jit3A_160 : i32
    %ne3A_178 = arith.constant 0 : i32
    %ne3A_179 = arith.cmpi ne, %rem3A_177, %ne3A_178 : i32
    %and3A_180 = arith.andi %ne3A_176, %ne3A_179 : i1
    %sub3A_181 = arith.constant 1 : i32
    %sub3A_182 = arith.subi %div3A_161, %sub3A_181 : i32
    %select_n3A_183 = arith.select %and3A_180, %sub3A_182, %div3A_161 : i32
    %jit3A_184 = arith.constant 64 : i32
    %eq3A_185 = arith.constant 0 : i32
    %eq3A_186 = arith.cmpi eq, %jit3A_184, %eq3A_185 : i32
    %jit3A_187 = arith.constant 1 : i32
    %select_n3A_188 = arith.select %eq3A_186, %jit3A_187, %jit3A_184 : i32
    %rem3A_189 = arith.remsi %add3A_152, %select_n3A_188 : i32
    %ne3A_190 = arith.constant 0 : i32
    %ne3A_191 = arith.cmpi ne, %rem3A_189, %ne3A_190 : i32
    %lt3A_192 = arith.constant 0 : i32
    %lt3A_193 = arith.cmpi slt, %rem3A_189, %lt3A_192 : i32
    %lt3A_194 = arith.constant 0 : i32
    %lt3A_195 = arith.cmpi slt, %select_n3A_188, %lt3A_194 : i32
    %ne3A_196 = arith.xori %lt3A_193, %lt3A_195 : i1
    %and3A_197 = arith.andi %ne3A_196, %ne3A_191 : i1
    %add3A_198 = arith.addi %rem3A_189, %select_n3A_188 : i32
    %select_n3A_199 = arith.select %and3A_197, %add3A_198, %rem3A_189 : i32
    %dma_start3A_200 = arith.constant 0 : i32
    %dma_start3A_201 = arith.constant 0 : i32
    %dma_start3A_202 = tpu.memref_slice %arg4[%select_n3A_183, %select_n3A_199, %dma_start3A_200, %dma_start3A_201] : memref<3x64x128x128xf32, #tpu.memory_space<hbm>> -> memref<1x1x128x128xf32, #tpu.memory_space<hbm>>
    %dma_start3A_203 = tpu.memref_squeeze %dma_start3A_202 : memref<1x1x128x128xf32, #tpu.memory_space<hbm>> -> memref<128x128xf32, #tpu.memory_space<hbm>>
    %dma_start3A_204 = arith.constant 0 : i32
    %dma_start3A_205 = arith.constant 0 : i32
    %dma_start3A_206 = tpu.memref_slice %arg4[%select_n3A_183, %select_n3A_199, %dma_start3A_204, %dma_start3A_205] : memref<3x64x128x128xf32, #tpu.memory_space<hbm>> -> memref<1x1x128x128xf32, #tpu.memory_space<hbm>>
    %dma_start3A_207 = tpu.memref_squeeze %dma_start3A_206 : memref<1x1x128x128xf32, #tpu.memory_space<hbm>> -> memref<128x128xf32, #tpu.memory_space<hbm>>
    tpu.enqueue_dma source(%arg9 : memref<128x128xf32, #tpu.memory_space<vmem>>) target(%dma_start3A_207 : memref<128x128xf32, #tpu.memory_space<hbm>>) target_semaphore(%arg20 : memref<!tpu.dma_semaphore, #tpu.memory_space<semaphore_mem>>)
    %mul3A_208 = arith.constant 6 : i32
    %mul3A_209 = arith.muli %add3A, %mul3A_208 : i32
    %add3A_210 = arith.constant 3 : i32
    %add3A_211 = arith.addi %mul3A_209, %add3A_210 : i32
    %dma_wait3A_212 = arith.constant 3 : i32
    %dma_wait3A_213 = arith.constant 0 : i32
    %dma_wait3A_214 = tpu.memref_slice %arg5[%dma_wait3A_212, %dma_wait3A_213] : memref<6x128xi32, #tpu.memory_space<vmem>> -> memref<1x128xi32, #tpu.memory_space<vmem>>
    %dma_wait3A_215 = tpu.memref_squeeze %dma_wait3A_214 : memref<1x128xi32, #tpu.memory_space<vmem>> -> memref<128xi32, #tpu.memory_space<vmem>>
    %dma_wait3A_216 = arith.constant 0 : i32
    %dma_wait3A_217 = arith.constant 0 : i32
    %dma_wait3A_218 = tpu.memref_slice %arg2[%dma_wait3A_216, %dma_wait3A_217] : memref<100000x128xf32, #tpu.memory_space<hbm>> -> memref<100000x128xf32, #tpu.memory_space<hbm>>
    tpu.wait_indirect_dma semaphore(%arg17 : memref<!tpu.dma_semaphore, #tpu.memory_space<semaphore_mem>>) src(%dma_wait3A_218 : memref<100000x128xf32, #tpu.memory_space<hbm>>) dst(%arg10 : memref<128x128xf32, #tpu.memory_space<vmem>>)
    %jit3A_219 = arith.constant 64 : i32
    %div3A_220 = arith.divsi %add3A_211, %jit3A_219 : i32
    %sign3A_221 = arith.constant 0 : i32
    %sign3A_222 = arith.cmpi sgt, %add3A_211, %sign3A_221 : i32
    %sign3A_223 = arith.extui %sign3A_222 : i1 to i32
    %sign3A_224 = arith.constant 0 : i32
    %sign3A_225 = arith.cmpi slt, %add3A_211, %sign3A_224 : i32
    %sign3A_226 = arith.extui %sign3A_225 : i1 to i32
    %sign3A_227 = arith.subi %sign3A_223, %sign3A_226 : i32
    %sign3A_228 = arith.constant 0 : i32
    %sign3A_229 = arith.cmpi sgt, %jit3A_219, %sign3A_228 : i32
    %sign3A_230 = arith.extui %sign3A_229 : i1 to i32
    %sign3A_231 = arith.constant 0 : i32
    %sign3A_232 = arith.cmpi slt, %jit3A_219, %sign3A_231 : i32
    %sign3A_233 = arith.extui %sign3A_232 : i1 to i32
    %sign3A_234 = arith.subi %sign3A_230, %sign3A_233 : i32
    %ne3A_235 = arith.cmpi ne, %sign3A_227, %sign3A_234 : i32
    %rem3A_236 = arith.remsi %add3A_211, %jit3A_219 : i32
    %ne3A_237 = arith.constant 0 : i32
    %ne3A_238 = arith.cmpi ne, %rem3A_236, %ne3A_237 : i32
    %and3A_239 = arith.andi %ne3A_235, %ne3A_238 : i1
    %sub3A_240 = arith.constant 1 : i32
    %sub3A_241 = arith.subi %div3A_220, %sub3A_240 : i32
    %select_n3A_242 = arith.select %and3A_239, %sub3A_241, %div3A_220 : i32
    %jit3A_243 = arith.constant 64 : i32
    %eq3A_244 = arith.constant 0 : i32
    %eq3A_245 = arith.cmpi eq, %jit3A_243, %eq3A_244 : i32
    %jit3A_246 = arith.constant 1 : i32
    %select_n3A_247 = arith.select %eq3A_245, %jit3A_246, %jit3A_243 : i32
    %rem3A_248 = arith.remsi %add3A_211, %select_n3A_247 : i32
    %ne3A_249 = arith.constant 0 : i32
    %ne3A_250 = arith.cmpi ne, %rem3A_248, %ne3A_249 : i32
    %lt3A_251 = arith.constant 0 : i32
    %lt3A_252 = arith.cmpi slt, %rem3A_248, %lt3A_251 : i32
    %lt3A_253 = arith.constant 0 : i32
    %lt3A_254 = arith.cmpi slt, %select_n3A_247, %lt3A_253 : i32
    %ne3A_255 = arith.xori %lt3A_252, %lt3A_254 : i1
    %and3A_256 = arith.andi %ne3A_255, %ne3A_250 : i1
    %add3A_257 = arith.addi %rem3A_248, %select_n3A_247 : i32
    %select_n3A_258 = arith.select %and3A_256, %add3A_257, %rem3A_248 : i32
    %dma_start3A_259 = arith.constant 0 : i32
    %dma_start3A_260 = arith.constant 0 : i32
    %dma_start3A_261 = tpu.memref_slice %arg4[%select_n3A_242, %select_n3A_258, %dma_start3A_259, %dma_start3A_260] : memref<3x64x128x128xf32, #tpu.memory_space<hbm>> -> memref<1x1x128x128xf32, #tpu.memory_space<hbm>>
    %dma_start3A_262 = tpu.memref_squeeze %dma_start3A_261 : memref<1x1x128x128xf32, #tpu.memory_space<hbm>> -> memref<128x128xf32, #tpu.memory_space<hbm>>
    %dma_start3A_263 = arith.constant 0 : i32
    %dma_start3A_264 = arith.constant 0 : i32
    %dma_start3A_265 = tpu.memref_slice %arg4[%select_n3A_242, %select_n3A_258, %dma_start3A_263, %dma_start3A_264] : memref<3x64x128x128xf32, #tpu.memory_space<hbm>> -> memref<1x1x128x128xf32, #tpu.memory_space<hbm>>
    %dma_start3A_266 = tpu.memref_squeeze %dma_start3A_265 : memref<1x1x128x128xf32, #tpu.memory_space<hbm>> -> memref<128x128xf32, #tpu.memory_space<hbm>>
    tpu.enqueue_dma source(%arg10 : memref<128x128xf32, #tpu.memory_space<vmem>>) target(%dma_start3A_266 : memref<128x128xf32, #tpu.memory_space<hbm>>) target_semaphore(%arg20 : memref<!tpu.dma_semaphore, #tpu.memory_space<semaphore_mem>>)
    %mul3A_267 = arith.constant 6 : i32
    %mul3A_268 = arith.muli %add3A, %mul3A_267 : i32
    %add3A_269 = arith.constant 4 : i32
    %add3A_270 = arith.addi %mul3A_268, %add3A_269 : i32
    %dma_wait3A_271 = arith.constant 4 : i32
    %dma_wait3A_272 = arith.constant 0 : i32
    %dma_wait3A_273 = tpu.memref_slice %arg5[%dma_wait3A_271, %dma_wait3A_272] : memref<6x128xi32, #tpu.memory_space<vmem>> -> memref<1x128xi32, #tpu.memory_space<vmem>>
    %dma_wait3A_274 = tpu.memref_squeeze %dma_wait3A_273 : memref<1x128xi32, #tpu.memory_space<vmem>> -> memref<128xi32, #tpu.memory_space<vmem>>
    %dma_wait3A_275 = arith.constant 0 : i32
    %dma_wait3A_276 = arith.constant 0 : i32
    %dma_wait3A_277 = tpu.memref_slice %arg2[%dma_wait3A_275, %dma_wait3A_276] : memref<100000x128xf32, #tpu.memory_space<hbm>> -> memref<100000x128xf32, #tpu.memory_space<hbm>>
    tpu.wait_indirect_dma semaphore(%arg18 : memref<!tpu.dma_semaphore, #tpu.memory_space<semaphore_mem>>) src(%dma_wait3A_277 : memref<100000x128xf32, #tpu.memory_space<hbm>>) dst(%arg11 : memref<128x128xf32, #tpu.memory_space<vmem>>)
    %jit3A_278 = arith.constant 64 : i32
    %div3A_279 = arith.divsi %add3A_270, %jit3A_278 : i32
    %sign3A_280 = arith.constant 0 : i32
    %sign3A_281 = arith.cmpi sgt, %add3A_270, %sign3A_280 : i32
    %sign3A_282 = arith.extui %sign3A_281 : i1 to i32
    %sign3A_283 = arith.constant 0 : i32
    %sign3A_284 = arith.cmpi slt, %add3A_270, %sign3A_283 : i32
    %sign3A_285 = arith.extui %sign3A_284 : i1 to i32
    %sign3A_286 = arith.subi %sign3A_282, %sign3A_285 : i32
    %sign3A_287 = arith.constant 0 : i32
    %sign3A_288 = arith.cmpi sgt, %jit3A_278, %sign3A_287 : i32
    %sign3A_289 = arith.extui %sign3A_288 : i1 to i32
    %sign3A_290 = arith.constant 0 : i32
    %sign3A_291 = arith.cmpi slt, %jit3A_278, %sign3A_290 : i32
    %sign3A_292 = arith.extui %sign3A_291 : i1 to i32
    %sign3A_293 = arith.subi %sign3A_289, %sign3A_292 : i32
    %ne3A_294 = arith.cmpi ne, %sign3A_286, %sign3A_293 : i32
    %rem3A_295 = arith.remsi %add3A_270, %jit3A_278 : i32
    %ne3A_296 = arith.constant 0 : i32
    %ne3A_297 = arith.cmpi ne, %rem3A_295, %ne3A_296 : i32
    %and3A_298 = arith.andi %ne3A_294, %ne3A_297 : i1
    %sub3A_299 = arith.constant 1 : i32
    %sub3A_300 = arith.subi %div3A_279, %sub3A_299 : i32
    %select_n3A_301 = arith.select %and3A_298, %sub3A_300, %div3A_279 : i32
    %jit3A_302 = arith.constant 64 : i32
    %eq3A_303 = arith.constant 0 : i32
    %eq3A_304 = arith.cmpi eq, %jit3A_302, %eq3A_303 : i32
    %jit3A_305 = arith.constant 1 : i32
    %select_n3A_306 = arith.select %eq3A_304, %jit3A_305, %jit3A_302 : i32
    %rem3A_307 = arith.remsi %add3A_270, %select_n3A_306 : i32
    %ne3A_308 = arith.constant 0 : i32
    %ne3A_309 = arith.cmpi ne, %rem3A_307, %ne3A_308 : i32
    %lt3A_310 = arith.constant 0 : i32
    %lt3A_311 = arith.cmpi slt, %rem3A_307, %lt3A_310 : i32
    %lt3A_312 = arith.constant 0 : i32
    %lt3A_313 = arith.cmpi slt, %select_n3A_306, %lt3A_312 : i32
    %ne3A_314 = arith.xori %lt3A_311, %lt3A_313 : i1
    %and3A_315 = arith.andi %ne3A_314, %ne3A_309 : i1
    %add3A_316 = arith.addi %rem3A_307, %select_n3A_306 : i32
    %select_n3A_317 = arith.select %and3A_315, %add3A_316, %rem3A_307 : i32
    %dma_start3A_318 = arith.constant 0 : i32
    %dma_start3A_319 = arith.constant 0 : i32
    %dma_start3A_320 = tpu.memref_slice %arg4[%select_n3A_301, %select_n3A_317, %dma_start3A_318, %dma_start3A_319] : memref<3x64x128x128xf32, #tpu.memory_space<hbm>> -> memref<1x1x128x128xf32, #tpu.memory_space<hbm>>
    %dma_start3A_321 = tpu.memref_squeeze %dma_start3A_320 : memref<1x1x128x128xf32, #tpu.memory_space<hbm>> -> memref<128x128xf32, #tpu.memory_space<hbm>>
    %dma_start3A_322 = arith.constant 0 : i32
    %dma_start3A_323 = arith.constant 0 : i32
    %dma_start3A_324 = tpu.memref_slice %arg4[%select_n3A_301, %select_n3A_317, %dma_start3A_322, %dma_start3A_323] : memref<3x64x128x128xf32, #tpu.memory_space<hbm>> -> memref<1x1x128x128xf32, #tpu.memory_space<hbm>>
    %dma_start3A_325 = tpu.memref_squeeze %dma_start3A_324 : memref<1x1x128x128xf32, #tpu.memory_space<hbm>> -> memref<128x128xf32, #tpu.memory_space<hbm>>
    tpu.enqueue_dma source(%arg11 : memref<128x128xf32, #tpu.memory_space<vmem>>) target(%dma_start3A_325 : memref<128x128xf32, #tpu.memory_space<hbm>>) target_semaphore(%arg20 : memref<!tpu.dma_semaphore, #tpu.memory_space<semaphore_mem>>)
    %mul3A_326 = arith.constant 6 : i32
    %mul3A_327 = arith.muli %add3A, %mul3A_326 : i32
    %add3A_328 = arith.constant 5 : i32
    %add3A_329 = arith.addi %mul3A_327, %add3A_328 : i32
    %dma_wait3A_330 = arith.constant 5 : i32
    %dma_wait3A_331 = arith.constant 0 : i32
    %dma_wait3A_332 = tpu.memref_slice %arg5[%dma_wait3A_330, %dma_wait3A_331] : memref<6x128xi32, #tpu.memory_space<vmem>> -> memref<1x128xi32, #tpu.memory_space<vmem>>
    %dma_wait3A_333 = tpu.memref_squeeze %dma_wait3A_332 : memref<1x128xi32, #tpu.memory_space<vmem>> -> memref<128xi32, #tpu.memory_space<vmem>>
    %dma_wait3A_334 = arith.constant 0 : i32
    %dma_wait3A_335 = arith.constant 0 : i32
    %dma_wait3A_336 = tpu.memref_slice %arg2[%dma_wait3A_334, %dma_wait3A_335] : memref<100000x128xf32, #tpu.memory_space<hbm>> -> memref<100000x128xf32, #tpu.memory_space<hbm>>
    tpu.wait_indirect_dma semaphore(%arg19 : memref<!tpu.dma_semaphore, #tpu.memory_space<semaphore_mem>>) src(%dma_wait3A_336 : memref<100000x128xf32, #tpu.memory_space<hbm>>) dst(%arg12 : memref<128x128xf32, #tpu.memory_space<vmem>>)
    %jit3A_337 = arith.constant 64 : i32
    %div3A_338 = arith.divsi %add3A_329, %jit3A_337 : i32
    %sign3A_339 = arith.constant 0 : i32
    %sign3A_340 = arith.cmpi sgt, %add3A_329, %sign3A_339 : i32
    %sign3A_341 = arith.extui %sign3A_340 : i1 to i32
    %sign3A_342 = arith.constant 0 : i32
    %sign3A_343 = arith.cmpi slt, %add3A_329, %sign3A_342 : i32
    %sign3A_344 = arith.extui %sign3A_343 : i1 to i32
    %sign3A_345 = arith.subi %sign3A_341, %sign3A_344 : i32
    %sign3A_346 = arith.constant 0 : i32
    %sign3A_347 = arith.cmpi sgt, %jit3A_337, %sign3A_346 : i32
    %sign3A_348 = arith.extui %sign3A_347 : i1 to i32
    %sign3A_349 = arith.constant 0 : i32
    %sign3A_350 = arith.cmpi slt, %jit3A_337, %sign3A_349 : i32
    %sign3A_351 = arith.extui %sign3A_350 : i1 to i32
    %sign3A_352 = arith.subi %sign3A_348, %sign3A_351 : i32
    %ne3A_353 = arith.cmpi ne, %sign3A_345, %sign3A_352 : i32
    %rem3A_354 = arith.remsi %add3A_329, %jit3A_337 : i32
    %ne3A_355 = arith.constant 0 : i32
    %ne3A_356 = arith.cmpi ne, %rem3A_354, %ne3A_355 : i32
    %and3A_357 = arith.andi %ne3A_353, %ne3A_356 : i1
    %sub3A_358 = arith.constant 1 : i32
    %sub3A_359 = arith.subi %div3A_338, %sub3A_358 : i32
    %select_n3A_360 = arith.select %and3A_357, %sub3A_359, %div3A_338 : i32
    %jit3A_361 = arith.constant 64 : i32
    %eq3A_362 = arith.constant 0 : i32
    %eq3A_363 = arith.cmpi eq, %jit3A_361, %eq3A_362 : i32
    %jit3A_364 = arith.constant 1 : i32
    %select_n3A_365 = arith.select %eq3A_363, %jit3A_364, %jit3A_361 : i32
    %rem3A_366 = arith.remsi %add3A_329, %select_n3A_365 : i32
    %ne3A_367 = arith.constant 0 : i32
    %ne3A_368 = arith.cmpi ne, %rem3A_366, %ne3A_367 : i32
    %lt3A_369 = arith.constant 0 : i32
    %lt3A_370 = arith.cmpi slt, %rem3A_366, %lt3A_369 : i32
    %lt3A_371 = arith.constant 0 : i32
    %lt3A_372 = arith.cmpi slt, %select_n3A_365, %lt3A_371 : i32
    %ne3A_373 = arith.xori %lt3A_370, %lt3A_372 : i1
    %and3A_374 = arith.andi %ne3A_373, %ne3A_368 : i1
    %add3A_375 = arith.addi %rem3A_366, %select_n3A_365 : i32
    %select_n3A_376 = arith.select %and3A_374, %add3A_375, %rem3A_366 : i32
    %dma_start3A_377 = arith.constant 0 : i32
    %dma_start3A_378 = arith.constant 0 : i32
    %dma_start3A_379 = tpu.memref_slice %arg4[%select_n3A_360, %select_n3A_376, %dma_start3A_377, %dma_start3A_378] : memref<3x64x128x128xf32, #tpu.memory_space<hbm>> -> memref<1x1x128x128xf32, #tpu.memory_space<hbm>>
    %dma_start3A_380 = tpu.memref_squeeze %dma_start3A_379 : memref<1x1x128x128xf32, #tpu.memory_space<hbm>> -> memref<128x128xf32, #tpu.memory_space<hbm>>
    %dma_start3A_381 = arith.constant 0 : i32
    %dma_start3A_382 = arith.constant 0 : i32
    %dma_start3A_383 = tpu.memref_slice %arg4[%select_n3A_360, %select_n3A_376, %dma_start3A_381, %dma_start3A_382] : memref<3x64x128x128xf32, #tpu.memory_space<hbm>> -> memref<1x1x128x128xf32, #tpu.memory_space<hbm>>
    %dma_start3A_384 = tpu.memref_squeeze %dma_start3A_383 : memref<1x1x128x128xf32, #tpu.memory_space<hbm>> -> memref<128x128xf32, #tpu.memory_space<hbm>>
    tpu.enqueue_dma source(%arg12 : memref<128x128xf32, #tpu.memory_space<vmem>>) target(%dma_start3A_384 : memref<128x128xf32, #tpu.memory_space<hbm>>) target_semaphore(%arg20 : memref<!tpu.dma_semaphore, #tpu.memory_space<semaphore_mem>>)
    %dma_wait3A_385 = arith.constant 0 : i32
    %dma_wait3A_386 = arith.constant 0 : i32
    %dma_wait3A_387 = arith.constant 0 : i32
    %dma_wait3A_388 = arith.constant 0 : i32
    %dma_wait3A_389 = tpu.memref_slice %arg4[%dma_wait3A_385, %dma_wait3A_386, %dma_wait3A_387, %dma_wait3A_388] : memref<3x64x128x128xf32, #tpu.memory_space<hbm>> -> memref<1x1x128x128xf32, #tpu.memory_space<hbm>>
    %dma_wait3A_390 = tpu.memref_squeeze %dma_wait3A_389 : memref<1x1x128x128xf32, #tpu.memory_space<hbm>> -> memref<128x128xf32, #tpu.memory_space<hbm>>
    %dma_wait3A_391 = arith.constant 0 : i32
    %dma_wait3A_392 = arith.constant 0 : i32
    %dma_wait3A_393 = tpu.memref_slice %arg4[%dma_wait3A_385, %dma_wait3A_386, %dma_wait3A_391, %dma_wait3A_392] : memref<3x64x128x128xf32, #tpu.memory_space<hbm>> -> memref<1x1x128x128xf32, #tpu.memory_space<hbm>>
    %dma_wait3A_394 = tpu.memref_squeeze %dma_wait3A_393 : memref<1x1x128x128xf32, #tpu.memory_space<hbm>> -> memref<128x128xf32, #tpu.memory_space<hbm>>
    tpu.wait_dma2 semaphore(%arg20 : memref<!tpu.dma_semaphore, #tpu.memory_space<semaphore_mem>>) src(%arg7 : memref<128x128xf32, #tpu.memory_space<vmem>>) dst(%dma_wait3A_394 : memref<128x128xf32, #tpu.memory_space<hbm>>)
    %dma_wait3A_395 = arith.constant 0 : i32
    %dma_wait3A_396 = arith.constant 0 : i32
    %dma_wait3A_397 = arith.constant 0 : i32
    %dma_wait3A_398 = arith.constant 0 : i32
    %dma_wait3A_399 = tpu.memref_slice %arg4[%dma_wait3A_395, %dma_wait3A_396, %dma_wait3A_397, %dma_wait3A_398] : memref<3x64x128x128xf32, #tpu.memory_space<hbm>> -> memref<1x1x128x128xf32, #tpu.memory_space<hbm>>
    %dma_wait3A_400 = tpu.memref_squeeze %dma_wait3A_399 : memref<1x1x128x128xf32, #tpu.memory_space<hbm>> -> memref<128x128xf32, #tpu.memory_space<hbm>>
    %dma_wait3A_401 = arith.constant 0 : i32
    %dma_wait3A_402 = arith.constant 0 : i32
    %dma_wait3A_403 = tpu.memref_slice %arg4[%dma_wait3A_395, %dma_wait3A_396, %dma_wait3A_401, %dma_wait3A_402] : memref<3x64x128x128xf32, #tpu.memory_space<hbm>> -> memref<1x1x128x128xf32, #tpu.memory_space<hbm>>
    %dma_wait3A_404 = tpu.memref_squeeze %dma_wait3A_403 : memref<1x1x128x128xf32, #tpu.memory_space<hbm>> -> memref<128x128xf32, #tpu.memory_space<hbm>>
    tpu.wait_dma2 semaphore(%arg20 : memref<!tpu.dma_semaphore, #tpu.memory_space<semaphore_mem>>) src(%arg8 : memref<128x128xf32, #tpu.memory_space<vmem>>) dst(%dma_wait3A_404 : memref<128x128xf32, #tpu.memory_space<hbm>>)
    %dma_wait3A_405 = arith.constant 0 : i32
    %dma_wait3A_406 = arith.constant 0 : i32
    %dma_wait3A_407 = arith.constant 0 : i32
    %dma_wait3A_408 = arith.constant 0 : i32
    %dma_wait3A_409 = tpu.memref_slice %arg4[%dma_wait3A_405, %dma_wait3A_406, %dma_wait3A_407, %dma_wait3A_408] : memref<3x64x128x128xf32, #tpu.memory_space<hbm>> -> memref<1x1x128x128xf32, #tpu.memory_space<hbm>>
    %dma_wait3A_410 = tpu.memref_squeeze %dma_wait3A_409 : memref<1x1x128x128xf32, #tpu.memory_space<hbm>> -> memref<128x128xf32, #tpu.memory_space<hbm>>
    %dma_wait3A_411 = arith.constant 0 : i32
    %dma_wait3A_412 = arith.constant 0 : i32
    %dma_wait3A_413 = tpu.memref_slice %arg4[%dma_wait3A_405, %dma_wait3A_406, %dma_wait3A_411, %dma_wait3A_412] : memref<3x64x128x128xf32, #tpu.memory_space<hbm>> -> memref<1x1x128x128xf32, #tpu.memory_space<hbm>>
    %dma_wait3A_414 = tpu.memref_squeeze %dma_wait3A_413 : memref<1x1x128x128xf32, #tpu.memory_space<hbm>> -> memref<128x128xf32, #tpu.memory_space<hbm>>
    tpu.wait_dma2 semaphore(%arg20 : memref<!tpu.dma_semaphore, #tpu.memory_space<semaphore_mem>>) src(%arg9 : memref<128x128xf32, #tpu.memory_space<vmem>>) dst(%dma_wait3A_414 : memref<128x128xf32, #tpu.memory_space<hbm>>)
    %dma_wait3A_415 = arith.constant 0 : i32
    %dma_wait3A_416 = arith.constant 0 : i32
    %dma_wait3A_417 = arith.constant 0 : i32
    %dma_wait3A_418 = arith.constant 0 : i32
    %dma_wait3A_419 = tpu.memref_slice %arg4[%dma_wait3A_415, %dma_wait3A_416, %dma_wait3A_417, %dma_wait3A_418] : memref<3x64x128x128xf32, #tpu.memory_space<hbm>> -> memref<1x1x128x128xf32, #tpu.memory_space<hbm>>
    %dma_wait3A_420 = tpu.memref_squeeze %dma_wait3A_419 : memref<1x1x128x128xf32, #tpu.memory_space<hbm>> -> memref<128x128xf32, #tpu.memory_space<hbm>>
    %dma_wait3A_421 = arith.constant 0 : i32
    %dma_wait3A_422 = arith.constant 0 : i32
    %dma_wait3A_423 = tpu.memref_slice %arg4[%dma_wait3A_415, %dma_wait3A_416, %dma_wait3A_421, %dma_wait3A_422] : memref<3x64x128x128xf32, #tpu.memory_space<hbm>> -> memref<1x1x128x128xf32, #tpu.memory_space<hbm>>
    %dma_wait3A_424 = tpu.memref_squeeze %dma_wait3A_423 : memref<1x1x128x128xf32, #tpu.memory_space<hbm>> -> memref<128x128xf32, #tpu.memory_space<hbm>>
    tpu.wait_dma2 semaphore(%arg20 : memref<!tpu.dma_semaphore, #tpu.memory_space<semaphore_mem>>) src(%arg10 : memref<128x128xf32, #tpu.memory_space<vmem>>) dst(%dma_wait3A_424 : memref<128x128xf32, #tpu.memory_space<hbm>>)
    %dma_wait3A_425 = arith.constant 0 : i32
    %dma_wait3A_426 = arith.constant 0 : i32
    %dma_wait3A_427 = arith.constant 0 : i32
    %dma_wait3A_428 = arith.constant 0 : i32
    %dma_wait3A_429 = tpu.memref_slice %arg4[%dma_wait3A_425, %dma_wait3A_426, %dma_wait3A_427, %dma_wait3A_428] : memref<3x64x128x128xf32, #tpu.memory_space<hbm>> -> memref<1x1x128x128xf32, #tpu.memory_space<hbm>>
    %dma_wait3A_430 = tpu.memref_squeeze %dma_wait3A_429 : memref<1x1x128x128xf32, #tpu.memory_space<hbm>> -> memref<128x128xf32, #tpu.memory_space<hbm>>
    %dma_wait3A_431 = arith.constant 0 : i32
    %dma_wait3A_432 = arith.constant 0 : i32
    %dma_wait3A_433 = tpu.memref_slice %arg4[%dma_wait3A_425, %dma_wait3A_426, %dma_wait3A_431, %dma_wait3A_432] : memref<3x64x128x128xf32, #tpu.memory_space<hbm>> -> memref<1x1x128x128xf32, #tpu.memory_space<hbm>>
    %dma_wait3A_434 = tpu.memref_squeeze %dma_wait3A_433 : memref<1x1x128x128xf32, #tpu.memory_space<hbm>> -> memref<128x128xf32, #tpu.memory_space<hbm>>
    tpu.wait_dma2 semaphore(%arg20 : memref<!tpu.dma_semaphore, #tpu.memory_space<semaphore_mem>>) src(%arg11 : memref<128x128xf32, #tpu.memory_space<vmem>>) dst(%dma_wait3A_434 : memref<128x128xf32, #tpu.memory_space<hbm>>)
    %dma_wait3A_435 = arith.constant 0 : i32
    %dma_wait3A_436 = arith.constant 0 : i32
    %dma_wait3A_437 = arith.constant 0 : i32
    %dma_wait3A_438 = arith.constant 0 : i32
    %dma_wait3A_439 = tpu.memref_slice %arg4[%dma_wait3A_435, %dma_wait3A_436, %dma_wait3A_437, %dma_wait3A_438] : memref<3x64x128x128xf32, #tpu.memory_space<hbm>> -> memref<1x1x128x128xf32, #tpu.memory_space<hbm>>
    %dma_wait3A_440 = tpu.memref_squeeze %dma_wait3A_439 : memref<1x1x128x128xf32, #tpu.memory_space<hbm>> -> memref<128x128xf32, #tpu.memory_space<hbm>>
    %dma_wait3A_441 = arith.constant 0 : i32
    %dma_wait3A_442 = arith.constant 0 : i32
    %dma_wait3A_443 = tpu.memref_slice %arg4[%dma_wait3A_435, %dma_wait3A_436, %dma_wait3A_441, %dma_wait3A_442] : memref<3x64x128x128xf32, #tpu.memory_space<hbm>> -> memref<1x1x128x128xf32, #tpu.memory_space<hbm>>
    %dma_wait3A_444 = tpu.memref_squeeze %dma_wait3A_443 : memref<1x1x128x128xf32, #tpu.memory_space<hbm>> -> memref<128x128xf32, #tpu.memory_space<hbm>>
    tpu.wait_dma2 semaphore(%arg20 : memref<!tpu.dma_semaphore, #tpu.memory_space<semaphore_mem>>) src(%arg12 : memref<128x128xf32, #tpu.memory_space<vmem>>) dst(%dma_wait3A_444 : memref<128x128xf32, #tpu.memory_space<hbm>>)
    return
  }
}

#map = affine_map<(d0, d1) -> (0, 0)>
#map1 = affine_map<(d0, d1) -> (0, 0, 0)>
#map2 = affine_map<(d0, d1) -> (0, 0, 0, 0)>
module attributes {stable_mosaic.version = 14 : i64} {
  func.func @body(%arg0: i32, %arg1: i32, %arg2: memref<100000x128xf32, #tpu.memory_space<hbm>>, %arg3: memref<32x6x128xi32, #tpu.memory_space<hbm>>, %arg4: memref<32x8xi32, #tpu.memory_space<hbm>>, %arg5: memref<3x64x128x128xf32, #tpu.memory_space<hbm>>, %arg6: memref<32x8x128xf32, #tpu.memory_space<hbm>>, %arg7: memref<6x128xi32, #tpu.memory_space<vmem>>, %arg8: memref<8xi32, #tpu.memory_space<vmem>>, %arg9: memref<128x128xf32, #tpu.memory_space<vmem>>, %arg10: memref<128x128xf32, #tpu.memory_space<vmem>>, %arg11: memref<128x128xf32, #tpu.memory_space<vmem>>, %arg12: memref<128x128xf32, #tpu.memory_space<vmem>>, %arg13: memref<128x128xf32, #tpu.memory_space<vmem>>, %arg14: memref<128x128xf32, #tpu.memory_space<vmem>>, %arg15: memref<8x128xf32, #tpu.memory_space<vmem>>, %arg16: memref<!tpu.dma_semaphore, #tpu.memory_space<semaphore_mem>>, %arg17: memref<!tpu.dma_semaphore, #tpu.memory_space<semaphore_mem>>, %arg18: memref<!tpu.dma_semaphore, #tpu.memory_space<semaphore_mem>>, %arg19: memref<!tpu.dma_semaphore, #tpu.memory_space<semaphore_mem>>, %arg20: memref<!tpu.dma_semaphore, #tpu.memory_space<semaphore_mem>>, %arg21: memref<!tpu.dma_semaphore, #tpu.memory_space<semaphore_mem>>, %arg22: memref<!tpu.dma_semaphore, #tpu.memory_space<semaphore_mem>>) attributes {dimension_semantics = [#tpu.dimension_semantics<core_parallel>, #tpu.dimension_semantics<subcore_parallel>], iteration_bounds = array<i64: 2, 16>, scalar_prefetch = 0 : i64, scratch_operands = 16 : i64, tpu.core_type = #tpu.core_type<sc_vector_subcore>, window_params = [{transform_indices = #map}, {transform_indices = #map1}, {transform_indices = #map}, {transform_indices = #map2}, {transform_indices = #map1}]} {
    %mul3A = arith.constant 2 : i32
    %mul3A_0 = arith.muli %arg1, %mul3A : i32
    %add3A = arith.addi %mul3A_0, %arg0 : i32
    "tpu.region"() ({
      %run_scoped3A = tpu.sem_alloc : memref<!tpu.dma_semaphore, #tpu.memory_space<semaphore_mem>>
      %dma_start3A_451 = arith.constant 0 : i32
      %dma_start3A_452 = arith.constant 0 : i32
      %dma_start3A_453 = tpu.memref_slice %arg3[%add3A, %dma_start3A_451, %dma_start3A_452] : memref<32x6x128xi32, #tpu.memory_space<hbm>> -> memref<1x6x128xi32, #tpu.memory_space<hbm>>
      %dma_start3A_454 = tpu.memref_squeeze %dma_start3A_453 : memref<1x6x128xi32, #tpu.memory_space<hbm>> -> memref<6x128xi32, #tpu.memory_space<hbm>>
      %dma_start3A_455 = arith.constant 0 : i32
      %dma_start3A_456 = arith.constant 0 : i32
      %dma_start3A_457 = tpu.memref_slice %arg3[%add3A, %dma_start3A_455, %dma_start3A_456] : memref<32x6x128xi32, #tpu.memory_space<hbm>> -> memref<1x6x128xi32, #tpu.memory_space<hbm>>
      %dma_start3A_458 = tpu.memref_squeeze %dma_start3A_457 : memref<1x6x128xi32, #tpu.memory_space<hbm>> -> memref<6x128xi32, #tpu.memory_space<hbm>>
      tpu.enqueue_dma source(%dma_start3A_458 : memref<6x128xi32, #tpu.memory_space<hbm>>) target(%arg7 : memref<6x128xi32, #tpu.memory_space<vmem>>) target_semaphore(%run_scoped3A : memref<!tpu.dma_semaphore, #tpu.memory_space<semaphore_mem>>)
      %dma_wait3A_459 = arith.constant 0 : i32
      %dma_wait3A_460 = arith.constant 0 : i32
      %dma_wait3A_461 = tpu.memref_slice %arg3[%add3A, %dma_wait3A_459, %dma_wait3A_460] : memref<32x6x128xi32, #tpu.memory_space<hbm>> -> memref<1x6x128xi32, #tpu.memory_space<hbm>>
      %dma_wait3A_462 = tpu.memref_squeeze %dma_wait3A_461 : memref<1x6x128xi32, #tpu.memory_space<hbm>> -> memref<6x128xi32, #tpu.memory_space<hbm>>
      %dma_wait3A_463 = arith.constant 0 : i32
      %dma_wait3A_464 = arith.constant 0 : i32
      %dma_wait3A_465 = tpu.memref_slice %arg3[%add3A, %dma_wait3A_463, %dma_wait3A_464] : memref<32x6x128xi32, #tpu.memory_space<hbm>> -> memref<1x6x128xi32, #tpu.memory_space<hbm>>
      %dma_wait3A_466 = tpu.memref_squeeze %dma_wait3A_465 : memref<1x6x128xi32, #tpu.memory_space<hbm>> -> memref<6x128xi32, #tpu.memory_space<hbm>>
      tpu.wait_dma2 semaphore(%run_scoped3A : memref<!tpu.dma_semaphore, #tpu.memory_space<semaphore_mem>>) src(%dma_wait3A_466 : memref<6x128xi32, #tpu.memory_space<hbm>>) dst(%arg7 : memref<6x128xi32, #tpu.memory_space<vmem>>)
      tpu.yield
    }) : () -> ()
    %dma_start3A = arith.constant 0 : i32
    %dma_start3A_1 = arith.constant 0 : i32
    %dma_start3A_2 = tpu.memref_slice %arg7[%dma_start3A, %dma_start3A_1] : memref<6x128xi32, #tpu.memory_space<vmem>> -> memref<1x128xi32, #tpu.memory_space<vmem>>
    %dma_start3A_3 = tpu.memref_squeeze %dma_start3A_2 : memref<1x128xi32, #tpu.memory_space<vmem>> -> memref<128xi32, #tpu.memory_space<vmem>>
    %dma_start3A_4 = arith.constant 0 : i32
    %dma_start3A_5 = arith.constant 0 : i32
    %dma_start3A_6 = tpu.memref_slice %arg2[%dma_start3A_4, %dma_start3A_5] : memref<100000x128xf32, #tpu.memory_space<hbm>> -> memref<100000x128xf32, #tpu.memory_space<hbm>>
    tpu.enqueue_indirect_dma source(%dma_start3A_6 : memref<100000x128xf32, #tpu.memory_space<hbm>>) target(%arg9 : memref<128x128xf32, #tpu.memory_space<vmem>>) offsets(%dma_start3A_3 : memref<128xi32, #tpu.memory_space<vmem>>) semaphore(%arg16 : memref<!tpu.dma_semaphore, #tpu.memory_space<semaphore_mem>>)
    %dma_start3A_7 = arith.constant 1 : i32
    %dma_start3A_8 = arith.constant 0 : i32
    %dma_start3A_9 = tpu.memref_slice %arg7[%dma_start3A_7, %dma_start3A_8] : memref<6x128xi32, #tpu.memory_space<vmem>> -> memref<1x128xi32, #tpu.memory_space<vmem>>
    %dma_start3A_10 = tpu.memref_squeeze %dma_start3A_9 : memref<1x128xi32, #tpu.memory_space<vmem>> -> memref<128xi32, #tpu.memory_space<vmem>>
    %dma_start3A_11 = arith.constant 0 : i32
    %dma_start3A_12 = arith.constant 0 : i32
    %dma_start3A_13 = tpu.memref_slice %arg2[%dma_start3A_11, %dma_start3A_12] : memref<100000x128xf32, #tpu.memory_space<hbm>> -> memref<100000x128xf32, #tpu.memory_space<hbm>>
    tpu.enqueue_indirect_dma source(%dma_start3A_13 : memref<100000x128xf32, #tpu.memory_space<hbm>>) target(%arg10 : memref<128x128xf32, #tpu.memory_space<vmem>>) offsets(%dma_start3A_10 : memref<128xi32, #tpu.memory_space<vmem>>) semaphore(%arg17 : memref<!tpu.dma_semaphore, #tpu.memory_space<semaphore_mem>>)
    %dma_start3A_14 = arith.constant 2 : i32
    %dma_start3A_15 = arith.constant 0 : i32
    %dma_start3A_16 = tpu.memref_slice %arg7[%dma_start3A_14, %dma_start3A_15] : memref<6x128xi32, #tpu.memory_space<vmem>> -> memref<1x128xi32, #tpu.memory_space<vmem>>
    %dma_start3A_17 = tpu.memref_squeeze %dma_start3A_16 : memref<1x128xi32, #tpu.memory_space<vmem>> -> memref<128xi32, #tpu.memory_space<vmem>>
    %dma_start3A_18 = arith.constant 0 : i32
    %dma_start3A_19 = arith.constant 0 : i32
    %dma_start3A_20 = tpu.memref_slice %arg2[%dma_start3A_18, %dma_start3A_19] : memref<100000x128xf32, #tpu.memory_space<hbm>> -> memref<100000x128xf32, #tpu.memory_space<hbm>>
    tpu.enqueue_indirect_dma source(%dma_start3A_20 : memref<100000x128xf32, #tpu.memory_space<hbm>>) target(%arg11 : memref<128x128xf32, #tpu.memory_space<vmem>>) offsets(%dma_start3A_17 : memref<128xi32, #tpu.memory_space<vmem>>) semaphore(%arg18 : memref<!tpu.dma_semaphore, #tpu.memory_space<semaphore_mem>>)
    %dma_start3A_21 = arith.constant 3 : i32
    %dma_start3A_22 = arith.constant 0 : i32
    %dma_start3A_23 = tpu.memref_slice %arg7[%dma_start3A_21, %dma_start3A_22] : memref<6x128xi32, #tpu.memory_space<vmem>> -> memref<1x128xi32, #tpu.memory_space<vmem>>
    %dma_start3A_24 = tpu.memref_squeeze %dma_start3A_23 : memref<1x128xi32, #tpu.memory_space<vmem>> -> memref<128xi32, #tpu.memory_space<vmem>>
    %dma_start3A_25 = arith.constant 0 : i32
    %dma_start3A_26 = arith.constant 0 : i32
    %dma_start3A_27 = tpu.memref_slice %arg2[%dma_start3A_25, %dma_start3A_26] : memref<100000x128xf32, #tpu.memory_space<hbm>> -> memref<100000x128xf32, #tpu.memory_space<hbm>>
    tpu.enqueue_indirect_dma source(%dma_start3A_27 : memref<100000x128xf32, #tpu.memory_space<hbm>>) target(%arg12 : memref<128x128xf32, #tpu.memory_space<vmem>>) offsets(%dma_start3A_24 : memref<128xi32, #tpu.memory_space<vmem>>) semaphore(%arg19 : memref<!tpu.dma_semaphore, #tpu.memory_space<semaphore_mem>>)
    %dma_start3A_28 = arith.constant 4 : i32
    %dma_start3A_29 = arith.constant 0 : i32
    %dma_start3A_30 = tpu.memref_slice %arg7[%dma_start3A_28, %dma_start3A_29] : memref<6x128xi32, #tpu.memory_space<vmem>> -> memref<1x128xi32, #tpu.memory_space<vmem>>
    %dma_start3A_31 = tpu.memref_squeeze %dma_start3A_30 : memref<1x128xi32, #tpu.memory_space<vmem>> -> memref<128xi32, #tpu.memory_space<vmem>>
    %dma_start3A_32 = arith.constant 0 : i32
    %dma_start3A_33 = arith.constant 0 : i32
    %dma_start3A_34 = tpu.memref_slice %arg2[%dma_start3A_32, %dma_start3A_33] : memref<100000x128xf32, #tpu.memory_space<hbm>> -> memref<100000x128xf32, #tpu.memory_space<hbm>>
    tpu.enqueue_indirect_dma source(%dma_start3A_34 : memref<100000x128xf32, #tpu.memory_space<hbm>>) target(%arg13 : memref<128x128xf32, #tpu.memory_space<vmem>>) offsets(%dma_start3A_31 : memref<128xi32, #tpu.memory_space<vmem>>) semaphore(%arg20 : memref<!tpu.dma_semaphore, #tpu.memory_space<semaphore_mem>>)
    %dma_start3A_35 = arith.constant 5 : i32
    %dma_start3A_36 = arith.constant 0 : i32
    %dma_start3A_37 = tpu.memref_slice %arg7[%dma_start3A_35, %dma_start3A_36] : memref<6x128xi32, #tpu.memory_space<vmem>> -> memref<1x128xi32, #tpu.memory_space<vmem>>
    %dma_start3A_38 = tpu.memref_squeeze %dma_start3A_37 : memref<1x128xi32, #tpu.memory_space<vmem>> -> memref<128xi32, #tpu.memory_space<vmem>>
    %dma_start3A_39 = arith.constant 0 : i32
    %dma_start3A_40 = arith.constant 0 : i32
    %dma_start3A_41 = tpu.memref_slice %arg2[%dma_start3A_39, %dma_start3A_40] : memref<100000x128xf32, #tpu.memory_space<hbm>> -> memref<100000x128xf32, #tpu.memory_space<hbm>>
    tpu.enqueue_indirect_dma source(%dma_start3A_41 : memref<100000x128xf32, #tpu.memory_space<hbm>>) target(%arg14 : memref<128x128xf32, #tpu.memory_space<vmem>>) offsets(%dma_start3A_38 : memref<128xi32, #tpu.memory_space<vmem>>) semaphore(%arg21 : memref<!tpu.dma_semaphore, #tpu.memory_space<semaphore_mem>>)
    %mul3A_42 = arith.constant 6 : i32
    %mul3A_43 = arith.muli %add3A, %mul3A_42 : i32
    %add3A_44 = arith.constant 0 : i32
    %add3A_45 = arith.addi %mul3A_43, %add3A_44 : i32
    %dma_wait3A = arith.constant 0 : i32
    %dma_wait3A_46 = arith.constant 0 : i32
    %dma_wait3A_47 = tpu.memref_slice %arg7[%dma_wait3A, %dma_wait3A_46] : memref<6x128xi32, #tpu.memory_space<vmem>> -> memref<1x128xi32, #tpu.memory_space<vmem>>
    %dma_wait3A_48 = tpu.memref_squeeze %dma_wait3A_47 : memref<1x128xi32, #tpu.memory_space<vmem>> -> memref<128xi32, #tpu.memory_space<vmem>>
    %dma_wait3A_49 = arith.constant 0 : i32
    %dma_wait3A_50 = arith.constant 0 : i32
    %dma_wait3A_51 = tpu.memref_slice %arg2[%dma_wait3A_49, %dma_wait3A_50] : memref<100000x128xf32, #tpu.memory_space<hbm>> -> memref<100000x128xf32, #tpu.memory_space<hbm>>
    tpu.wait_indirect_dma semaphore(%arg16 : memref<!tpu.dma_semaphore, #tpu.memory_space<semaphore_mem>>) src(%dma_wait3A_51 : memref<100000x128xf32, #tpu.memory_space<hbm>>) dst(%arg9 : memref<128x128xf32, #tpu.memory_space<vmem>>)
    %jit3A = arith.constant 64 : i32
    %div3A = arith.divsi %add3A_45, %jit3A : i32
    %sign3A = arith.constant 0 : i32
    %sign3A_52 = arith.cmpi sgt, %add3A_45, %sign3A : i32
    %sign3A_53 = arith.extui %sign3A_52 : i1 to i32
    %sign3A_54 = arith.constant 0 : i32
    %sign3A_55 = arith.cmpi slt, %add3A_45, %sign3A_54 : i32
    %sign3A_56 = arith.extui %sign3A_55 : i1 to i32
    %sign3A_57 = arith.subi %sign3A_53, %sign3A_56 : i32
    %sign3A_58 = arith.constant 0 : i32
    %sign3A_59 = arith.cmpi sgt, %jit3A, %sign3A_58 : i32
    %sign3A_60 = arith.extui %sign3A_59 : i1 to i32
    %sign3A_61 = arith.constant 0 : i32
    %sign3A_62 = arith.cmpi slt, %jit3A, %sign3A_61 : i32
    %sign3A_63 = arith.extui %sign3A_62 : i1 to i32
    %sign3A_64 = arith.subi %sign3A_60, %sign3A_63 : i32
    %ne3A = arith.cmpi ne, %sign3A_57, %sign3A_64 : i32
    %rem3A = arith.remsi %add3A_45, %jit3A : i32
    %ne3A_65 = arith.constant 0 : i32
    %ne3A_66 = arith.cmpi ne, %rem3A, %ne3A_65 : i32
    %and3A = arith.andi %ne3A, %ne3A_66 : i1
    %sub3A = arith.constant 1 : i32
    %sub3A_67 = arith.subi %div3A, %sub3A : i32
    %select_n3A = arith.select %and3A, %sub3A_67, %div3A : i32
    %jit3A_68 = arith.constant 64 : i32
    %eq3A = arith.constant 0 : i32
    %eq3A_69 = arith.cmpi eq, %jit3A_68, %eq3A : i32
    %jit3A_70 = arith.constant 1 : i32
    %select_n3A_71 = arith.select %eq3A_69, %jit3A_70, %jit3A_68 : i32
    %rem3A_72 = arith.remsi %add3A_45, %select_n3A_71 : i32
    %ne3A_73 = arith.constant 0 : i32
    %ne3A_74 = arith.cmpi ne, %rem3A_72, %ne3A_73 : i32
    %lt3A = arith.constant 0 : i32
    %lt3A_75 = arith.cmpi slt, %rem3A_72, %lt3A : i32
    %lt3A_76 = arith.constant 0 : i32
    %lt3A_77 = arith.cmpi slt, %select_n3A_71, %lt3A_76 : i32
    %ne3A_78 = arith.xori %lt3A_75, %lt3A_77 : i1
    %and3A_79 = arith.andi %ne3A_78, %ne3A_74 : i1
    %add3A_80 = arith.addi %rem3A_72, %select_n3A_71 : i32
    %select_n3A_81 = arith.select %and3A_79, %add3A_80, %rem3A_72 : i32
    %dma_start3A_82 = arith.constant 0 : i32
    %dma_start3A_83 = arith.constant 0 : i32
    %dma_start3A_84 = tpu.memref_slice %arg5[%select_n3A, %select_n3A_81, %dma_start3A_82, %dma_start3A_83] : memref<3x64x128x128xf32, #tpu.memory_space<hbm>> -> memref<1x1x128x128xf32, #tpu.memory_space<hbm>>
    %dma_start3A_85 = tpu.memref_squeeze %dma_start3A_84 : memref<1x1x128x128xf32, #tpu.memory_space<hbm>> -> memref<128x128xf32, #tpu.memory_space<hbm>>
    %dma_start3A_86 = arith.constant 0 : i32
    %dma_start3A_87 = arith.constant 0 : i32
    %dma_start3A_88 = tpu.memref_slice %arg5[%select_n3A, %select_n3A_81, %dma_start3A_86, %dma_start3A_87] : memref<3x64x128x128xf32, #tpu.memory_space<hbm>> -> memref<1x1x128x128xf32, #tpu.memory_space<hbm>>
    %dma_start3A_89 = tpu.memref_squeeze %dma_start3A_88 : memref<1x1x128x128xf32, #tpu.memory_space<hbm>> -> memref<128x128xf32, #tpu.memory_space<hbm>>
    tpu.enqueue_dma source(%arg9 : memref<128x128xf32, #tpu.memory_space<vmem>>) target(%dma_start3A_89 : memref<128x128xf32, #tpu.memory_space<hbm>>) target_semaphore(%arg22 : memref<!tpu.dma_semaphore, #tpu.memory_space<semaphore_mem>>)
    %mul3A_90 = arith.constant 6 : i32
    %mul3A_91 = arith.muli %add3A, %mul3A_90 : i32
    %add3A_92 = arith.constant 1 : i32
    %add3A_93 = arith.addi %mul3A_91, %add3A_92 : i32
    %dma_wait3A_94 = arith.constant 1 : i32
    %dma_wait3A_95 = arith.constant 0 : i32
    %dma_wait3A_96 = tpu.memref_slice %arg7[%dma_wait3A_94, %dma_wait3A_95] : memref<6x128xi32, #tpu.memory_space<vmem>> -> memref<1x128xi32, #tpu.memory_space<vmem>>
    %dma_wait3A_97 = tpu.memref_squeeze %dma_wait3A_96 : memref<1x128xi32, #tpu.memory_space<vmem>> -> memref<128xi32, #tpu.memory_space<vmem>>
    %dma_wait3A_98 = arith.constant 0 : i32
    %dma_wait3A_99 = arith.constant 0 : i32
    %dma_wait3A_100 = tpu.memref_slice %arg2[%dma_wait3A_98, %dma_wait3A_99] : memref<100000x128xf32, #tpu.memory_space<hbm>> -> memref<100000x128xf32, #tpu.memory_space<hbm>>
    tpu.wait_indirect_dma semaphore(%arg17 : memref<!tpu.dma_semaphore, #tpu.memory_space<semaphore_mem>>) src(%dma_wait3A_100 : memref<100000x128xf32, #tpu.memory_space<hbm>>) dst(%arg10 : memref<128x128xf32, #tpu.memory_space<vmem>>)
    %jit3A_101 = arith.constant 64 : i32
    %div3A_102 = arith.divsi %add3A_93, %jit3A_101 : i32
    %sign3A_103 = arith.constant 0 : i32
    %sign3A_104 = arith.cmpi sgt, %add3A_93, %sign3A_103 : i32
    %sign3A_105 = arith.extui %sign3A_104 : i1 to i32
    %sign3A_106 = arith.constant 0 : i32
    %sign3A_107 = arith.cmpi slt, %add3A_93, %sign3A_106 : i32
    %sign3A_108 = arith.extui %sign3A_107 : i1 to i32
    %sign3A_109 = arith.subi %sign3A_105, %sign3A_108 : i32
    %sign3A_110 = arith.constant 0 : i32
    %sign3A_111 = arith.cmpi sgt, %jit3A_101, %sign3A_110 : i32
    %sign3A_112 = arith.extui %sign3A_111 : i1 to i32
    %sign3A_113 = arith.constant 0 : i32
    %sign3A_114 = arith.cmpi slt, %jit3A_101, %sign3A_113 : i32
    %sign3A_115 = arith.extui %sign3A_114 : i1 to i32
    %sign3A_116 = arith.subi %sign3A_112, %sign3A_115 : i32
    %ne3A_117 = arith.cmpi ne, %sign3A_109, %sign3A_116 : i32
    %rem3A_118 = arith.remsi %add3A_93, %jit3A_101 : i32
    %ne3A_119 = arith.constant 0 : i32
    %ne3A_120 = arith.cmpi ne, %rem3A_118, %ne3A_119 : i32
    %and3A_121 = arith.andi %ne3A_117, %ne3A_120 : i1
    %sub3A_122 = arith.constant 1 : i32
    %sub3A_123 = arith.subi %div3A_102, %sub3A_122 : i32
    %select_n3A_124 = arith.select %and3A_121, %sub3A_123, %div3A_102 : i32
    %jit3A_125 = arith.constant 64 : i32
    %eq3A_126 = arith.constant 0 : i32
    %eq3A_127 = arith.cmpi eq, %jit3A_125, %eq3A_126 : i32
    %jit3A_128 = arith.constant 1 : i32
    %select_n3A_129 = arith.select %eq3A_127, %jit3A_128, %jit3A_125 : i32
    %rem3A_130 = arith.remsi %add3A_93, %select_n3A_129 : i32
    %ne3A_131 = arith.constant 0 : i32
    %ne3A_132 = arith.cmpi ne, %rem3A_130, %ne3A_131 : i32
    %lt3A_133 = arith.constant 0 : i32
    %lt3A_134 = arith.cmpi slt, %rem3A_130, %lt3A_133 : i32
    %lt3A_135 = arith.constant 0 : i32
    %lt3A_136 = arith.cmpi slt, %select_n3A_129, %lt3A_135 : i32
    %ne3A_137 = arith.xori %lt3A_134, %lt3A_136 : i1
    %and3A_138 = arith.andi %ne3A_137, %ne3A_132 : i1
    %add3A_139 = arith.addi %rem3A_130, %select_n3A_129 : i32
    %select_n3A_140 = arith.select %and3A_138, %add3A_139, %rem3A_130 : i32
    %dma_start3A_141 = arith.constant 0 : i32
    %dma_start3A_142 = arith.constant 0 : i32
    %dma_start3A_143 = tpu.memref_slice %arg5[%select_n3A_124, %select_n3A_140, %dma_start3A_141, %dma_start3A_142] : memref<3x64x128x128xf32, #tpu.memory_space<hbm>> -> memref<1x1x128x128xf32, #tpu.memory_space<hbm>>
    %dma_start3A_144 = tpu.memref_squeeze %dma_start3A_143 : memref<1x1x128x128xf32, #tpu.memory_space<hbm>> -> memref<128x128xf32, #tpu.memory_space<hbm>>
    %dma_start3A_145 = arith.constant 0 : i32
    %dma_start3A_146 = arith.constant 0 : i32
    %dma_start3A_147 = tpu.memref_slice %arg5[%select_n3A_124, %select_n3A_140, %dma_start3A_145, %dma_start3A_146] : memref<3x64x128x128xf32, #tpu.memory_space<hbm>> -> memref<1x1x128x128xf32, #tpu.memory_space<hbm>>
    %dma_start3A_148 = tpu.memref_squeeze %dma_start3A_147 : memref<1x1x128x128xf32, #tpu.memory_space<hbm>> -> memref<128x128xf32, #tpu.memory_space<hbm>>
    tpu.enqueue_dma source(%arg10 : memref<128x128xf32, #tpu.memory_space<vmem>>) target(%dma_start3A_148 : memref<128x128xf32, #tpu.memory_space<hbm>>) target_semaphore(%arg22 : memref<!tpu.dma_semaphore, #tpu.memory_space<semaphore_mem>>)
    %mul3A_149 = arith.constant 6 : i32
    %mul3A_150 = arith.muli %add3A, %mul3A_149 : i32
    %add3A_151 = arith.constant 2 : i32
    %add3A_152 = arith.addi %mul3A_150, %add3A_151 : i32
    %dma_wait3A_153 = arith.constant 2 : i32
    %dma_wait3A_154 = arith.constant 0 : i32
    %dma_wait3A_155 = tpu.memref_slice %arg7[%dma_wait3A_153, %dma_wait3A_154] : memref<6x128xi32, #tpu.memory_space<vmem>> -> memref<1x128xi32, #tpu.memory_space<vmem>>
    %dma_wait3A_156 = tpu.memref_squeeze %dma_wait3A_155 : memref<1x128xi32, #tpu.memory_space<vmem>> -> memref<128xi32, #tpu.memory_space<vmem>>
    %dma_wait3A_157 = arith.constant 0 : i32
    %dma_wait3A_158 = arith.constant 0 : i32
    %dma_wait3A_159 = tpu.memref_slice %arg2[%dma_wait3A_157, %dma_wait3A_158] : memref<100000x128xf32, #tpu.memory_space<hbm>> -> memref<100000x128xf32, #tpu.memory_space<hbm>>
    tpu.wait_indirect_dma semaphore(%arg18 : memref<!tpu.dma_semaphore, #tpu.memory_space<semaphore_mem>>) src(%dma_wait3A_159 : memref<100000x128xf32, #tpu.memory_space<hbm>>) dst(%arg11 : memref<128x128xf32, #tpu.memory_space<vmem>>)
    %jit3A_160 = arith.constant 64 : i32
    %div3A_161 = arith.divsi %add3A_152, %jit3A_160 : i32
    %sign3A_162 = arith.constant 0 : i32
    %sign3A_163 = arith.cmpi sgt, %add3A_152, %sign3A_162 : i32
    %sign3A_164 = arith.extui %sign3A_163 : i1 to i32
    %sign3A_165 = arith.constant 0 : i32
    %sign3A_166 = arith.cmpi slt, %add3A_152, %sign3A_165 : i32
    %sign3A_167 = arith.extui %sign3A_166 : i1 to i32
    %sign3A_168 = arith.subi %sign3A_164, %sign3A_167 : i32
    %sign3A_169 = arith.constant 0 : i32
    %sign3A_170 = arith.cmpi sgt, %jit3A_160, %sign3A_169 : i32
    %sign3A_171 = arith.extui %sign3A_170 : i1 to i32
    %sign3A_172 = arith.constant 0 : i32
    %sign3A_173 = arith.cmpi slt, %jit3A_160, %sign3A_172 : i32
    %sign3A_174 = arith.extui %sign3A_173 : i1 to i32
    %sign3A_175 = arith.subi %sign3A_171, %sign3A_174 : i32
    %ne3A_176 = arith.cmpi ne, %sign3A_168, %sign3A_175 : i32
    %rem3A_177 = arith.remsi %add3A_152, %jit3A_160 : i32
    %ne3A_178 = arith.constant 0 : i32
    %ne3A_179 = arith.cmpi ne, %rem3A_177, %ne3A_178 : i32
    %and3A_180 = arith.andi %ne3A_176, %ne3A_179 : i1
    %sub3A_181 = arith.constant 1 : i32
    %sub3A_182 = arith.subi %div3A_161, %sub3A_181 : i32
    %select_n3A_183 = arith.select %and3A_180, %sub3A_182, %div3A_161 : i32
    %jit3A_184 = arith.constant 64 : i32
    %eq3A_185 = arith.constant 0 : i32
    %eq3A_186 = arith.cmpi eq, %jit3A_184, %eq3A_185 : i32
    %jit3A_187 = arith.constant 1 : i32
    %select_n3A_188 = arith.select %eq3A_186, %jit3A_187, %jit3A_184 : i32
    %rem3A_189 = arith.remsi %add3A_152, %select_n3A_188 : i32
    %ne3A_190 = arith.constant 0 : i32
    %ne3A_191 = arith.cmpi ne, %rem3A_189, %ne3A_190 : i32
    %lt3A_192 = arith.constant 0 : i32
    %lt3A_193 = arith.cmpi slt, %rem3A_189, %lt3A_192 : i32
    %lt3A_194 = arith.constant 0 : i32
    %lt3A_195 = arith.cmpi slt, %select_n3A_188, %lt3A_194 : i32
    %ne3A_196 = arith.xori %lt3A_193, %lt3A_195 : i1
    %and3A_197 = arith.andi %ne3A_196, %ne3A_191 : i1
    %add3A_198 = arith.addi %rem3A_189, %select_n3A_188 : i32
    %select_n3A_199 = arith.select %and3A_197, %add3A_198, %rem3A_189 : i32
    %dma_start3A_200 = arith.constant 0 : i32
    %dma_start3A_201 = arith.constant 0 : i32
    %dma_start3A_202 = tpu.memref_slice %arg5[%select_n3A_183, %select_n3A_199, %dma_start3A_200, %dma_start3A_201] : memref<3x64x128x128xf32, #tpu.memory_space<hbm>> -> memref<1x1x128x128xf32, #tpu.memory_space<hbm>>
    %dma_start3A_203 = tpu.memref_squeeze %dma_start3A_202 : memref<1x1x128x128xf32, #tpu.memory_space<hbm>> -> memref<128x128xf32, #tpu.memory_space<hbm>>
    %dma_start3A_204 = arith.constant 0 : i32
    %dma_start3A_205 = arith.constant 0 : i32
    %dma_start3A_206 = tpu.memref_slice %arg5[%select_n3A_183, %select_n3A_199, %dma_start3A_204, %dma_start3A_205] : memref<3x64x128x128xf32, #tpu.memory_space<hbm>> -> memref<1x1x128x128xf32, #tpu.memory_space<hbm>>
    %dma_start3A_207 = tpu.memref_squeeze %dma_start3A_206 : memref<1x1x128x128xf32, #tpu.memory_space<hbm>> -> memref<128x128xf32, #tpu.memory_space<hbm>>
    tpu.enqueue_dma source(%arg11 : memref<128x128xf32, #tpu.memory_space<vmem>>) target(%dma_start3A_207 : memref<128x128xf32, #tpu.memory_space<hbm>>) target_semaphore(%arg22 : memref<!tpu.dma_semaphore, #tpu.memory_space<semaphore_mem>>)
    %mul3A_208 = arith.constant 6 : i32
    %mul3A_209 = arith.muli %add3A, %mul3A_208 : i32
    %add3A_210 = arith.constant 3 : i32
    %add3A_211 = arith.addi %mul3A_209, %add3A_210 : i32
    %dma_wait3A_212 = arith.constant 3 : i32
    %dma_wait3A_213 = arith.constant 0 : i32
    %dma_wait3A_214 = tpu.memref_slice %arg7[%dma_wait3A_212, %dma_wait3A_213] : memref<6x128xi32, #tpu.memory_space<vmem>> -> memref<1x128xi32, #tpu.memory_space<vmem>>
    %dma_wait3A_215 = tpu.memref_squeeze %dma_wait3A_214 : memref<1x128xi32, #tpu.memory_space<vmem>> -> memref<128xi32, #tpu.memory_space<vmem>>
    %dma_wait3A_216 = arith.constant 0 : i32
    %dma_wait3A_217 = arith.constant 0 : i32
    %dma_wait3A_218 = tpu.memref_slice %arg2[%dma_wait3A_216, %dma_wait3A_217] : memref<100000x128xf32, #tpu.memory_space<hbm>> -> memref<100000x128xf32, #tpu.memory_space<hbm>>
    tpu.wait_indirect_dma semaphore(%arg19 : memref<!tpu.dma_semaphore, #tpu.memory_space<semaphore_mem>>) src(%dma_wait3A_218 : memref<100000x128xf32, #tpu.memory_space<hbm>>) dst(%arg12 : memref<128x128xf32, #tpu.memory_space<vmem>>)
    %jit3A_219 = arith.constant 64 : i32
    %div3A_220 = arith.divsi %add3A_211, %jit3A_219 : i32
    %sign3A_221 = arith.constant 0 : i32
    %sign3A_222 = arith.cmpi sgt, %add3A_211, %sign3A_221 : i32
    %sign3A_223 = arith.extui %sign3A_222 : i1 to i32
    %sign3A_224 = arith.constant 0 : i32
    %sign3A_225 = arith.cmpi slt, %add3A_211, %sign3A_224 : i32
    %sign3A_226 = arith.extui %sign3A_225 : i1 to i32
    %sign3A_227 = arith.subi %sign3A_223, %sign3A_226 : i32
    %sign3A_228 = arith.constant 0 : i32
    %sign3A_229 = arith.cmpi sgt, %jit3A_219, %sign3A_228 : i32
    %sign3A_230 = arith.extui %sign3A_229 : i1 to i32
    %sign3A_231 = arith.constant 0 : i32
    %sign3A_232 = arith.cmpi slt, %jit3A_219, %sign3A_231 : i32
    %sign3A_233 = arith.extui %sign3A_232 : i1 to i32
    %sign3A_234 = arith.subi %sign3A_230, %sign3A_233 : i32
    %ne3A_235 = arith.cmpi ne, %sign3A_227, %sign3A_234 : i32
    %rem3A_236 = arith.remsi %add3A_211, %jit3A_219 : i32
    %ne3A_237 = arith.constant 0 : i32
    %ne3A_238 = arith.cmpi ne, %rem3A_236, %ne3A_237 : i32
    %and3A_239 = arith.andi %ne3A_235, %ne3A_238 : i1
    %sub3A_240 = arith.constant 1 : i32
    %sub3A_241 = arith.subi %div3A_220, %sub3A_240 : i32
    %select_n3A_242 = arith.select %and3A_239, %sub3A_241, %div3A_220 : i32
    %jit3A_243 = arith.constant 64 : i32
    %eq3A_244 = arith.constant 0 : i32
    %eq3A_245 = arith.cmpi eq, %jit3A_243, %eq3A_244 : i32
    %jit3A_246 = arith.constant 1 : i32
    %select_n3A_247 = arith.select %eq3A_245, %jit3A_246, %jit3A_243 : i32
    %rem3A_248 = arith.remsi %add3A_211, %select_n3A_247 : i32
    %ne3A_249 = arith.constant 0 : i32
    %ne3A_250 = arith.cmpi ne, %rem3A_248, %ne3A_249 : i32
    %lt3A_251 = arith.constant 0 : i32
    %lt3A_252 = arith.cmpi slt, %rem3A_248, %lt3A_251 : i32
    %lt3A_253 = arith.constant 0 : i32
    %lt3A_254 = arith.cmpi slt, %select_n3A_247, %lt3A_253 : i32
    %ne3A_255 = arith.xori %lt3A_252, %lt3A_254 : i1
    %and3A_256 = arith.andi %ne3A_255, %ne3A_250 : i1
    %add3A_257 = arith.addi %rem3A_248, %select_n3A_247 : i32
    %select_n3A_258 = arith.select %and3A_256, %add3A_257, %rem3A_248 : i32
    %dma_start3A_259 = arith.constant 0 : i32
    %dma_start3A_260 = arith.constant 0 : i32
    %dma_start3A_261 = tpu.memref_slice %arg5[%select_n3A_242, %select_n3A_258, %dma_start3A_259, %dma_start3A_260] : memref<3x64x128x128xf32, #tpu.memory_space<hbm>> -> memref<1x1x128x128xf32, #tpu.memory_space<hbm>>
    %dma_start3A_262 = tpu.memref_squeeze %dma_start3A_261 : memref<1x1x128x128xf32, #tpu.memory_space<hbm>> -> memref<128x128xf32, #tpu.memory_space<hbm>>
    %dma_start3A_263 = arith.constant 0 : i32
    %dma_start3A_264 = arith.constant 0 : i32
    %dma_start3A_265 = tpu.memref_slice %arg5[%select_n3A_242, %select_n3A_258, %dma_start3A_263, %dma_start3A_264] : memref<3x64x128x128xf32, #tpu.memory_space<hbm>> -> memref<1x1x128x128xf32, #tpu.memory_space<hbm>>
    %dma_start3A_266 = tpu.memref_squeeze %dma_start3A_265 : memref<1x1x128x128xf32, #tpu.memory_space<hbm>> -> memref<128x128xf32, #tpu.memory_space<hbm>>
    tpu.enqueue_dma source(%arg12 : memref<128x128xf32, #tpu.memory_space<vmem>>) target(%dma_start3A_266 : memref<128x128xf32, #tpu.memory_space<hbm>>) target_semaphore(%arg22 : memref<!tpu.dma_semaphore, #tpu.memory_space<semaphore_mem>>)
    %mul3A_267 = arith.constant 6 : i32
    %mul3A_268 = arith.muli %add3A, %mul3A_267 : i32
    %add3A_269 = arith.constant 4 : i32
    %add3A_270 = arith.addi %mul3A_268, %add3A_269 : i32
    %dma_wait3A_271 = arith.constant 4 : i32
    %dma_wait3A_272 = arith.constant 0 : i32
    %dma_wait3A_273 = tpu.memref_slice %arg7[%dma_wait3A_271, %dma_wait3A_272] : memref<6x128xi32, #tpu.memory_space<vmem>> -> memref<1x128xi32, #tpu.memory_space<vmem>>
    %dma_wait3A_274 = tpu.memref_squeeze %dma_wait3A_273 : memref<1x128xi32, #tpu.memory_space<vmem>> -> memref<128xi32, #tpu.memory_space<vmem>>
    %dma_wait3A_275 = arith.constant 0 : i32
    %dma_wait3A_276 = arith.constant 0 : i32
    %dma_wait3A_277 = tpu.memref_slice %arg2[%dma_wait3A_275, %dma_wait3A_276] : memref<100000x128xf32, #tpu.memory_space<hbm>> -> memref<100000x128xf32, #tpu.memory_space<hbm>>
    tpu.wait_indirect_dma semaphore(%arg20 : memref<!tpu.dma_semaphore, #tpu.memory_space<semaphore_mem>>) src(%dma_wait3A_277 : memref<100000x128xf32, #tpu.memory_space<hbm>>) dst(%arg13 : memref<128x128xf32, #tpu.memory_space<vmem>>)
    %jit3A_278 = arith.constant 64 : i32
    %div3A_279 = arith.divsi %add3A_270, %jit3A_278 : i32
    %sign3A_280 = arith.constant 0 : i32
    %sign3A_281 = arith.cmpi sgt, %add3A_270, %sign3A_280 : i32
    %sign3A_282 = arith.extui %sign3A_281 : i1 to i32
    %sign3A_283 = arith.constant 0 : i32
    %sign3A_284 = arith.cmpi slt, %add3A_270, %sign3A_283 : i32
    %sign3A_285 = arith.extui %sign3A_284 : i1 to i32
    %sign3A_286 = arith.subi %sign3A_282, %sign3A_285 : i32
    %sign3A_287 = arith.constant 0 : i32
    %sign3A_288 = arith.cmpi sgt, %jit3A_278, %sign3A_287 : i32
    %sign3A_289 = arith.extui %sign3A_288 : i1 to i32
    %sign3A_290 = arith.constant 0 : i32
    %sign3A_291 = arith.cmpi slt, %jit3A_278, %sign3A_290 : i32
    %sign3A_292 = arith.extui %sign3A_291 : i1 to i32
    %sign3A_293 = arith.subi %sign3A_289, %sign3A_292 : i32
    %ne3A_294 = arith.cmpi ne, %sign3A_286, %sign3A_293 : i32
    %rem3A_295 = arith.remsi %add3A_270, %jit3A_278 : i32
    %ne3A_296 = arith.constant 0 : i32
    %ne3A_297 = arith.cmpi ne, %rem3A_295, %ne3A_296 : i32
    %and3A_298 = arith.andi %ne3A_294, %ne3A_297 : i1
    %sub3A_299 = arith.constant 1 : i32
    %sub3A_300 = arith.subi %div3A_279, %sub3A_299 : i32
    %select_n3A_301 = arith.select %and3A_298, %sub3A_300, %div3A_279 : i32
    %jit3A_302 = arith.constant 64 : i32
    %eq3A_303 = arith.constant 0 : i32
    %eq3A_304 = arith.cmpi eq, %jit3A_302, %eq3A_303 : i32
    %jit3A_305 = arith.constant 1 : i32
    %select_n3A_306 = arith.select %eq3A_304, %jit3A_305, %jit3A_302 : i32
    %rem3A_307 = arith.remsi %add3A_270, %select_n3A_306 : i32
    %ne3A_308 = arith.constant 0 : i32
    %ne3A_309 = arith.cmpi ne, %rem3A_307, %ne3A_308 : i32
    %lt3A_310 = arith.constant 0 : i32
    %lt3A_311 = arith.cmpi slt, %rem3A_307, %lt3A_310 : i32
    %lt3A_312 = arith.constant 0 : i32
    %lt3A_313 = arith.cmpi slt, %select_n3A_306, %lt3A_312 : i32
    %ne3A_314 = arith.xori %lt3A_311, %lt3A_313 : i1
    %and3A_315 = arith.andi %ne3A_314, %ne3A_309 : i1
    %add3A_316 = arith.addi %rem3A_307, %select_n3A_306 : i32
    %select_n3A_317 = arith.select %and3A_315, %add3A_316, %rem3A_307 : i32
    %dma_start3A_318 = arith.constant 0 : i32
    %dma_start3A_319 = arith.constant 0 : i32
    %dma_start3A_320 = tpu.memref_slice %arg5[%select_n3A_301, %select_n3A_317, %dma_start3A_318, %dma_start3A_319] : memref<3x64x128x128xf32, #tpu.memory_space<hbm>> -> memref<1x1x128x128xf32, #tpu.memory_space<hbm>>
    %dma_start3A_321 = tpu.memref_squeeze %dma_start3A_320 : memref<1x1x128x128xf32, #tpu.memory_space<hbm>> -> memref<128x128xf32, #tpu.memory_space<hbm>>
    %dma_start3A_322 = arith.constant 0 : i32
    %dma_start3A_323 = arith.constant 0 : i32
    %dma_start3A_324 = tpu.memref_slice %arg5[%select_n3A_301, %select_n3A_317, %dma_start3A_322, %dma_start3A_323] : memref<3x64x128x128xf32, #tpu.memory_space<hbm>> -> memref<1x1x128x128xf32, #tpu.memory_space<hbm>>
    %dma_start3A_325 = tpu.memref_squeeze %dma_start3A_324 : memref<1x1x128x128xf32, #tpu.memory_space<hbm>> -> memref<128x128xf32, #tpu.memory_space<hbm>>
    tpu.enqueue_dma source(%arg13 : memref<128x128xf32, #tpu.memory_space<vmem>>) target(%dma_start3A_325 : memref<128x128xf32, #tpu.memory_space<hbm>>) target_semaphore(%arg22 : memref<!tpu.dma_semaphore, #tpu.memory_space<semaphore_mem>>)
    %mul3A_326 = arith.constant 6 : i32
    %mul3A_327 = arith.muli %add3A, %mul3A_326 : i32
    %add3A_328 = arith.constant 5 : i32
    %add3A_329 = arith.addi %mul3A_327, %add3A_328 : i32
    %dma_wait3A_330 = arith.constant 5 : i32
    %dma_wait3A_331 = arith.constant 0 : i32
    %dma_wait3A_332 = tpu.memref_slice %arg7[%dma_wait3A_330, %dma_wait3A_331] : memref<6x128xi32, #tpu.memory_space<vmem>> -> memref<1x128xi32, #tpu.memory_space<vmem>>
    %dma_wait3A_333 = tpu.memref_squeeze %dma_wait3A_332 : memref<1x128xi32, #tpu.memory_space<vmem>> -> memref<128xi32, #tpu.memory_space<vmem>>
    %dma_wait3A_334 = arith.constant 0 : i32
    %dma_wait3A_335 = arith.constant 0 : i32
    %dma_wait3A_336 = tpu.memref_slice %arg2[%dma_wait3A_334, %dma_wait3A_335] : memref<100000x128xf32, #tpu.memory_space<hbm>> -> memref<100000x128xf32, #tpu.memory_space<hbm>>
    tpu.wait_indirect_dma semaphore(%arg21 : memref<!tpu.dma_semaphore, #tpu.memory_space<semaphore_mem>>) src(%dma_wait3A_336 : memref<100000x128xf32, #tpu.memory_space<hbm>>) dst(%arg14 : memref<128x128xf32, #tpu.memory_space<vmem>>)
    %jit3A_337 = arith.constant 64 : i32
    %div3A_338 = arith.divsi %add3A_329, %jit3A_337 : i32
    %sign3A_339 = arith.constant 0 : i32
    %sign3A_340 = arith.cmpi sgt, %add3A_329, %sign3A_339 : i32
    %sign3A_341 = arith.extui %sign3A_340 : i1 to i32
    %sign3A_342 = arith.constant 0 : i32
    %sign3A_343 = arith.cmpi slt, %add3A_329, %sign3A_342 : i32
    %sign3A_344 = arith.extui %sign3A_343 : i1 to i32
    %sign3A_345 = arith.subi %sign3A_341, %sign3A_344 : i32
    %sign3A_346 = arith.constant 0 : i32
    %sign3A_347 = arith.cmpi sgt, %jit3A_337, %sign3A_346 : i32
    %sign3A_348 = arith.extui %sign3A_347 : i1 to i32
    %sign3A_349 = arith.constant 0 : i32
    %sign3A_350 = arith.cmpi slt, %jit3A_337, %sign3A_349 : i32
    %sign3A_351 = arith.extui %sign3A_350 : i1 to i32
    %sign3A_352 = arith.subi %sign3A_348, %sign3A_351 : i32
    %ne3A_353 = arith.cmpi ne, %sign3A_345, %sign3A_352 : i32
    %rem3A_354 = arith.remsi %add3A_329, %jit3A_337 : i32
    %ne3A_355 = arith.constant 0 : i32
    %ne3A_356 = arith.cmpi ne, %rem3A_354, %ne3A_355 : i32
    %and3A_357 = arith.andi %ne3A_353, %ne3A_356 : i1
    %sub3A_358 = arith.constant 1 : i32
    %sub3A_359 = arith.subi %div3A_338, %sub3A_358 : i32
    %select_n3A_360 = arith.select %and3A_357, %sub3A_359, %div3A_338 : i32
    %jit3A_361 = arith.constant 64 : i32
    %eq3A_362 = arith.constant 0 : i32
    %eq3A_363 = arith.cmpi eq, %jit3A_361, %eq3A_362 : i32
    %jit3A_364 = arith.constant 1 : i32
    %select_n3A_365 = arith.select %eq3A_363, %jit3A_364, %jit3A_361 : i32
    %rem3A_366 = arith.remsi %add3A_329, %select_n3A_365 : i32
    %ne3A_367 = arith.constant 0 : i32
    %ne3A_368 = arith.cmpi ne, %rem3A_366, %ne3A_367 : i32
    %lt3A_369 = arith.constant 0 : i32
    %lt3A_370 = arith.cmpi slt, %rem3A_366, %lt3A_369 : i32
    %lt3A_371 = arith.constant 0 : i32
    %lt3A_372 = arith.cmpi slt, %select_n3A_365, %lt3A_371 : i32
    %ne3A_373 = arith.xori %lt3A_370, %lt3A_372 : i1
    %and3A_374 = arith.andi %ne3A_373, %ne3A_368 : i1
    %add3A_375 = arith.addi %rem3A_366, %select_n3A_365 : i32
    %select_n3A_376 = arith.select %and3A_374, %add3A_375, %rem3A_366 : i32
    %dma_start3A_377 = arith.constant 0 : i32
    %dma_start3A_378 = arith.constant 0 : i32
    %dma_start3A_379 = tpu.memref_slice %arg5[%select_n3A_360, %select_n3A_376, %dma_start3A_377, %dma_start3A_378] : memref<3x64x128x128xf32, #tpu.memory_space<hbm>> -> memref<1x1x128x128xf32, #tpu.memory_space<hbm>>
    %dma_start3A_380 = tpu.memref_squeeze %dma_start3A_379 : memref<1x1x128x128xf32, #tpu.memory_space<hbm>> -> memref<128x128xf32, #tpu.memory_space<hbm>>
    %dma_start3A_381 = arith.constant 0 : i32
    %dma_start3A_382 = arith.constant 0 : i32
    %dma_start3A_383 = tpu.memref_slice %arg5[%select_n3A_360, %select_n3A_376, %dma_start3A_381, %dma_start3A_382] : memref<3x64x128x128xf32, #tpu.memory_space<hbm>> -> memref<1x1x128x128xf32, #tpu.memory_space<hbm>>
    %dma_start3A_384 = tpu.memref_squeeze %dma_start3A_383 : memref<1x1x128x128xf32, #tpu.memory_space<hbm>> -> memref<128x128xf32, #tpu.memory_space<hbm>>
    tpu.enqueue_dma source(%arg14 : memref<128x128xf32, #tpu.memory_space<vmem>>) target(%dma_start3A_384 : memref<128x128xf32, #tpu.memory_space<hbm>>) target_semaphore(%arg22 : memref<!tpu.dma_semaphore, #tpu.memory_space<semaphore_mem>>)
    %dma_wait3A_385 = arith.constant 0 : i32
    %dma_wait3A_386 = arith.constant 0 : i32
    %dma_wait3A_387 = arith.constant 0 : i32
    %dma_wait3A_388 = arith.constant 0 : i32
    %dma_wait3A_389 = tpu.memref_slice %arg5[%dma_wait3A_385, %dma_wait3A_386, %dma_wait3A_387, %dma_wait3A_388] : memref<3x64x128x128xf32, #tpu.memory_space<hbm>> -> memref<1x1x128x128xf32, #tpu.memory_space<hbm>>
    %dma_wait3A_390 = tpu.memref_squeeze %dma_wait3A_389 : memref<1x1x128x128xf32, #tpu.memory_space<hbm>> -> memref<128x128xf32, #tpu.memory_space<hbm>>
    %dma_wait3A_391 = arith.constant 0 : i32
    %dma_wait3A_392 = arith.constant 0 : i32
    %dma_wait3A_393 = tpu.memref_slice %arg5[%dma_wait3A_385, %dma_wait3A_386, %dma_wait3A_391, %dma_wait3A_392] : memref<3x64x128x128xf32, #tpu.memory_space<hbm>> -> memref<1x1x128x128xf32, #tpu.memory_space<hbm>>
    %dma_wait3A_394 = tpu.memref_squeeze %dma_wait3A_393 : memref<1x1x128x128xf32, #tpu.memory_space<hbm>> -> memref<128x128xf32, #tpu.memory_space<hbm>>
    tpu.wait_dma2 semaphore(%arg22 : memref<!tpu.dma_semaphore, #tpu.memory_space<semaphore_mem>>) src(%arg9 : memref<128x128xf32, #tpu.memory_space<vmem>>) dst(%dma_wait3A_394 : memref<128x128xf32, #tpu.memory_space<hbm>>)
    %dma_wait3A_395 = arith.constant 0 : i32
    %dma_wait3A_396 = arith.constant 0 : i32
    %dma_wait3A_397 = arith.constant 0 : i32
    %dma_wait3A_398 = arith.constant 0 : i32
    %dma_wait3A_399 = tpu.memref_slice %arg5[%dma_wait3A_395, %dma_wait3A_396, %dma_wait3A_397, %dma_wait3A_398] : memref<3x64x128x128xf32, #tpu.memory_space<hbm>> -> memref<1x1x128x128xf32, #tpu.memory_space<hbm>>
    %dma_wait3A_400 = tpu.memref_squeeze %dma_wait3A_399 : memref<1x1x128x128xf32, #tpu.memory_space<hbm>> -> memref<128x128xf32, #tpu.memory_space<hbm>>
    %dma_wait3A_401 = arith.constant 0 : i32
    %dma_wait3A_402 = arith.constant 0 : i32
    %dma_wait3A_403 = tpu.memref_slice %arg5[%dma_wait3A_395, %dma_wait3A_396, %dma_wait3A_401, %dma_wait3A_402] : memref<3x64x128x128xf32, #tpu.memory_space<hbm>> -> memref<1x1x128x128xf32, #tpu.memory_space<hbm>>
    %dma_wait3A_404 = tpu.memref_squeeze %dma_wait3A_403 : memref<1x1x128x128xf32, #tpu.memory_space<hbm>> -> memref<128x128xf32, #tpu.memory_space<hbm>>
    tpu.wait_dma2 semaphore(%arg22 : memref<!tpu.dma_semaphore, #tpu.memory_space<semaphore_mem>>) src(%arg10 : memref<128x128xf32, #tpu.memory_space<vmem>>) dst(%dma_wait3A_404 : memref<128x128xf32, #tpu.memory_space<hbm>>)
    %dma_wait3A_405 = arith.constant 0 : i32
    %dma_wait3A_406 = arith.constant 0 : i32
    %dma_wait3A_407 = arith.constant 0 : i32
    %dma_wait3A_408 = arith.constant 0 : i32
    %dma_wait3A_409 = tpu.memref_slice %arg5[%dma_wait3A_405, %dma_wait3A_406, %dma_wait3A_407, %dma_wait3A_408] : memref<3x64x128x128xf32, #tpu.memory_space<hbm>> -> memref<1x1x128x128xf32, #tpu.memory_space<hbm>>
    %dma_wait3A_410 = tpu.memref_squeeze %dma_wait3A_409 : memref<1x1x128x128xf32, #tpu.memory_space<hbm>> -> memref<128x128xf32, #tpu.memory_space<hbm>>
    %dma_wait3A_411 = arith.constant 0 : i32
    %dma_wait3A_412 = arith.constant 0 : i32
    %dma_wait3A_413 = tpu.memref_slice %arg5[%dma_wait3A_405, %dma_wait3A_406, %dma_wait3A_411, %dma_wait3A_412] : memref<3x64x128x128xf32, #tpu.memory_space<hbm>> -> memref<1x1x128x128xf32, #tpu.memory_space<hbm>>
    %dma_wait3A_414 = tpu.memref_squeeze %dma_wait3A_413 : memref<1x1x128x128xf32, #tpu.memory_space<hbm>> -> memref<128x128xf32, #tpu.memory_space<hbm>>
    tpu.wait_dma2 semaphore(%arg22 : memref<!tpu.dma_semaphore, #tpu.memory_space<semaphore_mem>>) src(%arg11 : memref<128x128xf32, #tpu.memory_space<vmem>>) dst(%dma_wait3A_414 : memref<128x128xf32, #tpu.memory_space<hbm>>)
    %dma_wait3A_415 = arith.constant 0 : i32
    %dma_wait3A_416 = arith.constant 0 : i32
    %dma_wait3A_417 = arith.constant 0 : i32
    %dma_wait3A_418 = arith.constant 0 : i32
    %dma_wait3A_419 = tpu.memref_slice %arg5[%dma_wait3A_415, %dma_wait3A_416, %dma_wait3A_417, %dma_wait3A_418] : memref<3x64x128x128xf32, #tpu.memory_space<hbm>> -> memref<1x1x128x128xf32, #tpu.memory_space<hbm>>
    %dma_wait3A_420 = tpu.memref_squeeze %dma_wait3A_419 : memref<1x1x128x128xf32, #tpu.memory_space<hbm>> -> memref<128x128xf32, #tpu.memory_space<hbm>>
    %dma_wait3A_421 = arith.constant 0 : i32
    %dma_wait3A_422 = arith.constant 0 : i32
    %dma_wait3A_423 = tpu.memref_slice %arg5[%dma_wait3A_415, %dma_wait3A_416, %dma_wait3A_421, %dma_wait3A_422] : memref<3x64x128x128xf32, #tpu.memory_space<hbm>> -> memref<1x1x128x128xf32, #tpu.memory_space<hbm>>
    %dma_wait3A_424 = tpu.memref_squeeze %dma_wait3A_423 : memref<1x1x128x128xf32, #tpu.memory_space<hbm>> -> memref<128x128xf32, #tpu.memory_space<hbm>>
    tpu.wait_dma2 semaphore(%arg22 : memref<!tpu.dma_semaphore, #tpu.memory_space<semaphore_mem>>) src(%arg12 : memref<128x128xf32, #tpu.memory_space<vmem>>) dst(%dma_wait3A_424 : memref<128x128xf32, #tpu.memory_space<hbm>>)
    %dma_wait3A_425 = arith.constant 0 : i32
    %dma_wait3A_426 = arith.constant 0 : i32
    %dma_wait3A_427 = arith.constant 0 : i32
    %dma_wait3A_428 = arith.constant 0 : i32
    %dma_wait3A_429 = tpu.memref_slice %arg5[%dma_wait3A_425, %dma_wait3A_426, %dma_wait3A_427, %dma_wait3A_428] : memref<3x64x128x128xf32, #tpu.memory_space<hbm>> -> memref<1x1x128x128xf32, #tpu.memory_space<hbm>>
    %dma_wait3A_430 = tpu.memref_squeeze %dma_wait3A_429 : memref<1x1x128x128xf32, #tpu.memory_space<hbm>> -> memref<128x128xf32, #tpu.memory_space<hbm>>
    %dma_wait3A_431 = arith.constant 0 : i32
    %dma_wait3A_432 = arith.constant 0 : i32
    %dma_wait3A_433 = tpu.memref_slice %arg5[%dma_wait3A_425, %dma_wait3A_426, %dma_wait3A_431, %dma_wait3A_432] : memref<3x64x128x128xf32, #tpu.memory_space<hbm>> -> memref<1x1x128x128xf32, #tpu.memory_space<hbm>>
    %dma_wait3A_434 = tpu.memref_squeeze %dma_wait3A_433 : memref<1x1x128x128xf32, #tpu.memory_space<hbm>> -> memref<128x128xf32, #tpu.memory_space<hbm>>
    tpu.wait_dma2 semaphore(%arg22 : memref<!tpu.dma_semaphore, #tpu.memory_space<semaphore_mem>>) src(%arg13 : memref<128x128xf32, #tpu.memory_space<vmem>>) dst(%dma_wait3A_434 : memref<128x128xf32, #tpu.memory_space<hbm>>)
    %dma_wait3A_435 = arith.constant 0 : i32
    %dma_wait3A_436 = arith.constant 0 : i32
    %dma_wait3A_437 = arith.constant 0 : i32
    %dma_wait3A_438 = arith.constant 0 : i32
    %dma_wait3A_439 = tpu.memref_slice %arg5[%dma_wait3A_435, %dma_wait3A_436, %dma_wait3A_437, %dma_wait3A_438] : memref<3x64x128x128xf32, #tpu.memory_space<hbm>> -> memref<1x1x128x128xf32, #tpu.memory_space<hbm>>
    %dma_wait3A_440 = tpu.memref_squeeze %dma_wait3A_439 : memref<1x1x128x128xf32, #tpu.memory_space<hbm>> -> memref<128x128xf32, #tpu.memory_space<hbm>>
    %dma_wait3A_441 = arith.constant 0 : i32
    %dma_wait3A_442 = arith.constant 0 : i32
    %dma_wait3A_443 = tpu.memref_slice %arg5[%dma_wait3A_435, %dma_wait3A_436, %dma_wait3A_441, %dma_wait3A_442] : memref<3x64x128x128xf32, #tpu.memory_space<hbm>> -> memref<1x1x128x128xf32, #tpu.memory_space<hbm>>
    %dma_wait3A_444 = tpu.memref_squeeze %dma_wait3A_443 : memref<1x1x128x128xf32, #tpu.memory_space<hbm>> -> memref<128x128xf32, #tpu.memory_space<hbm>>
    tpu.wait_dma2 semaphore(%arg22 : memref<!tpu.dma_semaphore, #tpu.memory_space<semaphore_mem>>) src(%arg14 : memref<128x128xf32, #tpu.memory_space<vmem>>) dst(%dma_wait3A_444 : memref<128x128xf32, #tpu.memory_space<hbm>>)
    "tpu.region"() ({
      %run_scoped3A = tpu.sem_alloc : memref<!tpu.dma_semaphore, #tpu.memory_space<semaphore_mem>>
      %dma_start3A_451 = arith.constant 0 : i32
      %dma_start3A_452 = tpu.memref_slice %arg4[%add3A, %dma_start3A_451] : memref<32x8xi32, #tpu.memory_space<hbm>> -> memref<1x8xi32, #tpu.memory_space<hbm>>
      %dma_start3A_453 = tpu.memref_squeeze %dma_start3A_452 : memref<1x8xi32, #tpu.memory_space<hbm>> -> memref<8xi32, #tpu.memory_space<hbm>>
      %dma_start3A_454 = arith.constant 0 : i32
      %dma_start3A_455 = tpu.memref_slice %arg4[%add3A, %dma_start3A_454] : memref<32x8xi32, #tpu.memory_space<hbm>> -> memref<1x8xi32, #tpu.memory_space<hbm>>
      %dma_start3A_456 = tpu.memref_squeeze %dma_start3A_455 : memref<1x8xi32, #tpu.memory_space<hbm>> -> memref<8xi32, #tpu.memory_space<hbm>>
      tpu.enqueue_dma source(%dma_start3A_456 : memref<8xi32, #tpu.memory_space<hbm>>) target(%arg8 : memref<8xi32, #tpu.memory_space<vmem>>) target_semaphore(%run_scoped3A : memref<!tpu.dma_semaphore, #tpu.memory_space<semaphore_mem>>)
      %dma_wait3A_457 = arith.constant 0 : i32
      %dma_wait3A_458 = tpu.memref_slice %arg4[%add3A, %dma_wait3A_457] : memref<32x8xi32, #tpu.memory_space<hbm>> -> memref<1x8xi32, #tpu.memory_space<hbm>>
      %dma_wait3A_459 = tpu.memref_squeeze %dma_wait3A_458 : memref<1x8xi32, #tpu.memory_space<hbm>> -> memref<8xi32, #tpu.memory_space<hbm>>
      %dma_wait3A_460 = arith.constant 0 : i32
      %dma_wait3A_461 = tpu.memref_slice %arg4[%add3A, %dma_wait3A_460] : memref<32x8xi32, #tpu.memory_space<hbm>> -> memref<1x8xi32, #tpu.memory_space<hbm>>
      %dma_wait3A_462 = tpu.memref_squeeze %dma_wait3A_461 : memref<1x8xi32, #tpu.memory_space<hbm>> -> memref<8xi32, #tpu.memory_space<hbm>>
      tpu.wait_dma2 semaphore(%run_scoped3A : memref<!tpu.dma_semaphore, #tpu.memory_space<semaphore_mem>>) src(%dma_wait3A_462 : memref<8xi32, #tpu.memory_space<hbm>>) dst(%arg8 : memref<8xi32, #tpu.memory_space<vmem>>)
      tpu.yield
    }) : () -> ()
    %dma_start3A_445 = arith.constant 0 : i32
    %dma_start3A_446 = arith.constant 0 : i32
    %dma_start3A_447 = tpu.memref_slice %arg2[%dma_start3A_445, %dma_start3A_446] : memref<100000x128xf32, #tpu.memory_space<hbm>> -> memref<100000x128xf32, #tpu.memory_space<hbm>>
    tpu.enqueue_indirect_dma source(%dma_start3A_447 : memref<100000x128xf32, #tpu.memory_space<hbm>>) target(%arg15 : memref<8x128xf32, #tpu.memory_space<vmem>>) offsets(%arg8 : memref<8xi32, #tpu.memory_space<vmem>>) semaphore(%arg16 : memref<!tpu.dma_semaphore, #tpu.memory_space<semaphore_mem>>)
    %dma_wait3A_448 = arith.constant 0 : i32
    %dma_wait3A_449 = arith.constant 0 : i32
    %dma_wait3A_450 = tpu.memref_slice %arg2[%dma_wait3A_448, %dma_wait3A_449] : memref<100000x128xf32, #tpu.memory_space<hbm>> -> memref<100000x128xf32, #tpu.memory_space<hbm>>
    tpu.wait_indirect_dma semaphore(%arg16 : memref<!tpu.dma_semaphore, #tpu.memory_space<semaphore_mem>>) src(%dma_wait3A_450 : memref<100000x128xf32, #tpu.memory_space<hbm>>) dst(%arg15 : memref<8x128xf32, #tpu.memory_space<vmem>>)
    "tpu.region"() ({
      %run_scoped3A = tpu.sem_alloc : memref<!tpu.dma_semaphore, #tpu.memory_space<semaphore_mem>>
      %dma_start3A_451 = arith.constant 0 : i32
      %dma_start3A_452 = arith.constant 0 : i32
      %dma_start3A_453 = tpu.memref_slice %arg6[%add3A, %dma_start3A_451, %dma_start3A_452] : memref<32x8x128xf32, #tpu.memory_space<hbm>> -> memref<1x8x128xf32, #tpu.memory_space<hbm>>
      %dma_start3A_454 = tpu.memref_squeeze %dma_start3A_453 : memref<1x8x128xf32, #tpu.memory_space<hbm>> -> memref<8x128xf32, #tpu.memory_space<hbm>>
      %dma_start3A_455 = arith.constant 0 : i32
      %dma_start3A_456 = arith.constant 0 : i32
      %dma_start3A_457 = tpu.memref_slice %arg6[%add3A, %dma_start3A_455, %dma_start3A_456] : memref<32x8x128xf32, #tpu.memory_space<hbm>> -> memref<1x8x128xf32, #tpu.memory_space<hbm>>
      %dma_start3A_458 = tpu.memref_squeeze %dma_start3A_457 : memref<1x8x128xf32, #tpu.memory_space<hbm>> -> memref<8x128xf32, #tpu.memory_space<hbm>>
      tpu.enqueue_dma source(%arg15 : memref<8x128xf32, #tpu.memory_space<vmem>>) target(%dma_start3A_458 : memref<8x128xf32, #tpu.memory_space<hbm>>) target_semaphore(%run_scoped3A : memref<!tpu.dma_semaphore, #tpu.memory_space<semaphore_mem>>)
      %dma_wait3A_459 = arith.constant 0 : i32
      %dma_wait3A_460 = arith.constant 0 : i32
      %dma_wait3A_461 = tpu.memref_slice %arg6[%add3A, %dma_wait3A_459, %dma_wait3A_460] : memref<32x8x128xf32, #tpu.memory_space<hbm>> -> memref<1x8x128xf32, #tpu.memory_space<hbm>>
      %dma_wait3A_462 = tpu.memref_squeeze %dma_wait3A_461 : memref<1x8x128xf32, #tpu.memory_space<hbm>> -> memref<8x128xf32, #tpu.memory_space<hbm>>
      %dma_wait3A_463 = arith.constant 0 : i32
      %dma_wait3A_464 = arith.constant 0 : i32
      %dma_wait3A_465 = tpu.memref_slice %arg6[%add3A, %dma_wait3A_463, %dma_wait3A_464] : memref<32x8x128xf32, #tpu.memory_space<hbm>> -> memref<1x8x128xf32, #tpu.memory_space<hbm>>
      %dma_wait3A_466 = tpu.memref_squeeze %dma_wait3A_465 : memref<1x8x128xf32, #tpu.memory_space<hbm>> -> memref<8x128xf32, #tpu.memory_space<hbm>>
      tpu.wait_dma2 semaphore(%run_scoped3A : memref<!tpu.dma_semaphore, #tpu.memory_space<semaphore_mem>>) src(%arg15 : memref<8x128xf32, #tpu.memory_space<vmem>>) dst(%dma_wait3A_466 : memref<8x128xf32, #tpu.memory_space<hbm>>)
      tpu.yield
    }) : () -> ()
    return
  }
}

#map = affine_map<(d0, d1) -> (0, 0)>
#map1 = affine_map<(d0, d1) -> (0, 0, 0)>
#map2 = affine_map<(d0, d1) -> (0, 0, 0, 0)>
module attributes {stable_mosaic.version = 14 : i64} {
  func.func @body(%arg0: i32, %arg1: i32, %arg2: memref<100000x128xf32, #tpu.memory_space<hbm>>, %arg3: memref<32x6x128xi32, #tpu.memory_space<hbm>>, %arg4: memref<3x64x128x128xf32, #tpu.memory_space<hbm>>, %arg5: memref<6x128xi32, #tpu.memory_space<vmem>>, %arg6: memref<8xi32, #tpu.memory_space<vmem>>, %arg7: memref<128x128xf32, #tpu.memory_space<vmem>>, %arg8: memref<128x128xf32, #tpu.memory_space<vmem>>, %arg9: memref<128x128xf32, #tpu.memory_space<vmem>>, %arg10: memref<128x128xf32, #tpu.memory_space<vmem>>, %arg11: memref<128x128xf32, #tpu.memory_space<vmem>>, %arg12: memref<128x128xf32, #tpu.memory_space<vmem>>, %arg13: memref<8x128xf32, #tpu.memory_space<vmem>>, %arg14: memref<!tpu.dma_semaphore, #tpu.memory_space<semaphore_mem>>, %arg15: memref<!tpu.dma_semaphore, #tpu.memory_space<semaphore_mem>>, %arg16: memref<!tpu.dma_semaphore, #tpu.memory_space<semaphore_mem>>, %arg17: memref<!tpu.dma_semaphore, #tpu.memory_space<semaphore_mem>>, %arg18: memref<!tpu.dma_semaphore, #tpu.memory_space<semaphore_mem>>, %arg19: memref<!tpu.dma_semaphore, #tpu.memory_space<semaphore_mem>>, %arg20: memref<!tpu.dma_semaphore, #tpu.memory_space<semaphore_mem>>) attributes {dimension_semantics = [#tpu.dimension_semantics<core_parallel>, #tpu.dimension_semantics<subcore_parallel>], iteration_bounds = array<i64: 2, 16>, scalar_prefetch = 0 : i64, scratch_operands = 16 : i64, tpu.core_type = #tpu.core_type<sc_vector_subcore>, window_params = [{transform_indices = #map}, {transform_indices = #map1}, {transform_indices = #map2}]} {
    %mul3A = arith.constant 2 : i32
    %mul3A_0 = arith.muli %arg1, %mul3A : i32
    %add3A = arith.addi %mul3A_0, %arg0 : i32
    "tpu.region"() ({
      %run_scoped3A = tpu.sem_alloc : memref<!tpu.dma_semaphore, #tpu.memory_space<semaphore_mem>>
      %dma_start3A_445 = arith.constant 0 : i32
      %dma_start3A_446 = arith.constant 0 : i32
      %dma_start3A_447 = tpu.memref_slice %arg3[%add3A, %dma_start3A_445, %dma_start3A_446] : memref<32x6x128xi32, #tpu.memory_space<hbm>> -> memref<1x6x128xi32, #tpu.memory_space<hbm>>
      %dma_start3A_448 = tpu.memref_squeeze %dma_start3A_447 : memref<1x6x128xi32, #tpu.memory_space<hbm>> -> memref<6x128xi32, #tpu.memory_space<hbm>>
      %dma_start3A_449 = arith.constant 0 : i32
      %dma_start3A_450 = arith.constant 0 : i32
      %dma_start3A_451 = tpu.memref_slice %arg3[%add3A, %dma_start3A_449, %dma_start3A_450] : memref<32x6x128xi32, #tpu.memory_space<hbm>> -> memref<1x6x128xi32, #tpu.memory_space<hbm>>
      %dma_start3A_452 = tpu.memref_squeeze %dma_start3A_451 : memref<1x6x128xi32, #tpu.memory_space<hbm>> -> memref<6x128xi32, #tpu.memory_space<hbm>>
      tpu.enqueue_dma source(%dma_start3A_452 : memref<6x128xi32, #tpu.memory_space<hbm>>) target(%arg5 : memref<6x128xi32, #tpu.memory_space<vmem>>) target_semaphore(%run_scoped3A : memref<!tpu.dma_semaphore, #tpu.memory_space<semaphore_mem>>)
      %dma_wait3A_453 = arith.constant 0 : i32
      %dma_wait3A_454 = arith.constant 0 : i32
      %dma_wait3A_455 = tpu.memref_slice %arg3[%add3A, %dma_wait3A_453, %dma_wait3A_454] : memref<32x6x128xi32, #tpu.memory_space<hbm>> -> memref<1x6x128xi32, #tpu.memory_space<hbm>>
      %dma_wait3A_456 = tpu.memref_squeeze %dma_wait3A_455 : memref<1x6x128xi32, #tpu.memory_space<hbm>> -> memref<6x128xi32, #tpu.memory_space<hbm>>
      %dma_wait3A_457 = arith.constant 0 : i32
      %dma_wait3A_458 = arith.constant 0 : i32
      %dma_wait3A_459 = tpu.memref_slice %arg3[%add3A, %dma_wait3A_457, %dma_wait3A_458] : memref<32x6x128xi32, #tpu.memory_space<hbm>> -> memref<1x6x128xi32, #tpu.memory_space<hbm>>
      %dma_wait3A_460 = tpu.memref_squeeze %dma_wait3A_459 : memref<1x6x128xi32, #tpu.memory_space<hbm>> -> memref<6x128xi32, #tpu.memory_space<hbm>>
      tpu.wait_dma2 semaphore(%run_scoped3A : memref<!tpu.dma_semaphore, #tpu.memory_space<semaphore_mem>>) src(%dma_wait3A_460 : memref<6x128xi32, #tpu.memory_space<hbm>>) dst(%arg5 : memref<6x128xi32, #tpu.memory_space<vmem>>)
      tpu.yield
    }) : () -> ()
    %dma_start3A = arith.constant 0 : i32
    %dma_start3A_1 = arith.constant 0 : i32
    %dma_start3A_2 = tpu.memref_slice %arg5[%dma_start3A, %dma_start3A_1] : memref<6x128xi32, #tpu.memory_space<vmem>> -> memref<1x128xi32, #tpu.memory_space<vmem>>
    %dma_start3A_3 = tpu.memref_squeeze %dma_start3A_2 : memref<1x128xi32, #tpu.memory_space<vmem>> -> memref<128xi32, #tpu.memory_space<vmem>>
    %dma_start3A_4 = arith.constant 0 : i32
    %dma_start3A_5 = arith.constant 0 : i32
    %dma_start3A_6 = tpu.memref_slice %arg2[%dma_start3A_4, %dma_start3A_5] : memref<100000x128xf32, #tpu.memory_space<hbm>> -> memref<100000x128xf32, #tpu.memory_space<hbm>>
    tpu.enqueue_indirect_dma source(%dma_start3A_6 : memref<100000x128xf32, #tpu.memory_space<hbm>>) target(%arg7 : memref<128x128xf32, #tpu.memory_space<vmem>>) offsets(%dma_start3A_3 : memref<128xi32, #tpu.memory_space<vmem>>) semaphore(%arg14 : memref<!tpu.dma_semaphore, #tpu.memory_space<semaphore_mem>>)
    %dma_start3A_7 = arith.constant 1 : i32
    %dma_start3A_8 = arith.constant 0 : i32
    %dma_start3A_9 = tpu.memref_slice %arg5[%dma_start3A_7, %dma_start3A_8] : memref<6x128xi32, #tpu.memory_space<vmem>> -> memref<1x128xi32, #tpu.memory_space<vmem>>
    %dma_start3A_10 = tpu.memref_squeeze %dma_start3A_9 : memref<1x128xi32, #tpu.memory_space<vmem>> -> memref<128xi32, #tpu.memory_space<vmem>>
    %dma_start3A_11 = arith.constant 0 : i32
    %dma_start3A_12 = arith.constant 0 : i32
    %dma_start3A_13 = tpu.memref_slice %arg2[%dma_start3A_11, %dma_start3A_12] : memref<100000x128xf32, #tpu.memory_space<hbm>> -> memref<100000x128xf32, #tpu.memory_space<hbm>>
    tpu.enqueue_indirect_dma source(%dma_start3A_13 : memref<100000x128xf32, #tpu.memory_space<hbm>>) target(%arg8 : memref<128x128xf32, #tpu.memory_space<vmem>>) offsets(%dma_start3A_10 : memref<128xi32, #tpu.memory_space<vmem>>) semaphore(%arg15 : memref<!tpu.dma_semaphore, #tpu.memory_space<semaphore_mem>>)
    %dma_start3A_14 = arith.constant 2 : i32
    %dma_start3A_15 = arith.constant 0 : i32
    %dma_start3A_16 = tpu.memref_slice %arg5[%dma_start3A_14, %dma_start3A_15] : memref<6x128xi32, #tpu.memory_space<vmem>> -> memref<1x128xi32, #tpu.memory_space<vmem>>
    %dma_start3A_17 = tpu.memref_squeeze %dma_start3A_16 : memref<1x128xi32, #tpu.memory_space<vmem>> -> memref<128xi32, #tpu.memory_space<vmem>>
    %dma_start3A_18 = arith.constant 0 : i32
    %dma_start3A_19 = arith.constant 0 : i32
    %dma_start3A_20 = tpu.memref_slice %arg2[%dma_start3A_18, %dma_start3A_19] : memref<100000x128xf32, #tpu.memory_space<hbm>> -> memref<100000x128xf32, #tpu.memory_space<hbm>>
    tpu.enqueue_indirect_dma source(%dma_start3A_20 : memref<100000x128xf32, #tpu.memory_space<hbm>>) target(%arg9 : memref<128x128xf32, #tpu.memory_space<vmem>>) offsets(%dma_start3A_17 : memref<128xi32, #tpu.memory_space<vmem>>) semaphore(%arg16 : memref<!tpu.dma_semaphore, #tpu.memory_space<semaphore_mem>>)
    %dma_start3A_21 = arith.constant 3 : i32
    %dma_start3A_22 = arith.constant 0 : i32
    %dma_start3A_23 = tpu.memref_slice %arg5[%dma_start3A_21, %dma_start3A_22] : memref<6x128xi32, #tpu.memory_space<vmem>> -> memref<1x128xi32, #tpu.memory_space<vmem>>
    %dma_start3A_24 = tpu.memref_squeeze %dma_start3A_23 : memref<1x128xi32, #tpu.memory_space<vmem>> -> memref<128xi32, #tpu.memory_space<vmem>>
    %dma_start3A_25 = arith.constant 0 : i32
    %dma_start3A_26 = arith.constant 0 : i32
    %dma_start3A_27 = tpu.memref_slice %arg2[%dma_start3A_25, %dma_start3A_26] : memref<100000x128xf32, #tpu.memory_space<hbm>> -> memref<100000x128xf32, #tpu.memory_space<hbm>>
    tpu.enqueue_indirect_dma source(%dma_start3A_27 : memref<100000x128xf32, #tpu.memory_space<hbm>>) target(%arg10 : memref<128x128xf32, #tpu.memory_space<vmem>>) offsets(%dma_start3A_24 : memref<128xi32, #tpu.memory_space<vmem>>) semaphore(%arg17 : memref<!tpu.dma_semaphore, #tpu.memory_space<semaphore_mem>>)
    %dma_start3A_28 = arith.constant 4 : i32
    %dma_start3A_29 = arith.constant 0 : i32
    %dma_start3A_30 = tpu.memref_slice %arg5[%dma_start3A_28, %dma_start3A_29] : memref<6x128xi32, #tpu.memory_space<vmem>> -> memref<1x128xi32, #tpu.memory_space<vmem>>
    %dma_start3A_31 = tpu.memref_squeeze %dma_start3A_30 : memref<1x128xi32, #tpu.memory_space<vmem>> -> memref<128xi32, #tpu.memory_space<vmem>>
    %dma_start3A_32 = arith.constant 0 : i32
    %dma_start3A_33 = arith.constant 0 : i32
    %dma_start3A_34 = tpu.memref_slice %arg2[%dma_start3A_32, %dma_start3A_33] : memref<100000x128xf32, #tpu.memory_space<hbm>> -> memref<100000x128xf32, #tpu.memory_space<hbm>>
    tpu.enqueue_indirect_dma source(%dma_start3A_34 : memref<100000x128xf32, #tpu.memory_space<hbm>>) target(%arg11 : memref<128x128xf32, #tpu.memory_space<vmem>>) offsets(%dma_start3A_31 : memref<128xi32, #tpu.memory_space<vmem>>) semaphore(%arg18 : memref<!tpu.dma_semaphore, #tpu.memory_space<semaphore_mem>>)
    %dma_start3A_35 = arith.constant 5 : i32
    %dma_start3A_36 = arith.constant 0 : i32
    %dma_start3A_37 = tpu.memref_slice %arg5[%dma_start3A_35, %dma_start3A_36] : memref<6x128xi32, #tpu.memory_space<vmem>> -> memref<1x128xi32, #tpu.memory_space<vmem>>
    %dma_start3A_38 = tpu.memref_squeeze %dma_start3A_37 : memref<1x128xi32, #tpu.memory_space<vmem>> -> memref<128xi32, #tpu.memory_space<vmem>>
    %dma_start3A_39 = arith.constant 0 : i32
    %dma_start3A_40 = arith.constant 0 : i32
    %dma_start3A_41 = tpu.memref_slice %arg2[%dma_start3A_39, %dma_start3A_40] : memref<100000x128xf32, #tpu.memory_space<hbm>> -> memref<100000x128xf32, #tpu.memory_space<hbm>>
    tpu.enqueue_indirect_dma source(%dma_start3A_41 : memref<100000x128xf32, #tpu.memory_space<hbm>>) target(%arg12 : memref<128x128xf32, #tpu.memory_space<vmem>>) offsets(%dma_start3A_38 : memref<128xi32, #tpu.memory_space<vmem>>) semaphore(%arg19 : memref<!tpu.dma_semaphore, #tpu.memory_space<semaphore_mem>>)
    %mul3A_42 = arith.constant 6 : i32
    %mul3A_43 = arith.muli %add3A, %mul3A_42 : i32
    %add3A_44 = arith.constant 0 : i32
    %add3A_45 = arith.addi %mul3A_43, %add3A_44 : i32
    %dma_wait3A = arith.constant 0 : i32
    %dma_wait3A_46 = arith.constant 0 : i32
    %dma_wait3A_47 = tpu.memref_slice %arg5[%dma_wait3A, %dma_wait3A_46] : memref<6x128xi32, #tpu.memory_space<vmem>> -> memref<1x128xi32, #tpu.memory_space<vmem>>
    %dma_wait3A_48 = tpu.memref_squeeze %dma_wait3A_47 : memref<1x128xi32, #tpu.memory_space<vmem>> -> memref<128xi32, #tpu.memory_space<vmem>>
    %dma_wait3A_49 = arith.constant 0 : i32
    %dma_wait3A_50 = arith.constant 0 : i32
    %dma_wait3A_51 = tpu.memref_slice %arg2[%dma_wait3A_49, %dma_wait3A_50] : memref<100000x128xf32, #tpu.memory_space<hbm>> -> memref<100000x128xf32, #tpu.memory_space<hbm>>
    tpu.wait_indirect_dma semaphore(%arg14 : memref<!tpu.dma_semaphore, #tpu.memory_space<semaphore_mem>>) src(%dma_wait3A_51 : memref<100000x128xf32, #tpu.memory_space<hbm>>) dst(%arg7 : memref<128x128xf32, #tpu.memory_space<vmem>>)
    %jit3A = arith.constant 64 : i32
    %div3A = arith.divsi %add3A_45, %jit3A : i32
    %sign3A = arith.constant 0 : i32
    %sign3A_52 = arith.cmpi sgt, %add3A_45, %sign3A : i32
    %sign3A_53 = arith.extui %sign3A_52 : i1 to i32
    %sign3A_54 = arith.constant 0 : i32
    %sign3A_55 = arith.cmpi slt, %add3A_45, %sign3A_54 : i32
    %sign3A_56 = arith.extui %sign3A_55 : i1 to i32
    %sign3A_57 = arith.subi %sign3A_53, %sign3A_56 : i32
    %sign3A_58 = arith.constant 0 : i32
    %sign3A_59 = arith.cmpi sgt, %jit3A, %sign3A_58 : i32
    %sign3A_60 = arith.extui %sign3A_59 : i1 to i32
    %sign3A_61 = arith.constant 0 : i32
    %sign3A_62 = arith.cmpi slt, %jit3A, %sign3A_61 : i32
    %sign3A_63 = arith.extui %sign3A_62 : i1 to i32
    %sign3A_64 = arith.subi %sign3A_60, %sign3A_63 : i32
    %ne3A = arith.cmpi ne, %sign3A_57, %sign3A_64 : i32
    %rem3A = arith.remsi %add3A_45, %jit3A : i32
    %ne3A_65 = arith.constant 0 : i32
    %ne3A_66 = arith.cmpi ne, %rem3A, %ne3A_65 : i32
    %and3A = arith.andi %ne3A, %ne3A_66 : i1
    %sub3A = arith.constant 1 : i32
    %sub3A_67 = arith.subi %div3A, %sub3A : i32
    %select_n3A = arith.select %and3A, %sub3A_67, %div3A : i32
    %jit3A_68 = arith.constant 64 : i32
    %eq3A = arith.constant 0 : i32
    %eq3A_69 = arith.cmpi eq, %jit3A_68, %eq3A : i32
    %jit3A_70 = arith.constant 1 : i32
    %select_n3A_71 = arith.select %eq3A_69, %jit3A_70, %jit3A_68 : i32
    %rem3A_72 = arith.remsi %add3A_45, %select_n3A_71 : i32
    %ne3A_73 = arith.constant 0 : i32
    %ne3A_74 = arith.cmpi ne, %rem3A_72, %ne3A_73 : i32
    %lt3A = arith.constant 0 : i32
    %lt3A_75 = arith.cmpi slt, %rem3A_72, %lt3A : i32
    %lt3A_76 = arith.constant 0 : i32
    %lt3A_77 = arith.cmpi slt, %select_n3A_71, %lt3A_76 : i32
    %ne3A_78 = arith.xori %lt3A_75, %lt3A_77 : i1
    %and3A_79 = arith.andi %ne3A_78, %ne3A_74 : i1
    %add3A_80 = arith.addi %rem3A_72, %select_n3A_71 : i32
    %select_n3A_81 = arith.select %and3A_79, %add3A_80, %rem3A_72 : i32
    %dma_start3A_82 = arith.constant 0 : i32
    %dma_start3A_83 = arith.constant 0 : i32
    %dma_start3A_84 = tpu.memref_slice %arg4[%select_n3A, %select_n3A_81, %dma_start3A_82, %dma_start3A_83] : memref<3x64x128x128xf32, #tpu.memory_space<hbm>> -> memref<1x1x128x128xf32, #tpu.memory_space<hbm>>
    %dma_start3A_85 = tpu.memref_squeeze %dma_start3A_84 : memref<1x1x128x128xf32, #tpu.memory_space<hbm>> -> memref<128x128xf32, #tpu.memory_space<hbm>>
    %dma_start3A_86 = arith.constant 0 : i32
    %dma_start3A_87 = arith.constant 0 : i32
    %dma_start3A_88 = tpu.memref_slice %arg4[%select_n3A, %select_n3A_81, %dma_start3A_86, %dma_start3A_87] : memref<3x64x128x128xf32, #tpu.memory_space<hbm>> -> memref<1x1x128x128xf32, #tpu.memory_space<hbm>>
    %dma_start3A_89 = tpu.memref_squeeze %dma_start3A_88 : memref<1x1x128x128xf32, #tpu.memory_space<hbm>> -> memref<128x128xf32, #tpu.memory_space<hbm>>
    tpu.enqueue_dma source(%arg7 : memref<128x128xf32, #tpu.memory_space<vmem>>) target(%dma_start3A_89 : memref<128x128xf32, #tpu.memory_space<hbm>>) target_semaphore(%arg20 : memref<!tpu.dma_semaphore, #tpu.memory_space<semaphore_mem>>)
    %mul3A_90 = arith.constant 6 : i32
    %mul3A_91 = arith.muli %add3A, %mul3A_90 : i32
    %add3A_92 = arith.constant 1 : i32
    %add3A_93 = arith.addi %mul3A_91, %add3A_92 : i32
    %dma_wait3A_94 = arith.constant 1 : i32
    %dma_wait3A_95 = arith.constant 0 : i32
    %dma_wait3A_96 = tpu.memref_slice %arg5[%dma_wait3A_94, %dma_wait3A_95] : memref<6x128xi32, #tpu.memory_space<vmem>> -> memref<1x128xi32, #tpu.memory_space<vmem>>
    %dma_wait3A_97 = tpu.memref_squeeze %dma_wait3A_96 : memref<1x128xi32, #tpu.memory_space<vmem>> -> memref<128xi32, #tpu.memory_space<vmem>>
    %dma_wait3A_98 = arith.constant 0 : i32
    %dma_wait3A_99 = arith.constant 0 : i32
    %dma_wait3A_100 = tpu.memref_slice %arg2[%dma_wait3A_98, %dma_wait3A_99] : memref<100000x128xf32, #tpu.memory_space<hbm>> -> memref<100000x128xf32, #tpu.memory_space<hbm>>
    tpu.wait_indirect_dma semaphore(%arg15 : memref<!tpu.dma_semaphore, #tpu.memory_space<semaphore_mem>>) src(%dma_wait3A_100 : memref<100000x128xf32, #tpu.memory_space<hbm>>) dst(%arg8 : memref<128x128xf32, #tpu.memory_space<vmem>>)
    %jit3A_101 = arith.constant 64 : i32
    %div3A_102 = arith.divsi %add3A_93, %jit3A_101 : i32
    %sign3A_103 = arith.constant 0 : i32
    %sign3A_104 = arith.cmpi sgt, %add3A_93, %sign3A_103 : i32
    %sign3A_105 = arith.extui %sign3A_104 : i1 to i32
    %sign3A_106 = arith.constant 0 : i32
    %sign3A_107 = arith.cmpi slt, %add3A_93, %sign3A_106 : i32
    %sign3A_108 = arith.extui %sign3A_107 : i1 to i32
    %sign3A_109 = arith.subi %sign3A_105, %sign3A_108 : i32
    %sign3A_110 = arith.constant 0 : i32
    %sign3A_111 = arith.cmpi sgt, %jit3A_101, %sign3A_110 : i32
    %sign3A_112 = arith.extui %sign3A_111 : i1 to i32
    %sign3A_113 = arith.constant 0 : i32
    %sign3A_114 = arith.cmpi slt, %jit3A_101, %sign3A_113 : i32
    %sign3A_115 = arith.extui %sign3A_114 : i1 to i32
    %sign3A_116 = arith.subi %sign3A_112, %sign3A_115 : i32
    %ne3A_117 = arith.cmpi ne, %sign3A_109, %sign3A_116 : i32
    %rem3A_118 = arith.remsi %add3A_93, %jit3A_101 : i32
    %ne3A_119 = arith.constant 0 : i32
    %ne3A_120 = arith.cmpi ne, %rem3A_118, %ne3A_119 : i32
    %and3A_121 = arith.andi %ne3A_117, %ne3A_120 : i1
    %sub3A_122 = arith.constant 1 : i32
    %sub3A_123 = arith.subi %div3A_102, %sub3A_122 : i32
    %select_n3A_124 = arith.select %and3A_121, %sub3A_123, %div3A_102 : i32
    %jit3A_125 = arith.constant 64 : i32
    %eq3A_126 = arith.constant 0 : i32
    %eq3A_127 = arith.cmpi eq, %jit3A_125, %eq3A_126 : i32
    %jit3A_128 = arith.constant 1 : i32
    %select_n3A_129 = arith.select %eq3A_127, %jit3A_128, %jit3A_125 : i32
    %rem3A_130 = arith.remsi %add3A_93, %select_n3A_129 : i32
    %ne3A_131 = arith.constant 0 : i32
    %ne3A_132 = arith.cmpi ne, %rem3A_130, %ne3A_131 : i32
    %lt3A_133 = arith.constant 0 : i32
    %lt3A_134 = arith.cmpi slt, %rem3A_130, %lt3A_133 : i32
    %lt3A_135 = arith.constant 0 : i32
    %lt3A_136 = arith.cmpi slt, %select_n3A_129, %lt3A_135 : i32
    %ne3A_137 = arith.xori %lt3A_134, %lt3A_136 : i1
    %and3A_138 = arith.andi %ne3A_137, %ne3A_132 : i1
    %add3A_139 = arith.addi %rem3A_130, %select_n3A_129 : i32
    %select_n3A_140 = arith.select %and3A_138, %add3A_139, %rem3A_130 : i32
    %dma_start3A_141 = arith.constant 0 : i32
    %dma_start3A_142 = arith.constant 0 : i32
    %dma_start3A_143 = tpu.memref_slice %arg4[%select_n3A_124, %select_n3A_140, %dma_start3A_141, %dma_start3A_142] : memref<3x64x128x128xf32, #tpu.memory_space<hbm>> -> memref<1x1x128x128xf32, #tpu.memory_space<hbm>>
    %dma_start3A_144 = tpu.memref_squeeze %dma_start3A_143 : memref<1x1x128x128xf32, #tpu.memory_space<hbm>> -> memref<128x128xf32, #tpu.memory_space<hbm>>
    %dma_start3A_145 = arith.constant 0 : i32
    %dma_start3A_146 = arith.constant 0 : i32
    %dma_start3A_147 = tpu.memref_slice %arg4[%select_n3A_124, %select_n3A_140, %dma_start3A_145, %dma_start3A_146] : memref<3x64x128x128xf32, #tpu.memory_space<hbm>> -> memref<1x1x128x128xf32, #tpu.memory_space<hbm>>
    %dma_start3A_148 = tpu.memref_squeeze %dma_start3A_147 : memref<1x1x128x128xf32, #tpu.memory_space<hbm>> -> memref<128x128xf32, #tpu.memory_space<hbm>>
    tpu.enqueue_dma source(%arg8 : memref<128x128xf32, #tpu.memory_space<vmem>>) target(%dma_start3A_148 : memref<128x128xf32, #tpu.memory_space<hbm>>) target_semaphore(%arg20 : memref<!tpu.dma_semaphore, #tpu.memory_space<semaphore_mem>>)
    %mul3A_149 = arith.constant 6 : i32
    %mul3A_150 = arith.muli %add3A, %mul3A_149 : i32
    %add3A_151 = arith.constant 2 : i32
    %add3A_152 = arith.addi %mul3A_150, %add3A_151 : i32
    %dma_wait3A_153 = arith.constant 2 : i32
    %dma_wait3A_154 = arith.constant 0 : i32
    %dma_wait3A_155 = tpu.memref_slice %arg5[%dma_wait3A_153, %dma_wait3A_154] : memref<6x128xi32, #tpu.memory_space<vmem>> -> memref<1x128xi32, #tpu.memory_space<vmem>>
    %dma_wait3A_156 = tpu.memref_squeeze %dma_wait3A_155 : memref<1x128xi32, #tpu.memory_space<vmem>> -> memref<128xi32, #tpu.memory_space<vmem>>
    %dma_wait3A_157 = arith.constant 0 : i32
    %dma_wait3A_158 = arith.constant 0 : i32
    %dma_wait3A_159 = tpu.memref_slice %arg2[%dma_wait3A_157, %dma_wait3A_158] : memref<100000x128xf32, #tpu.memory_space<hbm>> -> memref<100000x128xf32, #tpu.memory_space<hbm>>
    tpu.wait_indirect_dma semaphore(%arg16 : memref<!tpu.dma_semaphore, #tpu.memory_space<semaphore_mem>>) src(%dma_wait3A_159 : memref<100000x128xf32, #tpu.memory_space<hbm>>) dst(%arg9 : memref<128x128xf32, #tpu.memory_space<vmem>>)
    %jit3A_160 = arith.constant 64 : i32
    %div3A_161 = arith.divsi %add3A_152, %jit3A_160 : i32
    %sign3A_162 = arith.constant 0 : i32
    %sign3A_163 = arith.cmpi sgt, %add3A_152, %sign3A_162 : i32
    %sign3A_164 = arith.extui %sign3A_163 : i1 to i32
    %sign3A_165 = arith.constant 0 : i32
    %sign3A_166 = arith.cmpi slt, %add3A_152, %sign3A_165 : i32
    %sign3A_167 = arith.extui %sign3A_166 : i1 to i32
    %sign3A_168 = arith.subi %sign3A_164, %sign3A_167 : i32
    %sign3A_169 = arith.constant 0 : i32
    %sign3A_170 = arith.cmpi sgt, %jit3A_160, %sign3A_169 : i32
    %sign3A_171 = arith.extui %sign3A_170 : i1 to i32
    %sign3A_172 = arith.constant 0 : i32
    %sign3A_173 = arith.cmpi slt, %jit3A_160, %sign3A_172 : i32
    %sign3A_174 = arith.extui %sign3A_173 : i1 to i32
    %sign3A_175 = arith.subi %sign3A_171, %sign3A_174 : i32
    %ne3A_176 = arith.cmpi ne, %sign3A_168, %sign3A_175 : i32
    %rem3A_177 = arith.remsi %add3A_152, %jit3A_160 : i32
    %ne3A_178 = arith.constant 0 : i32
    %ne3A_179 = arith.cmpi ne, %rem3A_177, %ne3A_178 : i32
    %and3A_180 = arith.andi %ne3A_176, %ne3A_179 : i1
    %sub3A_181 = arith.constant 1 : i32
    %sub3A_182 = arith.subi %div3A_161, %sub3A_181 : i32
    %select_n3A_183 = arith.select %and3A_180, %sub3A_182, %div3A_161 : i32
    %jit3A_184 = arith.constant 64 : i32
    %eq3A_185 = arith.constant 0 : i32
    %eq3A_186 = arith.cmpi eq, %jit3A_184, %eq3A_185 : i32
    %jit3A_187 = arith.constant 1 : i32
    %select_n3A_188 = arith.select %eq3A_186, %jit3A_187, %jit3A_184 : i32
    %rem3A_189 = arith.remsi %add3A_152, %select_n3A_188 : i32
    %ne3A_190 = arith.constant 0 : i32
    %ne3A_191 = arith.cmpi ne, %rem3A_189, %ne3A_190 : i32
    %lt3A_192 = arith.constant 0 : i32
    %lt3A_193 = arith.cmpi slt, %rem3A_189, %lt3A_192 : i32
    %lt3A_194 = arith.constant 0 : i32
    %lt3A_195 = arith.cmpi slt, %select_n3A_188, %lt3A_194 : i32
    %ne3A_196 = arith.xori %lt3A_193, %lt3A_195 : i1
    %and3A_197 = arith.andi %ne3A_196, %ne3A_191 : i1
    %add3A_198 = arith.addi %rem3A_189, %select_n3A_188 : i32
    %select_n3A_199 = arith.select %and3A_197, %add3A_198, %rem3A_189 : i32
    %dma_start3A_200 = arith.constant 0 : i32
    %dma_start3A_201 = arith.constant 0 : i32
    %dma_start3A_202 = tpu.memref_slice %arg4[%select_n3A_183, %select_n3A_199, %dma_start3A_200, %dma_start3A_201] : memref<3x64x128x128xf32, #tpu.memory_space<hbm>> -> memref<1x1x128x128xf32, #tpu.memory_space<hbm>>
    %dma_start3A_203 = tpu.memref_squeeze %dma_start3A_202 : memref<1x1x128x128xf32, #tpu.memory_space<hbm>> -> memref<128x128xf32, #tpu.memory_space<hbm>>
    %dma_start3A_204 = arith.constant 0 : i32
    %dma_start3A_205 = arith.constant 0 : i32
    %dma_start3A_206 = tpu.memref_slice %arg4[%select_n3A_183, %select_n3A_199, %dma_start3A_204, %dma_start3A_205] : memref<3x64x128x128xf32, #tpu.memory_space<hbm>> -> memref<1x1x128x128xf32, #tpu.memory_space<hbm>>
    %dma_start3A_207 = tpu.memref_squeeze %dma_start3A_206 : memref<1x1x128x128xf32, #tpu.memory_space<hbm>> -> memref<128x128xf32, #tpu.memory_space<hbm>>
    tpu.enqueue_dma source(%arg9 : memref<128x128xf32, #tpu.memory_space<vmem>>) target(%dma_start3A_207 : memref<128x128xf32, #tpu.memory_space<hbm>>) target_semaphore(%arg20 : memref<!tpu.dma_semaphore, #tpu.memory_space<semaphore_mem>>)
    %mul3A_208 = arith.constant 6 : i32
    %mul3A_209 = arith.muli %add3A, %mul3A_208 : i32
    %add3A_210 = arith.constant 3 : i32
    %add3A_211 = arith.addi %mul3A_209, %add3A_210 : i32
    %dma_wait3A_212 = arith.constant 3 : i32
    %dma_wait3A_213 = arith.constant 0 : i32
    %dma_wait3A_214 = tpu.memref_slice %arg5[%dma_wait3A_212, %dma_wait3A_213] : memref<6x128xi32, #tpu.memory_space<vmem>> -> memref<1x128xi32, #tpu.memory_space<vmem>>
    %dma_wait3A_215 = tpu.memref_squeeze %dma_wait3A_214 : memref<1x128xi32, #tpu.memory_space<vmem>> -> memref<128xi32, #tpu.memory_space<vmem>>
    %dma_wait3A_216 = arith.constant 0 : i32
    %dma_wait3A_217 = arith.constant 0 : i32
    %dma_wait3A_218 = tpu.memref_slice %arg2[%dma_wait3A_216, %dma_wait3A_217] : memref<100000x128xf32, #tpu.memory_space<hbm>> -> memref<100000x128xf32, #tpu.memory_space<hbm>>
    tpu.wait_indirect_dma semaphore(%arg17 : memref<!tpu.dma_semaphore, #tpu.memory_space<semaphore_mem>>) src(%dma_wait3A_218 : memref<100000x128xf32, #tpu.memory_space<hbm>>) dst(%arg10 : memref<128x128xf32, #tpu.memory_space<vmem>>)
    %jit3A_219 = arith.constant 64 : i32
    %div3A_220 = arith.divsi %add3A_211, %jit3A_219 : i32
    %sign3A_221 = arith.constant 0 : i32
    %sign3A_222 = arith.cmpi sgt, %add3A_211, %sign3A_221 : i32
    %sign3A_223 = arith.extui %sign3A_222 : i1 to i32
    %sign3A_224 = arith.constant 0 : i32
    %sign3A_225 = arith.cmpi slt, %add3A_211, %sign3A_224 : i32
    %sign3A_226 = arith.extui %sign3A_225 : i1 to i32
    %sign3A_227 = arith.subi %sign3A_223, %sign3A_226 : i32
    %sign3A_228 = arith.constant 0 : i32
    %sign3A_229 = arith.cmpi sgt, %jit3A_219, %sign3A_228 : i32
    %sign3A_230 = arith.extui %sign3A_229 : i1 to i32
    %sign3A_231 = arith.constant 0 : i32
    %sign3A_232 = arith.cmpi slt, %jit3A_219, %sign3A_231 : i32
    %sign3A_233 = arith.extui %sign3A_232 : i1 to i32
    %sign3A_234 = arith.subi %sign3A_230, %sign3A_233 : i32
    %ne3A_235 = arith.cmpi ne, %sign3A_227, %sign3A_234 : i32
    %rem3A_236 = arith.remsi %add3A_211, %jit3A_219 : i32
    %ne3A_237 = arith.constant 0 : i32
    %ne3A_238 = arith.cmpi ne, %rem3A_236, %ne3A_237 : i32
    %and3A_239 = arith.andi %ne3A_235, %ne3A_238 : i1
    %sub3A_240 = arith.constant 1 : i32
    %sub3A_241 = arith.subi %div3A_220, %sub3A_240 : i32
    %select_n3A_242 = arith.select %and3A_239, %sub3A_241, %div3A_220 : i32
    %jit3A_243 = arith.constant 64 : i32
    %eq3A_244 = arith.constant 0 : i32
    %eq3A_245 = arith.cmpi eq, %jit3A_243, %eq3A_244 : i32
    %jit3A_246 = arith.constant 1 : i32
    %select_n3A_247 = arith.select %eq3A_245, %jit3A_246, %jit3A_243 : i32
    %rem3A_248 = arith.remsi %add3A_211, %select_n3A_247 : i32
    %ne3A_249 = arith.constant 0 : i32
    %ne3A_250 = arith.cmpi ne, %rem3A_248, %ne3A_249 : i32
    %lt3A_251 = arith.constant 0 : i32
    %lt3A_252 = arith.cmpi slt, %rem3A_248, %lt3A_251 : i32
    %lt3A_253 = arith.constant 0 : i32
    %lt3A_254 = arith.cmpi slt, %select_n3A_247, %lt3A_253 : i32
    %ne3A_255 = arith.xori %lt3A_252, %lt3A_254 : i1
    %and3A_256 = arith.andi %ne3A_255, %ne3A_250 : i1
    %add3A_257 = arith.addi %rem3A_248, %select_n3A_247 : i32
    %select_n3A_258 = arith.select %and3A_256, %add3A_257, %rem3A_248 : i32
    %dma_start3A_259 = arith.constant 0 : i32
    %dma_start3A_260 = arith.constant 0 : i32
    %dma_start3A_261 = tpu.memref_slice %arg4[%select_n3A_242, %select_n3A_258, %dma_start3A_259, %dma_start3A_260] : memref<3x64x128x128xf32, #tpu.memory_space<hbm>> -> memref<1x1x128x128xf32, #tpu.memory_space<hbm>>
    %dma_start3A_262 = tpu.memref_squeeze %dma_start3A_261 : memref<1x1x128x128xf32, #tpu.memory_space<hbm>> -> memref<128x128xf32, #tpu.memory_space<hbm>>
    %dma_start3A_263 = arith.constant 0 : i32
    %dma_start3A_264 = arith.constant 0 : i32
    %dma_start3A_265 = tpu.memref_slice %arg4[%select_n3A_242, %select_n3A_258, %dma_start3A_263, %dma_start3A_264] : memref<3x64x128x128xf32, #tpu.memory_space<hbm>> -> memref<1x1x128x128xf32, #tpu.memory_space<hbm>>
    %dma_start3A_266 = tpu.memref_squeeze %dma_start3A_265 : memref<1x1x128x128xf32, #tpu.memory_space<hbm>> -> memref<128x128xf32, #tpu.memory_space<hbm>>
    tpu.enqueue_dma source(%arg10 : memref<128x128xf32, #tpu.memory_space<vmem>>) target(%dma_start3A_266 : memref<128x128xf32, #tpu.memory_space<hbm>>) target_semaphore(%arg20 : memref<!tpu.dma_semaphore, #tpu.memory_space<semaphore_mem>>)
    %mul3A_267 = arith.constant 6 : i32
    %mul3A_268 = arith.muli %add3A, %mul3A_267 : i32
    %add3A_269 = arith.constant 4 : i32
    %add3A_270 = arith.addi %mul3A_268, %add3A_269 : i32
    %dma_wait3A_271 = arith.constant 4 : i32
    %dma_wait3A_272 = arith.constant 0 : i32
    %dma_wait3A_273 = tpu.memref_slice %arg5[%dma_wait3A_271, %dma_wait3A_272] : memref<6x128xi32, #tpu.memory_space<vmem>> -> memref<1x128xi32, #tpu.memory_space<vmem>>
    %dma_wait3A_274 = tpu.memref_squeeze %dma_wait3A_273 : memref<1x128xi32, #tpu.memory_space<vmem>> -> memref<128xi32, #tpu.memory_space<vmem>>
    %dma_wait3A_275 = arith.constant 0 : i32
    %dma_wait3A_276 = arith.constant 0 : i32
    %dma_wait3A_277 = tpu.memref_slice %arg2[%dma_wait3A_275, %dma_wait3A_276] : memref<100000x128xf32, #tpu.memory_space<hbm>> -> memref<100000x128xf32, #tpu.memory_space<hbm>>
    tpu.wait_indirect_dma semaphore(%arg18 : memref<!tpu.dma_semaphore, #tpu.memory_space<semaphore_mem>>) src(%dma_wait3A_277 : memref<100000x128xf32, #tpu.memory_space<hbm>>) dst(%arg11 : memref<128x128xf32, #tpu.memory_space<vmem>>)
    %jit3A_278 = arith.constant 64 : i32
    %div3A_279 = arith.divsi %add3A_270, %jit3A_278 : i32
    %sign3A_280 = arith.constant 0 : i32
    %sign3A_281 = arith.cmpi sgt, %add3A_270, %sign3A_280 : i32
    %sign3A_282 = arith.extui %sign3A_281 : i1 to i32
    %sign3A_283 = arith.constant 0 : i32
    %sign3A_284 = arith.cmpi slt, %add3A_270, %sign3A_283 : i32
    %sign3A_285 = arith.extui %sign3A_284 : i1 to i32
    %sign3A_286 = arith.subi %sign3A_282, %sign3A_285 : i32
    %sign3A_287 = arith.constant 0 : i32
    %sign3A_288 = arith.cmpi sgt, %jit3A_278, %sign3A_287 : i32
    %sign3A_289 = arith.extui %sign3A_288 : i1 to i32
    %sign3A_290 = arith.constant 0 : i32
    %sign3A_291 = arith.cmpi slt, %jit3A_278, %sign3A_290 : i32
    %sign3A_292 = arith.extui %sign3A_291 : i1 to i32
    %sign3A_293 = arith.subi %sign3A_289, %sign3A_292 : i32
    %ne3A_294 = arith.cmpi ne, %sign3A_286, %sign3A_293 : i32
    %rem3A_295 = arith.remsi %add3A_270, %jit3A_278 : i32
    %ne3A_296 = arith.constant 0 : i32
    %ne3A_297 = arith.cmpi ne, %rem3A_295, %ne3A_296 : i32
    %and3A_298 = arith.andi %ne3A_294, %ne3A_297 : i1
    %sub3A_299 = arith.constant 1 : i32
    %sub3A_300 = arith.subi %div3A_279, %sub3A_299 : i32
    %select_n3A_301 = arith.select %and3A_298, %sub3A_300, %div3A_279 : i32
    %jit3A_302 = arith.constant 64 : i32
    %eq3A_303 = arith.constant 0 : i32
    %eq3A_304 = arith.cmpi eq, %jit3A_302, %eq3A_303 : i32
    %jit3A_305 = arith.constant 1 : i32
    %select_n3A_306 = arith.select %eq3A_304, %jit3A_305, %jit3A_302 : i32
    %rem3A_307 = arith.remsi %add3A_270, %select_n3A_306 : i32
    %ne3A_308 = arith.constant 0 : i32
    %ne3A_309 = arith.cmpi ne, %rem3A_307, %ne3A_308 : i32
    %lt3A_310 = arith.constant 0 : i32
    %lt3A_311 = arith.cmpi slt, %rem3A_307, %lt3A_310 : i32
    %lt3A_312 = arith.constant 0 : i32
    %lt3A_313 = arith.cmpi slt, %select_n3A_306, %lt3A_312 : i32
    %ne3A_314 = arith.xori %lt3A_311, %lt3A_313 : i1
    %and3A_315 = arith.andi %ne3A_314, %ne3A_309 : i1
    %add3A_316 = arith.addi %rem3A_307, %select_n3A_306 : i32
    %select_n3A_317 = arith.select %and3A_315, %add3A_316, %rem3A_307 : i32
    %dma_start3A_318 = arith.constant 0 : i32
    %dma_start3A_319 = arith.constant 0 : i32
    %dma_start3A_320 = tpu.memref_slice %arg4[%select_n3A_301, %select_n3A_317, %dma_start3A_318, %dma_start3A_319] : memref<3x64x128x128xf32, #tpu.memory_space<hbm>> -> memref<1x1x128x128xf32, #tpu.memory_space<hbm>>
    %dma_start3A_321 = tpu.memref_squeeze %dma_start3A_320 : memref<1x1x128x128xf32, #tpu.memory_space<hbm>> -> memref<128x128xf32, #tpu.memory_space<hbm>>
    %dma_start3A_322 = arith.constant 0 : i32
    %dma_start3A_323 = arith.constant 0 : i32
    %dma_start3A_324 = tpu.memref_slice %arg4[%select_n3A_301, %select_n3A_317, %dma_start3A_322, %dma_start3A_323] : memref<3x64x128x128xf32, #tpu.memory_space<hbm>> -> memref<1x1x128x128xf32, #tpu.memory_space<hbm>>
    %dma_start3A_325 = tpu.memref_squeeze %dma_start3A_324 : memref<1x1x128x128xf32, #tpu.memory_space<hbm>> -> memref<128x128xf32, #tpu.memory_space<hbm>>
    tpu.enqueue_dma source(%arg11 : memref<128x128xf32, #tpu.memory_space<vmem>>) target(%dma_start3A_325 : memref<128x128xf32, #tpu.memory_space<hbm>>) target_semaphore(%arg20 : memref<!tpu.dma_semaphore, #tpu.memory_space<semaphore_mem>>)
    %mul3A_326 = arith.constant 6 : i32
    %mul3A_327 = arith.muli %add3A, %mul3A_326 : i32
    %add3A_328 = arith.constant 5 : i32
    %add3A_329 = arith.addi %mul3A_327, %add3A_328 : i32
    %dma_wait3A_330 = arith.constant 5 : i32
    %dma_wait3A_331 = arith.constant 0 : i32
    %dma_wait3A_332 = tpu.memref_slice %arg5[%dma_wait3A_330, %dma_wait3A_331] : memref<6x128xi32, #tpu.memory_space<vmem>> -> memref<1x128xi32, #tpu.memory_space<vmem>>
    %dma_wait3A_333 = tpu.memref_squeeze %dma_wait3A_332 : memref<1x128xi32, #tpu.memory_space<vmem>> -> memref<128xi32, #tpu.memory_space<vmem>>
    %dma_wait3A_334 = arith.constant 0 : i32
    %dma_wait3A_335 = arith.constant 0 : i32
    %dma_wait3A_336 = tpu.memref_slice %arg2[%dma_wait3A_334, %dma_wait3A_335] : memref<100000x128xf32, #tpu.memory_space<hbm>> -> memref<100000x128xf32, #tpu.memory_space<hbm>>
    tpu.wait_indirect_dma semaphore(%arg19 : memref<!tpu.dma_semaphore, #tpu.memory_space<semaphore_mem>>) src(%dma_wait3A_336 : memref<100000x128xf32, #tpu.memory_space<hbm>>) dst(%arg12 : memref<128x128xf32, #tpu.memory_space<vmem>>)
    %jit3A_337 = arith.constant 64 : i32
    %div3A_338 = arith.divsi %add3A_329, %jit3A_337 : i32
    %sign3A_339 = arith.constant 0 : i32
    %sign3A_340 = arith.cmpi sgt, %add3A_329, %sign3A_339 : i32
    %sign3A_341 = arith.extui %sign3A_340 : i1 to i32
    %sign3A_342 = arith.constant 0 : i32
    %sign3A_343 = arith.cmpi slt, %add3A_329, %sign3A_342 : i32
    %sign3A_344 = arith.extui %sign3A_343 : i1 to i32
    %sign3A_345 = arith.subi %sign3A_341, %sign3A_344 : i32
    %sign3A_346 = arith.constant 0 : i32
    %sign3A_347 = arith.cmpi sgt, %jit3A_337, %sign3A_346 : i32
    %sign3A_348 = arith.extui %sign3A_347 : i1 to i32
    %sign3A_349 = arith.constant 0 : i32
    %sign3A_350 = arith.cmpi slt, %jit3A_337, %sign3A_349 : i32
    %sign3A_351 = arith.extui %sign3A_350 : i1 to i32
    %sign3A_352 = arith.subi %sign3A_348, %sign3A_351 : i32
    %ne3A_353 = arith.cmpi ne, %sign3A_345, %sign3A_352 : i32
    %rem3A_354 = arith.remsi %add3A_329, %jit3A_337 : i32
    %ne3A_355 = arith.constant 0 : i32
    %ne3A_356 = arith.cmpi ne, %rem3A_354, %ne3A_355 : i32
    %and3A_357 = arith.andi %ne3A_353, %ne3A_356 : i1
    %sub3A_358 = arith.constant 1 : i32
    %sub3A_359 = arith.subi %div3A_338, %sub3A_358 : i32
    %select_n3A_360 = arith.select %and3A_357, %sub3A_359, %div3A_338 : i32
    %jit3A_361 = arith.constant 64 : i32
    %eq3A_362 = arith.constant 0 : i32
    %eq3A_363 = arith.cmpi eq, %jit3A_361, %eq3A_362 : i32
    %jit3A_364 = arith.constant 1 : i32
    %select_n3A_365 = arith.select %eq3A_363, %jit3A_364, %jit3A_361 : i32
    %rem3A_366 = arith.remsi %add3A_329, %select_n3A_365 : i32
    %ne3A_367 = arith.constant 0 : i32
    %ne3A_368 = arith.cmpi ne, %rem3A_366, %ne3A_367 : i32
    %lt3A_369 = arith.constant 0 : i32
    %lt3A_370 = arith.cmpi slt, %rem3A_366, %lt3A_369 : i32
    %lt3A_371 = arith.constant 0 : i32
    %lt3A_372 = arith.cmpi slt, %select_n3A_365, %lt3A_371 : i32
    %ne3A_373 = arith.xori %lt3A_370, %lt3A_372 : i1
    %and3A_374 = arith.andi %ne3A_373, %ne3A_368 : i1
    %add3A_375 = arith.addi %rem3A_366, %select_n3A_365 : i32
    %select_n3A_376 = arith.select %and3A_374, %add3A_375, %rem3A_366 : i32
    %dma_start3A_377 = arith.constant 0 : i32
    %dma_start3A_378 = arith.constant 0 : i32
    %dma_start3A_379 = tpu.memref_slice %arg4[%select_n3A_360, %select_n3A_376, %dma_start3A_377, %dma_start3A_378] : memref<3x64x128x128xf32, #tpu.memory_space<hbm>> -> memref<1x1x128x128xf32, #tpu.memory_space<hbm>>
    %dma_start3A_380 = tpu.memref_squeeze %dma_start3A_379 : memref<1x1x128x128xf32, #tpu.memory_space<hbm>> -> memref<128x128xf32, #tpu.memory_space<hbm>>
    %dma_start3A_381 = arith.constant 0 : i32
    %dma_start3A_382 = arith.constant 0 : i32
    %dma_start3A_383 = tpu.memref_slice %arg4[%select_n3A_360, %select_n3A_376, %dma_start3A_381, %dma_start3A_382] : memref<3x64x128x128xf32, #tpu.memory_space<hbm>> -> memref<1x1x128x128xf32, #tpu.memory_space<hbm>>
    %dma_start3A_384 = tpu.memref_squeeze %dma_start3A_383 : memref<1x1x128x128xf32, #tpu.memory_space<hbm>> -> memref<128x128xf32, #tpu.memory_space<hbm>>
    tpu.enqueue_dma source(%arg12 : memref<128x128xf32, #tpu.memory_space<vmem>>) target(%dma_start3A_384 : memref<128x128xf32, #tpu.memory_space<hbm>>) target_semaphore(%arg20 : memref<!tpu.dma_semaphore, #tpu.memory_space<semaphore_mem>>)
    %dma_wait3A_385 = arith.constant 0 : i32
    %dma_wait3A_386 = arith.constant 0 : i32
    %dma_wait3A_387 = arith.constant 0 : i32
    %dma_wait3A_388 = arith.constant 0 : i32
    %dma_wait3A_389 = tpu.memref_slice %arg4[%dma_wait3A_385, %dma_wait3A_386, %dma_wait3A_387, %dma_wait3A_388] : memref<3x64x128x128xf32, #tpu.memory_space<hbm>> -> memref<1x1x128x128xf32, #tpu.memory_space<hbm>>
    %dma_wait3A_390 = tpu.memref_squeeze %dma_wait3A_389 : memref<1x1x128x128xf32, #tpu.memory_space<hbm>> -> memref<128x128xf32, #tpu.memory_space<hbm>>
    %dma_wait3A_391 = arith.constant 0 : i32
    %dma_wait3A_392 = arith.constant 0 : i32
    %dma_wait3A_393 = tpu.memref_slice %arg4[%dma_wait3A_385, %dma_wait3A_386, %dma_wait3A_391, %dma_wait3A_392] : memref<3x64x128x128xf32, #tpu.memory_space<hbm>> -> memref<1x1x128x128xf32, #tpu.memory_space<hbm>>
    %dma_wait3A_394 = tpu.memref_squeeze %dma_wait3A_393 : memref<1x1x128x128xf32, #tpu.memory_space<hbm>> -> memref<128x128xf32, #tpu.memory_space<hbm>>
    tpu.wait_dma2 semaphore(%arg20 : memref<!tpu.dma_semaphore, #tpu.memory_space<semaphore_mem>>) src(%arg7 : memref<128x128xf32, #tpu.memory_space<vmem>>) dst(%dma_wait3A_394 : memref<128x128xf32, #tpu.memory_space<hbm>>)
    %dma_wait3A_395 = arith.constant 0 : i32
    %dma_wait3A_396 = arith.constant 0 : i32
    %dma_wait3A_397 = arith.constant 0 : i32
    %dma_wait3A_398 = arith.constant 0 : i32
    %dma_wait3A_399 = tpu.memref_slice %arg4[%dma_wait3A_395, %dma_wait3A_396, %dma_wait3A_397, %dma_wait3A_398] : memref<3x64x128x128xf32, #tpu.memory_space<hbm>> -> memref<1x1x128x128xf32, #tpu.memory_space<hbm>>
    %dma_wait3A_400 = tpu.memref_squeeze %dma_wait3A_399 : memref<1x1x128x128xf32, #tpu.memory_space<hbm>> -> memref<128x128xf32, #tpu.memory_space<hbm>>
    %dma_wait3A_401 = arith.constant 0 : i32
    %dma_wait3A_402 = arith.constant 0 : i32
    %dma_wait3A_403 = tpu.memref_slice %arg4[%dma_wait3A_395, %dma_wait3A_396, %dma_wait3A_401, %dma_wait3A_402] : memref<3x64x128x128xf32, #tpu.memory_space<hbm>> -> memref<1x1x128x128xf32, #tpu.memory_space<hbm>>
    %dma_wait3A_404 = tpu.memref_squeeze %dma_wait3A_403 : memref<1x1x128x128xf32, #tpu.memory_space<hbm>> -> memref<128x128xf32, #tpu.memory_space<hbm>>
    tpu.wait_dma2 semaphore(%arg20 : memref<!tpu.dma_semaphore, #tpu.memory_space<semaphore_mem>>) src(%arg8 : memref<128x128xf32, #tpu.memory_space<vmem>>) dst(%dma_wait3A_404 : memref<128x128xf32, #tpu.memory_space<hbm>>)
    %dma_wait3A_405 = arith.constant 0 : i32
    %dma_wait3A_406 = arith.constant 0 : i32
    %dma_wait3A_407 = arith.constant 0 : i32
    %dma_wait3A_408 = arith.constant 0 : i32
    %dma_wait3A_409 = tpu.memref_slice %arg4[%dma_wait3A_405, %dma_wait3A_406, %dma_wait3A_407, %dma_wait3A_408] : memref<3x64x128x128xf32, #tpu.memory_space<hbm>> -> memref<1x1x128x128xf32, #tpu.memory_space<hbm>>
    %dma_wait3A_410 = tpu.memref_squeeze %dma_wait3A_409 : memref<1x1x128x128xf32, #tpu.memory_space<hbm>> -> memref<128x128xf32, #tpu.memory_space<hbm>>
    %dma_wait3A_411 = arith.constant 0 : i32
    %dma_wait3A_412 = arith.constant 0 : i32
    %dma_wait3A_413 = tpu.memref_slice %arg4[%dma_wait3A_405, %dma_wait3A_406, %dma_wait3A_411, %dma_wait3A_412] : memref<3x64x128x128xf32, #tpu.memory_space<hbm>> -> memref<1x1x128x128xf32, #tpu.memory_space<hbm>>
    %dma_wait3A_414 = tpu.memref_squeeze %dma_wait3A_413 : memref<1x1x128x128xf32, #tpu.memory_space<hbm>> -> memref<128x128xf32, #tpu.memory_space<hbm>>
    tpu.wait_dma2 semaphore(%arg20 : memref<!tpu.dma_semaphore, #tpu.memory_space<semaphore_mem>>) src(%arg9 : memref<128x128xf32, #tpu.memory_space<vmem>>) dst(%dma_wait3A_414 : memref<128x128xf32, #tpu.memory_space<hbm>>)
    %dma_wait3A_415 = arith.constant 0 : i32
    %dma_wait3A_416 = arith.constant 0 : i32
    %dma_wait3A_417 = arith.constant 0 : i32
    %dma_wait3A_418 = arith.constant 0 : i32
    %dma_wait3A_419 = tpu.memref_slice %arg4[%dma_wait3A_415, %dma_wait3A_416, %dma_wait3A_417, %dma_wait3A_418] : memref<3x64x128x128xf32, #tpu.memory_space<hbm>> -> memref<1x1x128x128xf32, #tpu.memory_space<hbm>>
    %dma_wait3A_420 = tpu.memref_squeeze %dma_wait3A_419 : memref<1x1x128x128xf32, #tpu.memory_space<hbm>> -> memref<128x128xf32, #tpu.memory_space<hbm>>
    %dma_wait3A_421 = arith.constant 0 : i32
    %dma_wait3A_422 = arith.constant 0 : i32
    %dma_wait3A_423 = tpu.memref_slice %arg4[%dma_wait3A_415, %dma_wait3A_416, %dma_wait3A_421, %dma_wait3A_422] : memref<3x64x128x128xf32, #tpu.memory_space<hbm>> -> memref<1x1x128x128xf32, #tpu.memory_space<hbm>>
    %dma_wait3A_424 = tpu.memref_squeeze %dma_wait3A_423 : memref<1x1x128x128xf32, #tpu.memory_space<hbm>> -> memref<128x128xf32, #tpu.memory_space<hbm>>
    tpu.wait_dma2 semaphore(%arg20 : memref<!tpu.dma_semaphore, #tpu.memory_space<semaphore_mem>>) src(%arg10 : memref<128x128xf32, #tpu.memory_space<vmem>>) dst(%dma_wait3A_424 : memref<128x128xf32, #tpu.memory_space<hbm>>)
    %dma_wait3A_425 = arith.constant 0 : i32
    %dma_wait3A_426 = arith.constant 0 : i32
    %dma_wait3A_427 = arith.constant 0 : i32
    %dma_wait3A_428 = arith.constant 0 : i32
    %dma_wait3A_429 = tpu.memref_slice %arg4[%dma_wait3A_425, %dma_wait3A_426, %dma_wait3A_427, %dma_wait3A_428] : memref<3x64x128x128xf32, #tpu.memory_space<hbm>> -> memref<1x1x128x128xf32, #tpu.memory_space<hbm>>
    %dma_wait3A_430 = tpu.memref_squeeze %dma_wait3A_429 : memref<1x1x128x128xf32, #tpu.memory_space<hbm>> -> memref<128x128xf32, #tpu.memory_space<hbm>>
    %dma_wait3A_431 = arith.constant 0 : i32
    %dma_wait3A_432 = arith.constant 0 : i32
    %dma_wait3A_433 = tpu.memref_slice %arg4[%dma_wait3A_425, %dma_wait3A_426, %dma_wait3A_431, %dma_wait3A_432] : memref<3x64x128x128xf32, #tpu.memory_space<hbm>> -> memref<1x1x128x128xf32, #tpu.memory_space<hbm>>
    %dma_wait3A_434 = tpu.memref_squeeze %dma_wait3A_433 : memref<1x1x128x128xf32, #tpu.memory_space<hbm>> -> memref<128x128xf32, #tpu.memory_space<hbm>>
    tpu.wait_dma2 semaphore(%arg20 : memref<!tpu.dma_semaphore, #tpu.memory_space<semaphore_mem>>) src(%arg11 : memref<128x128xf32, #tpu.memory_space<vmem>>) dst(%dma_wait3A_434 : memref<128x128xf32, #tpu.memory_space<hbm>>)
    %dma_wait3A_435 = arith.constant 0 : i32
    %dma_wait3A_436 = arith.constant 0 : i32
    %dma_wait3A_437 = arith.constant 0 : i32
    %dma_wait3A_438 = arith.constant 0 : i32
    %dma_wait3A_439 = tpu.memref_slice %arg4[%dma_wait3A_435, %dma_wait3A_436, %dma_wait3A_437, %dma_wait3A_438] : memref<3x64x128x128xf32, #tpu.memory_space<hbm>> -> memref<1x1x128x128xf32, #tpu.memory_space<hbm>>
    %dma_wait3A_440 = tpu.memref_squeeze %dma_wait3A_439 : memref<1x1x128x128xf32, #tpu.memory_space<hbm>> -> memref<128x128xf32, #tpu.memory_space<hbm>>
    %dma_wait3A_441 = arith.constant 0 : i32
    %dma_wait3A_442 = arith.constant 0 : i32
    %dma_wait3A_443 = tpu.memref_slice %arg4[%dma_wait3A_435, %dma_wait3A_436, %dma_wait3A_441, %dma_wait3A_442] : memref<3x64x128x128xf32, #tpu.memory_space<hbm>> -> memref<1x1x128x128xf32, #tpu.memory_space<hbm>>
    %dma_wait3A_444 = tpu.memref_squeeze %dma_wait3A_443 : memref<1x1x128x128xf32, #tpu.memory_space<hbm>> -> memref<128x128xf32, #tpu.memory_space<hbm>>
    tpu.wait_dma2 semaphore(%arg20 : memref<!tpu.dma_semaphore, #tpu.memory_space<semaphore_mem>>) src(%arg12 : memref<128x128xf32, #tpu.memory_space<vmem>>) dst(%dma_wait3A_444 : memref<128x128xf32, #tpu.memory_space<hbm>>)
    return
  }
}

#map = affine_map<(d0, d1) -> (0, 0)>
#map1 = affine_map<(d0, d1) -> (0, 0, 0)>
#map2 = affine_map<(d0, d1) -> (0, 0, 0, 0)>
module attributes {stable_mosaic.version = 14 : i64} {
  func.func @body(%arg0: i32, %arg1: i32, %arg2: memref<100000x128xf32, #tpu.memory_space<hbm>>, %arg3: memref<32x6x128xi32, #tpu.memory_space<hbm>>, %arg4: memref<3x64x128x128xf32, #tpu.memory_space<hbm>>, %arg5: memref<6x128xi32, #tpu.memory_space<vmem>>, %arg6: memref<8xi32, #tpu.memory_space<vmem>>, %arg7: memref<128x128xf32, #tpu.memory_space<vmem>>, %arg8: memref<128x128xf32, #tpu.memory_space<vmem>>, %arg9: memref<128x128xf32, #tpu.memory_space<vmem>>, %arg10: memref<128x128xf32, #tpu.memory_space<vmem>>, %arg11: memref<128x128xf32, #tpu.memory_space<vmem>>, %arg12: memref<128x128xf32, #tpu.memory_space<vmem>>, %arg13: memref<8x128xf32, #tpu.memory_space<vmem>>, %arg14: memref<!tpu.dma_semaphore, #tpu.memory_space<semaphore_mem>>, %arg15: memref<!tpu.dma_semaphore, #tpu.memory_space<semaphore_mem>>, %arg16: memref<!tpu.dma_semaphore, #tpu.memory_space<semaphore_mem>>, %arg17: memref<!tpu.dma_semaphore, #tpu.memory_space<semaphore_mem>>, %arg18: memref<!tpu.dma_semaphore, #tpu.memory_space<semaphore_mem>>, %arg19: memref<!tpu.dma_semaphore, #tpu.memory_space<semaphore_mem>>, %arg20: memref<!tpu.dma_semaphore, #tpu.memory_space<semaphore_mem>>) attributes {dimension_semantics = [#tpu.dimension_semantics<core_parallel>, #tpu.dimension_semantics<subcore_parallel>], iteration_bounds = array<i64: 2, 16>, scalar_prefetch = 0 : i64, scratch_operands = 16 : i64, tpu.core_type = #tpu.core_type<sc_vector_subcore>, window_params = [{transform_indices = #map}, {transform_indices = #map1}, {transform_indices = #map2}]} {
    %mul3A = arith.constant 2 : i32
    %mul3A_0 = arith.muli %arg1, %mul3A : i32
    %add3A = arith.addi %mul3A_0, %arg0 : i32
    "tpu.region"() ({
      %run_scoped3A = tpu.sem_alloc : memref<!tpu.dma_semaphore, #tpu.memory_space<semaphore_mem>>
      %dma_start3A_445 = arith.constant 0 : i32
      %dma_start3A_446 = arith.constant 0 : i32
      %dma_start3A_447 = tpu.memref_slice %arg3[%add3A, %dma_start3A_445, %dma_start3A_446] : memref<32x6x128xi32, #tpu.memory_space<hbm>> -> memref<1x6x128xi32, #tpu.memory_space<hbm>>
      %dma_start3A_448 = tpu.memref_squeeze %dma_start3A_447 : memref<1x6x128xi32, #tpu.memory_space<hbm>> -> memref<6x128xi32, #tpu.memory_space<hbm>>
      %dma_start3A_449 = arith.constant 0 : i32
      %dma_start3A_450 = arith.constant 0 : i32
      %dma_start3A_451 = tpu.memref_slice %arg3[%add3A, %dma_start3A_449, %dma_start3A_450] : memref<32x6x128xi32, #tpu.memory_space<hbm>> -> memref<1x6x128xi32, #tpu.memory_space<hbm>>
      %dma_start3A_452 = tpu.memref_squeeze %dma_start3A_451 : memref<1x6x128xi32, #tpu.memory_space<hbm>> -> memref<6x128xi32, #tpu.memory_space<hbm>>
      tpu.enqueue_dma source(%dma_start3A_452 : memref<6x128xi32, #tpu.memory_space<hbm>>) target(%arg5 : memref<6x128xi32, #tpu.memory_space<vmem>>) target_semaphore(%run_scoped3A : memref<!tpu.dma_semaphore, #tpu.memory_space<semaphore_mem>>)
      %dma_wait3A_453 = arith.constant 0 : i32
      %dma_wait3A_454 = arith.constant 0 : i32
      %dma_wait3A_455 = tpu.memref_slice %arg3[%add3A, %dma_wait3A_453, %dma_wait3A_454] : memref<32x6x128xi32, #tpu.memory_space<hbm>> -> memref<1x6x128xi32, #tpu.memory_space<hbm>>
      %dma_wait3A_456 = tpu.memref_squeeze %dma_wait3A_455 : memref<1x6x128xi32, #tpu.memory_space<hbm>> -> memref<6x128xi32, #tpu.memory_space<hbm>>
      %dma_wait3A_457 = arith.constant 0 : i32
      %dma_wait3A_458 = arith.constant 0 : i32
      %dma_wait3A_459 = tpu.memref_slice %arg3[%add3A, %dma_wait3A_457, %dma_wait3A_458] : memref<32x6x128xi32, #tpu.memory_space<hbm>> -> memref<1x6x128xi32, #tpu.memory_space<hbm>>
      %dma_wait3A_460 = tpu.memref_squeeze %dma_wait3A_459 : memref<1x6x128xi32, #tpu.memory_space<hbm>> -> memref<6x128xi32, #tpu.memory_space<hbm>>
      tpu.wait_dma2 semaphore(%run_scoped3A : memref<!tpu.dma_semaphore, #tpu.memory_space<semaphore_mem>>) src(%dma_wait3A_460 : memref<6x128xi32, #tpu.memory_space<hbm>>) dst(%arg5 : memref<6x128xi32, #tpu.memory_space<vmem>>)
      tpu.yield
    }) : () -> ()
    %dma_start3A = arith.constant 0 : i32
    %dma_start3A_1 = arith.constant 0 : i32
    %dma_start3A_2 = tpu.memref_slice %arg5[%dma_start3A, %dma_start3A_1] : memref<6x128xi32, #tpu.memory_space<vmem>> -> memref<1x128xi32, #tpu.memory_space<vmem>>
    %dma_start3A_3 = tpu.memref_squeeze %dma_start3A_2 : memref<1x128xi32, #tpu.memory_space<vmem>> -> memref<128xi32, #tpu.memory_space<vmem>>
    %dma_start3A_4 = arith.constant 0 : i32
    %dma_start3A_5 = arith.constant 0 : i32
    %dma_start3A_6 = tpu.memref_slice %arg2[%dma_start3A_4, %dma_start3A_5] : memref<100000x128xf32, #tpu.memory_space<hbm>> -> memref<100000x128xf32, #tpu.memory_space<hbm>>
    tpu.enqueue_indirect_dma source(%dma_start3A_6 : memref<100000x128xf32, #tpu.memory_space<hbm>>) target(%arg7 : memref<128x128xf32, #tpu.memory_space<vmem>>) offsets(%dma_start3A_3 : memref<128xi32, #tpu.memory_space<vmem>>) semaphore(%arg14 : memref<!tpu.dma_semaphore, #tpu.memory_space<semaphore_mem>>)
    %dma_start3A_7 = arith.constant 1 : i32
    %dma_start3A_8 = arith.constant 0 : i32
    %dma_start3A_9 = tpu.memref_slice %arg5[%dma_start3A_7, %dma_start3A_8] : memref<6x128xi32, #tpu.memory_space<vmem>> -> memref<1x128xi32, #tpu.memory_space<vmem>>
    %dma_start3A_10 = tpu.memref_squeeze %dma_start3A_9 : memref<1x128xi32, #tpu.memory_space<vmem>> -> memref<128xi32, #tpu.memory_space<vmem>>
    %dma_start3A_11 = arith.constant 0 : i32
    %dma_start3A_12 = arith.constant 0 : i32
    %dma_start3A_13 = tpu.memref_slice %arg2[%dma_start3A_11, %dma_start3A_12] : memref<100000x128xf32, #tpu.memory_space<hbm>> -> memref<100000x128xf32, #tpu.memory_space<hbm>>
    tpu.enqueue_indirect_dma source(%dma_start3A_13 : memref<100000x128xf32, #tpu.memory_space<hbm>>) target(%arg8 : memref<128x128xf32, #tpu.memory_space<vmem>>) offsets(%dma_start3A_10 : memref<128xi32, #tpu.memory_space<vmem>>) semaphore(%arg15 : memref<!tpu.dma_semaphore, #tpu.memory_space<semaphore_mem>>)
    %dma_start3A_14 = arith.constant 2 : i32
    %dma_start3A_15 = arith.constant 0 : i32
    %dma_start3A_16 = tpu.memref_slice %arg5[%dma_start3A_14, %dma_start3A_15] : memref<6x128xi32, #tpu.memory_space<vmem>> -> memref<1x128xi32, #tpu.memory_space<vmem>>
    %dma_start3A_17 = tpu.memref_squeeze %dma_start3A_16 : memref<1x128xi32, #tpu.memory_space<vmem>> -> memref<128xi32, #tpu.memory_space<vmem>>
    %dma_start3A_18 = arith.constant 0 : i32
    %dma_start3A_19 = arith.constant 0 : i32
    %dma_start3A_20 = tpu.memref_slice %arg2[%dma_start3A_18, %dma_start3A_19] : memref<100000x128xf32, #tpu.memory_space<hbm>> -> memref<100000x128xf32, #tpu.memory_space<hbm>>
    tpu.enqueue_indirect_dma source(%dma_start3A_20 : memref<100000x128xf32, #tpu.memory_space<hbm>>) target(%arg9 : memref<128x128xf32, #tpu.memory_space<vmem>>) offsets(%dma_start3A_17 : memref<128xi32, #tpu.memory_space<vmem>>) semaphore(%arg16 : memref<!tpu.dma_semaphore, #tpu.memory_space<semaphore_mem>>)
    %dma_start3A_21 = arith.constant 3 : i32
    %dma_start3A_22 = arith.constant 0 : i32
    %dma_start3A_23 = tpu.memref_slice %arg5[%dma_start3A_21, %dma_start3A_22] : memref<6x128xi32, #tpu.memory_space<vmem>> -> memref<1x128xi32, #tpu.memory_space<vmem>>
    %dma_start3A_24 = tpu.memref_squeeze %dma_start3A_23 : memref<1x128xi32, #tpu.memory_space<vmem>> -> memref<128xi32, #tpu.memory_space<vmem>>
    %dma_start3A_25 = arith.constant 0 : i32
    %dma_start3A_26 = arith.constant 0 : i32
    %dma_start3A_27 = tpu.memref_slice %arg2[%dma_start3A_25, %dma_start3A_26] : memref<100000x128xf32, #tpu.memory_space<hbm>> -> memref<100000x128xf32, #tpu.memory_space<hbm>>
    tpu.enqueue_indirect_dma source(%dma_start3A_27 : memref<100000x128xf32, #tpu.memory_space<hbm>>) target(%arg10 : memref<128x128xf32, #tpu.memory_space<vmem>>) offsets(%dma_start3A_24 : memref<128xi32, #tpu.memory_space<vmem>>) semaphore(%arg17 : memref<!tpu.dma_semaphore, #tpu.memory_space<semaphore_mem>>)
    %dma_start3A_28 = arith.constant 4 : i32
    %dma_start3A_29 = arith.constant 0 : i32
    %dma_start3A_30 = tpu.memref_slice %arg5[%dma_start3A_28, %dma_start3A_29] : memref<6x128xi32, #tpu.memory_space<vmem>> -> memref<1x128xi32, #tpu.memory_space<vmem>>
    %dma_start3A_31 = tpu.memref_squeeze %dma_start3A_30 : memref<1x128xi32, #tpu.memory_space<vmem>> -> memref<128xi32, #tpu.memory_space<vmem>>
    %dma_start3A_32 = arith.constant 0 : i32
    %dma_start3A_33 = arith.constant 0 : i32
    %dma_start3A_34 = tpu.memref_slice %arg2[%dma_start3A_32, %dma_start3A_33] : memref<100000x128xf32, #tpu.memory_space<hbm>> -> memref<100000x128xf32, #tpu.memory_space<hbm>>
    tpu.enqueue_indirect_dma source(%dma_start3A_34 : memref<100000x128xf32, #tpu.memory_space<hbm>>) target(%arg11 : memref<128x128xf32, #tpu.memory_space<vmem>>) offsets(%dma_start3A_31 : memref<128xi32, #tpu.memory_space<vmem>>) semaphore(%arg18 : memref<!tpu.dma_semaphore, #tpu.memory_space<semaphore_mem>>)
    %dma_start3A_35 = arith.constant 5 : i32
    %dma_start3A_36 = arith.constant 0 : i32
    %dma_start3A_37 = tpu.memref_slice %arg5[%dma_start3A_35, %dma_start3A_36] : memref<6x128xi32, #tpu.memory_space<vmem>> -> memref<1x128xi32, #tpu.memory_space<vmem>>
    %dma_start3A_38 = tpu.memref_squeeze %dma_start3A_37 : memref<1x128xi32, #tpu.memory_space<vmem>> -> memref<128xi32, #tpu.memory_space<vmem>>
    %dma_start3A_39 = arith.constant 0 : i32
    %dma_start3A_40 = arith.constant 0 : i32
    %dma_start3A_41 = tpu.memref_slice %arg2[%dma_start3A_39, %dma_start3A_40] : memref<100000x128xf32, #tpu.memory_space<hbm>> -> memref<100000x128xf32, #tpu.memory_space<hbm>>
    tpu.enqueue_indirect_dma source(%dma_start3A_41 : memref<100000x128xf32, #tpu.memory_space<hbm>>) target(%arg12 : memref<128x128xf32, #tpu.memory_space<vmem>>) offsets(%dma_start3A_38 : memref<128xi32, #tpu.memory_space<vmem>>) semaphore(%arg19 : memref<!tpu.dma_semaphore, #tpu.memory_space<semaphore_mem>>)
    %mul3A_42 = arith.constant 6 : i32
    %mul3A_43 = arith.muli %add3A, %mul3A_42 : i32
    %add3A_44 = arith.constant 0 : i32
    %add3A_45 = arith.addi %mul3A_43, %add3A_44 : i32
    %dma_wait3A = arith.constant 0 : i32
    %dma_wait3A_46 = arith.constant 0 : i32
    %dma_wait3A_47 = tpu.memref_slice %arg5[%dma_wait3A, %dma_wait3A_46] : memref<6x128xi32, #tpu.memory_space<vmem>> -> memref<1x128xi32, #tpu.memory_space<vmem>>
    %dma_wait3A_48 = tpu.memref_squeeze %dma_wait3A_47 : memref<1x128xi32, #tpu.memory_space<vmem>> -> memref<128xi32, #tpu.memory_space<vmem>>
    %dma_wait3A_49 = arith.constant 0 : i32
    %dma_wait3A_50 = arith.constant 0 : i32
    %dma_wait3A_51 = tpu.memref_slice %arg2[%dma_wait3A_49, %dma_wait3A_50] : memref<100000x128xf32, #tpu.memory_space<hbm>> -> memref<100000x128xf32, #tpu.memory_space<hbm>>
    tpu.wait_indirect_dma semaphore(%arg14 : memref<!tpu.dma_semaphore, #tpu.memory_space<semaphore_mem>>) src(%dma_wait3A_51 : memref<100000x128xf32, #tpu.memory_space<hbm>>) dst(%arg7 : memref<128x128xf32, #tpu.memory_space<vmem>>)
    %jit3A = arith.constant 64 : i32
    %div3A = arith.divsi %add3A_45, %jit3A : i32
    %sign3A = arith.constant 0 : i32
    %sign3A_52 = arith.cmpi sgt, %add3A_45, %sign3A : i32
    %sign3A_53 = arith.extui %sign3A_52 : i1 to i32
    %sign3A_54 = arith.constant 0 : i32
    %sign3A_55 = arith.cmpi slt, %add3A_45, %sign3A_54 : i32
    %sign3A_56 = arith.extui %sign3A_55 : i1 to i32
    %sign3A_57 = arith.subi %sign3A_53, %sign3A_56 : i32
    %sign3A_58 = arith.constant 0 : i32
    %sign3A_59 = arith.cmpi sgt, %jit3A, %sign3A_58 : i32
    %sign3A_60 = arith.extui %sign3A_59 : i1 to i32
    %sign3A_61 = arith.constant 0 : i32
    %sign3A_62 = arith.cmpi slt, %jit3A, %sign3A_61 : i32
    %sign3A_63 = arith.extui %sign3A_62 : i1 to i32
    %sign3A_64 = arith.subi %sign3A_60, %sign3A_63 : i32
    %ne3A = arith.cmpi ne, %sign3A_57, %sign3A_64 : i32
    %rem3A = arith.remsi %add3A_45, %jit3A : i32
    %ne3A_65 = arith.constant 0 : i32
    %ne3A_66 = arith.cmpi ne, %rem3A, %ne3A_65 : i32
    %and3A = arith.andi %ne3A, %ne3A_66 : i1
    %sub3A = arith.constant 1 : i32
    %sub3A_67 = arith.subi %div3A, %sub3A : i32
    %select_n3A = arith.select %and3A, %sub3A_67, %div3A : i32
    %jit3A_68 = arith.constant 64 : i32
    %eq3A = arith.constant 0 : i32
    %eq3A_69 = arith.cmpi eq, %jit3A_68, %eq3A : i32
    %jit3A_70 = arith.constant 1 : i32
    %select_n3A_71 = arith.select %eq3A_69, %jit3A_70, %jit3A_68 : i32
    %rem3A_72 = arith.remsi %add3A_45, %select_n3A_71 : i32
    %ne3A_73 = arith.constant 0 : i32
    %ne3A_74 = arith.cmpi ne, %rem3A_72, %ne3A_73 : i32
    %lt3A = arith.constant 0 : i32
    %lt3A_75 = arith.cmpi slt, %rem3A_72, %lt3A : i32
    %lt3A_76 = arith.constant 0 : i32
    %lt3A_77 = arith.cmpi slt, %select_n3A_71, %lt3A_76 : i32
    %ne3A_78 = arith.xori %lt3A_75, %lt3A_77 : i1
    %and3A_79 = arith.andi %ne3A_78, %ne3A_74 : i1
    %add3A_80 = arith.addi %rem3A_72, %select_n3A_71 : i32
    %select_n3A_81 = arith.select %and3A_79, %add3A_80, %rem3A_72 : i32
    %dma_start3A_82 = arith.constant 0 : i32
    %dma_start3A_83 = arith.constant 0 : i32
    %dma_start3A_84 = tpu.memref_slice %arg4[%select_n3A, %select_n3A_81, %dma_start3A_82, %dma_start3A_83] : memref<3x64x128x128xf32, #tpu.memory_space<hbm>> -> memref<1x1x128x128xf32, #tpu.memory_space<hbm>>
    %dma_start3A_85 = tpu.memref_squeeze %dma_start3A_84 : memref<1x1x128x128xf32, #tpu.memory_space<hbm>> -> memref<128x128xf32, #tpu.memory_space<hbm>>
    %dma_start3A_86 = arith.constant 0 : i32
    %dma_start3A_87 = arith.constant 0 : i32
    %dma_start3A_88 = tpu.memref_slice %arg4[%select_n3A, %select_n3A_81, %dma_start3A_86, %dma_start3A_87] : memref<3x64x128x128xf32, #tpu.memory_space<hbm>> -> memref<1x1x128x128xf32, #tpu.memory_space<hbm>>
    %dma_start3A_89 = tpu.memref_squeeze %dma_start3A_88 : memref<1x1x128x128xf32, #tpu.memory_space<hbm>> -> memref<128x128xf32, #tpu.memory_space<hbm>>
    tpu.enqueue_dma source(%arg7 : memref<128x128xf32, #tpu.memory_space<vmem>>) target(%dma_start3A_89 : memref<128x128xf32, #tpu.memory_space<hbm>>) target_semaphore(%arg20 : memref<!tpu.dma_semaphore, #tpu.memory_space<semaphore_mem>>)
    %mul3A_90 = arith.constant 6 : i32
    %mul3A_91 = arith.muli %add3A, %mul3A_90 : i32
    %add3A_92 = arith.constant 1 : i32
    %add3A_93 = arith.addi %mul3A_91, %add3A_92 : i32
    %dma_wait3A_94 = arith.constant 1 : i32
    %dma_wait3A_95 = arith.constant 0 : i32
    %dma_wait3A_96 = tpu.memref_slice %arg5[%dma_wait3A_94, %dma_wait3A_95] : memref<6x128xi32, #tpu.memory_space<vmem>> -> memref<1x128xi32, #tpu.memory_space<vmem>>
    %dma_wait3A_97 = tpu.memref_squeeze %dma_wait3A_96 : memref<1x128xi32, #tpu.memory_space<vmem>> -> memref<128xi32, #tpu.memory_space<vmem>>
    %dma_wait3A_98 = arith.constant 0 : i32
    %dma_wait3A_99 = arith.constant 0 : i32
    %dma_wait3A_100 = tpu.memref_slice %arg2[%dma_wait3A_98, %dma_wait3A_99] : memref<100000x128xf32, #tpu.memory_space<hbm>> -> memref<100000x128xf32, #tpu.memory_space<hbm>>
    tpu.wait_indirect_dma semaphore(%arg15 : memref<!tpu.dma_semaphore, #tpu.memory_space<semaphore_mem>>) src(%dma_wait3A_100 : memref<100000x128xf32, #tpu.memory_space<hbm>>) dst(%arg8 : memref<128x128xf32, #tpu.memory_space<vmem>>)
    %jit3A_101 = arith.constant 64 : i32
    %div3A_102 = arith.divsi %add3A_93, %jit3A_101 : i32
    %sign3A_103 = arith.constant 0 : i32
    %sign3A_104 = arith.cmpi sgt, %add3A_93, %sign3A_103 : i32
    %sign3A_105 = arith.extui %sign3A_104 : i1 to i32
    %sign3A_106 = arith.constant 0 : i32
    %sign3A_107 = arith.cmpi slt, %add3A_93, %sign3A_106 : i32
    %sign3A_108 = arith.extui %sign3A_107 : i1 to i32
    %sign3A_109 = arith.subi %sign3A_105, %sign3A_108 : i32
    %sign3A_110 = arith.constant 0 : i32
    %sign3A_111 = arith.cmpi sgt, %jit3A_101, %sign3A_110 : i32
    %sign3A_112 = arith.extui %sign3A_111 : i1 to i32
    %sign3A_113 = arith.constant 0 : i32
    %sign3A_114 = arith.cmpi slt, %jit3A_101, %sign3A_113 : i32
    %sign3A_115 = arith.extui %sign3A_114 : i1 to i32
    %sign3A_116 = arith.subi %sign3A_112, %sign3A_115 : i32
    %ne3A_117 = arith.cmpi ne, %sign3A_109, %sign3A_116 : i32
    %rem3A_118 = arith.remsi %add3A_93, %jit3A_101 : i32
    %ne3A_119 = arith.constant 0 : i32
    %ne3A_120 = arith.cmpi ne, %rem3A_118, %ne3A_119 : i32
    %and3A_121 = arith.andi %ne3A_117, %ne3A_120 : i1
    %sub3A_122 = arith.constant 1 : i32
    %sub3A_123 = arith.subi %div3A_102, %sub3A_122 : i32
    %select_n3A_124 = arith.select %and3A_121, %sub3A_123, %div3A_102 : i32
    %jit3A_125 = arith.constant 64 : i32
    %eq3A_126 = arith.constant 0 : i32
    %eq3A_127 = arith.cmpi eq, %jit3A_125, %eq3A_126 : i32
    %jit3A_128 = arith.constant 1 : i32
    %select_n3A_129 = arith.select %eq3A_127, %jit3A_128, %jit3A_125 : i32
    %rem3A_130 = arith.remsi %add3A_93, %select_n3A_129 : i32
    %ne3A_131 = arith.constant 0 : i32
    %ne3A_132 = arith.cmpi ne, %rem3A_130, %ne3A_131 : i32
    %lt3A_133 = arith.constant 0 : i32
    %lt3A_134 = arith.cmpi slt, %rem3A_130, %lt3A_133 : i32
    %lt3A_135 = arith.constant 0 : i32
    %lt3A_136 = arith.cmpi slt, %select_n3A_129, %lt3A_135 : i32
    %ne3A_137 = arith.xori %lt3A_134, %lt3A_136 : i1
    %and3A_138 = arith.andi %ne3A_137, %ne3A_132 : i1
    %add3A_139 = arith.addi %rem3A_130, %select_n3A_129 : i32
    %select_n3A_140 = arith.select %and3A_138, %add3A_139, %rem3A_130 : i32
    %dma_start3A_141 = arith.constant 0 : i32
    %dma_start3A_142 = arith.constant 0 : i32
    %dma_start3A_143 = tpu.memref_slice %arg4[%select_n3A_124, %select_n3A_140, %dma_start3A_141, %dma_start3A_142] : memref<3x64x128x128xf32, #tpu.memory_space<hbm>> -> memref<1x1x128x128xf32, #tpu.memory_space<hbm>>
    %dma_start3A_144 = tpu.memref_squeeze %dma_start3A_143 : memref<1x1x128x128xf32, #tpu.memory_space<hbm>> -> memref<128x128xf32, #tpu.memory_space<hbm>>
    %dma_start3A_145 = arith.constant 0 : i32
    %dma_start3A_146 = arith.constant 0 : i32
    %dma_start3A_147 = tpu.memref_slice %arg4[%select_n3A_124, %select_n3A_140, %dma_start3A_145, %dma_start3A_146] : memref<3x64x128x128xf32, #tpu.memory_space<hbm>> -> memref<1x1x128x128xf32, #tpu.memory_space<hbm>>
    %dma_start3A_148 = tpu.memref_squeeze %dma_start3A_147 : memref<1x1x128x128xf32, #tpu.memory_space<hbm>> -> memref<128x128xf32, #tpu.memory_space<hbm>>
    tpu.enqueue_dma source(%arg8 : memref<128x128xf32, #tpu.memory_space<vmem>>) target(%dma_start3A_148 : memref<128x128xf32, #tpu.memory_space<hbm>>) target_semaphore(%arg20 : memref<!tpu.dma_semaphore, #tpu.memory_space<semaphore_mem>>)
    %mul3A_149 = arith.constant 6 : i32
    %mul3A_150 = arith.muli %add3A, %mul3A_149 : i32
    %add3A_151 = arith.constant 2 : i32
    %add3A_152 = arith.addi %mul3A_150, %add3A_151 : i32
    %dma_wait3A_153 = arith.constant 2 : i32
    %dma_wait3A_154 = arith.constant 0 : i32
    %dma_wait3A_155 = tpu.memref_slice %arg5[%dma_wait3A_153, %dma_wait3A_154] : memref<6x128xi32, #tpu.memory_space<vmem>> -> memref<1x128xi32, #tpu.memory_space<vmem>>
    %dma_wait3A_156 = tpu.memref_squeeze %dma_wait3A_155 : memref<1x128xi32, #tpu.memory_space<vmem>> -> memref<128xi32, #tpu.memory_space<vmem>>
    %dma_wait3A_157 = arith.constant 0 : i32
    %dma_wait3A_158 = arith.constant 0 : i32
    %dma_wait3A_159 = tpu.memref_slice %arg2[%dma_wait3A_157, %dma_wait3A_158] : memref<100000x128xf32, #tpu.memory_space<hbm>> -> memref<100000x128xf32, #tpu.memory_space<hbm>>
    tpu.wait_indirect_dma semaphore(%arg16 : memref<!tpu.dma_semaphore, #tpu.memory_space<semaphore_mem>>) src(%dma_wait3A_159 : memref<100000x128xf32, #tpu.memory_space<hbm>>) dst(%arg9 : memref<128x128xf32, #tpu.memory_space<vmem>>)
    %jit3A_160 = arith.constant 64 : i32
    %div3A_161 = arith.divsi %add3A_152, %jit3A_160 : i32
    %sign3A_162 = arith.constant 0 : i32
    %sign3A_163 = arith.cmpi sgt, %add3A_152, %sign3A_162 : i32
    %sign3A_164 = arith.extui %sign3A_163 : i1 to i32
    %sign3A_165 = arith.constant 0 : i32
    %sign3A_166 = arith.cmpi slt, %add3A_152, %sign3A_165 : i32
    %sign3A_167 = arith.extui %sign3A_166 : i1 to i32
    %sign3A_168 = arith.subi %sign3A_164, %sign3A_167 : i32
    %sign3A_169 = arith.constant 0 : i32
    %sign3A_170 = arith.cmpi sgt, %jit3A_160, %sign3A_169 : i32
    %sign3A_171 = arith.extui %sign3A_170 : i1 to i32
    %sign3A_172 = arith.constant 0 : i32
    %sign3A_173 = arith.cmpi slt, %jit3A_160, %sign3A_172 : i32
    %sign3A_174 = arith.extui %sign3A_173 : i1 to i32
    %sign3A_175 = arith.subi %sign3A_171, %sign3A_174 : i32
    %ne3A_176 = arith.cmpi ne, %sign3A_168, %sign3A_175 : i32
    %rem3A_177 = arith.remsi %add3A_152, %jit3A_160 : i32
    %ne3A_178 = arith.constant 0 : i32
    %ne3A_179 = arith.cmpi ne, %rem3A_177, %ne3A_178 : i32
    %and3A_180 = arith.andi %ne3A_176, %ne3A_179 : i1
    %sub3A_181 = arith.constant 1 : i32
    %sub3A_182 = arith.subi %div3A_161, %sub3A_181 : i32
    %select_n3A_183 = arith.select %and3A_180, %sub3A_182, %div3A_161 : i32
    %jit3A_184 = arith.constant 64 : i32
    %eq3A_185 = arith.constant 0 : i32
    %eq3A_186 = arith.cmpi eq, %jit3A_184, %eq3A_185 : i32
    %jit3A_187 = arith.constant 1 : i32
    %select_n3A_188 = arith.select %eq3A_186, %jit3A_187, %jit3A_184 : i32
    %rem3A_189 = arith.remsi %add3A_152, %select_n3A_188 : i32
    %ne3A_190 = arith.constant 0 : i32
    %ne3A_191 = arith.cmpi ne, %rem3A_189, %ne3A_190 : i32
    %lt3A_192 = arith.constant 0 : i32
    %lt3A_193 = arith.cmpi slt, %rem3A_189, %lt3A_192 : i32
    %lt3A_194 = arith.constant 0 : i32
    %lt3A_195 = arith.cmpi slt, %select_n3A_188, %lt3A_194 : i32
    %ne3A_196 = arith.xori %lt3A_193, %lt3A_195 : i1
    %and3A_197 = arith.andi %ne3A_196, %ne3A_191 : i1
    %add3A_198 = arith.addi %rem3A_189, %select_n3A_188 : i32
    %select_n3A_199 = arith.select %and3A_197, %add3A_198, %rem3A_189 : i32
    %dma_start3A_200 = arith.constant 0 : i32
    %dma_start3A_201 = arith.constant 0 : i32
    %dma_start3A_202 = tpu.memref_slice %arg4[%select_n3A_183, %select_n3A_199, %dma_start3A_200, %dma_start3A_201] : memref<3x64x128x128xf32, #tpu.memory_space<hbm>> -> memref<1x1x128x128xf32, #tpu.memory_space<hbm>>
    %dma_start3A_203 = tpu.memref_squeeze %dma_start3A_202 : memref<1x1x128x128xf32, #tpu.memory_space<hbm>> -> memref<128x128xf32, #tpu.memory_space<hbm>>
    %dma_start3A_204 = arith.constant 0 : i32
    %dma_start3A_205 = arith.constant 0 : i32
    %dma_start3A_206 = tpu.memref_slice %arg4[%select_n3A_183, %select_n3A_199, %dma_start3A_204, %dma_start3A_205] : memref<3x64x128x128xf32, #tpu.memory_space<hbm>> -> memref<1x1x128x128xf32, #tpu.memory_space<hbm>>
    %dma_start3A_207 = tpu.memref_squeeze %dma_start3A_206 : memref<1x1x128x128xf32, #tpu.memory_space<hbm>> -> memref<128x128xf32, #tpu.memory_space<hbm>>
    tpu.enqueue_dma source(%arg9 : memref<128x128xf32, #tpu.memory_space<vmem>>) target(%dma_start3A_207 : memref<128x128xf32, #tpu.memory_space<hbm>>) target_semaphore(%arg20 : memref<!tpu.dma_semaphore, #tpu.memory_space<semaphore_mem>>)
    %mul3A_208 = arith.constant 6 : i32
    %mul3A_209 = arith.muli %add3A, %mul3A_208 : i32
    %add3A_210 = arith.constant 3 : i32
    %add3A_211 = arith.addi %mul3A_209, %add3A_210 : i32
    %dma_wait3A_212 = arith.constant 3 : i32
    %dma_wait3A_213 = arith.constant 0 : i32
    %dma_wait3A_214 = tpu.memref_slice %arg5[%dma_wait3A_212, %dma_wait3A_213] : memref<6x128xi32, #tpu.memory_space<vmem>> -> memref<1x128xi32, #tpu.memory_space<vmem>>
    %dma_wait3A_215 = tpu.memref_squeeze %dma_wait3A_214 : memref<1x128xi32, #tpu.memory_space<vmem>> -> memref<128xi32, #tpu.memory_space<vmem>>
    %dma_wait3A_216 = arith.constant 0 : i32
    %dma_wait3A_217 = arith.constant 0 : i32
    %dma_wait3A_218 = tpu.memref_slice %arg2[%dma_wait3A_216, %dma_wait3A_217] : memref<100000x128xf32, #tpu.memory_space<hbm>> -> memref<100000x128xf32, #tpu.memory_space<hbm>>
    tpu.wait_indirect_dma semaphore(%arg17 : memref<!tpu.dma_semaphore, #tpu.memory_space<semaphore_mem>>) src(%dma_wait3A_218 : memref<100000x128xf32, #tpu.memory_space<hbm>>) dst(%arg10 : memref<128x128xf32, #tpu.memory_space<vmem>>)
    %jit3A_219 = arith.constant 64 : i32
    %div3A_220 = arith.divsi %add3A_211, %jit3A_219 : i32
    %sign3A_221 = arith.constant 0 : i32
    %sign3A_222 = arith.cmpi sgt, %add3A_211, %sign3A_221 : i32
    %sign3A_223 = arith.extui %sign3A_222 : i1 to i32
    %sign3A_224 = arith.constant 0 : i32
    %sign3A_225 = arith.cmpi slt, %add3A_211, %sign3A_224 : i32
    %sign3A_226 = arith.extui %sign3A_225 : i1 to i32
    %sign3A_227 = arith.subi %sign3A_223, %sign3A_226 : i32
    %sign3A_228 = arith.constant 0 : i32
    %sign3A_229 = arith.cmpi sgt, %jit3A_219, %sign3A_228 : i32
    %sign3A_230 = arith.extui %sign3A_229 : i1 to i32
    %sign3A_231 = arith.constant 0 : i32
    %sign3A_232 = arith.cmpi slt, %jit3A_219, %sign3A_231 : i32
    %sign3A_233 = arith.extui %sign3A_232 : i1 to i32
    %sign3A_234 = arith.subi %sign3A_230, %sign3A_233 : i32
    %ne3A_235 = arith.cmpi ne, %sign3A_227, %sign3A_234 : i32
    %rem3A_236 = arith.remsi %add3A_211, %jit3A_219 : i32
    %ne3A_237 = arith.constant 0 : i32
    %ne3A_238 = arith.cmpi ne, %rem3A_236, %ne3A_237 : i32
    %and3A_239 = arith.andi %ne3A_235, %ne3A_238 : i1
    %sub3A_240 = arith.constant 1 : i32
    %sub3A_241 = arith.subi %div3A_220, %sub3A_240 : i32
    %select_n3A_242 = arith.select %and3A_239, %sub3A_241, %div3A_220 : i32
    %jit3A_243 = arith.constant 64 : i32
    %eq3A_244 = arith.constant 0 : i32
    %eq3A_245 = arith.cmpi eq, %jit3A_243, %eq3A_244 : i32
    %jit3A_246 = arith.constant 1 : i32
    %select_n3A_247 = arith.select %eq3A_245, %jit3A_246, %jit3A_243 : i32
    %rem3A_248 = arith.remsi %add3A_211, %select_n3A_247 : i32
    %ne3A_249 = arith.constant 0 : i32
    %ne3A_250 = arith.cmpi ne, %rem3A_248, %ne3A_249 : i32
    %lt3A_251 = arith.constant 0 : i32
    %lt3A_252 = arith.cmpi slt, %rem3A_248, %lt3A_251 : i32
    %lt3A_253 = arith.constant 0 : i32
    %lt3A_254 = arith.cmpi slt, %select_n3A_247, %lt3A_253 : i32
    %ne3A_255 = arith.xori %lt3A_252, %lt3A_254 : i1
    %and3A_256 = arith.andi %ne3A_255, %ne3A_250 : i1
    %add3A_257 = arith.addi %rem3A_248, %select_n3A_247 : i32
    %select_n3A_258 = arith.select %and3A_256, %add3A_257, %rem3A_248 : i32
    %dma_start3A_259 = arith.constant 0 : i32
    %dma_start3A_260 = arith.constant 0 : i32
    %dma_start3A_261 = tpu.memref_slice %arg4[%select_n3A_242, %select_n3A_258, %dma_start3A_259, %dma_start3A_260] : memref<3x64x128x128xf32, #tpu.memory_space<hbm>> -> memref<1x1x128x128xf32, #tpu.memory_space<hbm>>
    %dma_start3A_262 = tpu.memref_squeeze %dma_start3A_261 : memref<1x1x128x128xf32, #tpu.memory_space<hbm>> -> memref<128x128xf32, #tpu.memory_space<hbm>>
    %dma_start3A_263 = arith.constant 0 : i32
    %dma_start3A_264 = arith.constant 0 : i32
    %dma_start3A_265 = tpu.memref_slice %arg4[%select_n3A_242, %select_n3A_258, %dma_start3A_263, %dma_start3A_264] : memref<3x64x128x128xf32, #tpu.memory_space<hbm>> -> memref<1x1x128x128xf32, #tpu.memory_space<hbm>>
    %dma_start3A_266 = tpu.memref_squeeze %dma_start3A_265 : memref<1x1x128x128xf32, #tpu.memory_space<hbm>> -> memref<128x128xf32, #tpu.memory_space<hbm>>
    tpu.enqueue_dma source(%arg10 : memref<128x128xf32, #tpu.memory_space<vmem>>) target(%dma_start3A_266 : memref<128x128xf32, #tpu.memory_space<hbm>>) target_semaphore(%arg20 : memref<!tpu.dma_semaphore, #tpu.memory_space<semaphore_mem>>)
    %mul3A_267 = arith.constant 6 : i32
    %mul3A_268 = arith.muli %add3A, %mul3A_267 : i32
    %add3A_269 = arith.constant 4 : i32
    %add3A_270 = arith.addi %mul3A_268, %add3A_269 : i32
    %dma_wait3A_271 = arith.constant 4 : i32
    %dma_wait3A_272 = arith.constant 0 : i32
    %dma_wait3A_273 = tpu.memref_slice %arg5[%dma_wait3A_271, %dma_wait3A_272] : memref<6x128xi32, #tpu.memory_space<vmem>> -> memref<1x128xi32, #tpu.memory_space<vmem>>
    %dma_wait3A_274 = tpu.memref_squeeze %dma_wait3A_273 : memref<1x128xi32, #tpu.memory_space<vmem>> -> memref<128xi32, #tpu.memory_space<vmem>>
    %dma_wait3A_275 = arith.constant 0 : i32
    %dma_wait3A_276 = arith.constant 0 : i32
    %dma_wait3A_277 = tpu.memref_slice %arg2[%dma_wait3A_275, %dma_wait3A_276] : memref<100000x128xf32, #tpu.memory_space<hbm>> -> memref<100000x128xf32, #tpu.memory_space<hbm>>
    tpu.wait_indirect_dma semaphore(%arg18 : memref<!tpu.dma_semaphore, #tpu.memory_space<semaphore_mem>>) src(%dma_wait3A_277 : memref<100000x128xf32, #tpu.memory_space<hbm>>) dst(%arg11 : memref<128x128xf32, #tpu.memory_space<vmem>>)
    %jit3A_278 = arith.constant 64 : i32
    %div3A_279 = arith.divsi %add3A_270, %jit3A_278 : i32
    %sign3A_280 = arith.constant 0 : i32
    %sign3A_281 = arith.cmpi sgt, %add3A_270, %sign3A_280 : i32
    %sign3A_282 = arith.extui %sign3A_281 : i1 to i32
    %sign3A_283 = arith.constant 0 : i32
    %sign3A_284 = arith.cmpi slt, %add3A_270, %sign3A_283 : i32
    %sign3A_285 = arith.extui %sign3A_284 : i1 to i32
    %sign3A_286 = arith.subi %sign3A_282, %sign3A_285 : i32
    %sign3A_287 = arith.constant 0 : i32
    %sign3A_288 = arith.cmpi sgt, %jit3A_278, %sign3A_287 : i32
    %sign3A_289 = arith.extui %sign3A_288 : i1 to i32
    %sign3A_290 = arith.constant 0 : i32
    %sign3A_291 = arith.cmpi slt, %jit3A_278, %sign3A_290 : i32
    %sign3A_292 = arith.extui %sign3A_291 : i1 to i32
    %sign3A_293 = arith.subi %sign3A_289, %sign3A_292 : i32
    %ne3A_294 = arith.cmpi ne, %sign3A_286, %sign3A_293 : i32
    %rem3A_295 = arith.remsi %add3A_270, %jit3A_278 : i32
    %ne3A_296 = arith.constant 0 : i32
    %ne3A_297 = arith.cmpi ne, %rem3A_295, %ne3A_296 : i32
    %and3A_298 = arith.andi %ne3A_294, %ne3A_297 : i1
    %sub3A_299 = arith.constant 1 : i32
    %sub3A_300 = arith.subi %div3A_279, %sub3A_299 : i32
    %select_n3A_301 = arith.select %and3A_298, %sub3A_300, %div3A_279 : i32
    %jit3A_302 = arith.constant 64 : i32
    %eq3A_303 = arith.constant 0 : i32
    %eq3A_304 = arith.cmpi eq, %jit3A_302, %eq3A_303 : i32
    %jit3A_305 = arith.constant 1 : i32
    %select_n3A_306 = arith.select %eq3A_304, %jit3A_305, %jit3A_302 : i32
    %rem3A_307 = arith.remsi %add3A_270, %select_n3A_306 : i32
    %ne3A_308 = arith.constant 0 : i32
    %ne3A_309 = arith.cmpi ne, %rem3A_307, %ne3A_308 : i32
    %lt3A_310 = arith.constant 0 : i32
    %lt3A_311 = arith.cmpi slt, %rem3A_307, %lt3A_310 : i32
    %lt3A_312 = arith.constant 0 : i32
    %lt3A_313 = arith.cmpi slt, %select_n3A_306, %lt3A_312 : i32
    %ne3A_314 = arith.xori %lt3A_311, %lt3A_313 : i1
    %and3A_315 = arith.andi %ne3A_314, %ne3A_309 : i1
    %add3A_316 = arith.addi %rem3A_307, %select_n3A_306 : i32
    %select_n3A_317 = arith.select %and3A_315, %add3A_316, %rem3A_307 : i32
    %dma_start3A_318 = arith.constant 0 : i32
    %dma_start3A_319 = arith.constant 0 : i32
    %dma_start3A_320 = tpu.memref_slice %arg4[%select_n3A_301, %select_n3A_317, %dma_start3A_318, %dma_start3A_319] : memref<3x64x128x128xf32, #tpu.memory_space<hbm>> -> memref<1x1x128x128xf32, #tpu.memory_space<hbm>>
    %dma_start3A_321 = tpu.memref_squeeze %dma_start3A_320 : memref<1x1x128x128xf32, #tpu.memory_space<hbm>> -> memref<128x128xf32, #tpu.memory_space<hbm>>
    %dma_start3A_322 = arith.constant 0 : i32
    %dma_start3A_323 = arith.constant 0 : i32
    %dma_start3A_324 = tpu.memref_slice %arg4[%select_n3A_301, %select_n3A_317, %dma_start3A_322, %dma_start3A_323] : memref<3x64x128x128xf32, #tpu.memory_space<hbm>> -> memref<1x1x128x128xf32, #tpu.memory_space<hbm>>
    %dma_start3A_325 = tpu.memref_squeeze %dma_start3A_324 : memref<1x1x128x128xf32, #tpu.memory_space<hbm>> -> memref<128x128xf32, #tpu.memory_space<hbm>>
    tpu.enqueue_dma source(%arg11 : memref<128x128xf32, #tpu.memory_space<vmem>>) target(%dma_start3A_325 : memref<128x128xf32, #tpu.memory_space<hbm>>) target_semaphore(%arg20 : memref<!tpu.dma_semaphore, #tpu.memory_space<semaphore_mem>>)
    %mul3A_326 = arith.constant 6 : i32
    %mul3A_327 = arith.muli %add3A, %mul3A_326 : i32
    %add3A_328 = arith.constant 5 : i32
    %add3A_329 = arith.addi %mul3A_327, %add3A_328 : i32
    %dma_wait3A_330 = arith.constant 5 : i32
    %dma_wait3A_331 = arith.constant 0 : i32
    %dma_wait3A_332 = tpu.memref_slice %arg5[%dma_wait3A_330, %dma_wait3A_331] : memref<6x128xi32, #tpu.memory_space<vmem>> -> memref<1x128xi32, #tpu.memory_space<vmem>>
    %dma_wait3A_333 = tpu.memref_squeeze %dma_wait3A_332 : memref<1x128xi32, #tpu.memory_space<vmem>> -> memref<128xi32, #tpu.memory_space<vmem>>
    %dma_wait3A_334 = arith.constant 0 : i32
    %dma_wait3A_335 = arith.constant 0 : i32
    %dma_wait3A_336 = tpu.memref_slice %arg2[%dma_wait3A_334, %dma_wait3A_335] : memref<100000x128xf32, #tpu.memory_space<hbm>> -> memref<100000x128xf32, #tpu.memory_space<hbm>>
    tpu.wait_indirect_dma semaphore(%arg19 : memref<!tpu.dma_semaphore, #tpu.memory_space<semaphore_mem>>) src(%dma_wait3A_336 : memref<100000x128xf32, #tpu.memory_space<hbm>>) dst(%arg12 : memref<128x128xf32, #tpu.memory_space<vmem>>)
    %jit3A_337 = arith.constant 64 : i32
    %div3A_338 = arith.divsi %add3A_329, %jit3A_337 : i32
    %sign3A_339 = arith.constant 0 : i32
    %sign3A_340 = arith.cmpi sgt, %add3A_329, %sign3A_339 : i32
    %sign3A_341 = arith.extui %sign3A_340 : i1 to i32
    %sign3A_342 = arith.constant 0 : i32
    %sign3A_343 = arith.cmpi slt, %add3A_329, %sign3A_342 : i32
    %sign3A_344 = arith.extui %sign3A_343 : i1 to i32
    %sign3A_345 = arith.subi %sign3A_341, %sign3A_344 : i32
    %sign3A_346 = arith.constant 0 : i32
    %sign3A_347 = arith.cmpi sgt, %jit3A_337, %sign3A_346 : i32
    %sign3A_348 = arith.extui %sign3A_347 : i1 to i32
    %sign3A_349 = arith.constant 0 : i32
    %sign3A_350 = arith.cmpi slt, %jit3A_337, %sign3A_349 : i32
    %sign3A_351 = arith.extui %sign3A_350 : i1 to i32
    %sign3A_352 = arith.subi %sign3A_348, %sign3A_351 : i32
    %ne3A_353 = arith.cmpi ne, %sign3A_345, %sign3A_352 : i32
    %rem3A_354 = arith.remsi %add3A_329, %jit3A_337 : i32
    %ne3A_355 = arith.constant 0 : i32
    %ne3A_356 = arith.cmpi ne, %rem3A_354, %ne3A_355 : i32
    %and3A_357 = arith.andi %ne3A_353, %ne3A_356 : i1
    %sub3A_358 = arith.constant 1 : i32
    %sub3A_359 = arith.subi %div3A_338, %sub3A_358 : i32
    %select_n3A_360 = arith.select %and3A_357, %sub3A_359, %div3A_338 : i32
    %jit3A_361 = arith.constant 64 : i32
    %eq3A_362 = arith.constant 0 : i32
    %eq3A_363 = arith.cmpi eq, %jit3A_361, %eq3A_362 : i32
    %jit3A_364 = arith.constant 1 : i32
    %select_n3A_365 = arith.select %eq3A_363, %jit3A_364, %jit3A_361 : i32
    %rem3A_366 = arith.remsi %add3A_329, %select_n3A_365 : i32
    %ne3A_367 = arith.constant 0 : i32
    %ne3A_368 = arith.cmpi ne, %rem3A_366, %ne3A_367 : i32
    %lt3A_369 = arith.constant 0 : i32
    %lt3A_370 = arith.cmpi slt, %rem3A_366, %lt3A_369 : i32
    %lt3A_371 = arith.constant 0 : i32
    %lt3A_372 = arith.cmpi slt, %select_n3A_365, %lt3A_371 : i32
    %ne3A_373 = arith.xori %lt3A_370, %lt3A_372 : i1
    %and3A_374 = arith.andi %ne3A_373, %ne3A_368 : i1
    %add3A_375 = arith.addi %rem3A_366, %select_n3A_365 : i32
    %select_n3A_376 = arith.select %and3A_374, %add3A_375, %rem3A_366 : i32
    %dma_start3A_377 = arith.constant 0 : i32
    %dma_start3A_378 = arith.constant 0 : i32
    %dma_start3A_379 = tpu.memref_slice %arg4[%select_n3A_360, %select_n3A_376, %dma_start3A_377, %dma_start3A_378] : memref<3x64x128x128xf32, #tpu.memory_space<hbm>> -> memref<1x1x128x128xf32, #tpu.memory_space<hbm>>
    %dma_start3A_380 = tpu.memref_squeeze %dma_start3A_379 : memref<1x1x128x128xf32, #tpu.memory_space<hbm>> -> memref<128x128xf32, #tpu.memory_space<hbm>>
    %dma_start3A_381 = arith.constant 0 : i32
    %dma_start3A_382 = arith.constant 0 : i32
    %dma_start3A_383 = tpu.memref_slice %arg4[%select_n3A_360, %select_n3A_376, %dma_start3A_381, %dma_start3A_382] : memref<3x64x128x128xf32, #tpu.memory_space<hbm>> -> memref<1x1x128x128xf32, #tpu.memory_space<hbm>>
    %dma_start3A_384 = tpu.memref_squeeze %dma_start3A_383 : memref<1x1x128x128xf32, #tpu.memory_space<hbm>> -> memref<128x128xf32, #tpu.memory_space<hbm>>
    tpu.enqueue_dma source(%arg12 : memref<128x128xf32, #tpu.memory_space<vmem>>) target(%dma_start3A_384 : memref<128x128xf32, #tpu.memory_space<hbm>>) target_semaphore(%arg20 : memref<!tpu.dma_semaphore, #tpu.memory_space<semaphore_mem>>)
    %dma_wait3A_385 = arith.constant 0 : i32
    %dma_wait3A_386 = arith.constant 0 : i32
    %dma_wait3A_387 = arith.constant 0 : i32
    %dma_wait3A_388 = arith.constant 0 : i32
    %dma_wait3A_389 = tpu.memref_slice %arg4[%dma_wait3A_385, %dma_wait3A_386, %dma_wait3A_387, %dma_wait3A_388] : memref<3x64x128x128xf32, #tpu.memory_space<hbm>> -> memref<1x1x128x128xf32, #tpu.memory_space<hbm>>
    %dma_wait3A_390 = tpu.memref_squeeze %dma_wait3A_389 : memref<1x1x128x128xf32, #tpu.memory_space<hbm>> -> memref<128x128xf32, #tpu.memory_space<hbm>>
    %dma_wait3A_391 = arith.constant 0 : i32
    %dma_wait3A_392 = arith.constant 0 : i32
    %dma_wait3A_393 = tpu.memref_slice %arg4[%dma_wait3A_385, %dma_wait3A_386, %dma_wait3A_391, %dma_wait3A_392] : memref<3x64x128x128xf32, #tpu.memory_space<hbm>> -> memref<1x1x128x128xf32, #tpu.memory_space<hbm>>
    %dma_wait3A_394 = tpu.memref_squeeze %dma_wait3A_393 : memref<1x1x128x128xf32, #tpu.memory_space<hbm>> -> memref<128x128xf32, #tpu.memory_space<hbm>>
    tpu.wait_dma2 semaphore(%arg20 : memref<!tpu.dma_semaphore, #tpu.memory_space<semaphore_mem>>) src(%arg7 : memref<128x128xf32, #tpu.memory_space<vmem>>) dst(%dma_wait3A_394 : memref<128x128xf32, #tpu.memory_space<hbm>>)
    %dma_wait3A_395 = arith.constant 0 : i32
    %dma_wait3A_396 = arith.constant 0 : i32
    %dma_wait3A_397 = arith.constant 0 : i32
    %dma_wait3A_398 = arith.constant 0 : i32
    %dma_wait3A_399 = tpu.memref_slice %arg4[%dma_wait3A_395, %dma_wait3A_396, %dma_wait3A_397, %dma_wait3A_398] : memref<3x64x128x128xf32, #tpu.memory_space<hbm>> -> memref<1x1x128x128xf32, #tpu.memory_space<hbm>>
    %dma_wait3A_400 = tpu.memref_squeeze %dma_wait3A_399 : memref<1x1x128x128xf32, #tpu.memory_space<hbm>> -> memref<128x128xf32, #tpu.memory_space<hbm>>
    %dma_wait3A_401 = arith.constant 0 : i32
    %dma_wait3A_402 = arith.constant 0 : i32
    %dma_wait3A_403 = tpu.memref_slice %arg4[%dma_wait3A_395, %dma_wait3A_396, %dma_wait3A_401, %dma_wait3A_402] : memref<3x64x128x128xf32, #tpu.memory_space<hbm>> -> memref<1x1x128x128xf32, #tpu.memory_space<hbm>>
    %dma_wait3A_404 = tpu.memref_squeeze %dma_wait3A_403 : memref<1x1x128x128xf32, #tpu.memory_space<hbm>> -> memref<128x128xf32, #tpu.memory_space<hbm>>
    tpu.wait_dma2 semaphore(%arg20 : memref<!tpu.dma_semaphore, #tpu.memory_space<semaphore_mem>>) src(%arg8 : memref<128x128xf32, #tpu.memory_space<vmem>>) dst(%dma_wait3A_404 : memref<128x128xf32, #tpu.memory_space<hbm>>)
    %dma_wait3A_405 = arith.constant 0 : i32
    %dma_wait3A_406 = arith.constant 0 : i32
    %dma_wait3A_407 = arith.constant 0 : i32
    %dma_wait3A_408 = arith.constant 0 : i32
    %dma_wait3A_409 = tpu.memref_slice %arg4[%dma_wait3A_405, %dma_wait3A_406, %dma_wait3A_407, %dma_wait3A_408] : memref<3x64x128x128xf32, #tpu.memory_space<hbm>> -> memref<1x1x128x128xf32, #tpu.memory_space<hbm>>
    %dma_wait3A_410 = tpu.memref_squeeze %dma_wait3A_409 : memref<1x1x128x128xf32, #tpu.memory_space<hbm>> -> memref<128x128xf32, #tpu.memory_space<hbm>>
    %dma_wait3A_411 = arith.constant 0 : i32
    %dma_wait3A_412 = arith.constant 0 : i32
    %dma_wait3A_413 = tpu.memref_slice %arg4[%dma_wait3A_405, %dma_wait3A_406, %dma_wait3A_411, %dma_wait3A_412] : memref<3x64x128x128xf32, #tpu.memory_space<hbm>> -> memref<1x1x128x128xf32, #tpu.memory_space<hbm>>
    %dma_wait3A_414 = tpu.memref_squeeze %dma_wait3A_413 : memref<1x1x128x128xf32, #tpu.memory_space<hbm>> -> memref<128x128xf32, #tpu.memory_space<hbm>>
    tpu.wait_dma2 semaphore(%arg20 : memref<!tpu.dma_semaphore, #tpu.memory_space<semaphore_mem>>) src(%arg9 : memref<128x128xf32, #tpu.memory_space<vmem>>) dst(%dma_wait3A_414 : memref<128x128xf32, #tpu.memory_space<hbm>>)
    %dma_wait3A_415 = arith.constant 0 : i32
    %dma_wait3A_416 = arith.constant 0 : i32
    %dma_wait3A_417 = arith.constant 0 : i32
    %dma_wait3A_418 = arith.constant 0 : i32
    %dma_wait3A_419 = tpu.memref_slice %arg4[%dma_wait3A_415, %dma_wait3A_416, %dma_wait3A_417, %dma_wait3A_418] : memref<3x64x128x128xf32, #tpu.memory_space<hbm>> -> memref<1x1x128x128xf32, #tpu.memory_space<hbm>>
    %dma_wait3A_420 = tpu.memref_squeeze %dma_wait3A_419 : memref<1x1x128x128xf32, #tpu.memory_space<hbm>> -> memref<128x128xf32, #tpu.memory_space<hbm>>
    %dma_wait3A_421 = arith.constant 0 : i32
    %dma_wait3A_422 = arith.constant 0 : i32
    %dma_wait3A_423 = tpu.memref_slice %arg4[%dma_wait3A_415, %dma_wait3A_416, %dma_wait3A_421, %dma_wait3A_422] : memref<3x64x128x128xf32, #tpu.memory_space<hbm>> -> memref<1x1x128x128xf32, #tpu.memory_space<hbm>>
    %dma_wait3A_424 = tpu.memref_squeeze %dma_wait3A_423 : memref<1x1x128x128xf32, #tpu.memory_space<hbm>> -> memref<128x128xf32, #tpu.memory_space<hbm>>
    tpu.wait_dma2 semaphore(%arg20 : memref<!tpu.dma_semaphore, #tpu.memory_space<semaphore_mem>>) src(%arg10 : memref<128x128xf32, #tpu.memory_space<vmem>>) dst(%dma_wait3A_424 : memref<128x128xf32, #tpu.memory_space<hbm>>)
    %dma_wait3A_425 = arith.constant 0 : i32
    %dma_wait3A_426 = arith.constant 0 : i32
    %dma_wait3A_427 = arith.constant 0 : i32
    %dma_wait3A_428 = arith.constant 0 : i32
    %dma_wait3A_429 = tpu.memref_slice %arg4[%dma_wait3A_425, %dma_wait3A_426, %dma_wait3A_427, %dma_wait3A_428] : memref<3x64x128x128xf32, #tpu.memory_space<hbm>> -> memref<1x1x128x128xf32, #tpu.memory_space<hbm>>
    %dma_wait3A_430 = tpu.memref_squeeze %dma_wait3A_429 : memref<1x1x128x128xf32, #tpu.memory_space<hbm>> -> memref<128x128xf32, #tpu.memory_space<hbm>>
    %dma_wait3A_431 = arith.constant 0 : i32
    %dma_wait3A_432 = arith.constant 0 : i32
    %dma_wait3A_433 = tpu.memref_slice %arg4[%dma_wait3A_425, %dma_wait3A_426, %dma_wait3A_431, %dma_wait3A_432] : memref<3x64x128x128xf32, #tpu.memory_space<hbm>> -> memref<1x1x128x128xf32, #tpu.memory_space<hbm>>
    %dma_wait3A_434 = tpu.memref_squeeze %dma_wait3A_433 : memref<1x1x128x128xf32, #tpu.memory_space<hbm>> -> memref<128x128xf32, #tpu.memory_space<hbm>>
    tpu.wait_dma2 semaphore(%arg20 : memref<!tpu.dma_semaphore, #tpu.memory_space<semaphore_mem>>) src(%arg11 : memref<128x128xf32, #tpu.memory_space<vmem>>) dst(%dma_wait3A_434 : memref<128x128xf32, #tpu.memory_space<hbm>>)
    %dma_wait3A_435 = arith.constant 0 : i32
    %dma_wait3A_436 = arith.constant 0 : i32
    %dma_wait3A_437 = arith.constant 0 : i32
    %dma_wait3A_438 = arith.constant 0 : i32
    %dma_wait3A_439 = tpu.memref_slice %arg4[%dma_wait3A_435, %dma_wait3A_436, %dma_wait3A_437, %dma_wait3A_438] : memref<3x64x128x128xf32, #tpu.memory_space<hbm>> -> memref<1x1x128x128xf32, #tpu.memory_space<hbm>>
    %dma_wait3A_440 = tpu.memref_squeeze %dma_wait3A_439 : memref<1x1x128x128xf32, #tpu.memory_space<hbm>> -> memref<128x128xf32, #tpu.memory_space<hbm>>
    %dma_wait3A_441 = arith.constant 0 : i32
    %dma_wait3A_442 = arith.constant 0 : i32
    %dma_wait3A_443 = tpu.memref_slice %arg4[%dma_wait3A_435, %dma_wait3A_436, %dma_wait3A_441, %dma_wait3A_442] : memref<3x64x128x128xf32, #tpu.memory_space<hbm>> -> memref<1x1x128x128xf32, #tpu.memory_space<hbm>>
    %dma_wait3A_444 = tpu.memref_squeeze %dma_wait3A_443 : memref<1x1x128x128xf32, #tpu.memory_space<hbm>> -> memref<128x128xf32, #tpu.memory_space<hbm>>
    tpu.wait_dma2 semaphore(%arg20 : memref<!tpu.dma_semaphore, #tpu.memory_space<semaphore_mem>>) src(%arg12 : memref<128x128xf32, #tpu.memory_space<vmem>>) dst(%dma_wait3A_444 : memref<128x128xf32, #tpu.memory_space<hbm>>)
    return
  }
}

#map = affine_map<(d0, d1) -> (0, 0)>
#map1 = affine_map<(d0, d1) -> (0, 0, 0)>
#map2 = affine_map<(d0, d1) -> (0, 0, 0, 0)>
module attributes {stable_mosaic.version = 14 : i64} {
  func.func @body(%arg0: i32, %arg1: i32, %arg2: memref<100000x128xf32, #tpu.memory_space<hbm>>, %arg3: memref<32x6x128xi32, #tpu.memory_space<hbm>>, %arg4: memref<3x64x128x128xf32, #tpu.memory_space<hbm>>, %arg5: memref<6x128xi32, #tpu.memory_space<vmem>>, %arg6: memref<8xi32, #tpu.memory_space<vmem>>, %arg7: memref<128x128xf32, #tpu.memory_space<vmem>>, %arg8: memref<128x128xf32, #tpu.memory_space<vmem>>, %arg9: memref<128x128xf32, #tpu.memory_space<vmem>>, %arg10: memref<128x128xf32, #tpu.memory_space<vmem>>, %arg11: memref<128x128xf32, #tpu.memory_space<vmem>>, %arg12: memref<128x128xf32, #tpu.memory_space<vmem>>, %arg13: memref<8x128xf32, #tpu.memory_space<vmem>>, %arg14: memref<!tpu.dma_semaphore, #tpu.memory_space<semaphore_mem>>, %arg15: memref<!tpu.dma_semaphore, #tpu.memory_space<semaphore_mem>>, %arg16: memref<!tpu.dma_semaphore, #tpu.memory_space<semaphore_mem>>, %arg17: memref<!tpu.dma_semaphore, #tpu.memory_space<semaphore_mem>>, %arg18: memref<!tpu.dma_semaphore, #tpu.memory_space<semaphore_mem>>, %arg19: memref<!tpu.dma_semaphore, #tpu.memory_space<semaphore_mem>>, %arg20: memref<!tpu.dma_semaphore, #tpu.memory_space<semaphore_mem>>) attributes {dimension_semantics = [#tpu.dimension_semantics<core_parallel>, #tpu.dimension_semantics<subcore_parallel>], iteration_bounds = array<i64: 2, 16>, scalar_prefetch = 0 : i64, scratch_operands = 16 : i64, tpu.core_type = #tpu.core_type<sc_vector_subcore>, window_params = [{transform_indices = #map}, {transform_indices = #map1}, {transform_indices = #map2}]} {
    %mul3A = arith.constant 2 : i32
    %mul3A_0 = arith.muli %arg1, %mul3A : i32
    %add3A = arith.addi %mul3A_0, %arg0 : i32
    "tpu.region"() ({
      %run_scoped3A = tpu.sem_alloc : memref<!tpu.dma_semaphore, #tpu.memory_space<semaphore_mem>>
      %dma_start3A_445 = arith.constant 0 : i32
      %dma_start3A_446 = arith.constant 0 : i32
      %dma_start3A_447 = tpu.memref_slice %arg3[%add3A, %dma_start3A_445, %dma_start3A_446] : memref<32x6x128xi32, #tpu.memory_space<hbm>> -> memref<1x6x128xi32, #tpu.memory_space<hbm>>
      %dma_start3A_448 = tpu.memref_squeeze %dma_start3A_447 : memref<1x6x128xi32, #tpu.memory_space<hbm>> -> memref<6x128xi32, #tpu.memory_space<hbm>>
      %dma_start3A_449 = arith.constant 0 : i32
      %dma_start3A_450 = arith.constant 0 : i32
      %dma_start3A_451 = tpu.memref_slice %arg3[%add3A, %dma_start3A_449, %dma_start3A_450] : memref<32x6x128xi32, #tpu.memory_space<hbm>> -> memref<1x6x128xi32, #tpu.memory_space<hbm>>
      %dma_start3A_452 = tpu.memref_squeeze %dma_start3A_451 : memref<1x6x128xi32, #tpu.memory_space<hbm>> -> memref<6x128xi32, #tpu.memory_space<hbm>>
      tpu.enqueue_dma source(%dma_start3A_452 : memref<6x128xi32, #tpu.memory_space<hbm>>) target(%arg5 : memref<6x128xi32, #tpu.memory_space<vmem>>) target_semaphore(%run_scoped3A : memref<!tpu.dma_semaphore, #tpu.memory_space<semaphore_mem>>)
      %dma_wait3A_453 = arith.constant 0 : i32
      %dma_wait3A_454 = arith.constant 0 : i32
      %dma_wait3A_455 = tpu.memref_slice %arg3[%add3A, %dma_wait3A_453, %dma_wait3A_454] : memref<32x6x128xi32, #tpu.memory_space<hbm>> -> memref<1x6x128xi32, #tpu.memory_space<hbm>>
      %dma_wait3A_456 = tpu.memref_squeeze %dma_wait3A_455 : memref<1x6x128xi32, #tpu.memory_space<hbm>> -> memref<6x128xi32, #tpu.memory_space<hbm>>
      %dma_wait3A_457 = arith.constant 0 : i32
      %dma_wait3A_458 = arith.constant 0 : i32
      %dma_wait3A_459 = tpu.memref_slice %arg3[%add3A, %dma_wait3A_457, %dma_wait3A_458] : memref<32x6x128xi32, #tpu.memory_space<hbm>> -> memref<1x6x128xi32, #tpu.memory_space<hbm>>
      %dma_wait3A_460 = tpu.memref_squeeze %dma_wait3A_459 : memref<1x6x128xi32, #tpu.memory_space<hbm>> -> memref<6x128xi32, #tpu.memory_space<hbm>>
      tpu.wait_dma2 semaphore(%run_scoped3A : memref<!tpu.dma_semaphore, #tpu.memory_space<semaphore_mem>>) src(%dma_wait3A_460 : memref<6x128xi32, #tpu.memory_space<hbm>>) dst(%arg5 : memref<6x128xi32, #tpu.memory_space<vmem>>)
      tpu.yield
    }) : () -> ()
    %dma_start3A = arith.constant 0 : i32
    %dma_start3A_1 = arith.constant 0 : i32
    %dma_start3A_2 = tpu.memref_slice %arg5[%dma_start3A, %dma_start3A_1] : memref<6x128xi32, #tpu.memory_space<vmem>> -> memref<1x128xi32, #tpu.memory_space<vmem>>
    %dma_start3A_3 = tpu.memref_squeeze %dma_start3A_2 : memref<1x128xi32, #tpu.memory_space<vmem>> -> memref<128xi32, #tpu.memory_space<vmem>>
    %dma_start3A_4 = arith.constant 0 : i32
    %dma_start3A_5 = arith.constant 0 : i32
    %dma_start3A_6 = tpu.memref_slice %arg2[%dma_start3A_4, %dma_start3A_5] : memref<100000x128xf32, #tpu.memory_space<hbm>> -> memref<100000x128xf32, #tpu.memory_space<hbm>>
    tpu.enqueue_indirect_dma source(%dma_start3A_6 : memref<100000x128xf32, #tpu.memory_space<hbm>>) target(%arg7 : memref<128x128xf32, #tpu.memory_space<vmem>>) offsets(%dma_start3A_3 : memref<128xi32, #tpu.memory_space<vmem>>) semaphore(%arg14 : memref<!tpu.dma_semaphore, #tpu.memory_space<semaphore_mem>>)
    %dma_start3A_7 = arith.constant 1 : i32
    %dma_start3A_8 = arith.constant 0 : i32
    %dma_start3A_9 = tpu.memref_slice %arg5[%dma_start3A_7, %dma_start3A_8] : memref<6x128xi32, #tpu.memory_space<vmem>> -> memref<1x128xi32, #tpu.memory_space<vmem>>
    %dma_start3A_10 = tpu.memref_squeeze %dma_start3A_9 : memref<1x128xi32, #tpu.memory_space<vmem>> -> memref<128xi32, #tpu.memory_space<vmem>>
    %dma_start3A_11 = arith.constant 0 : i32
    %dma_start3A_12 = arith.constant 0 : i32
    %dma_start3A_13 = tpu.memref_slice %arg2[%dma_start3A_11, %dma_start3A_12] : memref<100000x128xf32, #tpu.memory_space<hbm>> -> memref<100000x128xf32, #tpu.memory_space<hbm>>
    tpu.enqueue_indirect_dma source(%dma_start3A_13 : memref<100000x128xf32, #tpu.memory_space<hbm>>) target(%arg8 : memref<128x128xf32, #tpu.memory_space<vmem>>) offsets(%dma_start3A_10 : memref<128xi32, #tpu.memory_space<vmem>>) semaphore(%arg15 : memref<!tpu.dma_semaphore, #tpu.memory_space<semaphore_mem>>)
    %dma_start3A_14 = arith.constant 2 : i32
    %dma_start3A_15 = arith.constant 0 : i32
    %dma_start3A_16 = tpu.memref_slice %arg5[%dma_start3A_14, %dma_start3A_15] : memref<6x128xi32, #tpu.memory_space<vmem>> -> memref<1x128xi32, #tpu.memory_space<vmem>>
    %dma_start3A_17 = tpu.memref_squeeze %dma_start3A_16 : memref<1x128xi32, #tpu.memory_space<vmem>> -> memref<128xi32, #tpu.memory_space<vmem>>
    %dma_start3A_18 = arith.constant 0 : i32
    %dma_start3A_19 = arith.constant 0 : i32
    %dma_start3A_20 = tpu.memref_slice %arg2[%dma_start3A_18, %dma_start3A_19] : memref<100000x128xf32, #tpu.memory_space<hbm>> -> memref<100000x128xf32, #tpu.memory_space<hbm>>
    tpu.enqueue_indirect_dma source(%dma_start3A_20 : memref<100000x128xf32, #tpu.memory_space<hbm>>) target(%arg9 : memref<128x128xf32, #tpu.memory_space<vmem>>) offsets(%dma_start3A_17 : memref<128xi32, #tpu.memory_space<vmem>>) semaphore(%arg16 : memref<!tpu.dma_semaphore, #tpu.memory_space<semaphore_mem>>)
    %dma_start3A_21 = arith.constant 3 : i32
    %dma_start3A_22 = arith.constant 0 : i32
    %dma_start3A_23 = tpu.memref_slice %arg5[%dma_start3A_21, %dma_start3A_22] : memref<6x128xi32, #tpu.memory_space<vmem>> -> memref<1x128xi32, #tpu.memory_space<vmem>>
    %dma_start3A_24 = tpu.memref_squeeze %dma_start3A_23 : memref<1x128xi32, #tpu.memory_space<vmem>> -> memref<128xi32, #tpu.memory_space<vmem>>
    %dma_start3A_25 = arith.constant 0 : i32
    %dma_start3A_26 = arith.constant 0 : i32
    %dma_start3A_27 = tpu.memref_slice %arg2[%dma_start3A_25, %dma_start3A_26] : memref<100000x128xf32, #tpu.memory_space<hbm>> -> memref<100000x128xf32, #tpu.memory_space<hbm>>
    tpu.enqueue_indirect_dma source(%dma_start3A_27 : memref<100000x128xf32, #tpu.memory_space<hbm>>) target(%arg10 : memref<128x128xf32, #tpu.memory_space<vmem>>) offsets(%dma_start3A_24 : memref<128xi32, #tpu.memory_space<vmem>>) semaphore(%arg17 : memref<!tpu.dma_semaphore, #tpu.memory_space<semaphore_mem>>)
    %dma_start3A_28 = arith.constant 4 : i32
    %dma_start3A_29 = arith.constant 0 : i32
    %dma_start3A_30 = tpu.memref_slice %arg5[%dma_start3A_28, %dma_start3A_29] : memref<6x128xi32, #tpu.memory_space<vmem>> -> memref<1x128xi32, #tpu.memory_space<vmem>>
    %dma_start3A_31 = tpu.memref_squeeze %dma_start3A_30 : memref<1x128xi32, #tpu.memory_space<vmem>> -> memref<128xi32, #tpu.memory_space<vmem>>
    %dma_start3A_32 = arith.constant 0 : i32
    %dma_start3A_33 = arith.constant 0 : i32
    %dma_start3A_34 = tpu.memref_slice %arg2[%dma_start3A_32, %dma_start3A_33] : memref<100000x128xf32, #tpu.memory_space<hbm>> -> memref<100000x128xf32, #tpu.memory_space<hbm>>
    tpu.enqueue_indirect_dma source(%dma_start3A_34 : memref<100000x128xf32, #tpu.memory_space<hbm>>) target(%arg11 : memref<128x128xf32, #tpu.memory_space<vmem>>) offsets(%dma_start3A_31 : memref<128xi32, #tpu.memory_space<vmem>>) semaphore(%arg18 : memref<!tpu.dma_semaphore, #tpu.memory_space<semaphore_mem>>)
    %dma_start3A_35 = arith.constant 5 : i32
    %dma_start3A_36 = arith.constant 0 : i32
    %dma_start3A_37 = tpu.memref_slice %arg5[%dma_start3A_35, %dma_start3A_36] : memref<6x128xi32, #tpu.memory_space<vmem>> -> memref<1x128xi32, #tpu.memory_space<vmem>>
    %dma_start3A_38 = tpu.memref_squeeze %dma_start3A_37 : memref<1x128xi32, #tpu.memory_space<vmem>> -> memref<128xi32, #tpu.memory_space<vmem>>
    %dma_start3A_39 = arith.constant 0 : i32
    %dma_start3A_40 = arith.constant 0 : i32
    %dma_start3A_41 = tpu.memref_slice %arg2[%dma_start3A_39, %dma_start3A_40] : memref<100000x128xf32, #tpu.memory_space<hbm>> -> memref<100000x128xf32, #tpu.memory_space<hbm>>
    tpu.enqueue_indirect_dma source(%dma_start3A_41 : memref<100000x128xf32, #tpu.memory_space<hbm>>) target(%arg12 : memref<128x128xf32, #tpu.memory_space<vmem>>) offsets(%dma_start3A_38 : memref<128xi32, #tpu.memory_space<vmem>>) semaphore(%arg19 : memref<!tpu.dma_semaphore, #tpu.memory_space<semaphore_mem>>)
    %mul3A_42 = arith.constant 6 : i32
    %mul3A_43 = arith.muli %add3A, %mul3A_42 : i32
    %add3A_44 = arith.constant 0 : i32
    %add3A_45 = arith.addi %mul3A_43, %add3A_44 : i32
    %dma_wait3A = arith.constant 0 : i32
    %dma_wait3A_46 = arith.constant 0 : i32
    %dma_wait3A_47 = tpu.memref_slice %arg5[%dma_wait3A, %dma_wait3A_46] : memref<6x128xi32, #tpu.memory_space<vmem>> -> memref<1x128xi32, #tpu.memory_space<vmem>>
    %dma_wait3A_48 = tpu.memref_squeeze %dma_wait3A_47 : memref<1x128xi32, #tpu.memory_space<vmem>> -> memref<128xi32, #tpu.memory_space<vmem>>
    %dma_wait3A_49 = arith.constant 0 : i32
    %dma_wait3A_50 = arith.constant 0 : i32
    %dma_wait3A_51 = tpu.memref_slice %arg2[%dma_wait3A_49, %dma_wait3A_50] : memref<100000x128xf32, #tpu.memory_space<hbm>> -> memref<100000x128xf32, #tpu.memory_space<hbm>>
    tpu.wait_indirect_dma semaphore(%arg14 : memref<!tpu.dma_semaphore, #tpu.memory_space<semaphore_mem>>) src(%dma_wait3A_51 : memref<100000x128xf32, #tpu.memory_space<hbm>>) dst(%arg7 : memref<128x128xf32, #tpu.memory_space<vmem>>)
    %jit3A = arith.constant 64 : i32
    %div3A = arith.divsi %add3A_45, %jit3A : i32
    %sign3A = arith.constant 0 : i32
    %sign3A_52 = arith.cmpi sgt, %add3A_45, %sign3A : i32
    %sign3A_53 = arith.extui %sign3A_52 : i1 to i32
    %sign3A_54 = arith.constant 0 : i32
    %sign3A_55 = arith.cmpi slt, %add3A_45, %sign3A_54 : i32
    %sign3A_56 = arith.extui %sign3A_55 : i1 to i32
    %sign3A_57 = arith.subi %sign3A_53, %sign3A_56 : i32
    %sign3A_58 = arith.constant 0 : i32
    %sign3A_59 = arith.cmpi sgt, %jit3A, %sign3A_58 : i32
    %sign3A_60 = arith.extui %sign3A_59 : i1 to i32
    %sign3A_61 = arith.constant 0 : i32
    %sign3A_62 = arith.cmpi slt, %jit3A, %sign3A_61 : i32
    %sign3A_63 = arith.extui %sign3A_62 : i1 to i32
    %sign3A_64 = arith.subi %sign3A_60, %sign3A_63 : i32
    %ne3A = arith.cmpi ne, %sign3A_57, %sign3A_64 : i32
    %rem3A = arith.remsi %add3A_45, %jit3A : i32
    %ne3A_65 = arith.constant 0 : i32
    %ne3A_66 = arith.cmpi ne, %rem3A, %ne3A_65 : i32
    %and3A = arith.andi %ne3A, %ne3A_66 : i1
    %sub3A = arith.constant 1 : i32
    %sub3A_67 = arith.subi %div3A, %sub3A : i32
    %select_n3A = arith.select %and3A, %sub3A_67, %div3A : i32
    %jit3A_68 = arith.constant 64 : i32
    %eq3A = arith.constant 0 : i32
    %eq3A_69 = arith.cmpi eq, %jit3A_68, %eq3A : i32
    %jit3A_70 = arith.constant 1 : i32
    %select_n3A_71 = arith.select %eq3A_69, %jit3A_70, %jit3A_68 : i32
    %rem3A_72 = arith.remsi %add3A_45, %select_n3A_71 : i32
    %ne3A_73 = arith.constant 0 : i32
    %ne3A_74 = arith.cmpi ne, %rem3A_72, %ne3A_73 : i32
    %lt3A = arith.constant 0 : i32
    %lt3A_75 = arith.cmpi slt, %rem3A_72, %lt3A : i32
    %lt3A_76 = arith.constant 0 : i32
    %lt3A_77 = arith.cmpi slt, %select_n3A_71, %lt3A_76 : i32
    %ne3A_78 = arith.xori %lt3A_75, %lt3A_77 : i1
    %and3A_79 = arith.andi %ne3A_78, %ne3A_74 : i1
    %add3A_80 = arith.addi %rem3A_72, %select_n3A_71 : i32
    %select_n3A_81 = arith.select %and3A_79, %add3A_80, %rem3A_72 : i32
    %dma_start3A_82 = arith.constant 0 : i32
    %dma_start3A_83 = arith.constant 0 : i32
    %dma_start3A_84 = tpu.memref_slice %arg4[%select_n3A, %select_n3A_81, %dma_start3A_82, %dma_start3A_83] : memref<3x64x128x128xf32, #tpu.memory_space<hbm>> -> memref<1x1x128x128xf32, #tpu.memory_space<hbm>>
    %dma_start3A_85 = tpu.memref_squeeze %dma_start3A_84 : memref<1x1x128x128xf32, #tpu.memory_space<hbm>> -> memref<128x128xf32, #tpu.memory_space<hbm>>
    %dma_start3A_86 = arith.constant 0 : i32
    %dma_start3A_87 = arith.constant 0 : i32
    %dma_start3A_88 = tpu.memref_slice %arg4[%select_n3A, %select_n3A_81, %dma_start3A_86, %dma_start3A_87] : memref<3x64x128x128xf32, #tpu.memory_space<hbm>> -> memref<1x1x128x128xf32, #tpu.memory_space<hbm>>
    %dma_start3A_89 = tpu.memref_squeeze %dma_start3A_88 : memref<1x1x128x128xf32, #tpu.memory_space<hbm>> -> memref<128x128xf32, #tpu.memory_space<hbm>>
    tpu.enqueue_dma source(%arg7 : memref<128x128xf32, #tpu.memory_space<vmem>>) target(%dma_start3A_89 : memref<128x128xf32, #tpu.memory_space<hbm>>) target_semaphore(%arg20 : memref<!tpu.dma_semaphore, #tpu.memory_space<semaphore_mem>>)
    %mul3A_90 = arith.constant 6 : i32
    %mul3A_91 = arith.muli %add3A, %mul3A_90 : i32
    %add3A_92 = arith.constant 1 : i32
    %add3A_93 = arith.addi %mul3A_91, %add3A_92 : i32
    %dma_wait3A_94 = arith.constant 1 : i32
    %dma_wait3A_95 = arith.constant 0 : i32
    %dma_wait3A_96 = tpu.memref_slice %arg5[%dma_wait3A_94, %dma_wait3A_95] : memref<6x128xi32, #tpu.memory_space<vmem>> -> memref<1x128xi32, #tpu.memory_space<vmem>>
    %dma_wait3A_97 = tpu.memref_squeeze %dma_wait3A_96 : memref<1x128xi32, #tpu.memory_space<vmem>> -> memref<128xi32, #tpu.memory_space<vmem>>
    %dma_wait3A_98 = arith.constant 0 : i32
    %dma_wait3A_99 = arith.constant 0 : i32
    %dma_wait3A_100 = tpu.memref_slice %arg2[%dma_wait3A_98, %dma_wait3A_99] : memref<100000x128xf32, #tpu.memory_space<hbm>> -> memref<100000x128xf32, #tpu.memory_space<hbm>>
    tpu.wait_indirect_dma semaphore(%arg15 : memref<!tpu.dma_semaphore, #tpu.memory_space<semaphore_mem>>) src(%dma_wait3A_100 : memref<100000x128xf32, #tpu.memory_space<hbm>>) dst(%arg8 : memref<128x128xf32, #tpu.memory_space<vmem>>)
    %jit3A_101 = arith.constant 64 : i32
    %div3A_102 = arith.divsi %add3A_93, %jit3A_101 : i32
    %sign3A_103 = arith.constant 0 : i32
    %sign3A_104 = arith.cmpi sgt, %add3A_93, %sign3A_103 : i32
    %sign3A_105 = arith.extui %sign3A_104 : i1 to i32
    %sign3A_106 = arith.constant 0 : i32
    %sign3A_107 = arith.cmpi slt, %add3A_93, %sign3A_106 : i32
    %sign3A_108 = arith.extui %sign3A_107 : i1 to i32
    %sign3A_109 = arith.subi %sign3A_105, %sign3A_108 : i32
    %sign3A_110 = arith.constant 0 : i32
    %sign3A_111 = arith.cmpi sgt, %jit3A_101, %sign3A_110 : i32
    %sign3A_112 = arith.extui %sign3A_111 : i1 to i32
    %sign3A_113 = arith.constant 0 : i32
    %sign3A_114 = arith.cmpi slt, %jit3A_101, %sign3A_113 : i32
    %sign3A_115 = arith.extui %sign3A_114 : i1 to i32
    %sign3A_116 = arith.subi %sign3A_112, %sign3A_115 : i32
    %ne3A_117 = arith.cmpi ne, %sign3A_109, %sign3A_116 : i32
    %rem3A_118 = arith.remsi %add3A_93, %jit3A_101 : i32
    %ne3A_119 = arith.constant 0 : i32
    %ne3A_120 = arith.cmpi ne, %rem3A_118, %ne3A_119 : i32
    %and3A_121 = arith.andi %ne3A_117, %ne3A_120 : i1
    %sub3A_122 = arith.constant 1 : i32
    %sub3A_123 = arith.subi %div3A_102, %sub3A_122 : i32
    %select_n3A_124 = arith.select %and3A_121, %sub3A_123, %div3A_102 : i32
    %jit3A_125 = arith.constant 64 : i32
    %eq3A_126 = arith.constant 0 : i32
    %eq3A_127 = arith.cmpi eq, %jit3A_125, %eq3A_126 : i32
    %jit3A_128 = arith.constant 1 : i32
    %select_n3A_129 = arith.select %eq3A_127, %jit3A_128, %jit3A_125 : i32
    %rem3A_130 = arith.remsi %add3A_93, %select_n3A_129 : i32
    %ne3A_131 = arith.constant 0 : i32
    %ne3A_132 = arith.cmpi ne, %rem3A_130, %ne3A_131 : i32
    %lt3A_133 = arith.constant 0 : i32
    %lt3A_134 = arith.cmpi slt, %rem3A_130, %lt3A_133 : i32
    %lt3A_135 = arith.constant 0 : i32
    %lt3A_136 = arith.cmpi slt, %select_n3A_129, %lt3A_135 : i32
    %ne3A_137 = arith.xori %lt3A_134, %lt3A_136 : i1
    %and3A_138 = arith.andi %ne3A_137, %ne3A_132 : i1
    %add3A_139 = arith.addi %rem3A_130, %select_n3A_129 : i32
    %select_n3A_140 = arith.select %and3A_138, %add3A_139, %rem3A_130 : i32
    %dma_start3A_141 = arith.constant 0 : i32
    %dma_start3A_142 = arith.constant 0 : i32
    %dma_start3A_143 = tpu.memref_slice %arg4[%select_n3A_124, %select_n3A_140, %dma_start3A_141, %dma_start3A_142] : memref<3x64x128x128xf32, #tpu.memory_space<hbm>> -> memref<1x1x128x128xf32, #tpu.memory_space<hbm>>
    %dma_start3A_144 = tpu.memref_squeeze %dma_start3A_143 : memref<1x1x128x128xf32, #tpu.memory_space<hbm>> -> memref<128x128xf32, #tpu.memory_space<hbm>>
    %dma_start3A_145 = arith.constant 0 : i32
    %dma_start3A_146 = arith.constant 0 : i32
    %dma_start3A_147 = tpu.memref_slice %arg4[%select_n3A_124, %select_n3A_140, %dma_start3A_145, %dma_start3A_146] : memref<3x64x128x128xf32, #tpu.memory_space<hbm>> -> memref<1x1x128x128xf32, #tpu.memory_space<hbm>>
    %dma_start3A_148 = tpu.memref_squeeze %dma_start3A_147 : memref<1x1x128x128xf32, #tpu.memory_space<hbm>> -> memref<128x128xf32, #tpu.memory_space<hbm>>
    tpu.enqueue_dma source(%arg8 : memref<128x128xf32, #tpu.memory_space<vmem>>) target(%dma_start3A_148 : memref<128x128xf32, #tpu.memory_space<hbm>>) target_semaphore(%arg20 : memref<!tpu.dma_semaphore, #tpu.memory_space<semaphore_mem>>)
    %mul3A_149 = arith.constant 6 : i32
    %mul3A_150 = arith.muli %add3A, %mul3A_149 : i32
    %add3A_151 = arith.constant 2 : i32
    %add3A_152 = arith.addi %mul3A_150, %add3A_151 : i32
    %dma_wait3A_153 = arith.constant 2 : i32
    %dma_wait3A_154 = arith.constant 0 : i32
    %dma_wait3A_155 = tpu.memref_slice %arg5[%dma_wait3A_153, %dma_wait3A_154] : memref<6x128xi32, #tpu.memory_space<vmem>> -> memref<1x128xi32, #tpu.memory_space<vmem>>
    %dma_wait3A_156 = tpu.memref_squeeze %dma_wait3A_155 : memref<1x128xi32, #tpu.memory_space<vmem>> -> memref<128xi32, #tpu.memory_space<vmem>>
    %dma_wait3A_157 = arith.constant 0 : i32
    %dma_wait3A_158 = arith.constant 0 : i32
    %dma_wait3A_159 = tpu.memref_slice %arg2[%dma_wait3A_157, %dma_wait3A_158] : memref<100000x128xf32, #tpu.memory_space<hbm>> -> memref<100000x128xf32, #tpu.memory_space<hbm>>
    tpu.wait_indirect_dma semaphore(%arg16 : memref<!tpu.dma_semaphore, #tpu.memory_space<semaphore_mem>>) src(%dma_wait3A_159 : memref<100000x128xf32, #tpu.memory_space<hbm>>) dst(%arg9 : memref<128x128xf32, #tpu.memory_space<vmem>>)
    %jit3A_160 = arith.constant 64 : i32
    %div3A_161 = arith.divsi %add3A_152, %jit3A_160 : i32
    %sign3A_162 = arith.constant 0 : i32
    %sign3A_163 = arith.cmpi sgt, %add3A_152, %sign3A_162 : i32
    %sign3A_164 = arith.extui %sign3A_163 : i1 to i32
    %sign3A_165 = arith.constant 0 : i32
    %sign3A_166 = arith.cmpi slt, %add3A_152, %sign3A_165 : i32
    %sign3A_167 = arith.extui %sign3A_166 : i1 to i32
    %sign3A_168 = arith.subi %sign3A_164, %sign3A_167 : i32
    %sign3A_169 = arith.constant 0 : i32
    %sign3A_170 = arith.cmpi sgt, %jit3A_160, %sign3A_169 : i32
    %sign3A_171 = arith.extui %sign3A_170 : i1 to i32
    %sign3A_172 = arith.constant 0 : i32
    %sign3A_173 = arith.cmpi slt, %jit3A_160, %sign3A_172 : i32
    %sign3A_174 = arith.extui %sign3A_173 : i1 to i32
    %sign3A_175 = arith.subi %sign3A_171, %sign3A_174 : i32
    %ne3A_176 = arith.cmpi ne, %sign3A_168, %sign3A_175 : i32
    %rem3A_177 = arith.remsi %add3A_152, %jit3A_160 : i32
    %ne3A_178 = arith.constant 0 : i32
    %ne3A_179 = arith.cmpi ne, %rem3A_177, %ne3A_178 : i32
    %and3A_180 = arith.andi %ne3A_176, %ne3A_179 : i1
    %sub3A_181 = arith.constant 1 : i32
    %sub3A_182 = arith.subi %div3A_161, %sub3A_181 : i32
    %select_n3A_183 = arith.select %and3A_180, %sub3A_182, %div3A_161 : i32
    %jit3A_184 = arith.constant 64 : i32
    %eq3A_185 = arith.constant 0 : i32
    %eq3A_186 = arith.cmpi eq, %jit3A_184, %eq3A_185 : i32
    %jit3A_187 = arith.constant 1 : i32
    %select_n3A_188 = arith.select %eq3A_186, %jit3A_187, %jit3A_184 : i32
    %rem3A_189 = arith.remsi %add3A_152, %select_n3A_188 : i32
    %ne3A_190 = arith.constant 0 : i32
    %ne3A_191 = arith.cmpi ne, %rem3A_189, %ne3A_190 : i32
    %lt3A_192 = arith.constant 0 : i32
    %lt3A_193 = arith.cmpi slt, %rem3A_189, %lt3A_192 : i32
    %lt3A_194 = arith.constant 0 : i32
    %lt3A_195 = arith.cmpi slt, %select_n3A_188, %lt3A_194 : i32
    %ne3A_196 = arith.xori %lt3A_193, %lt3A_195 : i1
    %and3A_197 = arith.andi %ne3A_196, %ne3A_191 : i1
    %add3A_198 = arith.addi %rem3A_189, %select_n3A_188 : i32
    %select_n3A_199 = arith.select %and3A_197, %add3A_198, %rem3A_189 : i32
    %dma_start3A_200 = arith.constant 0 : i32
    %dma_start3A_201 = arith.constant 0 : i32
    %dma_start3A_202 = tpu.memref_slice %arg4[%select_n3A_183, %select_n3A_199, %dma_start3A_200, %dma_start3A_201] : memref<3x64x128x128xf32, #tpu.memory_space<hbm>> -> memref<1x1x128x128xf32, #tpu.memory_space<hbm>>
    %dma_start3A_203 = tpu.memref_squeeze %dma_start3A_202 : memref<1x1x128x128xf32, #tpu.memory_space<hbm>> -> memref<128x128xf32, #tpu.memory_space<hbm>>
    %dma_start3A_204 = arith.constant 0 : i32
    %dma_start3A_205 = arith.constant 0 : i32
    %dma_start3A_206 = tpu.memref_slice %arg4[%select_n3A_183, %select_n3A_199, %dma_start3A_204, %dma_start3A_205] : memref<3x64x128x128xf32, #tpu.memory_space<hbm>> -> memref<1x1x128x128xf32, #tpu.memory_space<hbm>>
    %dma_start3A_207 = tpu.memref_squeeze %dma_start3A_206 : memref<1x1x128x128xf32, #tpu.memory_space<hbm>> -> memref<128x128xf32, #tpu.memory_space<hbm>>
    tpu.enqueue_dma source(%arg9 : memref<128x128xf32, #tpu.memory_space<vmem>>) target(%dma_start3A_207 : memref<128x128xf32, #tpu.memory_space<hbm>>) target_semaphore(%arg20 : memref<!tpu.dma_semaphore, #tpu.memory_space<semaphore_mem>>)
    %mul3A_208 = arith.constant 6 : i32
    %mul3A_209 = arith.muli %add3A, %mul3A_208 : i32
    %add3A_210 = arith.constant 3 : i32
    %add3A_211 = arith.addi %mul3A_209, %add3A_210 : i32
    %dma_wait3A_212 = arith.constant 3 : i32
    %dma_wait3A_213 = arith.constant 0 : i32
    %dma_wait3A_214 = tpu.memref_slice %arg5[%dma_wait3A_212, %dma_wait3A_213] : memref<6x128xi32, #tpu.memory_space<vmem>> -> memref<1x128xi32, #tpu.memory_space<vmem>>
    %dma_wait3A_215 = tpu.memref_squeeze %dma_wait3A_214 : memref<1x128xi32, #tpu.memory_space<vmem>> -> memref<128xi32, #tpu.memory_space<vmem>>
    %dma_wait3A_216 = arith.constant 0 : i32
    %dma_wait3A_217 = arith.constant 0 : i32
    %dma_wait3A_218 = tpu.memref_slice %arg2[%dma_wait3A_216, %dma_wait3A_217] : memref<100000x128xf32, #tpu.memory_space<hbm>> -> memref<100000x128xf32, #tpu.memory_space<hbm>>
    tpu.wait_indirect_dma semaphore(%arg17 : memref<!tpu.dma_semaphore, #tpu.memory_space<semaphore_mem>>) src(%dma_wait3A_218 : memref<100000x128xf32, #tpu.memory_space<hbm>>) dst(%arg10 : memref<128x128xf32, #tpu.memory_space<vmem>>)
    %jit3A_219 = arith.constant 64 : i32
    %div3A_220 = arith.divsi %add3A_211, %jit3A_219 : i32
    %sign3A_221 = arith.constant 0 : i32
    %sign3A_222 = arith.cmpi sgt, %add3A_211, %sign3A_221 : i32
    %sign3A_223 = arith.extui %sign3A_222 : i1 to i32
    %sign3A_224 = arith.constant 0 : i32
    %sign3A_225 = arith.cmpi slt, %add3A_211, %sign3A_224 : i32
    %sign3A_226 = arith.extui %sign3A_225 : i1 to i32
    %sign3A_227 = arith.subi %sign3A_223, %sign3A_226 : i32
    %sign3A_228 = arith.constant 0 : i32
    %sign3A_229 = arith.cmpi sgt, %jit3A_219, %sign3A_228 : i32
    %sign3A_230 = arith.extui %sign3A_229 : i1 to i32
    %sign3A_231 = arith.constant 0 : i32
    %sign3A_232 = arith.cmpi slt, %jit3A_219, %sign3A_231 : i32
    %sign3A_233 = arith.extui %sign3A_232 : i1 to i32
    %sign3A_234 = arith.subi %sign3A_230, %sign3A_233 : i32
    %ne3A_235 = arith.cmpi ne, %sign3A_227, %sign3A_234 : i32
    %rem3A_236 = arith.remsi %add3A_211, %jit3A_219 : i32
    %ne3A_237 = arith.constant 0 : i32
    %ne3A_238 = arith.cmpi ne, %rem3A_236, %ne3A_237 : i32
    %and3A_239 = arith.andi %ne3A_235, %ne3A_238 : i1
    %sub3A_240 = arith.constant 1 : i32
    %sub3A_241 = arith.subi %div3A_220, %sub3A_240 : i32
    %select_n3A_242 = arith.select %and3A_239, %sub3A_241, %div3A_220 : i32
    %jit3A_243 = arith.constant 64 : i32
    %eq3A_244 = arith.constant 0 : i32
    %eq3A_245 = arith.cmpi eq, %jit3A_243, %eq3A_244 : i32
    %jit3A_246 = arith.constant 1 : i32
    %select_n3A_247 = arith.select %eq3A_245, %jit3A_246, %jit3A_243 : i32
    %rem3A_248 = arith.remsi %add3A_211, %select_n3A_247 : i32
    %ne3A_249 = arith.constant 0 : i32
    %ne3A_250 = arith.cmpi ne, %rem3A_248, %ne3A_249 : i32
    %lt3A_251 = arith.constant 0 : i32
    %lt3A_252 = arith.cmpi slt, %rem3A_248, %lt3A_251 : i32
    %lt3A_253 = arith.constant 0 : i32
    %lt3A_254 = arith.cmpi slt, %select_n3A_247, %lt3A_253 : i32
    %ne3A_255 = arith.xori %lt3A_252, %lt3A_254 : i1
    %and3A_256 = arith.andi %ne3A_255, %ne3A_250 : i1
    %add3A_257 = arith.addi %rem3A_248, %select_n3A_247 : i32
    %select_n3A_258 = arith.select %and3A_256, %add3A_257, %rem3A_248 : i32
    %dma_start3A_259 = arith.constant 0 : i32
    %dma_start3A_260 = arith.constant 0 : i32
    %dma_start3A_261 = tpu.memref_slice %arg4[%select_n3A_242, %select_n3A_258, %dma_start3A_259, %dma_start3A_260] : memref<3x64x128x128xf32, #tpu.memory_space<hbm>> -> memref<1x1x128x128xf32, #tpu.memory_space<hbm>>
    %dma_start3A_262 = tpu.memref_squeeze %dma_start3A_261 : memref<1x1x128x128xf32, #tpu.memory_space<hbm>> -> memref<128x128xf32, #tpu.memory_space<hbm>>
    %dma_start3A_263 = arith.constant 0 : i32
    %dma_start3A_264 = arith.constant 0 : i32
    %dma_start3A_265 = tpu.memref_slice %arg4[%select_n3A_242, %select_n3A_258, %dma_start3A_263, %dma_start3A_264] : memref<3x64x128x128xf32, #tpu.memory_space<hbm>> -> memref<1x1x128x128xf32, #tpu.memory_space<hbm>>
    %dma_start3A_266 = tpu.memref_squeeze %dma_start3A_265 : memref<1x1x128x128xf32, #tpu.memory_space<hbm>> -> memref<128x128xf32, #tpu.memory_space<hbm>>
    tpu.enqueue_dma source(%arg10 : memref<128x128xf32, #tpu.memory_space<vmem>>) target(%dma_start3A_266 : memref<128x128xf32, #tpu.memory_space<hbm>>) target_semaphore(%arg20 : memref<!tpu.dma_semaphore, #tpu.memory_space<semaphore_mem>>)
    %mul3A_267 = arith.constant 6 : i32
    %mul3A_268 = arith.muli %add3A, %mul3A_267 : i32
    %add3A_269 = arith.constant 4 : i32
    %add3A_270 = arith.addi %mul3A_268, %add3A_269 : i32
    %dma_wait3A_271 = arith.constant 4 : i32
    %dma_wait3A_272 = arith.constant 0 : i32
    %dma_wait3A_273 = tpu.memref_slice %arg5[%dma_wait3A_271, %dma_wait3A_272] : memref<6x128xi32, #tpu.memory_space<vmem>> -> memref<1x128xi32, #tpu.memory_space<vmem>>
    %dma_wait3A_274 = tpu.memref_squeeze %dma_wait3A_273 : memref<1x128xi32, #tpu.memory_space<vmem>> -> memref<128xi32, #tpu.memory_space<vmem>>
    %dma_wait3A_275 = arith.constant 0 : i32
    %dma_wait3A_276 = arith.constant 0 : i32
    %dma_wait3A_277 = tpu.memref_slice %arg2[%dma_wait3A_275, %dma_wait3A_276] : memref<100000x128xf32, #tpu.memory_space<hbm>> -> memref<100000x128xf32, #tpu.memory_space<hbm>>
    tpu.wait_indirect_dma semaphore(%arg18 : memref<!tpu.dma_semaphore, #tpu.memory_space<semaphore_mem>>) src(%dma_wait3A_277 : memref<100000x128xf32, #tpu.memory_space<hbm>>) dst(%arg11 : memref<128x128xf32, #tpu.memory_space<vmem>>)
    %jit3A_278 = arith.constant 64 : i32
    %div3A_279 = arith.divsi %add3A_270, %jit3A_278 : i32
    %sign3A_280 = arith.constant 0 : i32
    %sign3A_281 = arith.cmpi sgt, %add3A_270, %sign3A_280 : i32
    %sign3A_282 = arith.extui %sign3A_281 : i1 to i32
    %sign3A_283 = arith.constant 0 : i32
    %sign3A_284 = arith.cmpi slt, %add3A_270, %sign3A_283 : i32
    %sign3A_285 = arith.extui %sign3A_284 : i1 to i32
    %sign3A_286 = arith.subi %sign3A_282, %sign3A_285 : i32
    %sign3A_287 = arith.constant 0 : i32
    %sign3A_288 = arith.cmpi sgt, %jit3A_278, %sign3A_287 : i32
    %sign3A_289 = arith.extui %sign3A_288 : i1 to i32
    %sign3A_290 = arith.constant 0 : i32
    %sign3A_291 = arith.cmpi slt, %jit3A_278, %sign3A_290 : i32
    %sign3A_292 = arith.extui %sign3A_291 : i1 to i32
    %sign3A_293 = arith.subi %sign3A_289, %sign3A_292 : i32
    %ne3A_294 = arith.cmpi ne, %sign3A_286, %sign3A_293 : i32
    %rem3A_295 = arith.remsi %add3A_270, %jit3A_278 : i32
    %ne3A_296 = arith.constant 0 : i32
    %ne3A_297 = arith.cmpi ne, %rem3A_295, %ne3A_296 : i32
    %and3A_298 = arith.andi %ne3A_294, %ne3A_297 : i1
    %sub3A_299 = arith.constant 1 : i32
    %sub3A_300 = arith.subi %div3A_279, %sub3A_299 : i32
    %select_n3A_301 = arith.select %and3A_298, %sub3A_300, %div3A_279 : i32
    %jit3A_302 = arith.constant 64 : i32
    %eq3A_303 = arith.constant 0 : i32
    %eq3A_304 = arith.cmpi eq, %jit3A_302, %eq3A_303 : i32
    %jit3A_305 = arith.constant 1 : i32
    %select_n3A_306 = arith.select %eq3A_304, %jit3A_305, %jit3A_302 : i32
    %rem3A_307 = arith.remsi %add3A_270, %select_n3A_306 : i32
    %ne3A_308 = arith.constant 0 : i32
    %ne3A_309 = arith.cmpi ne, %rem3A_307, %ne3A_308 : i32
    %lt3A_310 = arith.constant 0 : i32
    %lt3A_311 = arith.cmpi slt, %rem3A_307, %lt3A_310 : i32
    %lt3A_312 = arith.constant 0 : i32
    %lt3A_313 = arith.cmpi slt, %select_n3A_306, %lt3A_312 : i32
    %ne3A_314 = arith.xori %lt3A_311, %lt3A_313 : i1
    %and3A_315 = arith.andi %ne3A_314, %ne3A_309 : i1
    %add3A_316 = arith.addi %rem3A_307, %select_n3A_306 : i32
    %select_n3A_317 = arith.select %and3A_315, %add3A_316, %rem3A_307 : i32
    %dma_start3A_318 = arith.constant 0 : i32
    %dma_start3A_319 = arith.constant 0 : i32
    %dma_start3A_320 = tpu.memref_slice %arg4[%select_n3A_301, %select_n3A_317, %dma_start3A_318, %dma_start3A_319] : memref<3x64x128x128xf32, #tpu.memory_space<hbm>> -> memref<1x1x128x128xf32, #tpu.memory_space<hbm>>
    %dma_start3A_321 = tpu.memref_squeeze %dma_start3A_320 : memref<1x1x128x128xf32, #tpu.memory_space<hbm>> -> memref<128x128xf32, #tpu.memory_space<hbm>>
    %dma_start3A_322 = arith.constant 0 : i32
    %dma_start3A_323 = arith.constant 0 : i32
    %dma_start3A_324 = tpu.memref_slice %arg4[%select_n3A_301, %select_n3A_317, %dma_start3A_322, %dma_start3A_323] : memref<3x64x128x128xf32, #tpu.memory_space<hbm>> -> memref<1x1x128x128xf32, #tpu.memory_space<hbm>>
    %dma_start3A_325 = tpu.memref_squeeze %dma_start3A_324 : memref<1x1x128x128xf32, #tpu.memory_space<hbm>> -> memref<128x128xf32, #tpu.memory_space<hbm>>
    tpu.enqueue_dma source(%arg11 : memref<128x128xf32, #tpu.memory_space<vmem>>) target(%dma_start3A_325 : memref<128x128xf32, #tpu.memory_space<hbm>>) target_semaphore(%arg20 : memref<!tpu.dma_semaphore, #tpu.memory_space<semaphore_mem>>)
    %mul3A_326 = arith.constant 6 : i32
    %mul3A_327 = arith.muli %add3A, %mul3A_326 : i32
    %add3A_328 = arith.constant 5 : i32
    %add3A_329 = arith.addi %mul3A_327, %add3A_328 : i32
    %dma_wait3A_330 = arith.constant 5 : i32
    %dma_wait3A_331 = arith.constant 0 : i32
    %dma_wait3A_332 = tpu.memref_slice %arg5[%dma_wait3A_330, %dma_wait3A_331] : memref<6x128xi32, #tpu.memory_space<vmem>> -> memref<1x128xi32, #tpu.memory_space<vmem>>
    %dma_wait3A_333 = tpu.memref_squeeze %dma_wait3A_332 : memref<1x128xi32, #tpu.memory_space<vmem>> -> memref<128xi32, #tpu.memory_space<vmem>>
    %dma_wait3A_334 = arith.constant 0 : i32
    %dma_wait3A_335 = arith.constant 0 : i32
    %dma_wait3A_336 = tpu.memref_slice %arg2[%dma_wait3A_334, %dma_wait3A_335] : memref<100000x128xf32, #tpu.memory_space<hbm>> -> memref<100000x128xf32, #tpu.memory_space<hbm>>
    tpu.wait_indirect_dma semaphore(%arg19 : memref<!tpu.dma_semaphore, #tpu.memory_space<semaphore_mem>>) src(%dma_wait3A_336 : memref<100000x128xf32, #tpu.memory_space<hbm>>) dst(%arg12 : memref<128x128xf32, #tpu.memory_space<vmem>>)
    %jit3A_337 = arith.constant 64 : i32
    %div3A_338 = arith.divsi %add3A_329, %jit3A_337 : i32
    %sign3A_339 = arith.constant 0 : i32
    %sign3A_340 = arith.cmpi sgt, %add3A_329, %sign3A_339 : i32
    %sign3A_341 = arith.extui %sign3A_340 : i1 to i32
    %sign3A_342 = arith.constant 0 : i32
    %sign3A_343 = arith.cmpi slt, %add3A_329, %sign3A_342 : i32
    %sign3A_344 = arith.extui %sign3A_343 : i1 to i32
    %sign3A_345 = arith.subi %sign3A_341, %sign3A_344 : i32
    %sign3A_346 = arith.constant 0 : i32
    %sign3A_347 = arith.cmpi sgt, %jit3A_337, %sign3A_346 : i32
    %sign3A_348 = arith.extui %sign3A_347 : i1 to i32
    %sign3A_349 = arith.constant 0 : i32
    %sign3A_350 = arith.cmpi slt, %jit3A_337, %sign3A_349 : i32
    %sign3A_351 = arith.extui %sign3A_350 : i1 to i32
    %sign3A_352 = arith.subi %sign3A_348, %sign3A_351 : i32
    %ne3A_353 = arith.cmpi ne, %sign3A_345, %sign3A_352 : i32
    %rem3A_354 = arith.remsi %add3A_329, %jit3A_337 : i32
    %ne3A_355 = arith.constant 0 : i32
    %ne3A_356 = arith.cmpi ne, %rem3A_354, %ne3A_355 : i32
    %and3A_357 = arith.andi %ne3A_353, %ne3A_356 : i1
    %sub3A_358 = arith.constant 1 : i32
    %sub3A_359 = arith.subi %div3A_338, %sub3A_358 : i32
    %select_n3A_360 = arith.select %and3A_357, %sub3A_359, %div3A_338 : i32
    %jit3A_361 = arith.constant 64 : i32
    %eq3A_362 = arith.constant 0 : i32
    %eq3A_363 = arith.cmpi eq, %jit3A_361, %eq3A_362 : i32
    %jit3A_364 = arith.constant 1 : i32
    %select_n3A_365 = arith.select %eq3A_363, %jit3A_364, %jit3A_361 : i32
    %rem3A_366 = arith.remsi %add3A_329, %select_n3A_365 : i32
    %ne3A_367 = arith.constant 0 : i32
    %ne3A_368 = arith.cmpi ne, %rem3A_366, %ne3A_367 : i32
    %lt3A_369 = arith.constant 0 : i32
    %lt3A_370 = arith.cmpi slt, %rem3A_366, %lt3A_369 : i32
    %lt3A_371 = arith.constant 0 : i32
    %lt3A_372 = arith.cmpi slt, %select_n3A_365, %lt3A_371 : i32
    %ne3A_373 = arith.xori %lt3A_370, %lt3A_372 : i1
    %and3A_374 = arith.andi %ne3A_373, %ne3A_368 : i1
    %add3A_375 = arith.addi %rem3A_366, %select_n3A_365 : i32
    %select_n3A_376 = arith.select %and3A_374, %add3A_375, %rem3A_366 : i32
    %dma_start3A_377 = arith.constant 0 : i32
    %dma_start3A_378 = arith.constant 0 : i32
    %dma_start3A_379 = tpu.memref_slice %arg4[%select_n3A_360, %select_n3A_376, %dma_start3A_377, %dma_start3A_378] : memref<3x64x128x128xf32, #tpu.memory_space<hbm>> -> memref<1x1x128x128xf32, #tpu.memory_space<hbm>>
    %dma_start3A_380 = tpu.memref_squeeze %dma_start3A_379 : memref<1x1x128x128xf32, #tpu.memory_space<hbm>> -> memref<128x128xf32, #tpu.memory_space<hbm>>
    %dma_start3A_381 = arith.constant 0 : i32
    %dma_start3A_382 = arith.constant 0 : i32
    %dma_start3A_383 = tpu.memref_slice %arg4[%select_n3A_360, %select_n3A_376, %dma_start3A_381, %dma_start3A_382] : memref<3x64x128x128xf32, #tpu.memory_space<hbm>> -> memref<1x1x128x128xf32, #tpu.memory_space<hbm>>
    %dma_start3A_384 = tpu.memref_squeeze %dma_start3A_383 : memref<1x1x128x128xf32, #tpu.memory_space<hbm>> -> memref<128x128xf32, #tpu.memory_space<hbm>>
    tpu.enqueue_dma source(%arg12 : memref<128x128xf32, #tpu.memory_space<vmem>>) target(%dma_start3A_384 : memref<128x128xf32, #tpu.memory_space<hbm>>) target_semaphore(%arg20 : memref<!tpu.dma_semaphore, #tpu.memory_space<semaphore_mem>>)
    %dma_wait3A_385 = arith.constant 0 : i32
    %dma_wait3A_386 = arith.constant 0 : i32
    %dma_wait3A_387 = arith.constant 0 : i32
    %dma_wait3A_388 = arith.constant 0 : i32
    %dma_wait3A_389 = tpu.memref_slice %arg4[%dma_wait3A_385, %dma_wait3A_386, %dma_wait3A_387, %dma_wait3A_388] : memref<3x64x128x128xf32, #tpu.memory_space<hbm>> -> memref<1x1x128x128xf32, #tpu.memory_space<hbm>>
    %dma_wait3A_390 = tpu.memref_squeeze %dma_wait3A_389 : memref<1x1x128x128xf32, #tpu.memory_space<hbm>> -> memref<128x128xf32, #tpu.memory_space<hbm>>
    %dma_wait3A_391 = arith.constant 0 : i32
    %dma_wait3A_392 = arith.constant 0 : i32
    %dma_wait3A_393 = tpu.memref_slice %arg4[%dma_wait3A_385, %dma_wait3A_386, %dma_wait3A_391, %dma_wait3A_392] : memref<3x64x128x128xf32, #tpu.memory_space<hbm>> -> memref<1x1x128x128xf32, #tpu.memory_space<hbm>>
    %dma_wait3A_394 = tpu.memref_squeeze %dma_wait3A_393 : memref<1x1x128x128xf32, #tpu.memory_space<hbm>> -> memref<128x128xf32, #tpu.memory_space<hbm>>
    tpu.wait_dma2 semaphore(%arg20 : memref<!tpu.dma_semaphore, #tpu.memory_space<semaphore_mem>>) src(%arg7 : memref<128x128xf32, #tpu.memory_space<vmem>>) dst(%dma_wait3A_394 : memref<128x128xf32, #tpu.memory_space<hbm>>)
    %dma_wait3A_395 = arith.constant 0 : i32
    %dma_wait3A_396 = arith.constant 0 : i32
    %dma_wait3A_397 = arith.constant 0 : i32
    %dma_wait3A_398 = arith.constant 0 : i32
    %dma_wait3A_399 = tpu.memref_slice %arg4[%dma_wait3A_395, %dma_wait3A_396, %dma_wait3A_397, %dma_wait3A_398] : memref<3x64x128x128xf32, #tpu.memory_space<hbm>> -> memref<1x1x128x128xf32, #tpu.memory_space<hbm>>
    %dma_wait3A_400 = tpu.memref_squeeze %dma_wait3A_399 : memref<1x1x128x128xf32, #tpu.memory_space<hbm>> -> memref<128x128xf32, #tpu.memory_space<hbm>>
    %dma_wait3A_401 = arith.constant 0 : i32
    %dma_wait3A_402 = arith.constant 0 : i32
    %dma_wait3A_403 = tpu.memref_slice %arg4[%dma_wait3A_395, %dma_wait3A_396, %dma_wait3A_401, %dma_wait3A_402] : memref<3x64x128x128xf32, #tpu.memory_space<hbm>> -> memref<1x1x128x128xf32, #tpu.memory_space<hbm>>
    %dma_wait3A_404 = tpu.memref_squeeze %dma_wait3A_403 : memref<1x1x128x128xf32, #tpu.memory_space<hbm>> -> memref<128x128xf32, #tpu.memory_space<hbm>>
    tpu.wait_dma2 semaphore(%arg20 : memref<!tpu.dma_semaphore, #tpu.memory_space<semaphore_mem>>) src(%arg8 : memref<128x128xf32, #tpu.memory_space<vmem>>) dst(%dma_wait3A_404 : memref<128x128xf32, #tpu.memory_space<hbm>>)
    %dma_wait3A_405 = arith.constant 0 : i32
    %dma_wait3A_406 = arith.constant 0 : i32
    %dma_wait3A_407 = arith.constant 0 : i32
    %dma_wait3A_408 = arith.constant 0 : i32
    %dma_wait3A_409 = tpu.memref_slice %arg4[%dma_wait3A_405, %dma_wait3A_406, %dma_wait3A_407, %dma_wait3A_408] : memref<3x64x128x128xf32, #tpu.memory_space<hbm>> -> memref<1x1x128x128xf32, #tpu.memory_space<hbm>>
    %dma_wait3A_410 = tpu.memref_squeeze %dma_wait3A_409 : memref<1x1x128x128xf32, #tpu.memory_space<hbm>> -> memref<128x128xf32, #tpu.memory_space<hbm>>
    %dma_wait3A_411 = arith.constant 0 : i32
    %dma_wait3A_412 = arith.constant 0 : i32
    %dma_wait3A_413 = tpu.memref_slice %arg4[%dma_wait3A_405, %dma_wait3A_406, %dma_wait3A_411, %dma_wait3A_412] : memref<3x64x128x128xf32, #tpu.memory_space<hbm>> -> memref<1x1x128x128xf32, #tpu.memory_space<hbm>>
    %dma_wait3A_414 = tpu.memref_squeeze %dma_wait3A_413 : memref<1x1x128x128xf32, #tpu.memory_space<hbm>> -> memref<128x128xf32, #tpu.memory_space<hbm>>
    tpu.wait_dma2 semaphore(%arg20 : memref<!tpu.dma_semaphore, #tpu.memory_space<semaphore_mem>>) src(%arg9 : memref<128x128xf32, #tpu.memory_space<vmem>>) dst(%dma_wait3A_414 : memref<128x128xf32, #tpu.memory_space<hbm>>)
    %dma_wait3A_415 = arith.constant 0 : i32
    %dma_wait3A_416 = arith.constant 0 : i32
    %dma_wait3A_417 = arith.constant 0 : i32
    %dma_wait3A_418 = arith.constant 0 : i32
    %dma_wait3A_419 = tpu.memref_slice %arg4[%dma_wait3A_415, %dma_wait3A_416, %dma_wait3A_417, %dma_wait3A_418] : memref<3x64x128x128xf32, #tpu.memory_space<hbm>> -> memref<1x1x128x128xf32, #tpu.memory_space<hbm>>
    %dma_wait3A_420 = tpu.memref_squeeze %dma_wait3A_419 : memref<1x1x128x128xf32, #tpu.memory_space<hbm>> -> memref<128x128xf32, #tpu.memory_space<hbm>>
    %dma_wait3A_421 = arith.constant 0 : i32
    %dma_wait3A_422 = arith.constant 0 : i32
    %dma_wait3A_423 = tpu.memref_slice %arg4[%dma_wait3A_415, %dma_wait3A_416, %dma_wait3A_421, %dma_wait3A_422] : memref<3x64x128x128xf32, #tpu.memory_space<hbm>> -> memref<1x1x128x128xf32, #tpu.memory_space<hbm>>
    %dma_wait3A_424 = tpu.memref_squeeze %dma_wait3A_423 : memref<1x1x128x128xf32, #tpu.memory_space<hbm>> -> memref<128x128xf32, #tpu.memory_space<hbm>>
    tpu.wait_dma2 semaphore(%arg20 : memref<!tpu.dma_semaphore, #tpu.memory_space<semaphore_mem>>) src(%arg10 : memref<128x128xf32, #tpu.memory_space<vmem>>) dst(%dma_wait3A_424 : memref<128x128xf32, #tpu.memory_space<hbm>>)
    %dma_wait3A_425 = arith.constant 0 : i32
    %dma_wait3A_426 = arith.constant 0 : i32
    %dma_wait3A_427 = arith.constant 0 : i32
    %dma_wait3A_428 = arith.constant 0 : i32
    %dma_wait3A_429 = tpu.memref_slice %arg4[%dma_wait3A_425, %dma_wait3A_426, %dma_wait3A_427, %dma_wait3A_428] : memref<3x64x128x128xf32, #tpu.memory_space<hbm>> -> memref<1x1x128x128xf32, #tpu.memory_space<hbm>>
    %dma_wait3A_430 = tpu.memref_squeeze %dma_wait3A_429 : memref<1x1x128x128xf32, #tpu.memory_space<hbm>> -> memref<128x128xf32, #tpu.memory_space<hbm>>
    %dma_wait3A_431 = arith.constant 0 : i32
    %dma_wait3A_432 = arith.constant 0 : i32
    %dma_wait3A_433 = tpu.memref_slice %arg4[%dma_wait3A_425, %dma_wait3A_426, %dma_wait3A_431, %dma_wait3A_432] : memref<3x64x128x128xf32, #tpu.memory_space<hbm>> -> memref<1x1x128x128xf32, #tpu.memory_space<hbm>>
    %dma_wait3A_434 = tpu.memref_squeeze %dma_wait3A_433 : memref<1x1x128x128xf32, #tpu.memory_space<hbm>> -> memref<128x128xf32, #tpu.memory_space<hbm>>
    tpu.wait_dma2 semaphore(%arg20 : memref<!tpu.dma_semaphore, #tpu.memory_space<semaphore_mem>>) src(%arg11 : memref<128x128xf32, #tpu.memory_space<vmem>>) dst(%dma_wait3A_434 : memref<128x128xf32, #tpu.memory_space<hbm>>)
    %dma_wait3A_435 = arith.constant 0 : i32
    %dma_wait3A_436 = arith.constant 0 : i32
    %dma_wait3A_437 = arith.constant 0 : i32
    %dma_wait3A_438 = arith.constant 0 : i32
    %dma_wait3A_439 = tpu.memref_slice %arg4[%dma_wait3A_435, %dma_wait3A_436, %dma_wait3A_437, %dma_wait3A_438] : memref<3x64x128x128xf32, #tpu.memory_space<hbm>> -> memref<1x1x128x128xf32, #tpu.memory_space<hbm>>
    %dma_wait3A_440 = tpu.memref_squeeze %dma_wait3A_439 : memref<1x1x128x128xf32, #tpu.memory_space<hbm>> -> memref<128x128xf32, #tpu.memory_space<hbm>>
    %dma_wait3A_441 = arith.constant 0 : i32
    %dma_wait3A_442 = arith.constant 0 : i32
    %dma_wait3A_443 = tpu.memref_slice %arg4[%dma_wait3A_435, %dma_wait3A_436, %dma_wait3A_441, %dma_wait3A_442] : memref<3x64x128x128xf32, #tpu.memory_space<hbm>> -> memref<1x1x128x128xf32, #tpu.memory_space<hbm>>
    %dma_wait3A_444 = tpu.memref_squeeze %dma_wait3A_443 : memref<1x1x128x128xf32, #tpu.memory_space<hbm>> -> memref<128x128xf32, #tpu.memory_space<hbm>>
    tpu.wait_dma2 semaphore(%arg20 : memref<!tpu.dma_semaphore, #tpu.memory_space<semaphore_mem>>) src(%arg12 : memref<128x128xf32, #tpu.memory_space<vmem>>) dst(%dma_wait3A_444 : memref<128x128xf32, #tpu.memory_space<hbm>>)
    return
  }
}

module attributes {stable_mosaic.version = 14 : i64} {
  func.func @_mp_masked_body(%arg0: i32, %arg1: memref<3x8x128x128xf32, #tpu.memory_space<vmem>>, %arg2: memref<128x128xf32, #tpu.memory_space<vmem>>, %arg3: memref<128x128xf32, #tpu.memory_space<vmem>>, %arg4: memref<1x128xf32, #tpu.memory_space<vmem>>, %arg5: memref<1x32x3072xf32, #tpu.memory_space<vmem>>, %arg6: memref<1x32x128xf32, #tpu.memory_space<vmem>>) attributes {dimension_semantics = [#tpu.dimension_semantics<arbitrary>], iteration_bounds = array<i64: 8>, scalar_prefetch = 0 : i64, scratch_operands = 0 : i64, tpu.core_type = #tpu.core_type<tc>, window_params = [{transform_indices = @transform_0, window_bounds = array<i64: 3, 8, 128, 128>}, {pipeline_mode = #tpu.pipeline_mode<synchronous>, transform_indices = @transform_1, window_bounds = array<i64: 128, 128>}, {pipeline_mode = #tpu.pipeline_mode<synchronous>, transform_indices = @transform_2, window_bounds = array<i64: 128, 128>}, {pipeline_mode = #tpu.pipeline_mode<synchronous>, transform_indices = @transform_3, window_bounds = array<i64: 1, 128>}, {transform_indices = @transform_4, window_bounds = array<i64: 1, 32, 3072>}, {transform_indices = @transform_5, window_bounds = array<i64: 1, 32, 128>}]} {
    %get3A = arith.constant 0 : index
    %get3A_0 = arith.constant 0 : index
    %get3A_1 = arith.constant 0 : index
    %get3A_2 = arith.constant 0 : index
    %get3A_3 = vector.load %arg1[%get3A, %get3A_0, %get3A_1, %get3A_2] : memref<3x8x128x128xf32, #tpu.memory_space<vmem>>, vector<3x8x128x128xf32>
    %reshape3A = vector.shape_cast %get3A_3 : vector<3x8x128x128xf32> to vector<3x1024x128xf32>
    %get3A_4 = arith.constant 0 : index
    %get3A_5 = arith.constant 0 : index
    %get3A_6 = vector.load %arg2[%get3A_4, %get3A_5] : memref<128x128xf32, #tpu.memory_space<vmem>>, vector<128x128xf32>
    %get3A_7 = arith.constant 0 : index
    %get3A_8 = arith.constant 0 : index
    %get3A_9 = vector.load %arg3[%get3A_7, %get3A_8] : memref<128x128xf32, #tpu.memory_space<vmem>>, vector<128x128xf32>
    %get3A_10 = arith.constant 0 : index
    %get3A_11 = arith.constant 0 : index
    %get3A_12 = vector.load %arg4[%get3A_10, %get3A_11] : memref<1x128xf32, #tpu.memory_space<vmem>>, vector<1x128xf32>
    %slice3A = vector.extract_strided_slice %reshape3A {offsets = [0, 0, 0], sizes = [1, 1024, 128], strides = [1, 1, 1]} : vector<3x1024x128xf32> to vector<1x1024x128xf32>
    %squeeze3A = vector.shape_cast %slice3A : vector<1x1024x128xf32> to vector<1024x128xf32>
    %slice3A_13 = vector.extract_strided_slice %reshape3A {offsets = [1, 0, 0], sizes = [1, 1024, 128], strides = [1, 1, 1]} : vector<3x1024x128xf32> to vector<1x1024x128xf32>
    %squeeze3A_14 = vector.shape_cast %slice3A_13 : vector<1x1024x128xf32> to vector<1024x128xf32>
    %add3A = arith.addf %squeeze3A, %squeeze3A_14 : vector<1024x128xf32>
    %slice3A_15 = vector.extract_strided_slice %reshape3A {offsets = [2, 0, 0], sizes = [1, 1024, 128], strides = [1, 1, 1]} : vector<3x1024x128xf32> to vector<1x1024x128xf32>
    %squeeze3A_16 = vector.shape_cast %slice3A_15 : vector<1x1024x128xf32> to vector<1024x128xf32>
    %add3A_17 = arith.addf %add3A, %squeeze3A_16 : vector<1024x128xf32>
    %dot_general3A = arith.constant dense<0.000000e+00> : vector<1024x128xf32>
    %dot_general3A_18 = tpu.matmul %add3A_17, %get3A_9, %dot_general3A {dimension_numbers = #tpu.dot_dimension_numbers<[1], [0], [0], [1], [0, 0, 1, 1], [], []>, transpose_lhs_hint = false} : vector<1024x128xf32>, vector<128x128xf32>, vector<1024x128xf32> -> vector<1024x128xf32>
    %add3A_19 = vector.broadcast %get3A_12 : vector<1x128xf32> to vector<1024x128xf32>
    %add3A_20 = arith.addf %dot_general3A_18, %add3A_19 : vector<1024x128xf32>
    %reshape3A_21 = vector.shape_cast %reshape3A : vector<3x1024x128xf32> to vector<3072x128xf32>
    %broadcast_in_dim3A = vector.shape_cast %add3A_20 : vector<1024x128xf32> to vector<1x1024x128xf32>
    %broadcast_in_dim3A_22 = vector.shape_cast %broadcast_in_dim3A : vector<1x1024x128xf32> to vector<1x1024x128xf32>
    %broadcast_in_dim3A_23 = vector.broadcast %broadcast_in_dim3A_22 : vector<1x1024x128xf32> to vector<3x1024x128xf32>
    %reshape3A_24 = vector.shape_cast %broadcast_in_dim3A_23 : vector<3x1024x128xf32> to vector<3072x128xf32>
    %sub3A = arith.subf %get3A_6, %get3A_9 : vector<128x128xf32>
    %dot_general3A_25 = arith.constant dense<0.000000e+00> : vector<3072x128xf32>
    %dot_general3A_26 = tpu.matmul %reshape3A_21, %sub3A, %dot_general3A_25 {dimension_numbers = #tpu.dot_dimension_numbers<[1], [0], [0], [1], [0, 0, 1, 1], [], []>, transpose_lhs_hint = false} : vector<3072x128xf32>, vector<128x128xf32>, vector<3072x128xf32> -> vector<3072x128xf32>
    %add3A_27 = arith.addf %dot_general3A_26, %reshape3A_24 : vector<3072x128xf32>
    %max3A = arith.constant 0.000000e+00 : f32
    %max3A_28 = vector.broadcast %max3A : f32 to vector<3072x128xf32>
    %max3A_29 = arith.maximumf %add3A_27, %max3A_28 : vector<3072x128xf32>
    %get3A_30 = arith.constant 0 : index
    %get3A_31 = arith.constant 0 : index
    %get3A_32 = arith.constant 0 : index
    %get3A_33 = vector.load %arg5[%get3A_30, %get3A_31, %get3A_32] : memref<1x32x3072xf32, #tpu.memory_space<vmem>>, vector<1x32x3072xf32>
    %get3A_34 = vector.shape_cast %get3A_33 : vector<1x32x3072xf32> to vector<32x3072xf32>
    %dot_general3A_35 = arith.constant dense<0.000000e+00> : vector<32x128xf32>
    %dot_general3A_36 = tpu.matmul %get3A_34, %max3A_29, %dot_general3A_35 {dimension_numbers = #tpu.dot_dimension_numbers<[1], [0], [0], [1], [0, 0, 1, 1], [], []>, transpose_lhs_hint = false} : vector<32x3072xf32>, vector<3072x128xf32>, vector<32x128xf32> -> vector<32x128xf32>
    %reduce_sum3A = arith.constant dense<0.000000e+00> : vector<32xf32>
    %reduce_sum3A_37 = vector.multi_reduction <add>, %get3A_34, %reduce_sum3A [1] : vector<32x3072xf32> to vector<32xf32>
    %broadcast_in_dim3A_38 = vector.shape_cast %reduce_sum3A_37 : vector<32xf32> to vector<32x1xf32>
    %add3A_39 = arith.constant 9.99999997E-7 : f32
    %add3A_40 = vector.broadcast %add3A_39 : f32 to vector<32x1xf32>
    %add3A_41 = arith.addf %broadcast_in_dim3A_38, %add3A_40 : vector<32x1xf32>
    %div3A = vector.broadcast %add3A_41 : vector<32x1xf32> to vector<32x128xf32>
    %div3A_42 = arith.divf %dot_general3A_36, %div3A : vector<32x128xf32>
    %broadcast_in_dim3A_43 = vector.shape_cast %div3A_42 : vector<32x128xf32> to vector<1x32x128xf32>
    %swap3A = arith.constant 0 : index
    %swap3A_44 = arith.constant 0 : index
    %swap3A_45 = arith.constant 0 : index
    %swap3A_46 = vector.load %arg6[%swap3A, %swap3A_44, %swap3A_45] : memref<1x32x128xf32, #tpu.memory_space<vmem>>, vector<1x32x128xf32>
    tpu.vector_store %arg6[%swap3A, %swap3A_44, %swap3A_45], %broadcast_in_dim3A_43 {strides = array<i32>} : memref<1x32x128xf32, #tpu.memory_space<vmem>>, vector<1x32x128xf32>,
    return
  }
  func.func @transform_0(%arg0: i32) -> (i32, i32, i32, i32) {
    %c0_i32 = arith.constant 0 : i32
    %c0_i32_0 = arith.constant 0 : i32
    %c0_i32_1 = arith.constant 0 : i32
    %c0_i32_2 = arith.constant 0 : i32
    return %c0_i32, %arg0, %c0_i32_0, %c0_i32_1 : i32, i32, i32, i32
  }
  func.func @transform_1(%arg0: i32) -> (i32, i32) {
    %c0_i32 = arith.constant 0 : i32
    %c0_i32_0 = arith.constant 0 : i32
    %c0_i32_1 = arith.constant 0 : i32
    return %c0_i32, %c0_i32_0 : i32, i32
  }
  func.func @transform_2(%arg0: i32) -> (i32, i32) {
    %c0_i32 = arith.constant 0 : i32
    %c0_i32_0 = arith.constant 0 : i32
    %c0_i32_1 = arith.constant 0 : i32
    return %c0_i32, %c0_i32_0 : i32, i32
  }
  func.func @transform_3(%arg0: i32) -> (i32, i32) {
    %c0_i32 = arith.constant 0 : i32
    %c0_i32_0 = arith.constant 0 : i32
    %c0_i32_1 = arith.constant 0 : i32
    return %c0_i32, %c0_i32_0 : i32, i32
  }
  func.func @transform_4(%arg0: i32) -> (i32, i32, i32) {
    %c0_i32 = arith.constant 0 : i32
    %c0_i32_0 = arith.constant 0 : i32
    %c0_i32_1 = arith.constant 0 : i32
    return %arg0, %c0_i32, %c0_i32_0 : i32, i32, i32
  }
  func.func @transform_5(%arg0: i32) -> (i32, i32, i32) {
    %c0_i32 = arith.constant 0 : i32
    %c0_i32_0 = arith.constant 0 : i32
    %c0_i32_1 = arith.constant 0 : i32
    return %arg0, %c0_i32, %c0_i32_0 : i32, i32, i32
  }
}

module attributes {stable_mosaic.version = 14 : i64} {
  func.func @_mp_plain_body(%arg0: i32, %arg1: memref<3x8x128x128xf32, #tpu.memory_space<vmem>>, %arg2: memref<128x128xf32, #tpu.memory_space<vmem>>, %arg3: memref<128x128xf32, #tpu.memory_space<vmem>>, %arg4: memref<1x128xf32, #tpu.memory_space<vmem>>, %arg5: memref<1x32x128xf32, #tpu.memory_space<vmem>>) attributes {dimension_semantics = [#tpu.dimension_semantics<arbitrary>], iteration_bounds = array<i64: 8>, scalar_prefetch = 0 : i64, scratch_operands = 0 : i64, tpu.core_type = #tpu.core_type<tc>, window_params = [{transform_indices = @transform_0, window_bounds = array<i64: 3, 8, 128, 128>}, {pipeline_mode = #tpu.pipeline_mode<synchronous>, transform_indices = @transform_1, window_bounds = array<i64: 128, 128>}, {pipeline_mode = #tpu.pipeline_mode<synchronous>, transform_indices = @transform_2, window_bounds = array<i64: 128, 128>}, {pipeline_mode = #tpu.pipeline_mode<synchronous>, transform_indices = @transform_3, window_bounds = array<i64: 1, 128>}, {transform_indices = @transform_4, window_bounds = array<i64: 1, 32, 128>}]} {
    %get3A = arith.constant 0 : index
    %get3A_0 = arith.constant 0 : index
    %get3A_1 = arith.constant 0 : index
    %get3A_2 = arith.constant 0 : index
    %get3A_3 = vector.load %arg1[%get3A, %get3A_0, %get3A_1, %get3A_2] : memref<3x8x128x128xf32, #tpu.memory_space<vmem>>, vector<3x8x128x128xf32>
    %reshape3A = vector.shape_cast %get3A_3 : vector<3x8x128x128xf32> to vector<3x1024x128xf32>
    %get3A_4 = arith.constant 0 : index
    %get3A_5 = arith.constant 0 : index
    %get3A_6 = vector.load %arg2[%get3A_4, %get3A_5] : memref<128x128xf32, #tpu.memory_space<vmem>>, vector<128x128xf32>
    %get3A_7 = arith.constant 0 : index
    %get3A_8 = arith.constant 0 : index
    %get3A_9 = vector.load %arg3[%get3A_7, %get3A_8] : memref<128x128xf32, #tpu.memory_space<vmem>>, vector<128x128xf32>
    %get3A_10 = arith.constant 0 : index
    %get3A_11 = arith.constant 0 : index
    %get3A_12 = vector.load %arg4[%get3A_10, %get3A_11] : memref<1x128xf32, #tpu.memory_space<vmem>>, vector<1x128xf32>
    %slice3A = vector.extract_strided_slice %reshape3A {offsets = [0, 0, 0], sizes = [1, 1024, 128], strides = [1, 1, 1]} : vector<3x1024x128xf32> to vector<1x1024x128xf32>
    %squeeze3A = vector.shape_cast %slice3A : vector<1x1024x128xf32> to vector<1024x128xf32>
    %slice3A_13 = vector.extract_strided_slice %reshape3A {offsets = [1, 0, 0], sizes = [1, 1024, 128], strides = [1, 1, 1]} : vector<3x1024x128xf32> to vector<1x1024x128xf32>
    %squeeze3A_14 = vector.shape_cast %slice3A_13 : vector<1x1024x128xf32> to vector<1024x128xf32>
    %add3A = arith.addf %squeeze3A, %squeeze3A_14 : vector<1024x128xf32>
    %slice3A_15 = vector.extract_strided_slice %reshape3A {offsets = [2, 0, 0], sizes = [1, 1024, 128], strides = [1, 1, 1]} : vector<3x1024x128xf32> to vector<1x1024x128xf32>
    %squeeze3A_16 = vector.shape_cast %slice3A_15 : vector<1x1024x128xf32> to vector<1024x128xf32>
    %add3A_17 = arith.addf %add3A, %squeeze3A_16 : vector<1024x128xf32>
    %dot_general3A = arith.constant dense<0.000000e+00> : vector<1024x128xf32>
    %dot_general3A_18 = tpu.matmul %add3A_17, %get3A_9, %dot_general3A {dimension_numbers = #tpu.dot_dimension_numbers<[1], [0], [0], [1], [0, 0, 1, 1], [], []>, transpose_lhs_hint = false} : vector<1024x128xf32>, vector<128x128xf32>, vector<1024x128xf32> -> vector<1024x128xf32>
    %add3A_19 = vector.broadcast %get3A_12 : vector<1x128xf32> to vector<1024x128xf32>
    %add3A_20 = arith.addf %dot_general3A_18, %add3A_19 : vector<1024x128xf32>
    %reshape3A_21 = vector.shape_cast %reshape3A : vector<3x1024x128xf32> to vector<3072x128xf32>
    %broadcast_in_dim3A = vector.shape_cast %add3A_20 : vector<1024x128xf32> to vector<1x1024x128xf32>
    %broadcast_in_dim3A_22 = vector.shape_cast %broadcast_in_dim3A : vector<1x1024x128xf32> to vector<1x1024x128xf32>
    %broadcast_in_dim3A_23 = vector.broadcast %broadcast_in_dim3A_22 : vector<1x1024x128xf32> to vector<3x1024x128xf32>
    %reshape3A_24 = vector.shape_cast %broadcast_in_dim3A_23 : vector<3x1024x128xf32> to vector<3072x128xf32>
    %sub3A = arith.subf %get3A_6, %get3A_9 : vector<128x128xf32>
    %dot_general3A_25 = arith.constant dense<0.000000e+00> : vector<3072x128xf32>
    %dot_general3A_26 = tpu.matmul %reshape3A_21, %sub3A, %dot_general3A_25 {dimension_numbers = #tpu.dot_dimension_numbers<[1], [0], [0], [1], [0, 0, 1, 1], [], []>, transpose_lhs_hint = false} : vector<3072x128xf32>, vector<128x128xf32>, vector<3072x128xf32> -> vector<3072x128xf32>
    %add3A_27 = arith.addf %dot_general3A_26, %reshape3A_24 : vector<3072x128xf32>
    %max3A = arith.constant 0.000000e+00 : f32
    %max3A_28 = vector.broadcast %max3A : f32 to vector<3072x128xf32>
    %max3A_29 = arith.maximumf %add3A_27, %max3A_28 : vector<3072x128xf32>
    %reshape3A_30 = vector.shape_cast %max3A_29 : vector<3072x128xf32> to vector<3x1024x128xf32>
    %slice3A_31 = vector.extract_strided_slice %reshape3A_30 {offsets = [0, 0, 0], sizes = [1, 1024, 128], strides = [1, 1, 1]} : vector<3x1024x128xf32> to vector<1x1024x128xf32>
    %squeeze3A_32 = vector.shape_cast %slice3A_31 : vector<1x1024x128xf32> to vector<1024x128xf32>
    %slice3A_33 = vector.extract_strided_slice %reshape3A_30 {offsets = [1, 0, 0], sizes = [1, 1024, 128], strides = [1, 1, 1]} : vector<3x1024x128xf32> to vector<1x1024x128xf32>
    %squeeze3A_34 = vector.shape_cast %slice3A_33 : vector<1x1024x128xf32> to vector<1024x128xf32>
    %add3A_35 = arith.addf %squeeze3A_32, %squeeze3A_34 : vector<1024x128xf32>
    %slice3A_36 = vector.extract_strided_slice %reshape3A_30 {offsets = [2, 0, 0], sizes = [1, 1024, 128], strides = [1, 1, 1]} : vector<3x1024x128xf32> to vector<1x1024x128xf32>
    %squeeze3A_37 = vector.shape_cast %slice3A_36 : vector<1x1024x128xf32> to vector<1024x128xf32>
    %add3A_38 = arith.addf %add3A_35, %squeeze3A_37 : vector<1024x128xf32>
    %reshape3A_39 = vector.shape_cast %add3A_38 : vector<1024x128xf32> to vector<32x32x128xf32>
    %reduce_sum3A = arith.constant dense<0.000000e+00> : vector<32x128xf32>
    %reduce_sum3A_40 = vector.multi_reduction <add>, %reshape3A_39, %reduce_sum3A [1] : vector<32x32x128xf32> to vector<32x128xf32>
    %mul3A = arith.constant 0.010416667 : f32
    %mul3A_41 = vector.broadcast %mul3A : f32 to vector<32x128xf32>
    %mul3A_42 = arith.mulf %reduce_sum3A_40, %mul3A_41 : vector<32x128xf32>
    %broadcast_in_dim3A_43 = vector.shape_cast %mul3A_42 : vector<32x128xf32> to vector<1x32x128xf32>
    %swap3A = arith.constant 0 : index
    %swap3A_44 = arith.constant 0 : index
    %swap3A_45 = arith.constant 0 : index
    %swap3A_46 = vector.load %arg5[%swap3A, %swap3A_44, %swap3A_45] : memref<1x32x128xf32, #tpu.memory_space<vmem>>, vector<1x32x128xf32>
    tpu.vector_store %arg5[%swap3A, %swap3A_44, %swap3A_45], %broadcast_in_dim3A_43 {strides = array<i32>} : memref<1x32x128xf32, #tpu.memory_space<vmem>>, vector<1x32x128xf32>,
    return
  }
  func.func @transform_0(%arg0: i32) -> (i32, i32, i32, i32) {
    %c0_i32 = arith.constant 0 : i32
    %c0_i32_0 = arith.constant 0 : i32
    %c0_i32_1 = arith.constant 0 : i32
    %c0_i32_2 = arith.constant 0 : i32
    return %c0_i32, %arg0, %c0_i32_0, %c0_i32_1 : i32, i32, i32, i32
  }
  func.func @transform_1(%arg0: i32) -> (i32, i32) {
    %c0_i32 = arith.constant 0 : i32
    %c0_i32_0 = arith.constant 0 : i32
    %c0_i32_1 = arith.constant 0 : i32
    return %c0_i32, %c0_i32_0 : i32, i32
  }
  func.func @transform_2(%arg0: i32) -> (i32, i32) {
    %c0_i32 = arith.constant 0 : i32
    %c0_i32_0 = arith.constant 0 : i32
    %c0_i32_1 = arith.constant 0 : i32
    return %c0_i32, %c0_i32_0 : i32, i32
  }
  func.func @transform_3(%arg0: i32) -> (i32, i32) {
    %c0_i32 = arith.constant 0 : i32
    %c0_i32_0 = arith.constant 0 : i32
    %c0_i32_1 = arith.constant 0 : i32
    return %c0_i32, %c0_i32_0 : i32, i32
  }
  func.func @transform_4(%arg0: i32) -> (i32, i32, i32) {
    %c0_i32 = arith.constant 0 : i32
    %c0_i32_0 = arith.constant 0 : i32
    %c0_i32_1 = arith.constant 0 : i32
    return %arg0, %c0_i32, %c0_i32_0 : i32, i32, i32
  }
}

module attributes {stable_mosaic.version = 14 : i64} {
  func.func @_combine_body(%arg0: memref<8x32x128xf32, #tpu.memory_space<vmem>>, %arg1: memref<8x32x128xf32, #tpu.memory_space<vmem>>, %arg2: memref<8x32x128xf32, #tpu.memory_space<vmem>>, %arg3: memref<8x32x128xf32, #tpu.memory_space<vmem>>, %arg4: memref<8x32x128xf32, #tpu.memory_space<vmem>>, %arg5: memref<8x32x128xf32, #tpu.memory_space<vmem>>, %arg6: memref<32x8x128xf32, #tpu.memory_space<vmem>>, %arg7: memref<6x128x128xf32, #tpu.memory_space<vmem>>, %arg8: memref<6x1x128xf32, #tpu.memory_space<vmem>>, %arg9: memref<3x128x128xf32, #tpu.memory_space<vmem>>, %arg10: memref<1x128xf32, #tpu.memory_space<vmem>>, %arg11: memref<1x128xf32, #tpu.memory_space<vmem>>, %arg12: memref<1x1xf32, #tpu.memory_space<vmem>>, %arg13: memref<256x1xf32, #tpu.memory_space<vmem>>) attributes {dimension_semantics = [], scalar_prefetch = 0 : i64, scratch_operands = 0 : i64, tpu.core_type = #tpu.core_type<tc>} {
    %get3A = arith.constant 0 : index
    %get3A_0 = arith.constant 0 : index
    %get3A_1 = arith.constant 0 : index
    %get3A_2 = vector.load %arg0[%get3A, %get3A_0, %get3A_1] : memref<8x32x128xf32, #tpu.memory_space<vmem>>, vector<8x32x128xf32>
    %reshape3A = vector.shape_cast %get3A_2 : vector<8x32x128xf32> to vector<256x128xf32>
    %get3A_3 = arith.constant 0 : index
    %get3A_4 = arith.constant 0 : index
    %get3A_5 = arith.constant 0 : index
    %get3A_6 = vector.load %arg7[%get3A_3, %get3A_4, %get3A_5] : memref<6x128x128xf32, #tpu.memory_space<vmem>>, vector<1x128x128xf32>
    %get3A_7 = vector.shape_cast %get3A_6 : vector<1x128x128xf32> to vector<128x128xf32>
    %dot_general3A = arith.constant dense<0.000000e+00> : vector<256x128xf32>
    %dot_general3A_8 = tpu.matmul %reshape3A, %get3A_7, %dot_general3A {dimension_numbers = #tpu.dot_dimension_numbers<[1], [0], [0], [1], [0, 0, 1, 1], [], []>, transpose_lhs_hint = false} : vector<256x128xf32>, vector<128x128xf32>, vector<256x128xf32> -> vector<256x128xf32>
    %get3A_9 = arith.constant 0 : index
    %get3A_10 = arith.constant 0 : index
    %get3A_11 = arith.constant 0 : index
    %get3A_12 = vector.load %arg8[%get3A_9, %get3A_10, %get3A_11] : memref<6x1x128xf32, #tpu.memory_space<vmem>>, vector<1x1x128xf32>
    %get3A_13 = vector.shape_cast %get3A_12 : vector<1x1x128xf32> to vector<1x128xf32>
    %add3A = vector.broadcast %get3A_13 : vector<1x128xf32> to vector<256x128xf32>
    %add3A_14 = arith.addf %dot_general3A_8, %add3A : vector<256x128xf32>
    %get3A_15 = arith.constant 0 : index
    %get3A_16 = arith.constant 0 : index
    %get3A_17 = arith.constant 0 : index
    %get3A_18 = vector.load %arg1[%get3A_15, %get3A_16, %get3A_17] : memref<8x32x128xf32, #tpu.memory_space<vmem>>, vector<8x32x128xf32>
    %reshape3A_19 = vector.shape_cast %get3A_18 : vector<8x32x128xf32> to vector<256x128xf32>
    %get3A_20 = arith.constant 1 : index
    %get3A_21 = arith.constant 0 : index
    %get3A_22 = arith.constant 0 : index
    %get3A_23 = vector.load %arg7[%get3A_20, %get3A_21, %get3A_22] : memref<6x128x128xf32, #tpu.memory_space<vmem>>, vector<1x128x128xf32>
    %get3A_24 = vector.shape_cast %get3A_23 : vector<1x128x128xf32> to vector<128x128xf32>
    %dot_general3A_25 = arith.constant dense<0.000000e+00> : vector<256x128xf32>
    %dot_general3A_26 = tpu.matmul %reshape3A_19, %get3A_24, %dot_general3A_25 {dimension_numbers = #tpu.dot_dimension_numbers<[1], [0], [0], [1], [0, 0, 1, 1], [], []>, transpose_lhs_hint = false} : vector<256x128xf32>, vector<128x128xf32>, vector<256x128xf32> -> vector<256x128xf32>
    %get3A_27 = arith.constant 1 : index
    %get3A_28 = arith.constant 0 : index
    %get3A_29 = arith.constant 0 : index
    %get3A_30 = vector.load %arg8[%get3A_27, %get3A_28, %get3A_29] : memref<6x1x128xf32, #tpu.memory_space<vmem>>, vector<1x1x128xf32>
    %get3A_31 = vector.shape_cast %get3A_30 : vector<1x1x128xf32> to vector<1x128xf32>
    %add3A_32 = vector.broadcast %get3A_31 : vector<1x128xf32> to vector<256x128xf32>
    %add3A_33 = arith.addf %dot_general3A_26, %add3A_32 : vector<256x128xf32>
    %sub3A = arith.subf %add3A_14, %add3A_33 : vector<256x128xf32>
    %get3A_34 = arith.constant 0 : index
    %get3A_35 = arith.constant 0 : index
    %get3A_36 = arith.constant 0 : index
    %get3A_37 = vector.load %arg3[%get3A_34, %get3A_35, %get3A_36] : memref<8x32x128xf32, #tpu.memory_space<vmem>>, vector<8x32x128xf32>
    %reshape3A_38 = vector.shape_cast %get3A_37 : vector<8x32x128xf32> to vector<256x128xf32>
    %get3A_39 = arith.constant 3 : index
    %get3A_40 = arith.constant 0 : index
    %get3A_41 = arith.constant 0 : index
    %get3A_42 = vector.load %arg7[%get3A_39, %get3A_40, %get3A_41] : memref<6x128x128xf32, #tpu.memory_space<vmem>>, vector<1x128x128xf32>
    %get3A_43 = vector.shape_cast %get3A_42 : vector<1x128x128xf32> to vector<128x128xf32>
    %dot_general3A_44 = arith.constant dense<0.000000e+00> : vector<256x128xf32>
    %dot_general3A_45 = tpu.matmul %reshape3A_38, %get3A_43, %dot_general3A_44 {dimension_numbers = #tpu.dot_dimension_numbers<[1], [0], [0], [1], [0, 0, 1, 1], [], []>, transpose_lhs_hint = false} : vector<256x128xf32>, vector<128x128xf32>, vector<256x128xf32> -> vector<256x128xf32>
    %get3A_46 = arith.constant 3 : index
    %get3A_47 = arith.constant 0 : index
    %get3A_48 = arith.constant 0 : index
    %get3A_49 = vector.load %arg8[%get3A_46, %get3A_47, %get3A_48] : memref<6x1x128xf32, #tpu.memory_space<vmem>>, vector<1x1x128xf32>
    %get3A_50 = vector.shape_cast %get3A_49 : vector<1x1x128xf32> to vector<1x128xf32>
    %add3A_51 = vector.broadcast %get3A_50 : vector<1x128xf32> to vector<256x128xf32>
    %add3A_52 = arith.addf %dot_general3A_45, %add3A_51 : vector<256x128xf32>
    %add3A_53 = arith.addf %sub3A, %add3A_52 : vector<256x128xf32>
    %get3A_54 = arith.constant 0 : index
    %get3A_55 = arith.constant 0 : index
    %get3A_56 = arith.constant 0 : index
    %get3A_57 = vector.load %arg4[%get3A_54, %get3A_55, %get3A_56] : memref<8x32x128xf32, #tpu.memory_space<vmem>>, vector<8x32x128xf32>
    %reshape3A_58 = vector.shape_cast %get3A_57 : vector<8x32x128xf32> to vector<256x128xf32>
    %get3A_59 = arith.constant 4 : index
    %get3A_60 = arith.constant 0 : index
    %get3A_61 = arith.constant 0 : index
    %get3A_62 = vector.load %arg7[%get3A_59, %get3A_60, %get3A_61] : memref<6x128x128xf32, #tpu.memory_space<vmem>>, vector<1x128x128xf32>
    %get3A_63 = vector.shape_cast %get3A_62 : vector<1x128x128xf32> to vector<128x128xf32>
    %dot_general3A_64 = arith.constant dense<0.000000e+00> : vector<256x128xf32>
    %dot_general3A_65 = tpu.matmul %reshape3A_58, %get3A_63, %dot_general3A_64 {dimension_numbers = #tpu.dot_dimension_numbers<[1], [0], [0], [1], [0, 0, 1, 1], [], []>, transpose_lhs_hint = false} : vector<256x128xf32>, vector<128x128xf32>, vector<256x128xf32> -> vector<256x128xf32>
    %get3A_66 = arith.constant 4 : index
    %get3A_67 = arith.constant 0 : index
    %get3A_68 = arith.constant 0 : index
    %get3A_69 = vector.load %arg8[%get3A_66, %get3A_67, %get3A_68] : memref<6x1x128xf32, #tpu.memory_space<vmem>>, vector<1x1x128xf32>
    %get3A_70 = vector.shape_cast %get3A_69 : vector<1x1x128xf32> to vector<1x128xf32>
    %add3A_71 = vector.broadcast %get3A_70 : vector<1x128xf32> to vector<256x128xf32>
    %add3A_72 = arith.addf %dot_general3A_65, %add3A_71 : vector<256x128xf32>
    %sub3A_73 = arith.subf %add3A_53, %add3A_72 : vector<256x128xf32>
    %mul3A = arith.constant 2.500000e-01 : f32
    %mul3A_74 = vector.broadcast %mul3A : f32 to vector<256x128xf32>
    %mul3A_75 = arith.mulf %mul3A_74, %sub3A_73 : vector<256x128xf32>
    %get3A_76 = arith.constant 0 : index
    %get3A_77 = arith.constant 0 : index
    %get3A_78 = arith.constant 0 : index
    %get3A_79 = vector.load %arg2[%get3A_76, %get3A_77, %get3A_78] : memref<8x32x128xf32, #tpu.memory_space<vmem>>, vector<8x32x128xf32>
    %reshape3A_80 = vector.shape_cast %get3A_79 : vector<8x32x128xf32> to vector<256x128xf32>
    %get3A_81 = arith.constant 2 : index
    %get3A_82 = arith.constant 0 : index
    %get3A_83 = arith.constant 0 : index
    %get3A_84 = vector.load %arg7[%get3A_81, %get3A_82, %get3A_83] : memref<6x128x128xf32, #tpu.memory_space<vmem>>, vector<1x128x128xf32>
    %get3A_85 = vector.shape_cast %get3A_84 : vector<1x128x128xf32> to vector<128x128xf32>
    %dot_general3A_86 = arith.constant dense<0.000000e+00> : vector<256x128xf32>
    %dot_general3A_87 = tpu.matmul %reshape3A_80, %get3A_85, %dot_general3A_86 {dimension_numbers = #tpu.dot_dimension_numbers<[1], [0], [0], [1], [0, 0, 1, 1], [], []>, transpose_lhs_hint = false} : vector<256x128xf32>, vector<128x128xf32>, vector<256x128xf32> -> vector<256x128xf32>
    %get3A_88 = arith.constant 2 : index
    %get3A_89 = arith.constant 0 : index
    %get3A_90 = arith.constant 0 : index
    %get3A_91 = vector.load %arg8[%get3A_88, %get3A_89, %get3A_90] : memref<6x1x128xf32, #tpu.memory_space<vmem>>, vector<1x1x128xf32>
    %get3A_92 = vector.shape_cast %get3A_91 : vector<1x1x128xf32> to vector<1x128xf32>
    %add3A_93 = vector.broadcast %get3A_92 : vector<1x128xf32> to vector<256x128xf32>
    %add3A_94 = arith.addf %dot_general3A_87, %add3A_93 : vector<256x128xf32>
    %get3A_95 = arith.constant 0 : index
    %get3A_96 = arith.constant 0 : index
    %get3A_97 = arith.constant 0 : index
    %get3A_98 = vector.load %arg5[%get3A_95, %get3A_96, %get3A_97] : memref<8x32x128xf32, #tpu.memory_space<vmem>>, vector<8x32x128xf32>
    %reshape3A_99 = vector.shape_cast %get3A_98 : vector<8x32x128xf32> to vector<256x128xf32>
    %get3A_100 = arith.constant 5 : index
    %get3A_101 = arith.constant 0 : index
    %get3A_102 = arith.constant 0 : index
    %get3A_103 = vector.load %arg7[%get3A_100, %get3A_101, %get3A_102] : memref<6x128x128xf32, #tpu.memory_space<vmem>>, vector<1x128x128xf32>
    %get3A_104 = vector.shape_cast %get3A_103 : vector<1x128x128xf32> to vector<128x128xf32>
    %dot_general3A_105 = arith.constant dense<0.000000e+00> : vector<256x128xf32>
    %dot_general3A_106 = tpu.matmul %reshape3A_99, %get3A_104, %dot_general3A_105 {dimension_numbers = #tpu.dot_dimension_numbers<[1], [0], [0], [1], [0, 0, 1, 1], [], []>, transpose_lhs_hint = false} : vector<256x128xf32>, vector<128x128xf32>, vector<256x128xf32> -> vector<256x128xf32>
    %get3A_107 = arith.constant 5 : index
    %get3A_108 = arith.constant 0 : index
    %get3A_109 = arith.constant 0 : index
    %get3A_110 = vector.load %arg8[%get3A_107, %get3A_108, %get3A_109] : memref<6x1x128xf32, #tpu.memory_space<vmem>>, vector<1x1x128xf32>
    %get3A_111 = vector.shape_cast %get3A_110 : vector<1x1x128xf32> to vector<1x128xf32>
    %add3A_112 = vector.broadcast %get3A_111 : vector<1x128xf32> to vector<256x128xf32>
    %add3A_113 = arith.addf %dot_general3A_106, %add3A_112 : vector<256x128xf32>
    %add3A_114 = arith.addf %add3A_94, %add3A_113 : vector<256x128xf32>
    %mul3A_115 = arith.constant 5.000000e-01 : f32
    %mul3A_116 = vector.broadcast %mul3A_115 : f32 to vector<256x128xf32>
    %mul3A_117 = arith.mulf %mul3A_116, %add3A_114 : vector<256x128xf32>
    %get3A_118 = arith.constant 0 : index
    %get3A_119 = arith.constant 0 : index
    %get3A_120 = arith.constant 0 : index
    %get3A_121 = vector.load %arg6[%get3A_118, %get3A_119, %get3A_120] : memref<32x8x128xf32, #tpu.memory_space<vmem>>, vector<32x8x128xf32>
    %reshape3A_122 = vector.shape_cast %get3A_121 : vector<32x8x128xf32> to vector<256x128xf32>
    %get3A_123 = arith.constant 0 : index
    %get3A_124 = arith.constant 0 : index
    %get3A_125 = arith.constant 0 : index
    %get3A_126 = vector.load %arg9[%get3A_123, %get3A_124, %get3A_125] : memref<3x128x128xf32, #tpu.memory_space<vmem>>, vector<1x128x128xf32>
    %get3A_127 = vector.shape_cast %get3A_126 : vector<1x128x128xf32> to vector<128x128xf32>
    %dot_general3A_128 = arith.constant dense<0.000000e+00> : vector<256x128xf32>
    %dot_general3A_129 = tpu.matmul %reshape3A_122, %get3A_127, %dot_general3A_128 {dimension_numbers = #tpu.dot_dimension_numbers<[1], [0], [0], [1], [0, 0, 1, 1], [], []>, transpose_lhs_hint = false} : vector<256x128xf32>, vector<128x128xf32>, vector<256x128xf32> -> vector<256x128xf32>
    %get3A_130 = arith.constant 1 : index
    %get3A_131 = arith.constant 0 : index
    %get3A_132 = arith.constant 0 : index
    %get3A_133 = vector.load %arg9[%get3A_130, %get3A_131, %get3A_132] : memref<3x128x128xf32, #tpu.memory_space<vmem>>, vector<1x128x128xf32>
    %get3A_134 = vector.shape_cast %get3A_133 : vector<1x128x128xf32> to vector<128x128xf32>
    %dot_general3A_135 = arith.constant dense<0.000000e+00> : vector<256x128xf32>
    %dot_general3A_136 = tpu.matmul %mul3A_75, %get3A_134, %dot_general3A_135 {dimension_numbers = #tpu.dot_dimension_numbers<[1], [0], [0], [1], [0, 0, 1, 1], [], []>, transpose_lhs_hint = false} : vector<256x128xf32>, vector<128x128xf32>, vector<256x128xf32> -> vector<256x128xf32>
    %add3A_137 = arith.addf %dot_general3A_129, %dot_general3A_136 : vector<256x128xf32>
    %get3A_138 = arith.constant 2 : index
    %get3A_139 = arith.constant 0 : index
    %get3A_140 = arith.constant 0 : index
    %get3A_141 = vector.load %arg9[%get3A_138, %get3A_139, %get3A_140] : memref<3x128x128xf32, #tpu.memory_space<vmem>>, vector<1x128x128xf32>
    %get3A_142 = vector.shape_cast %get3A_141 : vector<1x128x128xf32> to vector<128x128xf32>
    %dot_general3A_143 = arith.constant dense<0.000000e+00> : vector<256x128xf32>
    %dot_general3A_144 = tpu.matmul %mul3A_117, %get3A_142, %dot_general3A_143 {dimension_numbers = #tpu.dot_dimension_numbers<[1], [0], [0], [1], [0, 0, 1, 1], [], []>, transpose_lhs_hint = false} : vector<256x128xf32>, vector<128x128xf32>, vector<256x128xf32> -> vector<256x128xf32>
    %add3A_145 = arith.addf %add3A_137, %dot_general3A_144 : vector<256x128xf32>
    %get3A_146 = arith.constant 0 : index
    %get3A_147 = arith.constant 0 : index
    %get3A_148 = vector.load %arg10[%get3A_146, %get3A_147] : memref<1x128xf32, #tpu.memory_space<vmem>>, vector<1x128xf32>
    %add3A_149 = vector.broadcast %get3A_148 : vector<1x128xf32> to vector<256x128xf32>
    %add3A_150 = arith.addf %add3A_145, %add3A_149 : vector<256x128xf32>
    %max3A = arith.constant 0.000000e+00 : f32
    %max3A_151 = vector.broadcast %max3A : f32 to vector<256x128xf32>
    %max3A_152 = arith.maximumf %add3A_150, %max3A_151 : vector<256x128xf32>
    %get3A_153 = arith.constant 0 : index
    %get3A_154 = arith.constant 0 : index
    %get3A_155 = vector.load %arg11[%get3A_153, %get3A_154] : memref<1x128xf32, #tpu.memory_space<vmem>>, vector<1x128xf32>
    %mul3A_156 = vector.broadcast %get3A_155 : vector<1x128xf32> to vector<256x128xf32>
    %mul3A_157 = arith.mulf %max3A_152, %mul3A_156 : vector<256x128xf32>
    %reduce_sum3A = arith.constant dense<0.000000e+00> : vector<256xf32>
    %reduce_sum3A_158 = vector.multi_reduction <add>, %mul3A_157, %reduce_sum3A [1] : vector<256x128xf32> to vector<256xf32>
    %broadcast_in_dim3A = vector.shape_cast %reduce_sum3A_158 : vector<256xf32> to vector<256x1xf32>
    %get3A_159 = arith.constant 0 : index
    %get3A_160 = arith.constant 0 : index
    %get3A_161 = vector.load %arg12[%get3A_159, %get3A_160] : memref<1x1xf32, #tpu.memory_space<vmem>>, vector<1x1xf32>
    %add3A_162 = vector.broadcast %get3A_161 : vector<1x1xf32> to vector<256x1xf32>
    %add3A_163 = arith.addf %broadcast_in_dim3A, %add3A_162 : vector<256x1xf32>
    %swap3A = arith.constant 0 : index
    %swap3A_164 = arith.constant 0 : index
    %swap3A_165 = vector.load %arg13[%swap3A, %swap3A_164] : memref<256x1xf32, #tpu.memory_space<vmem>>, vector<256x1xf32>
    tpu.vector_store %arg13[%swap3A, %swap3A_164], %add3A_163 {strides = array<i32>} : memref<256x1xf32, #tpu.memory_space<vmem>>, vector<256x1xf32>,
    return
  }
}

</mosaic_0001>

<sc_bundles>
// kernel: kernel.15.cloned.1.call-start
scs
__scs_entry_jumppad:
0x0: {  	(pc) =	sbr.rel $0x88, $3  }
0x1: {  	(tag) =	ssettag $0x0;
	lr =	simm.s32 $0x1  }
0x2: {  	[smem:$0x3F7F] =	sst lr;
	_ =	strace $0xD0000000  }
0x3: {  	_ = 	snop  }
0x4: {  	_ = 	snop  }
0x5: {  	_ = 	snop  }
0x6: {  	_ = 	snop  }
0x7: {  	_ = 	snop  }
__scs_overlays_trampoline_lowered:
0x8: {  	[smem:$0x3F8E] =	sst s0  }
0x9: {  	[smem:$0x3F8F] =	sst s1  }
0xa: {  	[smem:$0x3F90] =	sst s2  }
0xb: {  	[smem:$0x3F91] =	sst s3  }
0xc: {  	[smem:$0x3F92] =	sst s4  }
0xd: {  	[smem:$0x3F93] =	sst s5  }
0xe: {  	[smem:$0x3F94] =	sst s6  }
0xf: {  	[smem:$0x3F95] =	sst s7  }
0x10: {  	[smem:$0x3F96] =	sst s8  }
0x11: {  	[smem:$0x3F97] =	sst s9;
	s0 =	simm.s32 @!p0 $0x0  }
0x12: {  	s1 =	sld [smem:$0x3F7D];
	s0 =	simm.s32 @p0 $0x1  }
0x13: {  	[smem:$0x3F98] =	sst s0;
	s0 =	simm.s32 @!p1 $0x0  }
0x14: {  	s2 =	sld [smem:$0x3F7C];
	s0 =	simm.s32 @p1 $0x1  }
0x15: {  	[smem:$0x3F99] =	sst s0;
	s0 =	simm.s32 @!p2 $0x0  }
0x16: {  	s3 =	sld [smem:$0x3FDB];
	s0 =	simm.s32 @p2 $0x1  }
0x17: {  	s4 =	simm.s32 $0x1BF5;
	[smem:$0x3F9B] =	sst s0  }
0x18: {  	s0 =	sld [smem:$0x3F7E];
	_ =	swait.ge [sflag:s4], $0x0  }
0x19: {  	s7 =	sld [smem:$0x3F7F]  }
0x1a: {  	s8 =	sadd.s32 $0xFFFFE003, lr  }
0x1b: {  	s9 =	sadd.s32 $0xFFFFFEF7, lr;
	s5 =	simm.s32 $0xFFFFFFFF;
	p2 =	slt.u32 s8, $0xFFFFF086  }
0x1c: {  	p1 =	slt.u32 s9, $0xF7A;
	s5 =	simm.s32 @!p2 $0x0  }
0x1d: {  	s5 =	simm.s32 @p1 $0x1;
	p0 =	seq.s32 s7, s2  }
0x1e: {  	s7 =	smul.u32 @!p0 $0xF7A, s2;
	p2 =	seq.s32 @!p0 s5, $0x0  }
0x1f: {  	s9 =	smul.u32 $0xF7A, s1;
	s8 =	simm.s32 @!p0 $0x1BF5;
	p2 =	por !p2, p0  }
0x20: {  	[sflag:s8] =	ssyncset.s32 @!p0 $0xFFFFF086;
	s6 =	sadd.s32 @!p0 s3, s7;
	s7 =	simm.s32 @!p0 $0x108  }
0x21: {  	s3 =	sadd.s32 s3, s9;
	s6 =	sadd.s32 @!p0 $0x88, s6;
	s7 =	simm.s32 @p2 $0x1082  }
0x22: {  	[simem:s7], [sflag:s8] =	dma.local @!p0 [hbm:s6], $0xF7A  }
0x23: {  	s9 =	sor.u32 $0xD0000000, s2;
	s6 =	simm.s32 $0x108;
	_ =	swait.ge @!p0 [sflag:s8], $0x0  }
0x24: {  	s3 =	sadd.s32 $0x88, s3;
	s6 =	simm.s32 @!p1 $0x1082;
	[sflag:s4] =	ssyncset.s32 $0xFFFFF086  }
0x25: {  	[simem:s6], [sflag:s4] =	dma.local [hbm:s3], $0xF7A  }
0x26: {  	[smem:$0x3F7F] =	sst s1;
	(tag) =	ssettag s2;
	_ =	strace s9  }
0x27: {  	s1 =	sld [smem:$0x3F8F]  }
0x28: {  	s2 =	sld [smem:$0x3F90]  }
0x29: {  	s4 =	sld [smem:$0x3F92]  }
0x2a: {  	p0 =	seq.s32 s5, $0x0;
	s5 =	sld [smem:$0x3F93]  }
0x2b: {  	s6 =	sld [smem:$0x3F94]  }
0x2c: {  	s7 =	sld [smem:$0x3F95]  }
0x2d: {  	s3 =	simm.s32 $0x108;
	s8 =	sld [smem:$0x3F96]  }
0x2e: {  	s3 =	simm.s32 @!p0 $0x1082;
	s9 =	sld [smem:$0x3F97]  }
0x2f: {  	lr =	sadd.s32 s0, s3;
	s0 =	sld [smem:$0x3F8E]  }
0x30: {  	s3 =	sld [smem:$0x3F91]  }
0x31: {  	[smem:$0x3F9A] =	sst s10  }
0x32: {  	s10 =	sld [smem:$0x3F98];
	_ =	sdelay $0x3  }
0x33: {  	p0 =	seq.s32 s10, $0x1;
	s10 =	sld [smem:$0x3F9A];
	_ =	sdelay $0x3  }
0x34: {  	[smem:$0x3F9A] =	sst s10  }
0x35: {  	s10 =	sld [smem:$0x3F99];
	_ =	sdelay $0x3  }
0x36: {  	p1 =	seq.s32 s10, $0x1;
	s10 =	sld [smem:$0x3F9A];
	_ =	sdelay $0x3  }
0x37: {  	[smem:$0x3F9A] =	sst s10  }
0x38: {  	s10 =	sld [smem:$0x3F9B]  }
0x39: {  	_ = 	snop;
	(pc) =	sbr.ind lr, $3  }
0x3a: {  	_ = 	snop  }
0x3b: {  	_ = 	snop  }
0x3c: {  	p2 =	seq.s32 s10, $0x1;
	s10 =	sld [smem:$0x3F9A]  }
0x3d: {  	_ =	shalt  }
0x3e: {  	_ =	shalt  }
0x3f: {  	_ =	shalt  }
0x40: {  	_ =	shalt  }
0x41: {  	_ =	shalt  }
0x42: {  	_ =	shalt  }
0x43: {  	_ =	shalt  }
0x44: {  	_ =	shalt  }
0x45: {  	_ =	shalt  }
0x46: {  	_ =	shalt  }
0x47: {  	_ =	shalt  }
0x48: {  	_ =	shalt  }
0x49: {  	_ =	shalt  }
0x4a: {  	_ =	shalt  }
0x4b: {  	_ =	shalt  }
0x4c: {  	_ =	shalt  }
0x4d: {  	_ =	shalt  }
0x4e: {  	_ =	shalt  }
0x4f: {  	_ =	shalt  }
0x50: {  	_ =	shalt  }
0x51: {  	_ =	shalt  }
0x52: {  	_ =	shalt  }
0x53: {  	_ =	shalt  }
0x54: {  	_ =	shalt  }
0x55: {  	_ =	shalt  }
0x56: {  	_ =	shalt  }
0x57: {  	_ =	shalt  }
0x58: {  	_ =	shalt  }
0x59: {  	_ =	shalt  }
0x5a: {  	_ =	shalt  }
0x5b: {  	_ =	shalt  }
0x5c: {  	_ =	shalt  }
0x5d: {  	_ =	shalt  }
0x5e: {  	_ =	shalt  }
0x5f: {  	_ =	shalt  }
0x60: {  	_ =	shalt  }
0x61: {  	_ =	shalt  }
0x62: {  	_ =	shalt  }
0x63: {  	_ =	shalt  }
0x64: {  	_ =	shalt  }
0x65: {  	_ =	shalt  }
0x66: {  	_ =	shalt  }
0x67: {  	_ =	shalt  }
0x68: {  	_ =	shalt  }
0x69: {  	_ =	shalt  }
0x6a: {  	_ =	shalt  }
0x6b: {  	_ =	shalt  }
0x6c: {  	_ =	shalt  }
0x6d: {  	_ =	shalt  }
0x6e: {  	_ =	shalt  }
0x6f: {  	_ =	shalt  }
0x70: {  	_ =	shalt  }
0x71: {  	_ =	shalt  }
0x72: {  	_ =	shalt  }
0x73: {  	_ =	shalt  }
0x74: {  	_ =	shalt  }
0x75: {  	_ =	shalt  }
0x76: {  	_ =	shalt  }
0x77: {  	_ =	shalt  }
0x78: {  	_ =	shalt  }
0x79: {  	_ =	shalt  }
0x7a: {  	_ =	shalt  }
0x7b: {  	_ =	shalt  }
0x7c: {  	_ =	shalt  }
0x7d: {  	_ =	shalt  }
0x7e: {  	_ =	shalt  }
0x7f: {  	_ =	shalt  }
0x80: {  	_ =	shalt  }
0x81: {  	_ =	shalt  }
0x82: {  	_ =	shalt  }
0x83: {  	_ =	shalt  }
0x84: {  	_ =	shalt  }
0x85: {  	_ =	shalt  }
0x86: {  	_ =	shalt  }
0x87: {  	_ =	shalt  }
.Lfunc_end0:
.L_simem_size_0:
called_computation_lowered:
.L_overlay_start_0:
0x88: {  	s2 =	sld [smem:$0x3FD9]  }
0x89: {  	s3 =	sld [smem:$0x3FFE];
	_ =	sdelay $0x1  }
0x8a: {  	s1 =	srdreg.scid  }
0x8b: {  	s0 =	sand.u32 $0x1, s1  }
0x8c: {  	s17 =	sshll.u32 s0, $0xA;
	s2 =	sadd.s32 s3, s2  }
0x8d: {  	s2 =	sadd.s32 s2, s17  }
0x8e: {  	[smem:$0x3FA6] =	sst s2  }
0x8f: {  	_ = 	snop  }
0x90: {  	s2 =	sld [smem:$0x3FC5];
	(tm) =	ssettm $0x1  }
0x91: {  	s18 =	sld [smem:$0x3FFB];
	_ =	sdelay $0x3  }
0x92: {  	_ =	strace s18  }
0x93: {  	s3 =	sld [smem:$0x3FFC];
	_ =	sdelay $0x3  }
0x94: {  	_ =	strace s3  }
0x95: {  	s3 =	sld [smem:$0x3FFD];
	_ =	sdelay $0x3  }
0x96: {  	_ =	strace s3  }
0x97: {  	_ =	strace $0x8FFFFFFF  }
0x98: {  	s19 =	sld [smem:$0x3FDB];
	_ =	sdelay $0x1  }
0x99: {  	s4 =	simm.s32 $_scs_section_size  }
0x9a: {  	s5 =	simm.s32 $_size__tile_overlayer_lowered;
	s6 =	simm.s32 $_tile_overlayer_lowered  }
0x9b: {  	s22 =	simm.s32 $0x1BFF;
	s21 =	sshll.u32 s6, $0x1;
	s3 =	sadd.s32 s4, s19  }
0x9c: {  	s7 =	simm.s32 $0x0;
	s20 =	sshll.u32 s5, $0x1;
	s5 =	sadd.s32 s21, s3  }
0x9d: {  	[timem:s7], [sflag:s22] =	dma.local [hbm:s5], s20  }
0x9e: {  	_ =	swait.ge [sflag:s22], s20  }
0x9f: {  	s4 =	ssub.s32 $0x0, s20;
	[sflag:s22] =	ssyncset.done $0x0  }
0xa0: {  	[sflag:s22] =	ssyncadd.s32 s4;
	_ =	sdelay $0x1  }
0xa1: {  	s23 =	simm.s32 $0x1B8B  }
0xa2: {  	_ =	swait.ge [sflag:s23], $0x1  }
0xa3: {  	[sflag:s23] =	ssyncset.done $0x0  }
0xa4: {  	s25 =	simm.s32 $0x1B8E;
	s24 =	sld [smem:$0x3FFE];
	[sflag:s23] =	ssyncadd.s32 $0xFFFFFFFF  }
0xa5: {  	s26 =	simm.s32 $execute0_lowered;
	[smem:$0x3FD2] =	sst s25  }
0xa6: {  	s5 =	sshll.u32 s26, $0x1;
	_ =	strace $0x80000046;
	[dreg:$0x1] =	wrdreg $0xFFFFFFFF  }
0xa7: {  	s28 =	simm.s32 $_size_execute0_lowered;
	s3 =	sadd.s32 s3, s5;
	[dreg:$0x0] =	wrdreg $0x0  }
0xa8: {  	s5 =	sshll.u32 s28, $0x1;
	[dreg:$0x2] =	wrdreg s3  }
0xa9: {  	[dreg:$0x3] =	wrdreg s5  }
0xaa: {  	[dreg:$0x4] =	wrdreg $0xC0  }
0xab: {  	_ =	task [dreg:s7], $0x5FFFF  }
0xac: {  	[dreg:$0x1] =	wrdreg $0xFFFFFFFF  }
0xad: {  	[dreg:$0x0] =	wrdreg $0x60  }
0xae: {  	[dreg:$0x2] =	wrdreg s2  }
0xaf: {  	[dreg:$0x3] =	wrdreg s24  }
0xb0: {  	[dreg:$0x4] =	wrdreg $0x9  }
0xb1: {  	_ =	task.clear_ibuf [dreg:s7], $0x5FFFF;
	_ =	strace $0x90000046  }
0xb2: {  	s29 =	simm.s32 $0x9;
	_ =	strace $0x80000048  }
0xb3: {  	_ =	swait.ge [sflag:s29], $0x1  }
0xb4: {  	[sflag:s29] =	ssyncadd.s32 $0xFFFFFFFF  }
0xb5: {  	_ =	strace $0x90000048  }
0xb6: {  	_ =	sfence  }
0xb7: {  	s30 =	sld [smem:$0x0];
	_ =	sdelay $0x2  }
0xb8: {  	s31 =	sshll.u32 s1, $0xD;
	s1 =	sshrl.u32 s1, $0x2  }
0xb9: {  	s3 =	sand.u32 $0x4000, s31;
	s1 =	sadd.s32 s1, s30  }
0xba: {  	s0 =	sor.u32 s3, s0;
	s1 =	sshll.u32 s1, $0x11  }
0xbb: {  	s0 =	sor.u32 s1, s0  }
0xbc: {  	s0 =	sadd.s32 $0x8F2B, s0  }
0xbd: {  	[sflag:s0] =	ssyncadd.remote.s32 $0x1  }
0xbe: {  	_ =	sfence.sel $0xFFFF  }
0xbf: {  	[dreg:$0x0] =	wrdreg $0xFFFFFFFF;
	(pc) =	sbr.abs _section_cstart, $3  }
0xc0: {  	[dreg:$0x1] =	wrdreg $0xFFFFFFFF  }
0xc1: {  	_ =	task.clear_ibuf [dreg:s7], $0x2FFFF;
	_ =	strace $0x9FFFFFFF  }
0xc2: {  	(tm) =	ssettm $0x7FFFFFFF  }
0xc3: {  	_ =	shalt  }
tec
execute0_lowered:
.L_overlay_start_1:
0x0: {  	(tag) =	ssettag $0x1  }
0x1: {  	s2 =	rddreg [dreg:$0x0];
	s0 =	srdreg.scid  }
0x2: {  	s3 =	stileid.u32;
	s1 =	rddreg [dreg:$0x1];
	s23 =	simm.s32 $0x80  }
0x3: {  	s21 =	simm.s32 $0x480;
	s19 =	simm.s32 $0x4480;
	s28 =	simm.s32 $0x100  }
0x4: {  	s18 =	simm.s32 $0x8480;
	s29 =	simm.s32 $0x180;
	s17 =	simm.s32 $0xC480  }
0x5: {  	s30 =	simm.s32 $0x200;
	s16 =	simm.s32 $0x10480;
	s31 =	simm.s32 $0x280  }
0x6: {  	s15 =	simm.s32 $0x14480;
	p0 =	por $0x0, $0x0;
	s22 =	simm.s32 $0x5  }
0x7: {  	s20 =	simm.s32 $0x6;
	s13 =	simm.s32 $0x7;
	s11 =	simm.s32 $0x400  }
0x8: {  	s0 =	sand.u32 $0x1, s0;
	s4 =	sshll.u32 s3, $0x1;
	s3 =	simm.s32 $0x0  }
0x9: {  	s9 =	simm.s32 $0x18480;
	s4 =	sor.u32 s0, s4;
	[smem:$0x7FF] =	sst s3  }
0xa: {  	s0 =	ssub.s32 $0x2, s0;
	s5 =	smul.u32 $0x18000, s4;
	_ =	strace $0x80000047  }
0xb: {  	s6 =	sshll.u32 s4, $0x4;
	s4 =	sshll.u32 s4, $0x7;
	s7 =	sshrl.u32 s0, $0x1  }
0xc: {  	s6 =	sadd.s32 s6, s1;
	s4 =	sadd.s32 s4, s1;
	s0 =	ssub.s32 s0, s7  }
0xd: {  	s7 =	simm.s32 $0x1;
	s5 =	sshrl.u32 s5, $0x3;
	s24 =	sadd.s32 $0x7000, s4  }
0xe: {  	s6 =	sadd.s32 $0x8000, s6;
	s0 =	smax.u32 s0, $0x1;
	s1 =	sadd.s32 s5, s1  }
0xf: {  	[dreg:$0x3] =	wrdreg s24;
	s5 =	sadd.s32 $0x68200, s4;
	p1 =	sne.s32 s0, $0x1  }
.Ltmp0:
0x10: {  	s25 =	sadd.s32 $0x8200, s1;
	s26 =	sadd.s32 $0x8A00, s1;
	(pc) =	sbr.rel @!p1 .LBB2_3-.Ltmp0, $4  }
0x11: {  	s14 =	sadd.s32 $0x9200, s1;
	s12 =	sadd.s32 $0x9A00, s1;
	s10 =	sadd.s32 $0xA200, s1  }
0x12: {  	s8 =	sadd.s32 $0xAA00, s1;
	s1 =	sadd.s32 $0xFFFFFFFF, s0;
	s0 =	rddreg [dreg:$0x3]  }
0x13: {  	s4 =	simm.s32 $0x8;
	s24 =	simm.s32 $0x3;
	[dreg:$0x4] =	wrdreg s25  }
0x14: {  	[dreg:$0x5] =	wrdreg s26;
	s26 =	simm.s32 $0x2;
	s25 =	simm.s32 $0x4  }
0x15: {  	[tilespmem:s3], [sflag:$0x8] =	stream.linear.gather [hbm4b:s0+s3], $0x300, $0x38;
	[tilespmem:$0x18880] =	vst v63  }
0x16: {  	_ =	swait.ge [sflag:s4], $0x300  }
0x17: {  	[sflag:s4] =	ssyncset.done $0x0  }
0x18: {  	[sflag:s4] =	ssyncadd.s32 $0xFFFFFD00  }
0x19: {  	[tilespmem:s21], [sflag:$0x1] =	stream.indirect.gather [hbm4b:s2+s23], $0x80, s3, s23, $0xb8;
	[tilespmem:$0x18880] =	vst v63  }
0x1a: {  	_ = 	snop  }
0x1b: {  	[tilespmem:s19], [sflag:$0x2] =	stream.indirect.gather [hbm4b:s2+s23], $0x80, s23, s23, $0xb8;
	[tilespmem:$0x18880] =	vst v63  }
0x1c: {  	_ = 	snop  }
0x1d: {  	[tilespmem:s18], [sflag:$0x3] =	stream.indirect.gather [hbm4b:s2+s23], $0x80, s28, s23, $0xb8;
	[tilespmem:$0x18880] =	vst v63  }
0x1e: {  	_ = 	snop  }
0x1f: {  	[tilespmem:s17], [sflag:$0x4] =	stream.indirect.gather [hbm4b:s2+s23], $0x80, s29, s23, $0xb8;
	[tilespmem:$0x18880] =	vst v63  }
0x20: {  	_ = 	snop  }
0x21: {  	[tilespmem:s16], [sflag:$0x5] =	stream.indirect.gather [hbm4b:s2+s23], $0x80, s30, s23, $0xb8;
	[tilespmem:$0x18880] =	vst v63  }
0x22: {  	_ = 	snop  }
0x23: {  	[tilespmem:s15], [sflag:$0x6] =	stream.indirect.gather [hbm4b:s2+s23], $0x80, s31, s23, $0xb8;
	[tilespmem:$0x18880] =	vst v63  }
0x24: {  	_ =	swait.ge [sflag:s7], $0x4000  }
0x25: {  	[sflag:s7] =	ssyncset.done $0x0  }
0x26: {  	s0 =	rddreg [dreg:$0x4];
	[sflag:s7] =	ssyncadd.s32 $0xFFFFC000  }
0x27: {  	[hbm4b:s0+s3] =	stream.linear.scatter [tilespmem:s21], [sflag:$0x7], $0x4000, $0x38;
	[tilespmem:$0x18880] =	vst v63  }
0x28: {  	_ =	swait.ge [sflag:s26], $0x4000  }
0x29: {  	[sflag:s26] =	ssyncset.done $0x0  }
0x2a: {  	s0 =	rddreg [dreg:$0x5];
	[sflag:s26] =	ssyncadd.s32 $0xFFFFC000  }
0x2b: {  	[hbm4b:s0+s3] =	stream.linear.scatter [tilespmem:s19], [sflag:$0x7], $0x4000, $0x38;
	[tilespmem:$0x18880] =	vst v63  }
0x2c: {  	_ =	swait.ge [sflag:s24], $0x4000  }
0x2d: {  	[sflag:s24] =	ssyncset.done $0x0  }
0x2e: {  	[sflag:s24] =	ssyncadd.s32 $0xFFFFC000  }
0x2f: {  	[hbm4b:s14+s3] =	stream.linear.scatter [tilespmem:s18], [sflag:$0x7], $0x4000, $0x38;
	[tilespmem:$0x18880] =	vst v63  }
0x30: {  	_ =	swait.ge [sflag:s25], $0x4000  }
0x31: {  	[sflag:s25] =	ssyncset.done $0x0  }
0x32: {  	[sflag:s25] =	ssyncadd.s32 $0xFFFFC000  }
0x33: {  	[hbm4b:s12+s3] =	stream.linear.scatter [tilespmem:s17], [sflag:$0x7], $0x4000, $0x38;
	[tilespmem:$0x18880] =	vst v63  }
0x34: {  	_ =	swait.ge [sflag:s22], $0x4000  }
0x35: {  	[sflag:s22] =	ssyncset.done $0x0  }
0x36: {  	[sflag:s22] =	ssyncadd.s32 $0xFFFFC000  }
0x37: {  	[hbm4b:s10+s3] =	stream.linear.scatter [tilespmem:s16], [sflag:$0x7], $0x4000, $0x38;
	[tilespmem:$0x18880] =	vst v63  }
0x38: {  	_ =	swait.ge [sflag:s20], $0x4000  }
0x39: {  	[sflag:s20] =	ssyncset.done $0x0  }
0x3a: {  	[sflag:s20] =	ssyncadd.s32 $0xFFFFC000  }
0x3b: {  	[hbm4b:s8+s3] =	stream.linear.scatter [tilespmem:s15], [sflag:$0x7], $0x4000, $0x38;
	[tilespmem:$0x18880] =	vst v63  }
0x3c: {  	_ =	swait.ge [sflag:s13], $0x4000  }
0x3d: {  	[sflag:s13] =	ssyncset.done $0x0  }
0x3e: {  	[sflag:s13] =	ssyncadd.s32 $0xFFFFC000  }
0x3f: {  	_ =	swait.ge [sflag:s13], $0x4000  }
0x40: {  	[sflag:s13] =	ssyncset.done $0x0  }
0x41: {  	[sflag:s13] =	ssyncadd.s32 $0xFFFFC000  }
0x42: {  	_ =	swait.ge [sflag:s13], $0x4000  }
0x43: {  	[sflag:s13] =	ssyncset.done $0x0  }
0x44: {  	[sflag:s13] =	ssyncadd.s32 $0xFFFFC000  }
0x45: {  	_ =	swait.ge [sflag:s13], $0x4000  }
0x46: {  	[sflag:s13] =	ssyncset.done $0x0  }
0x47: {  	[sflag:s13] =	ssyncadd.s32 $0xFFFFC000  }
0x48: {  	_ =	swait.ge [sflag:s13], $0x4000  }
0x49: {  	[sflag:s13] =	ssyncset.done $0x0  }
0x4a: {  	[sflag:s13] =	ssyncadd.s32 $0xFFFFC000  }
0x4b: {  	_ =	swait.ge [sflag:s13], $0x4000  }
0x4c: {  	[sflag:s13] =	ssyncset.done $0x0  }
0x4d: {  	[sflag:s13] =	ssyncadd.s32 $0xFFFFC000  }
0x4e: {  	[tilespmem:s11], [sflag:$0x8] =	stream.linear.gather [hbm4b:s6+s3], $0x80, $0x38;
	[tilespmem:$0x18880] =	vst v63  }
0x4f: {  	_ =	swait.ge [sflag:s4], $0x80  }
0x50: {  	[sflag:s4] =	ssyncset.done $0x0  }
0x51: {  	[sflag:s4] =	ssyncadd.s32 $0xFFFFFF80  }
0x52: {  	[tilespmem:s9], [sflag:$0x1] =	stream.indirect.gather [hbm4b:s2+s4], $0x80, s11, s4, $0xb8;
	[tilespmem:$0x18880] =	vst v63  }
0x53: {  	p1 =	sne.s32 s1, $0x1;
	_ =	swait.ge [sflag:s7], $0x400  }
.Ltmp1:
0x54: {  	[sflag:s7] =	ssyncset.done $0x0;
	(pc) =	sbr.rel @!p1 .LBB2_3-.Ltmp1, $4  }
0x55: {  	[sflag:s7] =	ssyncadd.s32 $0xFFFFFC00  }
0x56: {  	[hbm4b:s5+s3] =	stream.linear.scatter [tilespmem:s9], [sflag:$0x8], $0x400, $0x38;
	[tilespmem:$0x18880] =	vst v63  }
0x57: {  	s1 =	sadd.s32 $0xFFFFFFFF, s1;
	_ =	swait.ge [sflag:s4], $0x400  }
0x58: {  	p0 =	por $0x1, $0x1;
	s0 =	rddreg [dreg:$0x3];
	[sflag:s4] =	ssyncset.done $0x0  }
.LBB2_2:
0x59: {  	[sflag:s4] =	ssyncadd.s32 $0xFFFFFC00  }
0x5a: {  	[tilespmem:s3], [sflag:$0x8] =	stream.linear.gather [hbm4b:s0+s3], $0x300, $0x38;
	[tilespmem:$0x18880] =	vst v63  }
0x5b: {  	_ =	swait.ge [sflag:s4], $0x300  }
0x5c: {  	[sflag:s4] =	ssyncset.done $0x0  }
0x5d: {  	[sflag:s4] =	ssyncadd.s32 $0xFFFFFD00  }
0x5e: {  	[tilespmem:s21], [sflag:$0x1] =	stream.indirect.gather [hbm4b:s2+s23], $0x80, s3, s23, $0xb8;
	[tilespmem:$0x18880] =	vst v63  }
0x5f: {  	_ = 	snop  }
0x60: {  	[tilespmem:s19], [sflag:$0x2] =	stream.indirect.gather [hbm4b:s2+s23], $0x80, s23, s23, $0xb8;
	[tilespmem:$0x18880] =	vst v63  }
0x61: {  	_ = 	snop  }
0x62: {  	[tilespmem:s18], [sflag:$0x3] =	stream.indirect.gather [hbm4b:s2+s23], $0x80, s28, s23, $0xb8;
	[tilespmem:$0x18880] =	vst v63  }
0x63: {  	_ = 	snop  }
0x64: {  	[tilespmem:s17], [sflag:$0x4] =	stream.indirect.gather [hbm4b:s2+s23], $0x80, s29, s23, $0xb8;
	[tilespmem:$0x18880] =	vst v63  }
0x65: {  	_ = 	snop  }
0x66: {  	[tilespmem:s16], [sflag:$0x5] =	stream.indirect.gather [hbm4b:s2+s23], $0x80, s30, s23, $0xb8;
	[tilespmem:$0x18880] =	vst v63  }
0x67: {  	_ = 	snop  }
0x68: {  	[tilespmem:s15], [sflag:$0x6] =	stream.indirect.gather [hbm4b:s2+s23], $0x80, s31, s23, $0xb8;
	[tilespmem:$0x18880] =	vst v63  }
0x69: {  	_ =	swait.ge [sflag:s7], $0x4000  }
0x6a: {  	[sflag:s7] =	ssyncset.done $0x0  }
0x6b: {  	s0 =	rddreg [dreg:$0x4];
	[sflag:s7] =	ssyncadd.s32 $0xFFFFC000  }
0x6c: {  	[hbm4b:s0+s3] =	stream.linear.scatter [tilespmem:s21], [sflag:$0x7], $0x4000, $0x38;
	[tilespmem:$0x18880] =	vst v63  }
0x6d: {  	_ =	swait.ge [sflag:s26], $0x4000  }
0x6e: {  	[sflag:s26] =	ssyncset.done $0x0  }
0x6f: {  	s0 =	rddreg [dreg:$0x5];
	[sflag:s26] =	ssyncadd.s32 $0xFFFFC000  }
0x70: {  	[hbm4b:s0+s3] =	stream.linear.scatter [tilespmem:s19], [sflag:$0x7], $0x4000, $0x38;
	[tilespmem:$0x18880] =	vst v63  }
0x71: {  	_ =	swait.ge [sflag:s24], $0x4000  }
0x72: {  	[sflag:s24] =	ssyncset.done $0x0  }
0x73: {  	[sflag:s24] =	ssyncadd.s32 $0xFFFFC000  }
0x74: {  	[hbm4b:s14+s3] =	stream.linear.scatter [tilespmem:s18], [sflag:$0x7], $0x4000, $0x38;
	[tilespmem:$0x18880] =	vst v63  }
0x75: {  	_ =	swait.ge [sflag:s25], $0x4000  }
0x76: {  	[sflag:s25] =	ssyncset.done $0x0  }
0x77: {  	[sflag:s25] =	ssyncadd.s32 $0xFFFFC000  }
0x78: {  	[hbm4b:s12+s3] =	stream.linear.scatter [tilespmem:s17], [sflag:$0x7], $0x4000, $0x38;
	[tilespmem:$0x18880] =	vst v63  }
0x79: {  	_ =	swait.ge [sflag:s22], $0x4000  }
0x7a: {  	[sflag:s22] =	ssyncset.done $0x0  }
0x7b: {  	[sflag:s22] =	ssyncadd.s32 $0xFFFFC000  }
0x7c: {  	[hbm4b:s10+s3] =	stream.linear.scatter [tilespmem:s16], [sflag:$0x7], $0x4000, $0x38;
	[tilespmem:$0x18880] =	vst v63  }
0x7d: {  	_ =	swait.ge [sflag:s20], $0x4000  }
0x7e: {  	[sflag:s20] =	ssyncset.done $0x0  }
0x7f: {  	[sflag:s20] =	ssyncadd.s32 $0xFFFFC000  }
0x80: {  	[hbm4b:s8+s3] =	stream.linear.scatter [tilespmem:s15], [sflag:$0x7], $0x4000, $0x38;
	[tilespmem:$0x18880] =	vst v63  }
0x81: {  	_ =	swait.ge [sflag:s13], $0x4000  }
0x82: {  	[sflag:s13] =	ssyncset.done $0x0  }
0x83: {  	[sflag:s13] =	ssyncadd.s32 $0xFFFFC000  }
0x84: {  	_ =	swait.ge [sflag:s13], $0x4000  }
0x85: {  	[sflag:s13] =	ssyncset.done $0x0  }
0x86: {  	[sflag:s13] =	ssyncadd.s32 $0xFFFFC000  }
0x87: {  	_ =	swait.ge [sflag:s13], $0x4000  }
0x88: {  	[sflag:s13] =	ssyncset.done $0x0  }
0x89: {  	[sflag:s13] =	ssyncadd.s32 $0xFFFFC000  }
0x8a: {  	_ =	swait.ge [sflag:s13], $0x4000  }
0x8b: {  	[sflag:s13] =	ssyncset.done $0x0  }
0x8c: {  	[sflag:s13] =	ssyncadd.s32 $0xFFFFC000  }
0x8d: {  	_ =	swait.ge [sflag:s13], $0x4000  }
0x8e: {  	[sflag:s13] =	ssyncset.done $0x0  }
0x8f: {  	[sflag:s13] =	ssyncadd.s32 $0xFFFFC000  }
0x90: {  	_ =	swait.ge [sflag:s13], $0x4000  }
0x91: {  	[sflag:s13] =	ssyncset.done $0x0  }
0x92: {  	[sflag:s13] =	ssyncadd.s32 $0xFFFFC000  }
0x93: {  	[tilespmem:s11], [sflag:$0x8] =	stream.linear.gather [hbm4b:s6+s3], $0x80, $0x38;
	[tilespmem:$0x18880] =	vst v63  }
0x94: {  	_ =	swait.ge [sflag:s4], $0x80  }
0x95: {  	[sflag:s4] =	ssyncset.done $0x0  }
0x96: {  	[sflag:s4] =	ssyncadd.s32 $0xFFFFFF80  }
0x97: {  	[tilespmem:s9], [sflag:$0x1] =	stream.indirect.gather [hbm4b:s2+s4], $0x80, s11, s4, $0xb8;
	[tilespmem:$0x18880] =	vst v63  }
0x98: {  	p1 =	sne.s32 s1, $0x1;
	_ =	swait.ge [sflag:s7], $0x400  }
.Ltmp2:
0x99: {  	[sflag:s7] =	ssyncset.done $0x0;
	(pc) =	sbr.rel @p1 .LBB2_2-.Ltmp2, $4  }
0x9a: {  	[sflag:s7] =	ssyncadd.s32 $0xFFFFFC00  }
0x9b: {  	[hbm4b:s5+s3] =	stream.linear.scatter [tilespmem:s9], [sflag:$0x8], $0x400, $0x38;
	[tilespmem:$0x18880] =	vst v63  }
0x9c: {  	_ =	swait.ge [sflag:s4], $0x400  }
0x9d: {  	s1 =	sadd.s32 $0xFFFFFFFF, s1;
	s0 =	rddreg [dreg:$0x3];
	[sflag:s4] =	ssyncset.done $0x0  }
.LBB2_3:
0x9e: {  	[sflag:s4] =	ssyncadd.s32 @p0 $0xFFFFFC00  }
0x9f: {  	[tilespmem:s3], [sflag:$0x8] =	stream.linear.gather [hbm4b:s0+s3], $0x300, $0x38;
	[tilespmem:$0x18880] =	vst v63  }
0xa0: {  	_ =	swait.ge [sflag:s4], $0x300  }
0xa1: {  	[sflag:s4] =	ssyncset.done $0x0  }
0xa2: {  	[sflag:s4] =	ssyncadd.s32 $0xFFFFFD00  }
0xa3: {  	[tilespmem:s21], [sflag:$0x1] =	stream.indirect.gather [hbm4b:s2+s23], $0x80, s3, s23, $0xb8;
	[tilespmem:$0x18880] =	vst v63  }
0xa4: {  	_ = 	snop  }
0xa5: {  	[tilespmem:s19], [sflag:$0x2] =	stream.indirect.gather [hbm4b:s2+s23], $0x80, s23, s23, $0xb8;
	[tilespmem:$0x18880] =	vst v63  }
0xa6: {  	_ = 	snop  }
0xa7: {  	[tilespmem:s18], [sflag:$0x3] =	stream.indirect.gather [hbm4b:s2+s23], $0x80, s28, s23, $0xb8;
	[tilespmem:$0x18880] =	vst v63  }
0xa8: {  	_ = 	snop  }
0xa9: {  	[tilespmem:s17], [sflag:$0x4] =	stream.indirect.gather [hbm4b:s2+s23], $0x80, s29, s23, $0xb8;
	[tilespmem:$0x18880] =	vst v63  }
0xaa: {  	_ = 	snop  }
0xab: {  	[tilespmem:s16], [sflag:$0x5] =	stream.indirect.gather [hbm4b:s2+s23], $0x80, s30, s23, $0xb8;
	[tilespmem:$0x18880] =	vst v63  }
0xac: {  	_ = 	snop  }
0xad: {  	[tilespmem:s15], [sflag:$0x6] =	stream.indirect.gather [hbm4b:s2+s23], $0x80, s31, s23, $0xb8;
	[tilespmem:$0x18880] =	vst v63  }
0xae: {  	_ =	swait.ge [sflag:s7], $0x4000  }
0xaf: {  	[sflag:s7] =	ssyncset.done $0x0  }
0xb0: {  	s29 =	rddreg [dreg:$0x4];
	[sflag:s7] =	ssyncadd.s32 $0xFFFFC000  }
0xb1: {  	[hbm4b:s29+s3] =	stream.linear.scatter [tilespmem:s21], [sflag:$0x7], $0x4000, $0x38;
	[tilespmem:$0x18880] =	vst v63  }
0xb2: {  	_ =	swait.ge [sflag:s26], $0x4000  }
0xb3: {  	[sflag:s26] =	ssyncset.done $0x0  }
0xb4: {  	s30 =	rddreg [dreg:$0x5];
	[sflag:s26] =	ssyncadd.s32 $0xFFFFC000  }
0xb5: {  	[hbm4b:s30+s3] =	stream.linear.scatter [tilespmem:s19], [sflag:$0x7], $0x4000, $0x38;
	[tilespmem:$0x18880] =	vst v63  }
0xb6: {  	_ =	swait.ge [sflag:s24], $0x4000  }
0xb7: {  	[sflag:s24] =	ssyncset.done $0x0  }
0xb8: {  	[sflag:s24] =	ssyncadd.s32 $0xFFFFC000  }
0xb9: {  	[hbm4b:s14+s3] =	stream.linear.scatter [tilespmem:s18], [sflag:$0x7], $0x4000, $0x38;
	[tilespmem:$0x18880] =	vst v63  }
0xba: {  	_ =	swait.ge [sflag:s25], $0x4000  }
0xbb: {  	[sflag:s25] =	ssyncset.done $0x0  }
0xbc: {  	[sflag:s25] =	ssyncadd.s32 $0xFFFFC000  }
0xbd: {  	[hbm4b:s12+s3] =	stream.linear.scatter [tilespmem:s17], [sflag:$0x7], $0x4000, $0x38;
	[tilespmem:$0x18880] =	vst v63  }
0xbe: {  	_ =	swait.ge [sflag:s22], $0x4000  }
0xbf: {  	[sflag:s22] =	ssyncset.done $0x0  }
0xc0: {  	[sflag:s22] =	ssyncadd.s32 $0xFFFFC000  }
0xc1: {  	[hbm4b:s10+s3] =	stream.linear.scatter [tilespmem:s16], [sflag:$0x7], $0x4000, $0x38;
	[tilespmem:$0x18880] =	vst v63  }
0xc2: {  	_ =	swait.ge [sflag:s20], $0x4000  }
0xc3: {  	[sflag:s20] =	ssyncset.done $0x0  }
0xc4: {  	[sflag:s20] =	ssyncadd.s32 $0xFFFFC000  }
0xc5: {  	[hbm4b:s8+s3] =	stream.linear.scatter [tilespmem:s15], [sflag:$0x7], $0x4000, $0x38;
	[tilespmem:$0x18880] =	vst v63  }
0xc6: {  	_ =	swait.ge [sflag:s13], $0x4000  }
0xc7: {  	[sflag:s13] =	ssyncset.done $0x0  }
0xc8: {  	[sflag:s13] =	ssyncadd.s32 $0xFFFFC000  }
0xc9: {  	_ =	swait.ge [sflag:s13], $0x4000  }
0xca: {  	[sflag:s13] =	ssyncset.done $0x0  }
0xcb: {  	[sflag:s13] =	ssyncadd.s32 $0xFFFFC000  }
0xcc: {  	_ =	swait.ge [sflag:s13], $0x4000  }
0xcd: {  	[sflag:s13] =	ssyncset.done $0x0  }
0xce: {  	[sflag:s13] =	ssyncadd.s32 $0xFFFFC000  }
0xcf: {  	_ =	swait.ge [sflag:s13], $0x4000  }
0xd0: {  	[sflag:s13] =	ssyncset.done $0x0  }
0xd1: {  	[sflag:s13] =	ssyncadd.s32 $0xFFFFC000  }
0xd2: {  	_ =	swait.ge [sflag:s13], $0x4000  }
0xd3: {  	[sflag:s13] =	ssyncset.done $0x0  }
0xd4: {  	[sflag:s13] =	ssyncadd.s32 $0xFFFFC000  }
0xd5: {  	_ =	swait.ge [sflag:s13], $0x4000  }
0xd6: {  	[sflag:s13] =	ssyncset.done $0x0  }
0xd7: {  	[sflag:s13] =	ssyncadd.s32 $0xFFFFC000  }
0xd8: {  	[tilespmem:s11], [sflag:$0x8] =	stream.linear.gather [hbm4b:s6+s3], $0x80, $0x38;
	[tilespmem:$0x18880] =	vst v63  }
0xd9: {  	_ =	swait.ge [sflag:s4], $0x80  }
0xda: {  	[sflag:s4] =	ssyncset.done $0x0  }
0xdb: {  	[sflag:s4] =	ssyncadd.s32 $0xFFFFFF80  }
0xdc: {  	[tilespmem:s9], [sflag:$0x1] =	stream.indirect.gather [hbm4b:s2+s4], $0x80, s11, s4, $0xb8;
	[tilespmem:$0x18880] =	vst v63  }
0xdd: {  	_ =	swait.ge [sflag:s7], $0x400  }
0xde: {  	[sflag:s7] =	ssyncset.done $0x0  }
0xdf: {  	[sflag:s7] =	ssyncadd.s32 $0xFFFFFC00  }
0xe0: {  	[hbm4b:s5+s3] =	stream.linear.scatter [tilespmem:s9], [sflag:$0x8], $0x400, $0x38;
	[tilespmem:$0x18880] =	vst v63  }
0xe1: {  	_ =	swait.ge [sflag:s4], $0x400  }
0xe2: {  	[sflag:s4] =	ssyncset.done $0x0  }
0xe3: {  	[sflag:s4] =	ssyncadd.s32 $0xFFFFFC00  }
0xe4: {  	_ =	sfence.sel $0x180000  }
0xe5: {  	[bflag:$0x0] =	sbarrier.arrive $0xFFFF  }
0xe6: {  	_ =	strace $0x90000047  }
0xe7: {  	s31 =	stileid.u32;
	[bflag:$0x2] =	sbarrier.arrive $0xFFFF  }
0xe8: {  	p0 =	sne.s32 s31, $0x0;
	s0 =	rddreg [dreg:$0x2]  }
0xe9: {  	s0 =	sadd.s32 @!p0 $0x100000, s0  }
0xea: {  	[sflag:s0] =	ssyncadd.tile.s32 @!p0 $0x1;
	_ =	shalt  }
.Lfunc_end2:
_tile_overlayer_lowered:
.L_overlay_start_2:
0xeb: {  	(tag) =	ssettag $0x2  }
0xec: {  	s0 =	rddreg [dreg:$0x0];
	s2 =	stileid.u32  }
0xed: {  	s1 =	rddreg [dreg:$0x1];
	p0 =	sne.s32 s2, $0x0  }
0xee: {  	s3 =	rddreg [dreg:$0x2];
	[bflag:$0x3] =	sbarrier.arrive $0xFFFF;
	s2 =	simm.s32 @!p0 $0x1C08  }
0xef: {  	[timem:s3], [sflag:s2] =	dma.local @!p0 [hbm:s0], s1  }
0xf0: {  	s0 =	simm.s32 @!p0 $0x8  }
0xf1: {  	_ =	swait.ge @!p0 [sflag:s0], s1  }
0xf2: {  	s1 =	ssub.s32 @!p0 $0x0, s1;
	[sflag:s0] =	ssyncset.done @!p0 $0x0  }
0xf3: {  	[sflag:s0] =	ssyncadd.s32 @!p0 s1  }
0xf4: {  	[bflag:$0x3] =	sbarrier.arrive $0xFFFF  }
0xf5: {  	_ =	shalt  }

// kernel: kernel.18.cloned.1.call-start
scs
__scs_entry_jumppad:
0x0: {  	(pc) =	sbr.rel $0x88, $3  }
0x1: {  	(tag) =	ssettag $0x0;
	lr =	simm.s32 $0x1  }
0x2: {  	[smem:$0x3F7F] =	sst lr;
	_ =	strace $0xD0000000  }
0x3: {  	_ = 	snop  }
0x4: {  	_ = 	snop  }
0x5: {  	_ = 	snop  }
0x6: {  	_ = 	snop  }
0x7: {  	_ = 	snop  }
__scs_overlays_trampoline_lowered:
0x8: {  	[smem:$0x3F8E] =	sst s0  }
0x9: {  	[smem:$0x3F8F] =	sst s1  }
0xa: {  	[smem:$0x3F90] =	sst s2  }
0xb: {  	[smem:$0x3F91] =	sst s3  }
0xc: {  	[smem:$0x3F92] =	sst s4  }
0xd: {  	[smem:$0x3F93] =	sst s5  }
0xe: {  	[smem:$0x3F94] =	sst s6  }
0xf: {  	[smem:$0x3F95] =	sst s7  }
0x10: {  	[smem:$0x3F96] =	sst s8  }
0x11: {  	[smem:$0x3F97] =	sst s9;
	s0 =	simm.s32 @!p0 $0x0  }
0x12: {  	s1 =	sld [smem:$0x3F7D];
	s0 =	simm.s32 @p0 $0x1  }
0x13: {  	[smem:$0x3F98] =	sst s0;
	s0 =	simm.s32 @!p1 $0x0  }
0x14: {  	s2 =	sld [smem:$0x3F7C];
	s0 =	simm.s32 @p1 $0x1  }
0x15: {  	[smem:$0x3F99] =	sst s0;
	s0 =	simm.s32 @!p2 $0x0  }
0x16: {  	s3 =	sld [smem:$0x3FDB];
	s0 =	simm.s32 @p2 $0x1  }
0x17: {  	s4 =	simm.s32 $0x1BF5;
	[smem:$0x3F9B] =	sst s0  }
0x18: {  	s0 =	sld [smem:$0x3F7E];
	_ =	swait.ge [sflag:s4], $0x0  }
0x19: {  	s7 =	sld [smem:$0x3F7F]  }
0x1a: {  	s8 =	sadd.s32 $0xFFFFE003, lr  }
0x1b: {  	s9 =	sadd.s32 $0xFFFFFEF7, lr;
	s5 =	simm.s32 $0xFFFFFFFF;
	p2 =	slt.u32 s8, $0xFFFFF086  }
0x1c: {  	p1 =	slt.u32 s9, $0xF7A;
	s5 =	simm.s32 @!p2 $0x0  }
0x1d: {  	s5 =	simm.s32 @p1 $0x1;
	p0 =	seq.s32 s7, s2  }
0x1e: {  	s7 =	smul.u32 @!p0 $0xF7A, s2;
	p2 =	seq.s32 @!p0 s5, $0x0  }
0x1f: {  	s9 =	smul.u32 $0xF7A, s1;
	s8 =	simm.s32 @!p0 $0x1BF5;
	p2 =	por !p2, p0  }
0x20: {  	[sflag:s8] =	ssyncset.s32 @!p0 $0xFFFFF086;
	s6 =	sadd.s32 @!p0 s3, s7;
	s7 =	simm.s32 @!p0 $0x108  }
0x21: {  	s3 =	sadd.s32 s3, s9;
	s6 =	sadd.s32 @!p0 $0x88, s6;
	s7 =	simm.s32 @p2 $0x1082  }
0x22: {  	[simem:s7], [sflag:s8] =	dma.local @!p0 [hbm:s6], $0xF7A  }
0x23: {  	s9 =	sor.u32 $0xD0000000, s2;
	s6 =	simm.s32 $0x108;
	_ =	swait.ge @!p0 [sflag:s8], $0x0  }
0x24: {  	s3 =	sadd.s32 $0x88, s3;
	s6 =	simm.s32 @!p1 $0x1082;
	[sflag:s4] =	ssyncset.s32 $0xFFFFF086  }
0x25: {  	[simem:s6], [sflag:s4] =	dma.local [hbm:s3], $0xF7A  }
0x26: {  	[smem:$0x3F7F] =	sst s1;
	(tag) =	ssettag s2;
	_ =	strace s9  }
0x27: {  	s1 =	sld [smem:$0x3F8F]  }
0x28: {  	s2 =	sld [smem:$0x3F90]  }
0x29: {  	s4 =	sld [smem:$0x3F92]  }
0x2a: {  	p0 =	seq.s32 s5, $0x0;
	s5 =	sld [smem:$0x3F93]  }
0x2b: {  	s6 =	sld [smem:$0x3F94]  }
0x2c: {  	s7 =	sld [smem:$0x3F95]  }
0x2d: {  	s3 =	simm.s32 $0x108;
	s8 =	sld [smem:$0x3F96]  }
0x2e: {  	s3 =	simm.s32 @!p0 $0x1082;
	s9 =	sld [smem:$0x3F97]  }
0x2f: {  	lr =	sadd.s32 s0, s3;
	s0 =	sld [smem:$0x3F8E]  }
0x30: {  	s3 =	sld [smem:$0x3F91]  }
0x31: {  	[smem:$0x3F9A] =	sst s10  }
0x32: {  	s10 =	sld [smem:$0x3F98];
	_ =	sdelay $0x3  }
0x33: {  	p0 =	seq.s32 s10, $0x1;
	s10 =	sld [smem:$0x3F9A];
	_ =	sdelay $0x3  }
0x34: {  	[smem:$0x3F9A] =	sst s10  }
0x35: {  	s10 =	sld [smem:$0x3F99];
	_ =	sdelay $0x3  }
0x36: {  	p1 =	seq.s32 s10, $0x1;
	s10 =	sld [smem:$0x3F9A];
	_ =	sdelay $0x3  }
0x37: {  	[smem:$0x3F9A] =	sst s10  }
0x38: {  	s10 =	sld [smem:$0x3F9B]  }
0x39: {  	_ = 	snop;
	(pc) =	sbr.ind lr, $3  }
0x3a: {  	_ = 	snop  }
0x3b: {  	_ = 	snop  }
0x3c: {  	p2 =	seq.s32 s10, $0x1;
	s10 =	sld [smem:$0x3F9A]  }
0x3d: {  	_ =	shalt  }
0x3e: {  	_ =	shalt  }
0x3f: {  	_ =	shalt  }
0x40: {  	_ =	shalt  }
0x41: {  	_ =	shalt  }
0x42: {  	_ =	shalt  }
0x43: {  	_ =	shalt  }
0x44: {  	_ =	shalt  }
0x45: {  	_ =	shalt  }
0x46: {  	_ =	shalt  }
0x47: {  	_ =	shalt  }
0x48: {  	_ =	shalt  }
0x49: {  	_ =	shalt  }
0x4a: {  	_ =	shalt  }
0x4b: {  	_ =	shalt  }
0x4c: {  	_ =	shalt  }
0x4d: {  	_ =	shalt  }
0x4e: {  	_ =	shalt  }
0x4f: {  	_ =	shalt  }
0x50: {  	_ =	shalt  }
0x51: {  	_ =	shalt  }
0x52: {  	_ =	shalt  }
0x53: {  	_ =	shalt  }
0x54: {  	_ =	shalt  }
0x55: {  	_ =	shalt  }
0x56: {  	_ =	shalt  }
0x57: {  	_ =	shalt  }
0x58: {  	_ =	shalt  }
0x59: {  	_ =	shalt  }
0x5a: {  	_ =	shalt  }
0x5b: {  	_ =	shalt  }
0x5c: {  	_ =	shalt  }
0x5d: {  	_ =	shalt  }
0x5e: {  	_ =	shalt  }
0x5f: {  	_ =	shalt  }
0x60: {  	_ =	shalt  }
0x61: {  	_ =	shalt  }
0x62: {  	_ =	shalt  }
0x63: {  	_ =	shalt  }
0x64: {  	_ =	shalt  }
0x65: {  	_ =	shalt  }
0x66: {  	_ =	shalt  }
0x67: {  	_ =	shalt  }
0x68: {  	_ =	shalt  }
0x69: {  	_ =	shalt  }
0x6a: {  	_ =	shalt  }
0x6b: {  	_ =	shalt  }
0x6c: {  	_ =	shalt  }
0x6d: {  	_ =	shalt  }
0x6e: {  	_ =	shalt  }
0x6f: {  	_ =	shalt  }
0x70: {  	_ =	shalt  }
0x71: {  	_ =	shalt  }
0x72: {  	_ =	shalt  }
0x73: {  	_ =	shalt  }
0x74: {  	_ =	shalt  }
0x75: {  	_ =	shalt  }
0x76: {  	_ =	shalt  }
0x77: {  	_ =	shalt  }
0x78: {  	_ =	shalt  }
0x79: {  	_ =	shalt  }
0x7a: {  	_ =	shalt  }
0x7b: {  	_ =	shalt  }
0x7c: {  	_ =	shalt  }
0x7d: {  	_ =	shalt  }
0x7e: {  	_ =	shalt  }
0x7f: {  	_ =	shalt  }
0x80: {  	_ =	shalt  }
0x81: {  	_ =	shalt  }
0x82: {  	_ =	shalt  }
0x83: {  	_ =	shalt  }
0x84: {  	_ =	shalt  }
0x85: {  	_ =	shalt  }
0x86: {  	_ =	shalt  }
0x87: {  	_ =	shalt  }
.Lfunc_end0:
.L_simem_size_0:
called_computation.1_lowered:
.L_overlay_start_0:
0x88: {  	s2 =	sld [smem:$0x3FD9]  }
0x89: {  	s3 =	sld [smem:$0x3FFE];
	_ =	sdelay $0x1  }
0x8a: {  	s1 =	srdreg.scid  }
0x8b: {  	s0 =	sand.u32 $0x1, s1  }
0x8c: {  	s17 =	sshll.u32 s0, $0xA;
	s2 =	sadd.s32 s3, s2  }
0x8d: {  	s2 =	sadd.s32 s2, s17  }
0x8e: {  	[smem:$0x3FA6] =	sst s2  }
0x8f: {  	_ = 	snop  }
0x90: {  	s18 =	sld [smem:$0x3FC5];
	(tm) =	ssettm $0x1  }
0x91: {  	s19 =	sld [smem:$0x3FFB];
	_ =	sdelay $0x3  }
0x92: {  	_ =	strace s19  }
0x93: {  	s2 =	sld [smem:$0x3FFC];
	_ =	sdelay $0x3  }
0x94: {  	_ =	strace s2  }
0x95: {  	s2 =	sld [smem:$0x3FFD];
	_ =	sdelay $0x3  }
0x96: {  	_ =	strace s2  }
0x97: {  	_ =	strace $0x8FFFFFFF  }
0x98: {  	s20 =	sld [smem:$0x3FDB];
	_ =	sdelay $0x1  }
0x99: {  	s4 =	simm.s32 $_scs_section_size  }
0x9a: {  	s5 =	simm.s32 $_size__tile_overlayer_lowered;
	s6 =	simm.s32 $_tile_overlayer_lowered  }
0x9b: {  	s7 =	simm.s32 $0x1BFF;
	s21 =	sshll.u32 s6, $0x1;
	s4 =	sadd.s32 s4, s20  }
0x9c: {  	s22 =	simm.s32 $0x0;
	s5 =	sshll.u32 s5, $0x1;
	s6 =	sadd.s32 s21, s4  }
0x9d: {  	[timem:s22], [sflag:s7] =	dma.local [hbm:s6], s5  }
0x9e: {  	_ =	swait.ge [sflag:s7], s5  }
0x9f: {  	s5 =	ssub.s32 $0x0, s5;
	[sflag:s7] =	ssyncset.done $0x0  }
0xa0: {  	[sflag:s7] =	ssyncadd.s32 s5;
	_ =	sdelay $0x1  }
0xa1: {  	s23 =	simm.s32 $0x1B8B  }
0xa2: {  	_ =	swait.ge [sflag:s23], $0x1  }
0xa3: {  	[sflag:s23] =	ssyncset.done $0x0  }
0xa4: {  	[sflag:s23] =	ssyncadd.s32 $0xFFFFFFFF  }
0xa5: {  	s5 =	sld [smem:$0x0]  }
0xa6: {  	s6 =	sand.u32 $0xFFFFFFFE, s1  }
0xa7: {  	p0 =	sne.s32 s1, s6  }
0xa8: {  	s6 =	sshll.u32 @p0 s6, $0xE  }
0xa9: {  	s6 =	sadd.s32 @p0 $0x11B8D, s6;
	s7 =	sshll.u32 @p0 s5, $0x11  }
0xaa: {  	s6 =	sor.u32 @p0 s7, s6  }
0xab: {  	[sflag:s6] =	ssyncadd.remote.s32 @p0 $0x1;
	_ =	sdelay $0x1  }
0xac: {  	s6 =	simm.s32 @p0 $0x1B8D  }
0xad: {  	_ =	swait.eq @p0 [sflag:s6], $0x1  }
0xae: {  	[sflag:s6] =	ssyncadd.s32 @p0 $0xFFFFFFFF  }
0xaf: {  	s7 =	sshll.u32 @!p0 s1, $0xE  }
0xb0: {  	s7 =	sor.u32 @!p0 $0x4000, s7;
	s6 =	simm.s32 @!p0 $0x1B8D  }
0xb1: {  	s5 =	sshll.u32 @!p0 s5, $0x11;
	s7 =	sadd.s32 @!p0 $0x11B8D, s7;
	_ =	swait.eq @!p0 [sflag:s6], $0x1  }
0xb2: {  	s5 =	sor.u32 @!p0 s5, s7;
	[sflag:s6] =	ssyncadd.s32 @!p0 $0xFFFFFFFF  }
0xb3: {  	s25 =	simm.s32 $0x1B8E;
	s24 =	sld [smem:$0x3FFE];
	[sflag:s5] =	ssyncadd.remote.s32 @!p0 $0x1  }
0xb4: {  	s26 =	simm.s32 $execute0_lowered;
	[smem:$0x3FD2] =	sst s25  }
0xb5: {  	s6 =	sshll.u32 s26, $0x1;
	_ =	strace $0x80000049;
	[dreg:$0x1] =	wrdreg $0xFFFFFFFF  }
0xb6: {  	s28 =	simm.s32 $_size_execute0_lowered;
	s4 =	sadd.s32 s4, s6;
	[dreg:$0x0] =	wrdreg $0x0  }
0xb7: {  	s6 =	sshll.u32 s28, $0x1;
	[dreg:$0x2] =	wrdreg s4  }
0xb8: {  	[dreg:$0x3] =	wrdreg s6  }
0xb9: {  	[dreg:$0x4] =	wrdreg $0xC0  }
0xba: {  	_ =	task [dreg:s22], $0x5FFFF  }
0xbb: {  	[dreg:$0x1] =	wrdreg $0xFFFFFFFF  }
0xbc: {  	[dreg:$0x0] =	wrdreg $0x60  }
0xbd: {  	[dreg:$0x2] =	wrdreg s18  }
0xbe: {  	[dreg:$0x3] =	wrdreg s24  }
0xbf: {  	[dreg:$0x4] =	wrdreg $0xA  }
0xc0: {  	_ =	task.clear_ibuf [dreg:s22], $0x5FFFF;
	_ =	strace $0x90000049  }
0xc1: {  	s29 =	simm.s32 $0xA;
	_ =	strace $0x8000004B  }
0xc2: {  	_ =	swait.ge [sflag:s29], $0x1  }
0xc3: {  	[sflag:s29] =	ssyncadd.s32 $0xFFFFFFFF  }
0xc4: {  	_ =	strace $0x9000004B  }
0xc5: {  	_ =	sfence  }
0xc6: {  	s30 =	sld [smem:$0x0];
	_ =	sdelay $0x2  }
0xc7: {  	s31 =	sshll.u32 s1, $0xD;
	s1 =	sshrl.u32 s1, $0x2  }
0xc8: {  	s4 =	sand.u32 $0x4000, s31;
	s1 =	sadd.s32 s1, s30  }
0xc9: {  	s0 =	sor.u32 s4, s0;
	s1 =	sshll.u32 s1, $0x11  }
0xca: {  	s0 =	sor.u32 s1, s0  }
0xcb: {  	s0 =	sadd.s32 $0x8F2B, s0  }
0xcc: {  	[sflag:s0] =	ssyncadd.remote.s32 $0x1  }
0xcd: {  	_ =	sfence.sel $0xFFFF  }
0xce: {  	[dreg:$0x0] =	wrdreg $0xFFFFFFFF;
	(pc) =	sbr.abs _section_cstart, $3  }
0xcf: {  	[dreg:$0x1] =	wrdreg $0xFFFFFFFF  }
0xd0: {  	_ =	task.clear_ibuf [dreg:s22], $0x2FFFF;
	_ =	strace $0x9FFFFFFF  }
0xd1: {  	(tm) =	ssettm $0x7FFFFFFF  }
tec
execute0_lowered:
.L_overlay_start_1:
0x0: {  	(tag) =	ssettag $0x1  }
0x1: {  	s1 =	srdreg.scid;
	s0 =	stileid.u32  }
0x2: {  	s31 =	sand.u32 $0x1, s1;
	s26 =	sshll.u32 s0, $0x1  }
0x3: {  	s2 =	rddreg [dreg:$0x0];
	s13 =	sor.u32 s31, s26  }
0x4: {  	s18 =	rddreg [dreg:$0x1];
	s3 =	simm.s32 $0x0;
	s4 =	sshll.u32 s13, $0x7  }
0x5: {  	[smem:$0x7FF] =	sst s3;
	s4 =	sadd.s32 s4, s18  }
0x6: {  	s5 =	simm.s32 $0x8;
	_ =	strace $0x8000004A;
	s4 =	sadd.s32 $0x69200, s4  }
0x7: {  	[tilespmem:s3], [sflag:$0x8] =	stream.linear.gather [hbm4b:s4+s3], $0x300, $0x38;
	[tilespmem:$0x18400] =	vst v63  }
0x8: {  	_ =	swait.ge [sflag:s5], $0x300  }
0x9: {  	[sflag:s5] =	ssyncset.done $0x0  }
0xa: {  	s6 =	simm.s32 $0x80;
	s7 =	simm.s32 $0x400;
	[sflag:s5] =	ssyncadd.s32 $0xFFFFFD00  }
0xb: {  	[tilespmem:s7], [sflag:$0x1] =	stream.indirect.gather [hbm4b:s2+s6], $0x80, s3, s6, $0xb8;
	[tilespmem:$0x18400] =	vst v63  }
0xc: {  	s8 =	simm.s32 $0x4400  }
0xd: {  	[tilespmem:s8], [sflag:$0x2] =	stream.indirect.gather [hbm4b:s2+s6], $0x80, s6, s6, $0xb8;
	[tilespmem:$0x18400] =	vst v63  }
0xe: {  	s9 =	simm.s32 $0x100;
	s10 =	simm.s32 $0x8400  }
0xf: {  	[tilespmem:s10], [sflag:$0x3] =	stream.indirect.gather [hbm4b:s2+s6], $0x80, s9, s6, $0xb8;
	[tilespmem:$0x18400] =	vst v63  }
0x10: {  	s11 =	simm.s32 $0x180;
	s12 =	simm.s32 $0xC400  }
0x11: {  	[tilespmem:s12], [sflag:$0x4] =	stream.indirect.gather [hbm4b:s2+s6], $0x80, s11, s6, $0xb8;
	[tilespmem:$0x18400] =	vst v63  }
0x12: {  	s14 =	simm.s32 $0x10400;
	s19 =	smul.u32 $0x18000, s13;
	s13 =	simm.s32 $0x200  }
0x13: {  	[tilespmem:s14], [sflag:$0x5] =	stream.indirect.gather [hbm4b:s2+s6], $0x80, s13, s6, $0xb8;
	[tilespmem:$0x18400] =	vst v63  }
0x14: {  	s15 =	simm.s32 $0x280;
	s16 =	simm.s32 $0x14400;
	s17 =	simm.s32 $0x1  }
0x15: {  	[tilespmem:s16], [sflag:$0x6] =	stream.indirect.gather [hbm4b:s2+s6], $0x80, s15, s6, $0xb8;
	[tilespmem:$0x18400] =	vst v63  }
0x16: {  	s19 =	sshrl.u32 s19, $0x3;
	_ =	swait.ge [sflag:s17], $0x4000  }
0x17: {  	s29 =	sadd.s32 s19, s18;
	[sflag:s17] =	ssyncset.done $0x0  }
0x18: {  	s19 =	simm.s32 $0x2;
	s18 =	sadd.s32 $0x6A200, s29;
	[sflag:s17] =	ssyncadd.s32 $0xFFFFC000  }
0x19: {  	[hbm4b:s18+s3] =	stream.linear.scatter [tilespmem:s7], [sflag:$0x7], $0x4000, $0x38;
	[tilespmem:$0x18400] =	vst v63  }
0x1a: {  	_ =	swait.ge [sflag:s19], $0x4000  }
0x1b: {  	[sflag:s19] =	ssyncset.done $0x0  }
0x1c: {  	s21 =	simm.s32 $0x3;
	s20 =	sadd.s32 $0x6AA00, s29;
	[sflag:s19] =	ssyncadd.s32 $0xFFFFC000  }
0x1d: {  	[hbm4b:s20+s3] =	stream.linear.scatter [tilespmem:s8], [sflag:$0x7], $0x4000, $0x38;
	[tilespmem:$0x18400] =	vst v63  }
0x1e: {  	_ =	swait.ge [sflag:s21], $0x4000  }
0x1f: {  	[sflag:s21] =	ssyncset.done $0x0  }
0x20: {  	s23 =	simm.s32 $0x4;
	s22 =	sadd.s32 $0x6B200, s29;
	[sflag:s21] =	ssyncadd.s32 $0xFFFFC000  }
0x21: {  	[hbm4b:s22+s3] =	stream.linear.scatter [tilespmem:s10], [sflag:$0x7], $0x4000, $0x38;
	[tilespmem:$0x18400] =	vst v63  }
0x22: {  	_ =	swait.ge [sflag:s23], $0x4000  }
0x23: {  	[sflag:s23] =	ssyncset.done $0x0  }
0x24: {  	s25 =	simm.s32 $0x5;
	s24 =	sadd.s32 $0x6BA00, s29;
	[sflag:s23] =	ssyncadd.s32 $0xFFFFC000  }
0x25: {  	[hbm4b:s24+s3] =	stream.linear.scatter [tilespmem:s12], [sflag:$0x7], $0x4000, $0x38;
	[tilespmem:$0x18400] =	vst v63  }
0x26: {  	_ =	swait.ge [sflag:s25], $0x4000  }
0x27: {  	[sflag:s25] =	ssyncset.done $0x0  }
0x28: {  	s28 =	simm.s32 $0x6;
	s26 =	sadd.s32 $0x6C200, s29;
	[sflag:s25] =	ssyncadd.s32 $0xFFFFC000  }
0x29: {  	[hbm4b:s26+s3] =	stream.linear.scatter [tilespmem:s14], [sflag:$0x7], $0x4000, $0x38;
	[tilespmem:$0x18400] =	vst v63  }
0x2a: {  	_ =	swait.ge [sflag:s28], $0x4000  }
0x2b: {  	[sflag:s28] =	ssyncset.done $0x0  }
0x2c: {  	s30 =	simm.s32 $0x7;
	s29 =	sadd.s32 $0x6CA00, s29;
	[sflag:s28] =	ssyncadd.s32 $0xFFFFC000  }
0x2d: {  	[hbm4b:s29+s3] =	stream.linear.scatter [tilespmem:s16], [sflag:$0x7], $0x4000, $0x38;
	[tilespmem:$0x18400] =	vst v63  }
0x2e: {  	_ =	swait.ge [sflag:s30], $0x4000  }
0x2f: {  	[sflag:s30] =	ssyncset.done $0x0  }
0x30: {  	[sflag:s30] =	ssyncadd.s32 $0xFFFFC000  }
0x31: {  	_ =	swait.ge [sflag:s30], $0x4000  }
0x32: {  	[sflag:s30] =	ssyncset.done $0x0  }
0x33: {  	[sflag:s30] =	ssyncadd.s32 $0xFFFFC000  }
0x34: {  	_ =	swait.ge [sflag:s30], $0x4000  }
0x35: {  	s31 =	ssub.s32 $0x2, s31;
	[sflag:s30] =	ssyncset.done $0x0  }
0x36: {  	s1 =	sshrl.u32 s31, $0x1;
	[sflag:s30] =	ssyncadd.s32 $0xFFFFC000  }
0x37: {  	s1 =	ssub.s32 s31, s1;
	_ =	swait.ge [sflag:s30], $0x4000  }
0x38: {  	s1 =	smax.u32 s1, $0x1;
	[sflag:s30] =	ssyncset.done $0x0  }
0x39: {  	p0 =	sne.s32 s1, $0x1;
	[sflag:s30] =	ssyncadd.s32 $0xFFFFC000  }
.Ltmp0:
0x3a: {  	_ =	swait.ge [sflag:s30], $0x4000;
	(pc) =	sbr.rel @!p0 .LBB2_2-.Ltmp0, $4  }
0x3b: {  	[sflag:s30] =	ssyncset.done $0x0  }
0x3c: {  	[sflag:s30] =	ssyncadd.s32 $0xFFFFC000  }
0x3d: {  	_ =	swait.ge [sflag:s30], $0x4000  }
0x3e: {  	s31 =	sadd.s32 $0xFFFFFFFF, s1;
	[sflag:s30] =	ssyncset.done $0x0  }
.LBB2_1:
0x3f: {  	p0 =	sne.s32 s31, $0x1;
	s31 =	sadd.s32 $0xFFFFFFFF, s31;
	[sflag:s30] =	ssyncadd.s32 $0xFFFFC000  }
0x40: {  	[tilespmem:s3], [sflag:$0x8] =	stream.linear.gather [hbm4b:s4+s3], $0x300, $0x38;
	[tilespmem:$0x18400] =	vst v63  }
0x41: {  	_ =	swait.ge [sflag:s5], $0x300  }
0x42: {  	[sflag:s5] =	ssyncset.done $0x0  }
0x43: {  	[sflag:s5] =	ssyncadd.s32 $0xFFFFFD00  }
0x44: {  	[tilespmem:s7], [sflag:$0x1] =	stream.indirect.gather [hbm4b:s2+s6], $0x80, s3, s6, $0xb8;
	[tilespmem:$0x18400] =	vst v63  }
0x45: {  	_ = 	snop  }
0x46: {  	[tilespmem:s8], [sflag:$0x2] =	stream.indirect.gather [hbm4b:s2+s6], $0x80, s6, s6, $0xb8;
	[tilespmem:$0x18400] =	vst v63  }
0x47: {  	_ = 	snop  }
0x48: {  	[tilespmem:s10], [sflag:$0x3] =	stream.indirect.gather [hbm4b:s2+s6], $0x80, s9, s6, $0xb8;
	[tilespmem:$0x18400] =	vst v63  }
0x49: {  	_ = 	snop  }
0x4a: {  	[tilespmem:s12], [sflag:$0x4] =	stream.indirect.gather [hbm4b:s2+s6], $0x80, s11, s6, $0xb8;
	[tilespmem:$0x18400] =	vst v63  }
0x4b: {  	_ = 	snop  }
0x4c: {  	[tilespmem:s14], [sflag:$0x5] =	stream.indirect.gather [hbm4b:s2+s6], $0x80, s13, s6, $0xb8;
	[tilespmem:$0x18400] =	vst v63  }
0x4d: {  	_ = 	snop  }
0x4e: {  	[tilespmem:s16], [sflag:$0x6] =	stream.indirect.gather [hbm4b:s2+s6], $0x80, s15, s6, $0xb8;
	[tilespmem:$0x18400] =	vst v63  }
0x4f: {  	_ =	swait.ge [sflag:s17], $0x4000  }
0x50: {  	[sflag:s17] =	ssyncset.done $0x0  }
0x51: {  	[sflag:s17] =	ssyncadd.s32 $0xFFFFC000  }
0x52: {  	[hbm4b:s18+s3] =	stream.linear.scatter [tilespmem:s7], [sflag:$0x7], $0x4000, $0x38;
	[tilespmem:$0x18400] =	vst v63  }
0x53: {  	_ =	swait.ge [sflag:s19], $0x4000  }
0x54: {  	[sflag:s19] =	ssyncset.done $0x0  }
0x55: {  	[sflag:s19] =	ssyncadd.s32 $0xFFFFC000  }
0x56: {  	[hbm4b:s20+s3] =	stream.linear.scatter [tilespmem:s8], [sflag:$0x7], $0x4000, $0x38;
	[tilespmem:$0x18400] =	vst v63  }
0x57: {  	_ =	swait.ge [sflag:s21], $0x4000  }
0x58: {  	[sflag:s21] =	ssyncset.done $0x0  }
0x59: {  	[sflag:s21] =	ssyncadd.s32 $0xFFFFC000  }
0x5a: {  	[hbm4b:s22+s3] =	stream.linear.scatter [tilespmem:s10], [sflag:$0x7], $0x4000, $0x38;
	[tilespmem:$0x18400] =	vst v63  }
0x5b: {  	_ =	swait.ge [sflag:s23], $0x4000  }
0x5c: {  	[sflag:s23] =	ssyncset.done $0x0  }
0x5d: {  	[sflag:s23] =	ssyncadd.s32 $0xFFFFC000  }
0x5e: {  	[hbm4b:s24+s3] =	stream.linear.scatter [tilespmem:s12], [sflag:$0x7], $0x4000, $0x38;
	[tilespmem:$0x18400] =	vst v63  }
0x5f: {  	_ =	swait.ge [sflag:s25], $0x4000  }
0x60: {  	[sflag:s25] =	ssyncset.done $0x0  }
0x61: {  	[sflag:s25] =	ssyncadd.s32 $0xFFFFC000  }
0x62: {  	[hbm4b:s26+s3] =	stream.linear.scatter [tilespmem:s14], [sflag:$0x7], $0x4000, $0x38;
	[tilespmem:$0x18400] =	vst v63  }
0x63: {  	_ =	swait.ge [sflag:s28], $0x4000  }
0x64: {  	[sflag:s28] =	ssyncset.done $0x0  }
0x65: {  	[sflag:s28] =	ssyncadd.s32 $0xFFFFC000  }
0x66: {  	[hbm4b:s29+s3] =	stream.linear.scatter [tilespmem:s16], [sflag:$0x7], $0x4000, $0x38;
	[tilespmem:$0x18400] =	vst v63  }
0x67: {  	_ =	swait.ge [sflag:s30], $0x4000  }
0x68: {  	[sflag:s30] =	ssyncset.done $0x0  }
0x69: {  	[sflag:s30] =	ssyncadd.s32 $0xFFFFC000  }
0x6a: {  	_ =	swait.ge [sflag:s30], $0x4000  }
0x6b: {  	[sflag:s30] =	ssyncset.done $0x0  }
0x6c: {  	[sflag:s30] =	ssyncadd.s32 $0xFFFFC000  }
0x6d: {  	_ =	swait.ge [sflag:s30], $0x4000  }
0x6e: {  	[sflag:s30] =	ssyncset.done $0x0  }
0x6f: {  	[sflag:s30] =	ssyncadd.s32 $0xFFFFC000  }
0x70: {  	_ =	swait.ge [sflag:s30], $0x4000  }
0x71: {  	[sflag:s30] =	ssyncset.done $0x0  }
0x72: {  	[sflag:s30] =	ssyncadd.s32 $0xFFFFC000  }
.Ltmp1:
0x73: {  	_ =	swait.ge [sflag:s30], $0x4000;
	(pc) =	sbr.rel @p0 .LBB2_1-.Ltmp1, $4  }
0x74: {  	[sflag:s30] =	ssyncset.done $0x0  }
0x75: {  	[sflag:s30] =	ssyncadd.s32 $0xFFFFC000  }
0x76: {  	_ =	swait.ge [sflag:s30], $0x4000  }
0x77: {  	[sflag:s30] =	ssyncset.done $0x0  }
.LBB2_2:
0x78: {  	[sflag:s30] =	ssyncadd.s32 $0xFFFFC000  }
0x79: {  	_ =	sfence.sel $0x180000  }
0x7a: {  	[bflag:$0x0] =	sbarrier.arrive $0xFFFF  }
0x7b: {  	_ =	strace $0x9000004A  }
0x7c: {  	[bflag:$0x2] =	sbarrier.arrive $0xFFFF  }
0x7d: {  	p0 =	sne.s32 s0, $0x0;
	s0 =	rddreg [dreg:$0x2]  }
0x7e: {  	s0 =	sadd.s32 @!p0 $0x100000, s0  }
0x7f: {  	[sflag:s0] =	ssyncadd.tile.s32 @!p0 $0x1;
	_ =	shalt  }
.Lfunc_end2:
_tile_overlayer_lowered:
.L_overlay_start_2:
0x80: {  	(tag) =	ssettag $0x2  }
0x81: {  	s0 =	rddreg [dreg:$0x0];
	s2 =	stileid.u32  }
0x82: {  	s1 =	rddreg [dreg:$0x1];
	p0 =	sne.s32 s2, $0x0  }
0x83: {  	s3 =	rddreg [dreg:$0x2];
	[bflag:$0x3] =	sbarrier.arrive $0xFFFF;
	s2 =	simm.s32 @!p0 $0x1C08  }
0x84: {  	[timem:s3], [sflag:s2] =	dma.local @!p0 [hbm:s0], s1  }
0x85: {  	s0 =	simm.s32 @!p0 $0x8  }
0x86: {  	_ =	swait.ge @!p0 [sflag:s0], s1  }
0x87: {  	s1 =	ssub.s32 @!p0 $0x0, s1;
	[sflag:s0] =	ssyncset.done @!p0 $0x0  }
0x88: {  	[sflag:s0] =	ssyncadd.s32 @!p0 s1  }
0x89: {  	[bflag:$0x3] =	sbarrier.arrive $0xFFFF  }
0x8a: {  	_ =	shalt  }

// kernel: kernel.21.cloned.1.call-start
scs
__scs_entry_jumppad:
0x0: {  	(pc) =	sbr.rel $0x88, $3  }
0x1: {  	(tag) =	ssettag $0x0;
	lr =	simm.s32 $0x1  }
0x2: {  	[smem:$0x3F7F] =	sst lr;
	_ =	strace $0xD0000000  }
0x3: {  	_ = 	snop  }
0x4: {  	_ = 	snop  }
0x5: {  	_ = 	snop  }
0x6: {  	_ = 	snop  }
0x7: {  	_ = 	snop  }
__scs_overlays_trampoline_lowered:
0x8: {  	[smem:$0x3F8E] =	sst s0  }
0x9: {  	[smem:$0x3F8F] =	sst s1  }
0xa: {  	[smem:$0x3F90] =	sst s2  }
0xb: {  	[smem:$0x3F91] =	sst s3  }
0xc: {  	[smem:$0x3F92] =	sst s4  }
0xd: {  	[smem:$0x3F93] =	sst s5  }
0xe: {  	[smem:$0x3F94] =	sst s6  }
0xf: {  	[smem:$0x3F95] =	sst s7  }
0x10: {  	[smem:$0x3F96] =	sst s8  }
0x11: {  	[smem:$0x3F97] =	sst s9;
	s0 =	simm.s32 @!p0 $0x0  }
0x12: {  	s1 =	sld [smem:$0x3F7D];
	s0 =	simm.s32 @p0 $0x1  }
0x13: {  	[smem:$0x3F98] =	sst s0;
	s0 =	simm.s32 @!p1 $0x0  }
0x14: {  	s2 =	sld [smem:$0x3F7C];
	s0 =	simm.s32 @p1 $0x1  }
0x15: {  	[smem:$0x3F99] =	sst s0;
	s0 =	simm.s32 @!p2 $0x0  }
0x16: {  	s3 =	sld [smem:$0x3FDB];
	s0 =	simm.s32 @p2 $0x1  }
0x17: {  	s4 =	simm.s32 $0x1BF5;
	[smem:$0x3F9B] =	sst s0  }
0x18: {  	s0 =	sld [smem:$0x3F7E];
	_ =	swait.ge [sflag:s4], $0x0  }
0x19: {  	s7 =	sld [smem:$0x3F7F]  }
0x1a: {  	s8 =	sadd.s32 $0xFFFFE003, lr  }
0x1b: {  	s9 =	sadd.s32 $0xFFFFFEF7, lr;
	s5 =	simm.s32 $0xFFFFFFFF;
	p2 =	slt.u32 s8, $0xFFFFF086  }
0x1c: {  	p1 =	slt.u32 s9, $0xF7A;
	s5 =	simm.s32 @!p2 $0x0  }
0x1d: {  	s5 =	simm.s32 @p1 $0x1;
	p0 =	seq.s32 s7, s2  }
0x1e: {  	s7 =	smul.u32 @!p0 $0xF7A, s2;
	p2 =	seq.s32 @!p0 s5, $0x0  }
0x1f: {  	s9 =	smul.u32 $0xF7A, s1;
	s8 =	simm.s32 @!p0 $0x1BF5;
	p2 =	por !p2, p0  }
0x20: {  	[sflag:s8] =	ssyncset.s32 @!p0 $0xFFFFF086;
	s6 =	sadd.s32 @!p0 s3, s7;
	s7 =	simm.s32 @!p0 $0x108  }
0x21: {  	s3 =	sadd.s32 s3, s9;
	s6 =	sadd.s32 @!p0 $0x88, s6;
	s7 =	simm.s32 @p2 $0x1082  }
0x22: {  	[simem:s7], [sflag:s8] =	dma.local @!p0 [hbm:s6], $0xF7A  }
0x23: {  	s9 =	sor.u32 $0xD0000000, s2;
	s6 =	simm.s32 $0x108;
	_ =	swait.ge @!p0 [sflag:s8], $0x0  }
0x24: {  	s3 =	sadd.s32 $0x88, s3;
	s6 =	simm.s32 @!p1 $0x1082;
	[sflag:s4] =	ssyncset.s32 $0xFFFFF086  }
0x25: {  	[simem:s6], [sflag:s4] =	dma.local [hbm:s3], $0xF7A  }
0x26: {  	[smem:$0x3F7F] =	sst s1;
	(tag) =	ssettag s2;
	_ =	strace s9  }
0x27: {  	s1 =	sld [smem:$0x3F8F]  }
0x28: {  	s2 =	sld [smem:$0x3F90]  }
0x29: {  	s4 =	sld [smem:$0x3F92]  }
0x2a: {  	p0 =	seq.s32 s5, $0x0;
	s5 =	sld [smem:$0x3F93]  }
0x2b: {  	s6 =	sld [smem:$0x3F94]  }
0x2c: {  	s7 =	sld [smem:$0x3F95]  }
0x2d: {  	s3 =	simm.s32 $0x108;
	s8 =	sld [smem:$0x3F96]  }
0x2e: {  	s3 =	simm.s32 @!p0 $0x1082;
	s9 =	sld [smem:$0x3F97]  }
0x2f: {  	lr =	sadd.s32 s0, s3;
	s0 =	sld [smem:$0x3F8E]  }
0x30: {  	s3 =	sld [smem:$0x3F91]  }
0x31: {  	[smem:$0x3F9A] =	sst s10  }
0x32: {  	s10 =	sld [smem:$0x3F98];
	_ =	sdelay $0x3  }
0x33: {  	p0 =	seq.s32 s10, $0x1;
	s10 =	sld [smem:$0x3F9A];
	_ =	sdelay $0x3  }
0x34: {  	[smem:$0x3F9A] =	sst s10  }
0x35: {  	s10 =	sld [smem:$0x3F99];
	_ =	sdelay $0x3  }
0x36: {  	p1 =	seq.s32 s10, $0x1;
	s10 =	sld [smem:$0x3F9A];
	_ =	sdelay $0x3  }
0x37: {  	[smem:$0x3F9A] =	sst s10  }
0x38: {  	s10 =	sld [smem:$0x3F9B]  }
0x39: {  	_ = 	snop;
	(pc) =	sbr.ind lr, $3  }
0x3a: {  	_ = 	snop  }
0x3b: {  	_ = 	snop  }
0x3c: {  	p2 =	seq.s32 s10, $0x1;
	s10 =	sld [smem:$0x3F9A]  }
0x3d: {  	_ =	shalt  }
0x3e: {  	_ =	shalt  }
0x3f: {  	_ =	shalt  }
0x40: {  	_ =	shalt  }
0x41: {  	_ =	shalt  }
0x42: {  	_ =	shalt  }
0x43: {  	_ =	shalt  }
0x44: {  	_ =	shalt  }
0x45: {  	_ =	shalt  }
0x46: {  	_ =	shalt  }
0x47: {  	_ =	shalt  }
0x48: {  	_ =	shalt  }
0x49: {  	_ =	shalt  }
0x4a: {  	_ =	shalt  }
0x4b: {  	_ =	shalt  }
0x4c: {  	_ =	shalt  }
0x4d: {  	_ =	shalt  }
0x4e: {  	_ =	shalt  }
0x4f: {  	_ =	shalt  }
0x50: {  	_ =	shalt  }
0x51: {  	_ =	shalt  }
0x52: {  	_ =	shalt  }
0x53: {  	_ =	shalt  }
0x54: {  	_ =	shalt  }
0x55: {  	_ =	shalt  }
0x56: {  	_ =	shalt  }
0x57: {  	_ =	shalt  }
0x58: {  	_ =	shalt  }
0x59: {  	_ =	shalt  }
0x5a: {  	_ =	shalt  }
0x5b: {  	_ =	shalt  }
0x5c: {  	_ =	shalt  }
0x5d: {  	_ =	shalt  }
0x5e: {  	_ =	shalt  }
0x5f: {  	_ =	shalt  }
0x60: {  	_ =	shalt  }
0x61: {  	_ =	shalt  }
0x62: {  	_ =	shalt  }
0x63: {  	_ =	shalt  }
0x64: {  	_ =	shalt  }
0x65: {  	_ =	shalt  }
0x66: {  	_ =	shalt  }
0x67: {  	_ =	shalt  }
0x68: {  	_ =	shalt  }
0x69: {  	_ =	shalt  }
0x6a: {  	_ =	shalt  }
0x6b: {  	_ =	shalt  }
0x6c: {  	_ =	shalt  }
0x6d: {  	_ =	shalt  }
0x6e: {  	_ =	shalt  }
0x6f: {  	_ =	shalt  }
0x70: {  	_ =	shalt  }
0x71: {  	_ =	shalt  }
0x72: {  	_ =	shalt  }
0x73: {  	_ =	shalt  }
0x74: {  	_ =	shalt  }
0x75: {  	_ =	shalt  }
0x76: {  	_ =	shalt  }
0x77: {  	_ =	shalt  }
0x78: {  	_ =	shalt  }
0x79: {  	_ =	shalt  }
0x7a: {  	_ =	shalt  }
0x7b: {  	_ =	shalt  }
0x7c: {  	_ =	shalt  }
0x7d: {  	_ =	shalt  }
0x7e: {  	_ =	shalt  }
0x7f: {  	_ =	shalt  }
0x80: {  	_ =	shalt  }
0x81: {  	_ =	shalt  }
0x82: {  	_ =	shalt  }
0x83: {  	_ =	shalt  }
0x84: {  	_ =	shalt  }
0x85: {  	_ =	shalt  }
0x86: {  	_ =	shalt  }
0x87: {  	_ =	shalt  }
.Lfunc_end0:
.L_simem_size_0:
called_computation.2_lowered:
.L_overlay_start_0:
0x88: {  	s2 =	sld [smem:$0x3FD9]  }
0x89: {  	s3 =	sld [smem:$0x3FFE];
	_ =	sdelay $0x1  }
0x8a: {  	s1 =	srdreg.scid  }
0x8b: {  	s0 =	sand.u32 $0x1, s1  }
0x8c: {  	s17 =	sshll.u32 s0, $0xA;
	s2 =	sadd.s32 s3, s2  }
0x8d: {  	s2 =	sadd.s32 s2, s17  }
0x8e: {  	[smem:$0x3FA6] =	sst s2  }
0x8f: {  	_ = 	snop  }
0x90: {  	s18 =	sld [smem:$0x3FC5];
	(tm) =	ssettm $0x1  }
0x91: {  	s19 =	sld [smem:$0x3FFB];
	_ =	sdelay $0x3  }
0x92: {  	_ =	strace s19  }
0x93: {  	s2 =	sld [smem:$0x3FFC];
	_ =	sdelay $0x3  }
0x94: {  	_ =	strace s2  }
0x95: {  	s2 =	sld [smem:$0x3FFD];
	_ =	sdelay $0x3  }
0x96: {  	_ =	strace s2  }
0x97: {  	_ =	strace $0x8FFFFFFF  }
0x98: {  	s20 =	sld [smem:$0x3FDB];
	_ =	sdelay $0x1  }
0x99: {  	s4 =	simm.s32 $_scs_section_size  }
0x9a: {  	s5 =	simm.s32 $_size__tile_overlayer_lowered;
	s6 =	simm.s32 $_tile_overlayer_lowered  }
0x9b: {  	s7 =	simm.s32 $0x1BFF;
	s21 =	sshll.u32 s6, $0x1;
	s4 =	sadd.s32 s4, s20  }
0x9c: {  	s22 =	simm.s32 $0x0;
	s5 =	sshll.u32 s5, $0x1;
	s6 =	sadd.s32 s21, s4  }
0x9d: {  	[timem:s22], [sflag:s7] =	dma.local [hbm:s6], s5  }
0x9e: {  	_ =	swait.ge [sflag:s7], s5  }
0x9f: {  	s5 =	ssub.s32 $0x0, s5;
	[sflag:s7] =	ssyncset.done $0x0  }
0xa0: {  	[sflag:s7] =	ssyncadd.s32 s5;
	_ =	sdelay $0x1  }
0xa1: {  	s23 =	simm.s32 $0x1B8B  }
0xa2: {  	_ =	swait.ge [sflag:s23], $0x1  }
0xa3: {  	[sflag:s23] =	ssyncset.done $0x0  }
0xa4: {  	[sflag:s23] =	ssyncadd.s32 $0xFFFFFFFF  }
0xa5: {  	s5 =	sld [smem:$0x0]  }
0xa6: {  	s6 =	sand.u32 $0xFFFFFFFE, s1  }
0xa7: {  	p0 =	sne.s32 s1, s6  }
0xa8: {  	s6 =	sshll.u32 @p0 s6, $0xE  }
0xa9: {  	s6 =	sadd.s32 @p0 $0x11B8D, s6;
	s7 =	sshll.u32 @p0 s5, $0x11  }
0xaa: {  	s6 =	sor.u32 @p0 s7, s6  }
0xab: {  	[sflag:s6] =	ssyncadd.remote.s32 @p0 $0x1;
	_ =	sdelay $0x1  }
0xac: {  	s6 =	simm.s32 @p0 $0x1B8D  }
0xad: {  	_ =	swait.eq @p0 [sflag:s6], $0x1  }
0xae: {  	[sflag:s6] =	ssyncadd.s32 @p0 $0xFFFFFFFF  }
0xaf: {  	s7 =	sshll.u32 @!p0 s1, $0xE  }
0xb0: {  	s7 =	sor.u32 @!p0 $0x4000, s7;
	s6 =	simm.s32 @!p0 $0x1B8D  }
0xb1: {  	s5 =	sshll.u32 @!p0 s5, $0x11;
	s7 =	sadd.s32 @!p0 $0x11B8D, s7;
	_ =	swait.eq @!p0 [sflag:s6], $0x1  }
0xb2: {  	s5 =	sor.u32 @!p0 s5, s7;
	[sflag:s6] =	ssyncadd.s32 @!p0 $0xFFFFFFFF  }
0xb3: {  	s25 =	simm.s32 $0x1B8E;
	s24 =	sld [smem:$0x3FFE];
	[sflag:s5] =	ssyncadd.remote.s32 @!p0 $0x1  }
0xb4: {  	s26 =	simm.s32 $execute0_lowered;
	[smem:$0x3FD2] =	sst s25  }
0xb5: {  	s6 =	sshll.u32 s26, $0x1;
	_ =	strace $0x80000055;
	[dreg:$0x1] =	wrdreg $0xFFFFFFFF  }
0xb6: {  	s28 =	simm.s32 $_size_execute0_lowered;
	s4 =	sadd.s32 s4, s6;
	[dreg:$0x0] =	wrdreg $0x0  }
0xb7: {  	s6 =	sshll.u32 s28, $0x1;
	[dreg:$0x2] =	wrdreg s4  }
0xb8: {  	[dreg:$0x3] =	wrdreg s6  }
0xb9: {  	[dreg:$0x4] =	wrdreg $0xC0  }
0xba: {  	_ =	task [dreg:s22], $0x5FFFF  }
0xbb: {  	[dreg:$0x1] =	wrdreg $0xFFFFFFFF  }
0xbc: {  	[dreg:$0x0] =	wrdreg $0x60  }
0xbd: {  	[dreg:$0x2] =	wrdreg s18  }
0xbe: {  	[dreg:$0x3] =	wrdreg s24  }
0xbf: {  	[dreg:$0x4] =	wrdreg $0xB  }
0xc0: {  	_ =	task.clear_ibuf [dreg:s22], $0x5FFFF;
	_ =	strace $0x90000055  }
0xc1: {  	s29 =	simm.s32 $0xB;
	_ =	strace $0x80000057  }
0xc2: {  	_ =	swait.ge [sflag:s29], $0x1  }
0xc3: {  	[sflag:s29] =	ssyncadd.s32 $0xFFFFFFFF  }
0xc4: {  	_ =	strace $0x90000057  }
0xc5: {  	_ =	sfence  }
0xc6: {  	s30 =	sld [smem:$0x0];
	_ =	sdelay $0x2  }
0xc7: {  	s31 =	sshll.u32 s1, $0xD;
	s1 =	sshrl.u32 s1, $0x2  }
0xc8: {  	s4 =	sand.u32 $0x4000, s31;
	s1 =	sadd.s32 s1, s30  }
0xc9: {  	s0 =	sor.u32 s4, s0;
	s1 =	sshll.u32 s1, $0x11  }
0xca: {  	s0 =	sor.u32 s1, s0  }
0xcb: {  	s0 =	sadd.s32 $0x8F2B, s0  }
0xcc: {  	[sflag:s0] =	ssyncadd.remote.s32 $0x1  }
0xcd: {  	_ =	sfence.sel $0xFFFF  }
0xce: {  	[dreg:$0x0] =	wrdreg $0xFFFFFFFF;
	(pc) =	sbr.abs _section_cstart, $3  }
0xcf: {  	[dreg:$0x1] =	wrdreg $0xFFFFFFFF  }
0xd0: {  	_ =	task.clear_ibuf [dreg:s22], $0x2FFFF;
	_ =	strace $0x9FFFFFFF  }
0xd1: {  	(tm) =	ssettm $0x7FFFFFFF  }
tec
execute0_lowered:
.L_overlay_start_1:
0x0: {  	(tag) =	ssettag $0x1  }
0x1: {  	s1 =	srdreg.scid;
	s0 =	stileid.u32  }
0x2: {  	s31 =	sand.u32 $0x1, s1;
	s26 =	sshll.u32 s0, $0x1  }
0x3: {  	s2 =	rddreg [dreg:$0x0];
	s13 =	sor.u32 s31, s26  }
0x4: {  	s18 =	rddreg [dreg:$0x1];
	s3 =	simm.s32 $0x0;
	s4 =	sshll.u32 s13, $0x7  }
0x5: {  	[smem:$0x7FF] =	sst s3;
	s4 =	sadd.s32 s4, s18  }
0x6: {  	s5 =	simm.s32 $0x8;
	_ =	strace $0x80000056;
	s4 =	sadd.s32 $0x1ED200, s4  }
0x7: {  	[tilespmem:s3], [sflag:$0x8] =	stream.linear.gather [hbm4b:s4+s3], $0x300, $0x38;
	[tilespmem:$0x18400] =	vst v63  }
0x8: {  	_ =	swait.ge [sflag:s5], $0x300  }
0x9: {  	[sflag:s5] =	ssyncset.done $0x0  }
0xa: {  	s6 =	simm.s32 $0x80;
	s7 =	simm.s32 $0x400;
	[sflag:s5] =	ssyncadd.s32 $0xFFFFFD00  }
0xb: {  	[tilespmem:s7], [sflag:$0x1] =	stream.indirect.gather [hbm4b:s2+s6], $0x80, s3, s6, $0xb8;
	[tilespmem:$0x18400] =	vst v63  }
0xc: {  	s8 =	simm.s32 $0x4400  }
0xd: {  	[tilespmem:s8], [sflag:$0x2] =	stream.indirect.gather [hbm4b:s2+s6], $0x80, s6, s6, $0xb8;
	[tilespmem:$0x18400] =	vst v63  }
0xe: {  	s9 =	simm.s32 $0x100;
	s10 =	simm.s32 $0x8400  }
0xf: {  	[tilespmem:s10], [sflag:$0x3] =	stream.indirect.gather [hbm4b:s2+s6], $0x80, s9, s6, $0xb8;
	[tilespmem:$0x18400] =	vst v63  }
0x10: {  	s11 =	simm.s32 $0x180;
	s12 =	simm.s32 $0xC400  }
0x11: {  	[tilespmem:s12], [sflag:$0x4] =	stream.indirect.gather [hbm4b:s2+s6], $0x80, s11, s6, $0xb8;
	[tilespmem:$0x18400] =	vst v63  }
0x12: {  	s14 =	simm.s32 $0x10400;
	s19 =	smul.u32 $0x18000, s13;
	s13 =	simm.s32 $0x200  }
0x13: {  	[tilespmem:s14], [sflag:$0x5] =	stream.indirect.gather [hbm4b:s2+s6], $0x80, s13, s6, $0xb8;
	[tilespmem:$0x18400] =	vst v63  }
0x14: {  	s15 =	simm.s32 $0x280;
	s16 =	simm.s32 $0x14400;
	s17 =	simm.s32 $0x1  }
0x15: {  	[tilespmem:s16], [sflag:$0x6] =	stream.indirect.gather [hbm4b:s2+s6], $0x80, s15, s6, $0xb8;
	[tilespmem:$0x18400] =	vst v63  }
0x16: {  	s19 =	sshrl.u32 s19, $0x3;
	_ =	swait.ge [sflag:s17], $0x4000  }
0x17: {  	s29 =	sadd.s32 s19, s18;
	[sflag:s17] =	ssyncset.done $0x0  }
0x18: {  	s19 =	simm.s32 $0x2;
	s18 =	sadd.s32 $0x1EE200, s29;
	[sflag:s17] =	ssyncadd.s32 $0xFFFFC000  }
0x19: {  	[hbm4b:s18+s3] =	stream.linear.scatter [tilespmem:s7], [sflag:$0x7], $0x4000, $0x38;
	[tilespmem:$0x18400] =	vst v63  }
0x1a: {  	_ =	swait.ge [sflag:s19], $0x4000  }
0x1b: {  	[sflag:s19] =	ssyncset.done $0x0  }
0x1c: {  	s21 =	simm.s32 $0x3;
	s20 =	sadd.s32 $0x1EEA00, s29;
	[sflag:s19] =	ssyncadd.s32 $0xFFFFC000  }
0x1d: {  	[hbm4b:s20+s3] =	stream.linear.scatter [tilespmem:s8], [sflag:$0x7], $0x4000, $0x38;
	[tilespmem:$0x18400] =	vst v63  }
0x1e: {  	_ =	swait.ge [sflag:s21], $0x4000  }
0x1f: {  	[sflag:s21] =	ssyncset.done $0x0  }
0x20: {  	s23 =	simm.s32 $0x4;
	s22 =	sadd.s32 $0x1EF200, s29;
	[sflag:s21] =	ssyncadd.s32 $0xFFFFC000  }
0x21: {  	[hbm4b:s22+s3] =	stream.linear.scatter [tilespmem:s10], [sflag:$0x7], $0x4000, $0x38;
	[tilespmem:$0x18400] =	vst v63  }
0x22: {  	_ =	swait.ge [sflag:s23], $0x4000  }
0x23: {  	[sflag:s23] =	ssyncset.done $0x0  }
0x24: {  	s25 =	simm.s32 $0x5;
	s24 =	sadd.s32 $0x1EFA00, s29;
	[sflag:s23] =	ssyncadd.s32 $0xFFFFC000  }
0x25: {  	[hbm4b:s24+s3] =	stream.linear.scatter [tilespmem:s12], [sflag:$0x7], $0x4000, $0x38;
	[tilespmem:$0x18400] =	vst v63  }
0x26: {  	_ =	swait.ge [sflag:s25], $0x4000  }
0x27: {  	[sflag:s25] =	ssyncset.done $0x0  }
0x28: {  	s28 =	simm.s32 $0x6;
	s26 =	sadd.s32 $0x1F0200, s29;
	[sflag:s25] =	ssyncadd.s32 $0xFFFFC000  }
0x29: {  	[hbm4b:s26+s3] =	stream.linear.scatter [tilespmem:s14], [sflag:$0x7], $0x4000, $0x38;
	[tilespmem:$0x18400] =	vst v63  }
0x2a: {  	_ =	swait.ge [sflag:s28], $0x4000  }
0x2b: {  	[sflag:s28] =	ssyncset.done $0x0  }
0x2c: {  	s30 =	simm.s32 $0x7;
	s29 =	sadd.s32 $0x1F0A00, s29;
	[sflag:s28] =	ssyncadd.s32 $0xFFFFC000  }
0x2d: {  	[hbm4b:s29+s3] =	stream.linear.scatter [tilespmem:s16], [sflag:$0x7], $0x4000, $0x38;
	[tilespmem:$0x18400] =	vst v63  }
0x2e: {  	_ =	swait.ge [sflag:s30], $0x4000  }
0x2f: {  	[sflag:s30] =	ssyncset.done $0x0  }
0x30: {  	[sflag:s30] =	ssyncadd.s32 $0xFFFFC000  }
0x31: {  	_ =	swait.ge [sflag:s30], $0x4000  }
0x32: {  	[sflag:s30] =	ssyncset.done $0x0  }
0x33: {  	[sflag:s30] =	ssyncadd.s32 $0xFFFFC000  }
0x34: {  	_ =	swait.ge [sflag:s30], $0x4000  }
0x35: {  	s31 =	ssub.s32 $0x2, s31;
	[sflag:s30] =	ssyncset.done $0x0  }
0x36: {  	s1 =	sshrl.u32 s31, $0x1;
	[sflag:s30] =	ssyncadd.s32 $0xFFFFC000  }
0x37: {  	s1 =	ssub.s32 s31, s1;
	_ =	swait.ge [sflag:s30], $0x4000  }
0x38: {  	s1 =	smax.u32 s1, $0x1;
	[sflag:s30] =	ssyncset.done $0x0  }
0x39: {  	p0 =	sne.s32 s1, $0x1;
	[sflag:s30] =	ssyncadd.s32 $0xFFFFC000  }
.Ltmp0:
0x3a: {  	_ =	swait.ge [sflag:s30], $0x4000;
	(pc) =	sbr.rel @!p0 .LBB2_2-.Ltmp0, $4  }
0x3b: {  	[sflag:s30] =	ssyncset.done $0x0  }
0x3c: {  	[sflag:s30] =	ssyncadd.s32 $0xFFFFC000  }
0x3d: {  	_ =	swait.ge [sflag:s30], $0x4000  }
0x3e: {  	s31 =	sadd.s32 $0xFFFFFFFF, s1;
	[sflag:s30] =	ssyncset.done $0x0  }
.LBB2_1:
0x3f: {  	p0 =	sne.s32 s31, $0x1;
	s31 =	sadd.s32 $0xFFFFFFFF, s31;
	[sflag:s30] =	ssyncadd.s32 $0xFFFFC000  }
0x40: {  	[tilespmem:s3], [sflag:$0x8] =	stream.linear.gather [hbm4b:s4+s3], $0x300, $0x38;
	[tilespmem:$0x18400] =	vst v63  }
0x41: {  	_ =	swait.ge [sflag:s5], $0x300  }
0x42: {  	[sflag:s5] =	ssyncset.done $0x0  }
0x43: {  	[sflag:s5] =	ssyncadd.s32 $0xFFFFFD00  }
0x44: {  	[tilespmem:s7], [sflag:$0x1] =	stream.indirect.gather [hbm4b:s2+s6], $0x80, s3, s6, $0xb8;
	[tilespmem:$0x18400] =	vst v63  }
0x45: {  	_ = 	snop  }
0x46: {  	[tilespmem:s8], [sflag:$0x2] =	stream.indirect.gather [hbm4b:s2+s6], $0x80, s6, s6, $0xb8;
	[tilespmem:$0x18400] =	vst v63  }
0x47: {  	_ = 	snop  }
0x48: {  	[tilespmem:s10], [sflag:$0x3] =	stream.indirect.gather [hbm4b:s2+s6], $0x80, s9, s6, $0xb8;
	[tilespmem:$0x18400] =	vst v63  }
0x49: {  	_ = 	snop  }
0x4a: {  	[tilespmem:s12], [sflag:$0x4] =	stream.indirect.gather [hbm4b:s2+s6], $0x80, s11, s6, $0xb8;
	[tilespmem:$0x18400] =	vst v63  }
0x4b: {  	_ = 	snop  }
0x4c: {  	[tilespmem:s14], [sflag:$0x5] =	stream.indirect.gather [hbm4b:s2+s6], $0x80, s13, s6, $0xb8;
	[tilespmem:$0x18400] =	vst v63  }
0x4d: {  	_ = 	snop  }
0x4e: {  	[tilespmem:s16], [sflag:$0x6] =	stream.indirect.gather [hbm4b:s2+s6], $0x80, s15, s6, $0xb8;
	[tilespmem:$0x18400] =	vst v63  }
0x4f: {  	_ =	swait.ge [sflag:s17], $0x4000  }
0x50: {  	[sflag:s17] =	ssyncset.done $0x0  }
0x51: {  	[sflag:s17] =	ssyncadd.s32 $0xFFFFC000  }
0x52: {  	[hbm4b:s18+s3] =	stream.linear.scatter [tilespmem:s7], [sflag:$0x7], $0x4000, $0x38;
	[tilespmem:$0x18400] =	vst v63  }
0x53: {  	_ =	swait.ge [sflag:s19], $0x4000  }
0x54: {  	[sflag:s19] =	ssyncset.done $0x0  }
0x55: {  	[sflag:s19] =	ssyncadd.s32 $0xFFFFC000  }
0x56: {  	[hbm4b:s20+s3] =	stream.linear.scatter [tilespmem:s8], [sflag:$0x7], $0x4000, $0x38;
	[tilespmem:$0x18400] =	vst v63  }
0x57: {  	_ =	swait.ge [sflag:s21], $0x4000  }
0x58: {  	[sflag:s21] =	ssyncset.done $0x0  }
0x59: {  	[sflag:s21] =	ssyncadd.s32 $0xFFFFC000  }
0x5a: {  	[hbm4b:s22+s3] =	stream.linear.scatter [tilespmem:s10], [sflag:$0x7], $0x4000, $0x38;
	[tilespmem:$0x18400] =	vst v63  }
0x5b: {  	_ =	swait.ge [sflag:s23], $0x4000  }
0x5c: {  	[sflag:s23] =	ssyncset.done $0x0  }
0x5d: {  	[sflag:s23] =	ssyncadd.s32 $0xFFFFC000  }
0x5e: {  	[hbm4b:s24+s3] =	stream.linear.scatter [tilespmem:s12], [sflag:$0x7], $0x4000, $0x38;
	[tilespmem:$0x18400] =	vst v63  }
0x5f: {  	_ =	swait.ge [sflag:s25], $0x4000  }
0x60: {  	[sflag:s25] =	ssyncset.done $0x0  }
0x61: {  	[sflag:s25] =	ssyncadd.s32 $0xFFFFC000  }
0x62: {  	[hbm4b:s26+s3] =	stream.linear.scatter [tilespmem:s14], [sflag:$0x7], $0x4000, $0x38;
	[tilespmem:$0x18400] =	vst v63  }
0x63: {  	_ =	swait.ge [sflag:s28], $0x4000  }
0x64: {  	[sflag:s28] =	ssyncset.done $0x0  }
0x65: {  	[sflag:s28] =	ssyncadd.s32 $0xFFFFC000  }
0x66: {  	[hbm4b:s29+s3] =	stream.linear.scatter [tilespmem:s16], [sflag:$0x7], $0x4000, $0x38;
	[tilespmem:$0x18400] =	vst v63  }
0x67: {  	_ =	swait.ge [sflag:s30], $0x4000  }
0x68: {  	[sflag:s30] =	ssyncset.done $0x0  }
0x69: {  	[sflag:s30] =	ssyncadd.s32 $0xFFFFC000  }
0x6a: {  	_ =	swait.ge [sflag:s30], $0x4000  }
0x6b: {  	[sflag:s30] =	ssyncset.done $0x0  }
0x6c: {  	[sflag:s30] =	ssyncadd.s32 $0xFFFFC000  }
0x6d: {  	_ =	swait.ge [sflag:s30], $0x4000  }
0x6e: {  	[sflag:s30] =	ssyncset.done $0x0  }
0x6f: {  	[sflag:s30] =	ssyncadd.s32 $0xFFFFC000  }
0x70: {  	_ =	swait.ge [sflag:s30], $0x4000  }
0x71: {  	[sflag:s30] =	ssyncset.done $0x0  }
0x72: {  	[sflag:s30] =	ssyncadd.s32 $0xFFFFC000  }
.Ltmp1:
0x73: {  	_ =	swait.ge [sflag:s30], $0x4000;
	(pc) =	sbr.rel @p0 .LBB2_1-.Ltmp1, $4  }
0x74: {  	[sflag:s30] =	ssyncset.done $0x0  }
0x75: {  	[sflag:s30] =	ssyncadd.s32 $0xFFFFC000  }
0x76: {  	_ =	swait.ge [sflag:s30], $0x4000  }
0x77: {  	[sflag:s30] =	ssyncset.done $0x0  }
.LBB2_2:
0x78: {  	[sflag:s30] =	ssyncadd.s32 $0xFFFFC000  }
0x79: {  	_ =	sfence.sel $0x180000  }
0x7a: {  	[bflag:$0x0] =	sbarrier.arrive $0xFFFF  }
0x7b: {  	_ =	strace $0x90000056  }
0x7c: {  	[bflag:$0x2] =	sbarrier.arrive $0xFFFF  }
0x7d: {  	p0 =	sne.s32 s0, $0x0;
	s0 =	rddreg [dreg:$0x2]  }
0x7e: {  	s0 =	sadd.s32 @!p0 $0x100000, s0  }
0x7f: {  	[sflag:s0] =	ssyncadd.tile.s32 @!p0 $0x1;
	_ =	shalt  }
.Lfunc_end2:
_tile_overlayer_lowered:
.L_overlay_start_2:
0x80: {  	(tag) =	ssettag $0x2  }
0x81: {  	s0 =	rddreg [dreg:$0x0];
	s2 =	stileid.u32  }
0x82: {  	s1 =	rddreg [dreg:$0x1];
	p0 =	sne.s32 s2, $0x0  }
0x83: {  	s3 =	rddreg [dreg:$0x2];
	[bflag:$0x3] =	sbarrier.arrive $0xFFFF;
	s2 =	simm.s32 @!p0 $0x1C08  }
0x84: {  	[timem:s3], [sflag:s2] =	dma.local @!p0 [hbm:s0], s1  }
0x85: {  	s0 =	simm.s32 @!p0 $0x8  }
0x86: {  	_ =	swait.ge @!p0 [sflag:s0], s1  }
0x87: {  	s1 =	ssub.s32 @!p0 $0x0, s1;
	[sflag:s0] =	ssyncset.done @!p0 $0x0  }
0x88: {  	[sflag:s0] =	ssyncadd.s32 @!p0 s1  }
0x89: {  	[bflag:$0x3] =	sbarrier.arrive $0xFFFF  }
0x8a: {  	_ =	shalt  }

// kernel: kernel.24.cloned.1.call-start
scs
__scs_entry_jumppad:
0x0: {  	(pc) =	sbr.rel $0x88, $3  }
0x1: {  	(tag) =	ssettag $0x0;
	lr =	simm.s32 $0x1  }
0x2: {  	[smem:$0x3F7F] =	sst lr;
	_ =	strace $0xD0000000  }
0x3: {  	_ = 	snop  }
0x4: {  	_ = 	snop  }
0x5: {  	_ = 	snop  }
0x6: {  	_ = 	snop  }
0x7: {  	_ = 	snop  }
__scs_overlays_trampoline_lowered:
0x8: {  	[smem:$0x3F8E] =	sst s0  }
0x9: {  	[smem:$0x3F8F] =	sst s1  }
0xa: {  	[smem:$0x3F90] =	sst s2  }
0xb: {  	[smem:$0x3F91] =	sst s3  }
0xc: {  	[smem:$0x3F92] =	sst s4  }
0xd: {  	[smem:$0x3F93] =	sst s5  }
0xe: {  	[smem:$0x3F94] =	sst s6  }
0xf: {  	[smem:$0x3F95] =	sst s7  }
0x10: {  	[smem:$0x3F96] =	sst s8  }
0x11: {  	[smem:$0x3F97] =	sst s9;
	s0 =	simm.s32 @!p0 $0x0  }
0x12: {  	s1 =	sld [smem:$0x3F7D];
	s0 =	simm.s32 @p0 $0x1  }
0x13: {  	[smem:$0x3F98] =	sst s0;
	s0 =	simm.s32 @!p1 $0x0  }
0x14: {  	s2 =	sld [smem:$0x3F7C];
	s0 =	simm.s32 @p1 $0x1  }
0x15: {  	[smem:$0x3F99] =	sst s0;
	s0 =	simm.s32 @!p2 $0x0  }
0x16: {  	s3 =	sld [smem:$0x3FDB];
	s0 =	simm.s32 @p2 $0x1  }
0x17: {  	s4 =	simm.s32 $0x1BF5;
	[smem:$0x3F9B] =	sst s0  }
0x18: {  	s0 =	sld [smem:$0x3F7E];
	_ =	swait.ge [sflag:s4], $0x0  }
0x19: {  	s7 =	sld [smem:$0x3F7F]  }
0x1a: {  	s8 =	sadd.s32 $0xFFFFE003, lr  }
0x1b: {  	s9 =	sadd.s32 $0xFFFFFEF7, lr;
	s5 =	simm.s32 $0xFFFFFFFF;
	p2 =	slt.u32 s8, $0xFFFFF086  }
0x1c: {  	p1 =	slt.u32 s9, $0xF7A;
	s5 =	simm.s32 @!p2 $0x0  }
0x1d: {  	s5 =	simm.s32 @p1 $0x1;
	p0 =	seq.s32 s7, s2  }
0x1e: {  	s7 =	smul.u32 @!p0 $0xF7A, s2;
	p2 =	seq.s32 @!p0 s5, $0x0  }
0x1f: {  	s9 =	smul.u32 $0xF7A, s1;
	s8 =	simm.s32 @!p0 $0x1BF5;
	p2 =	por !p2, p0  }
0x20: {  	[sflag:s8] =	ssyncset.s32 @!p0 $0xFFFFF086;
	s6 =	sadd.s32 @!p0 s3, s7;
	s7 =	simm.s32 @!p0 $0x108  }
0x21: {  	s3 =	sadd.s32 s3, s9;
	s6 =	sadd.s32 @!p0 $0x88, s6;
	s7 =	simm.s32 @p2 $0x1082  }
0x22: {  	[simem:s7], [sflag:s8] =	dma.local @!p0 [hbm:s6], $0xF7A  }
0x23: {  	s9 =	sor.u32 $0xD0000000, s2;
	s6 =	simm.s32 $0x108;
	_ =	swait.ge @!p0 [sflag:s8], $0x0  }
0x24: {  	s3 =	sadd.s32 $0x88, s3;
	s6 =	simm.s32 @!p1 $0x1082;
	[sflag:s4] =	ssyncset.s32 $0xFFFFF086  }
0x25: {  	[simem:s6], [sflag:s4] =	dma.local [hbm:s3], $0xF7A  }
0x26: {  	[smem:$0x3F7F] =	sst s1;
	(tag) =	ssettag s2;
	_ =	strace s9  }
0x27: {  	s1 =	sld [smem:$0x3F8F]  }
0x28: {  	s2 =	sld [smem:$0x3F90]  }
0x29: {  	s4 =	sld [smem:$0x3F92]  }
0x2a: {  	p0 =	seq.s32 s5, $0x0;
	s5 =	sld [smem:$0x3F93]  }
0x2b: {  	s6 =	sld [smem:$0x3F94]  }
0x2c: {  	s7 =	sld [smem:$0x3F95]  }
0x2d: {  	s3 =	simm.s32 $0x108;
	s8 =	sld [smem:$0x3F96]  }
0x2e: {  	s3 =	simm.s32 @!p0 $0x1082;
	s9 =	sld [smem:$0x3F97]  }
0x2f: {  	lr =	sadd.s32 s0, s3;
	s0 =	sld [smem:$0x3F8E]  }
0x30: {  	s3 =	sld [smem:$0x3F91]  }
0x31: {  	[smem:$0x3F9A] =	sst s10  }
0x32: {  	s10 =	sld [smem:$0x3F98];
	_ =	sdelay $0x3  }
0x33: {  	p0 =	seq.s32 s10, $0x1;
	s10 =	sld [smem:$0x3F9A];
	_ =	sdelay $0x3  }
0x34: {  	[smem:$0x3F9A] =	sst s10  }
0x35: {  	s10 =	sld [smem:$0x3F99];
	_ =	sdelay $0x3  }
0x36: {  	p1 =	seq.s32 s10, $0x1;
	s10 =	sld [smem:$0x3F9A];
	_ =	sdelay $0x3  }
0x37: {  	[smem:$0x3F9A] =	sst s10  }
0x38: {  	s10 =	sld [smem:$0x3F9B]  }
0x39: {  	_ = 	snop;
	(pc) =	sbr.ind lr, $3  }
0x3a: {  	_ = 	snop  }
0x3b: {  	_ = 	snop  }
0x3c: {  	p2 =	seq.s32 s10, $0x1;
	s10 =	sld [smem:$0x3F9A]  }
0x3d: {  	_ =	shalt  }
0x3e: {  	_ =	shalt  }
0x3f: {  	_ =	shalt  }
0x40: {  	_ =	shalt  }
0x41: {  	_ =	shalt  }
0x42: {  	_ =	shalt  }
0x43: {  	_ =	shalt  }
0x44: {  	_ =	shalt  }
0x45: {  	_ =	shalt  }
0x46: {  	_ =	shalt  }
0x47: {  	_ =	shalt  }
0x48: {  	_ =	shalt  }
0x49: {  	_ =	shalt  }
0x4a: {  	_ =	shalt  }
0x4b: {  	_ =	shalt  }
0x4c: {  	_ =	shalt  }
0x4d: {  	_ =	shalt  }
0x4e: {  	_ =	shalt  }
0x4f: {  	_ =	shalt  }
0x50: {  	_ =	shalt  }
0x51: {  	_ =	shalt  }
0x52: {  	_ =	shalt  }
0x53: {  	_ =	shalt  }
0x54: {  	_ =	shalt  }
0x55: {  	_ =	shalt  }
0x56: {  	_ =	shalt  }
0x57: {  	_ =	shalt  }
0x58: {  	_ =	shalt  }
0x59: {  	_ =	shalt  }
0x5a: {  	_ =	shalt  }
0x5b: {  	_ =	shalt  }
0x5c: {  	_ =	shalt  }
0x5d: {  	_ =	shalt  }
0x5e: {  	_ =	shalt  }
0x5f: {  	_ =	shalt  }
0x60: {  	_ =	shalt  }
0x61: {  	_ =	shalt  }
0x62: {  	_ =	shalt  }
0x63: {  	_ =	shalt  }
0x64: {  	_ =	shalt  }
0x65: {  	_ =	shalt  }
0x66: {  	_ =	shalt  }
0x67: {  	_ =	shalt  }
0x68: {  	_ =	shalt  }
0x69: {  	_ =	shalt  }
0x6a: {  	_ =	shalt  }
0x6b: {  	_ =	shalt  }
0x6c: {  	_ =	shalt  }
0x6d: {  	_ =	shalt  }
0x6e: {  	_ =	shalt  }
0x6f: {  	_ =	shalt  }
0x70: {  	_ =	shalt  }
0x71: {  	_ =	shalt  }
0x72: {  	_ =	shalt  }
0x73: {  	_ =	shalt  }
0x74: {  	_ =	shalt  }
0x75: {  	_ =	shalt  }
0x76: {  	_ =	shalt  }
0x77: {  	_ =	shalt  }
0x78: {  	_ =	shalt  }
0x79: {  	_ =	shalt  }
0x7a: {  	_ =	shalt  }
0x7b: {  	_ =	shalt  }
0x7c: {  	_ =	shalt  }
0x7d: {  	_ =	shalt  }
0x7e: {  	_ =	shalt  }
0x7f: {  	_ =	shalt  }
0x80: {  	_ =	shalt  }
0x81: {  	_ =	shalt  }
0x82: {  	_ =	shalt  }
0x83: {  	_ =	shalt  }
0x84: {  	_ =	shalt  }
0x85: {  	_ =	shalt  }
0x86: {  	_ =	shalt  }
0x87: {  	_ =	shalt  }
.Lfunc_end0:
.L_simem_size_0:
called_computation.3_lowered:
.L_overlay_start_0:
0x88: {  	s2 =	sld [smem:$0x3FD9]  }
0x89: {  	s3 =	sld [smem:$0x3FFE];
	_ =	sdelay $0x1  }
0x8a: {  	s1 =	srdreg.scid  }
0x8b: {  	s0 =	sand.u32 $0x1, s1  }
0x8c: {  	s17 =	sshll.u32 s0, $0xA;
	s2 =	sadd.s32 s3, s2  }
0x8d: {  	s2 =	sadd.s32 s2, s17  }
0x8e: {  	[smem:$0x3FA6] =	sst s2  }
0x8f: {  	_ = 	snop  }
0x90: {  	s18 =	sld [smem:$0x3FC5];
	(tm) =	ssettm $0x1  }
0x91: {  	s19 =	sld [smem:$0x3FFB];
	_ =	sdelay $0x3  }
0x92: {  	_ =	strace s19  }
0x93: {  	s2 =	sld [smem:$0x3FFC];
	_ =	sdelay $0x3  }
0x94: {  	_ =	strace s2  }
0x95: {  	s2 =	sld [smem:$0x3FFD];
	_ =	sdelay $0x3  }
0x96: {  	_ =	strace s2  }
0x97: {  	_ =	strace $0x8FFFFFFF  }
0x98: {  	s20 =	sld [smem:$0x3FDB];
	_ =	sdelay $0x1  }
0x99: {  	s4 =	simm.s32 $_scs_section_size  }
0x9a: {  	s5 =	simm.s32 $_size__tile_overlayer_lowered;
	s6 =	simm.s32 $_tile_overlayer_lowered  }
0x9b: {  	s7 =	simm.s32 $0x1BFF;
	s21 =	sshll.u32 s6, $0x1;
	s4 =	sadd.s32 s4, s20  }
0x9c: {  	s22 =	simm.s32 $0x0;
	s5 =	sshll.u32 s5, $0x1;
	s6 =	sadd.s32 s21, s4  }
0x9d: {  	[timem:s22], [sflag:s7] =	dma.local [hbm:s6], s5  }
0x9e: {  	_ =	swait.ge [sflag:s7], s5  }
0x9f: {  	s5 =	ssub.s32 $0x0, s5;
	[sflag:s7] =	ssyncset.done $0x0  }
0xa0: {  	[sflag:s7] =	ssyncadd.s32 s5;
	_ =	sdelay $0x1  }
0xa1: {  	s23 =	simm.s32 $0x1B8B  }
0xa2: {  	_ =	swait.ge [sflag:s23], $0x1  }
0xa3: {  	[sflag:s23] =	ssyncset.done $0x0  }
0xa4: {  	[sflag:s23] =	ssyncadd.s32 $0xFFFFFFFF  }
0xa5: {  	s5 =	sld [smem:$0x0]  }
0xa6: {  	s6 =	sand.u32 $0xFFFFFFFE, s1  }
0xa7: {  	p0 =	sne.s32 s1, s6  }
0xa8: {  	s6 =	sshll.u32 @p0 s6, $0xE  }
0xa9: {  	s6 =	sadd.s32 @p0 $0x11B8D, s6;
	s7 =	sshll.u32 @p0 s5, $0x11  }
0xaa: {  	s6 =	sor.u32 @p0 s7, s6  }
0xab: {  	[sflag:s6] =	ssyncadd.remote.s32 @p0 $0x1;
	_ =	sdelay $0x1  }
0xac: {  	s6 =	simm.s32 @p0 $0x1B8D  }
0xad: {  	_ =	swait.eq @p0 [sflag:s6], $0x1  }
0xae: {  	[sflag:s6] =	ssyncadd.s32 @p0 $0xFFFFFFFF  }
0xaf: {  	s7 =	sshll.u32 @!p0 s1, $0xE  }
0xb0: {  	s7 =	sor.u32 @!p0 $0x4000, s7;
	s6 =	simm.s32 @!p0 $0x1B8D  }
0xb1: {  	s5 =	sshll.u32 @!p0 s5, $0x11;
	s7 =	sadd.s32 @!p0 $0x11B8D, s7;
	_ =	swait.eq @!p0 [sflag:s6], $0x1  }
0xb2: {  	s5 =	sor.u32 @!p0 s5, s7;
	[sflag:s6] =	ssyncadd.s32 @!p0 $0xFFFFFFFF  }
0xb3: {  	s25 =	simm.s32 $0x1B8E;
	s24 =	sld [smem:$0x3FFE];
	[sflag:s5] =	ssyncadd.remote.s32 @!p0 $0x1  }
0xb4: {  	s26 =	simm.s32 $execute0_lowered;
	[smem:$0x3FD2] =	sst s25  }
0xb5: {  	s6 =	sshll.u32 s26, $0x1;
	_ =	strace $0x8000004C;
	[dreg:$0x1] =	wrdreg $0xFFFFFFFF  }
0xb6: {  	s28 =	simm.s32 $_size_execute0_lowered;
	s4 =	sadd.s32 s4, s6;
	[dreg:$0x0] =	wrdreg $0x0  }
0xb7: {  	s6 =	sshll.u32 s28, $0x1;
	[dreg:$0x2] =	wrdreg s4  }
0xb8: {  	[dreg:$0x3] =	wrdreg s6  }
0xb9: {  	[dreg:$0x4] =	wrdreg $0xC0  }
0xba: {  	_ =	task [dreg:s22], $0x5FFFF  }
0xbb: {  	[dreg:$0x1] =	wrdreg $0xFFFFFFFF  }
0xbc: {  	[dreg:$0x0] =	wrdreg $0x60  }
0xbd: {  	[dreg:$0x2] =	wrdreg s18  }
0xbe: {  	[dreg:$0x3] =	wrdreg s24  }
0xbf: {  	[dreg:$0x4] =	wrdreg $0xC  }
0xc0: {  	_ =	task.clear_ibuf [dreg:s22], $0x5FFFF;
	_ =	strace $0x9000004C  }
0xc1: {  	s29 =	simm.s32 $0xC;
	_ =	strace $0x8000004E  }
0xc2: {  	_ =	swait.ge [sflag:s29], $0x1  }
0xc3: {  	[sflag:s29] =	ssyncadd.s32 $0xFFFFFFFF  }
0xc4: {  	_ =	strace $0x9000004E  }
0xc5: {  	_ =	sfence  }
0xc6: {  	s30 =	sld [smem:$0x0];
	_ =	sdelay $0x2  }
0xc7: {  	s31 =	sshll.u32 s1, $0xD;
	s1 =	sshrl.u32 s1, $0x2  }
0xc8: {  	s4 =	sand.u32 $0x4000, s31;
	s1 =	sadd.s32 s1, s30  }
0xc9: {  	s0 =	sor.u32 s4, s0;
	s1 =	sshll.u32 s1, $0x11  }
0xca: {  	s0 =	sor.u32 s1, s0  }
0xcb: {  	s0 =	sadd.s32 $0x8F2B, s0  }
0xcc: {  	[sflag:s0] =	ssyncadd.remote.s32 $0x1  }
0xcd: {  	_ =	sfence.sel $0xFFFF  }
0xce: {  	[dreg:$0x0] =	wrdreg $0xFFFFFFFF;
	(pc) =	sbr.abs _section_cstart, $3  }
0xcf: {  	[dreg:$0x1] =	wrdreg $0xFFFFFFFF  }
0xd0: {  	_ =	task.clear_ibuf [dreg:s22], $0x2FFFF;
	_ =	strace $0x9FFFFFFF  }
0xd1: {  	(tm) =	ssettm $0x7FFFFFFF  }
tec
execute0_lowered:
.L_overlay_start_1:
0x0: {  	(tag) =	ssettag $0x1  }
0x1: {  	s1 =	srdreg.scid;
	s0 =	stileid.u32  }
0x2: {  	s31 =	sand.u32 $0x1, s1;
	s26 =	sshll.u32 s0, $0x1  }
0x3: {  	s2 =	rddreg [dreg:$0x0];
	s13 =	sor.u32 s31, s26  }
0x4: {  	s18 =	rddreg [dreg:$0x1];
	s3 =	simm.s32 $0x0;
	s4 =	sshll.u32 s13, $0x7  }
0x5: {  	[smem:$0x7FF] =	sst s3;
	s4 =	sadd.s32 s4, s18  }
0x6: {  	s5 =	simm.s32 $0x8;
	_ =	strace $0x8000004D;
	s4 =	sadd.s32 $0xCA200, s4  }
0x7: {  	[tilespmem:s3], [sflag:$0x8] =	stream.linear.gather [hbm4b:s4+s3], $0x300, $0x38;
	[tilespmem:$0x18400] =	vst v63  }
0x8: {  	_ =	swait.ge [sflag:s5], $0x300  }
0x9: {  	[sflag:s5] =	ssyncset.done $0x0  }
0xa: {  	s6 =	simm.s32 $0x80;
	s7 =	simm.s32 $0x400;
	[sflag:s5] =	ssyncadd.s32 $0xFFFFFD00  }
0xb: {  	[tilespmem:s7], [sflag:$0x1] =	stream.indirect.gather [hbm4b:s2+s6], $0x80, s3, s6, $0xb8;
	[tilespmem:$0x18400] =	vst v63  }
0xc: {  	s8 =	simm.s32 $0x4400  }
0xd: {  	[tilespmem:s8], [sflag:$0x2] =	stream.indirect.gather [hbm4b:s2+s6], $0x80, s6, s6, $0xb8;
	[tilespmem:$0x18400] =	vst v63  }
0xe: {  	s9 =	simm.s32 $0x100;
	s10 =	simm.s32 $0x8400  }
0xf: {  	[tilespmem:s10], [sflag:$0x3] =	stream.indirect.gather [hbm4b:s2+s6], $0x80, s9, s6, $0xb8;
	[tilespmem:$0x18400] =	vst v63  }
0x10: {  	s11 =	simm.s32 $0x180;
	s12 =	simm.s32 $0xC400  }
0x11: {  	[tilespmem:s12], [sflag:$0x4] =	stream.indirect.gather [hbm4b:s2+s6], $0x80, s11, s6, $0xb8;
	[tilespmem:$0x18400] =	vst v63  }
0x12: {  	s14 =	simm.s32 $0x10400;
	s19 =	smul.u32 $0x18000, s13;
	s13 =	simm.s32 $0x200  }
0x13: {  	[tilespmem:s14], [sflag:$0x5] =	stream.indirect.gather [hbm4b:s2+s6], $0x80, s13, s6, $0xb8;
	[tilespmem:$0x18400] =	vst v63  }
0x14: {  	s15 =	simm.s32 $0x280;
	s16 =	simm.s32 $0x14400;
	s17 =	simm.s32 $0x1  }
0x15: {  	[tilespmem:s16], [sflag:$0x6] =	stream.indirect.gather [hbm4b:s2+s6], $0x80, s15, s6, $0xb8;
	[tilespmem:$0x18400] =	vst v63  }
0x16: {  	s19 =	sshrl.u32 s19, $0x3;
	_ =	swait.ge [sflag:s17], $0x4000  }
0x17: {  	s29 =	sadd.s32 s19, s18;
	[sflag:s17] =	ssyncset.done $0x0  }
0x18: {  	s19 =	simm.s32 $0x2;
	s18 =	sadd.s32 $0xCB200, s29;
	[sflag:s17] =	ssyncadd.s32 $0xFFFFC000  }
0x19: {  	[hbm4b:s18+s3] =	stream.linear.scatter [tilespmem:s7], [sflag:$0x7], $0x4000, $0x38;
	[tilespmem:$0x18400] =	vst v63  }
0x1a: {  	_ =	swait.ge [sflag:s19], $0x4000  }
0x1b: {  	[sflag:s19] =	ssyncset.done $0x0  }
0x1c: {  	s21 =	simm.s32 $0x3;
	s20 =	sadd.s32 $0xCBA00, s29;
	[sflag:s19] =	ssyncadd.s32 $0xFFFFC000  }
0x1d: {  	[hbm4b:s20+s3] =	stream.linear.scatter [tilespmem:s8], [sflag:$0x7], $0x4000, $0x38;
	[tilespmem:$0x18400] =	vst v63  }
0x1e: {  	_ =	swait.ge [sflag:s21], $0x4000  }
0x1f: {  	[sflag:s21] =	ssyncset.done $0x0  }
0x20: {  	s23 =	simm.s32 $0x4;
	s22 =	sadd.s32 $0xCC200, s29;
	[sflag:s21] =	ssyncadd.s32 $0xFFFFC000  }
0x21: {  	[hbm4b:s22+s3] =	stream.linear.scatter [tilespmem:s10], [sflag:$0x7], $0x4000, $0x38;
	[tilespmem:$0x18400] =	vst v63  }
0x22: {  	_ =	swait.ge [sflag:s23], $0x4000  }
0x23: {  	[sflag:s23] =	ssyncset.done $0x0  }
0x24: {  	s25 =	simm.s32 $0x5;
	s24 =	sadd.s32 $0xCCA00, s29;
	[sflag:s23] =	ssyncadd.s32 $0xFFFFC000  }
0x25: {  	[hbm4b:s24+s3] =	stream.linear.scatter [tilespmem:s12], [sflag:$0x7], $0x4000, $0x38;
	[tilespmem:$0x18400] =	vst v63  }
0x26: {  	_ =	swait.ge [sflag:s25], $0x4000  }
0x27: {  	[sflag:s25] =	ssyncset.done $0x0  }
0x28: {  	s28 =	simm.s32 $0x6;
	s26 =	sadd.s32 $0xCD200, s29;
	[sflag:s25] =	ssyncadd.s32 $0xFFFFC000  }
0x29: {  	[hbm4b:s26+s3] =	stream.linear.scatter [tilespmem:s14], [sflag:$0x7], $0x4000, $0x38;
	[tilespmem:$0x18400] =	vst v63  }
0x2a: {  	_ =	swait.ge [sflag:s28], $0x4000  }
0x2b: {  	[sflag:s28] =	ssyncset.done $0x0  }
0x2c: {  	s30 =	simm.s32 $0x7;
	s29 =	sadd.s32 $0xCDA00, s29;
	[sflag:s28] =	ssyncadd.s32 $0xFFFFC000  }
0x2d: {  	[hbm4b:s29+s3] =	stream.linear.scatter [tilespmem:s16], [sflag:$0x7], $0x4000, $0x38;
	[tilespmem:$0x18400] =	vst v63  }
0x2e: {  	_ =	swait.ge [sflag:s30], $0x4000  }
0x2f: {  	[sflag:s30] =	ssyncset.done $0x0  }
0x30: {  	[sflag:s30] =	ssyncadd.s32 $0xFFFFC000  }
0x31: {  	_ =	swait.ge [sflag:s30], $0x4000  }
0x32: {  	[sflag:s30] =	ssyncset.done $0x0  }
0x33: {  	[sflag:s30] =	ssyncadd.s32 $0xFFFFC000  }
0x34: {  	_ =	swait.ge [sflag:s30], $0x4000  }
0x35: {  	s31 =	ssub.s32 $0x2, s31;
	[sflag:s30] =	ssyncset.done $0x0  }
0x36: {  	s1 =	sshrl.u32 s31, $0x1;
	[sflag:s30] =	ssyncadd.s32 $0xFFFFC000  }
0x37: {  	s1 =	ssub.s32 s31, s1;
	_ =	swait.ge [sflag:s30], $0x4000  }
0x38: {  	s1 =	smax.u32 s1, $0x1;
	[sflag:s30] =	ssyncset.done $0x0  }
0x39: {  	p0 =	sne.s32 s1, $0x1;
	[sflag:s30] =	ssyncadd.s32 $0xFFFFC000  }
.Ltmp0:
0x3a: {  	_ =	swait.ge [sflag:s30], $0x4000;
	(pc) =	sbr.rel @!p0 .LBB2_2-.Ltmp0, $4  }
0x3b: {  	[sflag:s30] =	ssyncset.done $0x0  }
0x3c: {  	[sflag:s30] =	ssyncadd.s32 $0xFFFFC000  }
0x3d: {  	_ =	swait.ge [sflag:s30], $0x4000  }
0x3e: {  	s31 =	sadd.s32 $0xFFFFFFFF, s1;
	[sflag:s30] =	ssyncset.done $0x0  }
.LBB2_1:
0x3f: {  	p0 =	sne.s32 s31, $0x1;
	s31 =	sadd.s32 $0xFFFFFFFF, s31;
	[sflag:s30] =	ssyncadd.s32 $0xFFFFC000  }
0x40: {  	[tilespmem:s3], [sflag:$0x8] =	stream.linear.gather [hbm4b:s4+s3], $0x300, $0x38;
	[tilespmem:$0x18400] =	vst v63  }
0x41: {  	_ =	swait.ge [sflag:s5], $0x300  }
0x42: {  	[sflag:s5] =	ssyncset.done $0x0  }
0x43: {  	[sflag:s5] =	ssyncadd.s32 $0xFFFFFD00  }
0x44: {  	[tilespmem:s7], [sflag:$0x1] =	stream.indirect.gather [hbm4b:s2+s6], $0x80, s3, s6, $0xb8;
	[tilespmem:$0x18400] =	vst v63  }
0x45: {  	_ = 	snop  }
0x46: {  	[tilespmem:s8], [sflag:$0x2] =	stream.indirect.gather [hbm4b:s2+s6], $0x80, s6, s6, $0xb8;
	[tilespmem:$0x18400] =	vst v63  }
0x47: {  	_ = 	snop  }
0x48: {  	[tilespmem:s10], [sflag:$0x3] =	stream.indirect.gather [hbm4b:s2+s6], $0x80, s9, s6, $0xb8;
	[tilespmem:$0x18400] =	vst v63  }
0x49: {  	_ = 	snop  }
0x4a: {  	[tilespmem:s12], [sflag:$0x4] =	stream.indirect.gather [hbm4b:s2+s6], $0x80, s11, s6, $0xb8;
	[tilespmem:$0x18400] =	vst v63  }
0x4b: {  	_ = 	snop  }
0x4c: {  	[tilespmem:s14], [sflag:$0x5] =	stream.indirect.gather [hbm4b:s2+s6], $0x80, s13, s6, $0xb8;
	[tilespmem:$0x18400] =	vst v63  }
0x4d: {  	_ = 	snop  }
0x4e: {  	[tilespmem:s16], [sflag:$0x6] =	stream.indirect.gather [hbm4b:s2+s6], $0x80, s15, s6, $0xb8;
	[tilespmem:$0x18400] =	vst v63  }
0x4f: {  	_ =	swait.ge [sflag:s17], $0x4000  }
0x50: {  	[sflag:s17] =	ssyncset.done $0x0  }
0x51: {  	[sflag:s17] =	ssyncadd.s32 $0xFFFFC000  }
0x52: {  	[hbm4b:s18+s3] =	stream.linear.scatter [tilespmem:s7], [sflag:$0x7], $0x4000, $0x38;
	[tilespmem:$0x18400] =	vst v63  }
0x53: {  	_ =	swait.ge [sflag:s19], $0x4000  }
0x54: {  	[sflag:s19] =	ssyncset.done $0x0  }
0x55: {  	[sflag:s19] =	ssyncadd.s32 $0xFFFFC000  }
0x56: {  	[hbm4b:s20+s3] =	stream.linear.scatter [tilespmem:s8], [sflag:$0x7], $0x4000, $0x38;
	[tilespmem:$0x18400] =	vst v63  }
0x57: {  	_ =	swait.ge [sflag:s21], $0x4000  }
0x58: {  	[sflag:s21] =	ssyncset.done $0x0  }
0x59: {  	[sflag:s21] =	ssyncadd.s32 $0xFFFFC000  }
0x5a: {  	[hbm4b:s22+s3] =	stream.linear.scatter [tilespmem:s10], [sflag:$0x7], $0x4000, $0x38;
	[tilespmem:$0x18400] =	vst v63  }
0x5b: {  	_ =	swait.ge [sflag:s23], $0x4000  }
0x5c: {  	[sflag:s23] =	ssyncset.done $0x0  }
0x5d: {  	[sflag:s23] =	ssyncadd.s32 $0xFFFFC000  }
0x5e: {  	[hbm4b:s24+s3] =	stream.linear.scatter [tilespmem:s12], [sflag:$0x7], $0x4000, $0x38;
	[tilespmem:$0x18400] =	vst v63  }
0x5f: {  	_ =	swait.ge [sflag:s25], $0x4000  }
0x60: {  	[sflag:s25] =	ssyncset.done $0x0  }
0x61: {  	[sflag:s25] =	ssyncadd.s32 $0xFFFFC000  }
0x62: {  	[hbm4b:s26+s3] =	stream.linear.scatter [tilespmem:s14], [sflag:$0x7], $0x4000, $0x38;
	[tilespmem:$0x18400] =	vst v63  }
0x63: {  	_ =	swait.ge [sflag:s28], $0x4000  }
0x64: {  	[sflag:s28] =	ssyncset.done $0x0  }
0x65: {  	[sflag:s28] =	ssyncadd.s32 $0xFFFFC000  }
0x66: {  	[hbm4b:s29+s3] =	stream.linear.scatter [tilespmem:s16], [sflag:$0x7], $0x4000, $0x38;
	[tilespmem:$0x18400] =	vst v63  }
0x67: {  	_ =	swait.ge [sflag:s30], $0x4000  }
0x68: {  	[sflag:s30] =	ssyncset.done $0x0  }
0x69: {  	[sflag:s30] =	ssyncadd.s32 $0xFFFFC000  }
0x6a: {  	_ =	swait.ge [sflag:s30], $0x4000  }
0x6b: {  	[sflag:s30] =	ssyncset.done $0x0  }
0x6c: {  	[sflag:s30] =	ssyncadd.s32 $0xFFFFC000  }
0x6d: {  	_ =	swait.ge [sflag:s30], $0x4000  }
0x6e: {  	[sflag:s30] =	ssyncset.done $0x0  }
0x6f: {  	[sflag:s30] =	ssyncadd.s32 $0xFFFFC000  }
0x70: {  	_ =	swait.ge [sflag:s30], $0x4000  }
0x71: {  	[sflag:s30] =	ssyncset.done $0x0  }
0x72: {  	[sflag:s30] =	ssyncadd.s32 $0xFFFFC000  }
.Ltmp1:
0x73: {  	_ =	swait.ge [sflag:s30], $0x4000;
	(pc) =	sbr.rel @p0 .LBB2_1-.Ltmp1, $4  }
0x74: {  	[sflag:s30] =	ssyncset.done $0x0  }
0x75: {  	[sflag:s30] =	ssyncadd.s32 $0xFFFFC000  }
0x76: {  	_ =	swait.ge [sflag:s30], $0x4000  }
0x77: {  	[sflag:s30] =	ssyncset.done $0x0  }
.LBB2_2:
0x78: {  	[sflag:s30] =	ssyncadd.s32 $0xFFFFC000  }
0x79: {  	_ =	sfence.sel $0x180000  }
0x7a: {  	[bflag:$0x0] =	sbarrier.arrive $0xFFFF  }
0x7b: {  	_ =	strace $0x9000004D  }
0x7c: {  	[bflag:$0x2] =	sbarrier.arrive $0xFFFF  }
0x7d: {  	p0 =	sne.s32 s0, $0x0;
	s0 =	rddreg [dreg:$0x2]  }
0x7e: {  	s0 =	sadd.s32 @!p0 $0x100000, s0  }
0x7f: {  	[sflag:s0] =	ssyncadd.tile.s32 @!p0 $0x1;
	_ =	shalt  }
.Lfunc_end2:
_tile_overlayer_lowered:
.L_overlay_start_2:
0x80: {  	(tag) =	ssettag $0x2  }
0x81: {  	s0 =	rddreg [dreg:$0x0];
	s2 =	stileid.u32  }
0x82: {  	s1 =	rddreg [dreg:$0x1];
	p0 =	sne.s32 s2, $0x0  }
0x83: {  	s3 =	rddreg [dreg:$0x2];
	[bflag:$0x3] =	sbarrier.arrive $0xFFFF;
	s2 =	simm.s32 @!p0 $0x1C08  }
0x84: {  	[timem:s3], [sflag:s2] =	dma.local @!p0 [hbm:s0], s1  }
0x85: {  	s0 =	simm.s32 @!p0 $0x8  }
0x86: {  	_ =	swait.ge @!p0 [sflag:s0], s1  }
0x87: {  	s1 =	ssub.s32 @!p0 $0x0, s1;
	[sflag:s0] =	ssyncset.done @!p0 $0x0  }
0x88: {  	[sflag:s0] =	ssyncadd.s32 @!p0 s1  }
0x89: {  	[bflag:$0x3] =	sbarrier.arrive $0xFFFF  }
0x8a: {  	_ =	shalt  }

// kernel: kernel.27.cloned.1.call-start
scs
__scs_entry_jumppad:
0x0: {  	(pc) =	sbr.rel $0x88, $3  }
0x1: {  	(tag) =	ssettag $0x0;
	lr =	simm.s32 $0x1  }
0x2: {  	[smem:$0x3F7F] =	sst lr;
	_ =	strace $0xD0000000  }
0x3: {  	_ = 	snop  }
0x4: {  	_ = 	snop  }
0x5: {  	_ = 	snop  }
0x6: {  	_ = 	snop  }
0x7: {  	_ = 	snop  }
__scs_overlays_trampoline_lowered:
0x8: {  	[smem:$0x3F8E] =	sst s0  }
0x9: {  	[smem:$0x3F8F] =	sst s1  }
0xa: {  	[smem:$0x3F90] =	sst s2  }
0xb: {  	[smem:$0x3F91] =	sst s3  }
0xc: {  	[smem:$0x3F92] =	sst s4  }
0xd: {  	[smem:$0x3F93] =	sst s5  }
0xe: {  	[smem:$0x3F94] =	sst s6  }
0xf: {  	[smem:$0x3F95] =	sst s7  }
0x10: {  	[smem:$0x3F96] =	sst s8  }
0x11: {  	[smem:$0x3F97] =	sst s9;
	s0 =	simm.s32 @!p0 $0x0  }
0x12: {  	s1 =	sld [smem:$0x3F7D];
	s0 =	simm.s32 @p0 $0x1  }
0x13: {  	[smem:$0x3F98] =	sst s0;
	s0 =	simm.s32 @!p1 $0x0  }
0x14: {  	s2 =	sld [smem:$0x3F7C];
	s0 =	simm.s32 @p1 $0x1  }
0x15: {  	[smem:$0x3F99] =	sst s0;
	s0 =	simm.s32 @!p2 $0x0  }
0x16: {  	s3 =	sld [smem:$0x3FDB];
	s0 =	simm.s32 @p2 $0x1  }
0x17: {  	s4 =	simm.s32 $0x1BF5;
	[smem:$0x3F9B] =	sst s0  }
0x18: {  	s0 =	sld [smem:$0x3F7E];
	_ =	swait.ge [sflag:s4], $0x0  }
0x19: {  	s7 =	sld [smem:$0x3F7F]  }
0x1a: {  	s8 =	sadd.s32 $0xFFFFE003, lr  }
0x1b: {  	s9 =	sadd.s32 $0xFFFFFEF7, lr;
	s5 =	simm.s32 $0xFFFFFFFF;
	p2 =	slt.u32 s8, $0xFFFFF086  }
0x1c: {  	p1 =	slt.u32 s9, $0xF7A;
	s5 =	simm.s32 @!p2 $0x0  }
0x1d: {  	s5 =	simm.s32 @p1 $0x1;
	p0 =	seq.s32 s7, s2  }
0x1e: {  	s7 =	smul.u32 @!p0 $0xF7A, s2;
	p2 =	seq.s32 @!p0 s5, $0x0  }
0x1f: {  	s9 =	smul.u32 $0xF7A, s1;
	s8 =	simm.s32 @!p0 $0x1BF5;
	p2 =	por !p2, p0  }
0x20: {  	[sflag:s8] =	ssyncset.s32 @!p0 $0xFFFFF086;
	s6 =	sadd.s32 @!p0 s3, s7;
	s7 =	simm.s32 @!p0 $0x108  }
0x21: {  	s3 =	sadd.s32 s3, s9;
	s6 =	sadd.s32 @!p0 $0x88, s6;
	s7 =	simm.s32 @p2 $0x1082  }
0x22: {  	[simem:s7], [sflag:s8] =	dma.local @!p0 [hbm:s6], $0xF7A  }
0x23: {  	s9 =	sor.u32 $0xD0000000, s2;
	s6 =	simm.s32 $0x108;
	_ =	swait.ge @!p0 [sflag:s8], $0x0  }
0x24: {  	s3 =	sadd.s32 $0x88, s3;
	s6 =	simm.s32 @!p1 $0x1082;
	[sflag:s4] =	ssyncset.s32 $0xFFFFF086  }
0x25: {  	[simem:s6], [sflag:s4] =	dma.local [hbm:s3], $0xF7A  }
0x26: {  	[smem:$0x3F7F] =	sst s1;
	(tag) =	ssettag s2;
	_ =	strace s9  }
0x27: {  	s1 =	sld [smem:$0x3F8F]  }
0x28: {  	s2 =	sld [smem:$0x3F90]  }
0x29: {  	s4 =	sld [smem:$0x3F92]  }
0x2a: {  	p0 =	seq.s32 s5, $0x0;
	s5 =	sld [smem:$0x3F93]  }
0x2b: {  	s6 =	sld [smem:$0x3F94]  }
0x2c: {  	s7 =	sld [smem:$0x3F95]  }
0x2d: {  	s3 =	simm.s32 $0x108;
	s8 =	sld [smem:$0x3F96]  }
0x2e: {  	s3 =	simm.s32 @!p0 $0x1082;
	s9 =	sld [smem:$0x3F97]  }
0x2f: {  	lr =	sadd.s32 s0, s3;
	s0 =	sld [smem:$0x3F8E]  }
0x30: {  	s3 =	sld [smem:$0x3F91]  }
0x31: {  	[smem:$0x3F9A] =	sst s10  }
0x32: {  	s10 =	sld [smem:$0x3F98];
	_ =	sdelay $0x3  }
0x33: {  	p0 =	seq.s32 s10, $0x1;
	s10 =	sld [smem:$0x3F9A];
	_ =	sdelay $0x3  }
0x34: {  	[smem:$0x3F9A] =	sst s10  }
0x35: {  	s10 =	sld [smem:$0x3F99];
	_ =	sdelay $0x3  }
0x36: {  	p1 =	seq.s32 s10, $0x1;
	s10 =	sld [smem:$0x3F9A];
	_ =	sdelay $0x3  }
0x37: {  	[smem:$0x3F9A] =	sst s10  }
0x38: {  	s10 =	sld [smem:$0x3F9B]  }
0x39: {  	_ = 	snop;
	(pc) =	sbr.ind lr, $3  }
0x3a: {  	_ = 	snop  }
0x3b: {  	_ = 	snop  }
0x3c: {  	p2 =	seq.s32 s10, $0x1;
	s10 =	sld [smem:$0x3F9A]  }
0x3d: {  	_ =	shalt  }
0x3e: {  	_ =	shalt  }
0x3f: {  	_ =	shalt  }
0x40: {  	_ =	shalt  }
0x41: {  	_ =	shalt  }
0x42: {  	_ =	shalt  }
0x43: {  	_ =	shalt  }
0x44: {  	_ =	shalt  }
0x45: {  	_ =	shalt  }
0x46: {  	_ =	shalt  }
0x47: {  	_ =	shalt  }
0x48: {  	_ =	shalt  }
0x49: {  	_ =	shalt  }
0x4a: {  	_ =	shalt  }
0x4b: {  	_ =	shalt  }
0x4c: {  	_ =	shalt  }
0x4d: {  	_ =	shalt  }
0x4e: {  	_ =	shalt  }
0x4f: {  	_ =	shalt  }
0x50: {  	_ =	shalt  }
0x51: {  	_ =	shalt  }
0x52: {  	_ =	shalt  }
0x53: {  	_ =	shalt  }
0x54: {  	_ =	shalt  }
0x55: {  	_ =	shalt  }
0x56: {  	_ =	shalt  }
0x57: {  	_ =	shalt  }
0x58: {  	_ =	shalt  }
0x59: {  	_ =	shalt  }
0x5a: {  	_ =	shalt  }
0x5b: {  	_ =	shalt  }
0x5c: {  	_ =	shalt  }
0x5d: {  	_ =	shalt  }
0x5e: {  	_ =	shalt  }
0x5f: {  	_ =	shalt  }
0x60: {  	_ =	shalt  }
0x61: {  	_ =	shalt  }
0x62: {  	_ =	shalt  }
0x63: {  	_ =	shalt  }
0x64: {  	_ =	shalt  }
0x65: {  	_ =	shalt  }
0x66: {  	_ =	shalt  }
0x67: {  	_ =	shalt  }
0x68: {  	_ =	shalt  }
0x69: {  	_ =	shalt  }
0x6a: {  	_ =	shalt  }
0x6b: {  	_ =	shalt  }
0x6c: {  	_ =	shalt  }
0x6d: {  	_ =	shalt  }
0x6e: {  	_ =	shalt  }
0x6f: {  	_ =	shalt  }
0x70: {  	_ =	shalt  }
0x71: {  	_ =	shalt  }
0x72: {  	_ =	shalt  }
0x73: {  	_ =	shalt  }
0x74: {  	_ =	shalt  }
0x75: {  	_ =	shalt  }
0x76: {  	_ =	shalt  }
0x77: {  	_ =	shalt  }
0x78: {  	_ =	shalt  }
0x79: {  	_ =	shalt  }
0x7a: {  	_ =	shalt  }
0x7b: {  	_ =	shalt  }
0x7c: {  	_ =	shalt  }
0x7d: {  	_ =	shalt  }
0x7e: {  	_ =	shalt  }
0x7f: {  	_ =	shalt  }
0x80: {  	_ =	shalt  }
0x81: {  	_ =	shalt  }
0x82: {  	_ =	shalt  }
0x83: {  	_ =	shalt  }
0x84: {  	_ =	shalt  }
0x85: {  	_ =	shalt  }
0x86: {  	_ =	shalt  }
0x87: {  	_ =	shalt  }
.Lfunc_end0:
.L_simem_size_0:
called_computation.4_lowered:
.L_overlay_start_0:
0x88: {  	s2 =	sld [smem:$0x3FD9]  }
0x89: {  	s3 =	sld [smem:$0x3FFE];
	_ =	sdelay $0x1  }
0x8a: {  	s1 =	srdreg.scid  }
0x8b: {  	s0 =	sand.u32 $0x1, s1  }
0x8c: {  	s17 =	sshll.u32 s0, $0xA;
	s2 =	sadd.s32 s3, s2  }
0x8d: {  	s2 =	sadd.s32 s2, s17  }
0x8e: {  	[smem:$0x3FA6] =	sst s2  }
0x8f: {  	_ = 	snop  }
0x90: {  	s18 =	sld [smem:$0x3FC5];
	(tm) =	ssettm $0x1  }
0x91: {  	s19 =	sld [smem:$0x3FFB];
	_ =	sdelay $0x3  }
0x92: {  	_ =	strace s19  }
0x93: {  	s2 =	sld [smem:$0x3FFC];
	_ =	sdelay $0x3  }
0x94: {  	_ =	strace s2  }
0x95: {  	s2 =	sld [smem:$0x3FFD];
	_ =	sdelay $0x3  }
0x96: {  	_ =	strace s2  }
0x97: {  	_ =	strace $0x8FFFFFFF  }
0x98: {  	s20 =	sld [smem:$0x3FDB];
	_ =	sdelay $0x1  }
0x99: {  	s4 =	simm.s32 $_scs_section_size  }
0x9a: {  	s5 =	simm.s32 $_size__tile_overlayer_lowered;
	s6 =	simm.s32 $_tile_overlayer_lowered  }
0x9b: {  	s7 =	simm.s32 $0x1BFF;
	s21 =	sshll.u32 s6, $0x1;
	s4 =	sadd.s32 s4, s20  }
0x9c: {  	s22 =	simm.s32 $0x0;
	s5 =	sshll.u32 s5, $0x1;
	s6 =	sadd.s32 s21, s4  }
0x9d: {  	[timem:s22], [sflag:s7] =	dma.local [hbm:s6], s5  }
0x9e: {  	_ =	swait.ge [sflag:s7], s5  }
0x9f: {  	s5 =	ssub.s32 $0x0, s5;
	[sflag:s7] =	ssyncset.done $0x0  }
0xa0: {  	[sflag:s7] =	ssyncadd.s32 s5;
	_ =	sdelay $0x1  }
0xa1: {  	s23 =	simm.s32 $0x1B8B  }
0xa2: {  	_ =	swait.ge [sflag:s23], $0x1  }
0xa3: {  	[sflag:s23] =	ssyncset.done $0x0  }
0xa4: {  	[sflag:s23] =	ssyncadd.s32 $0xFFFFFFFF  }
0xa5: {  	s5 =	sld [smem:$0x0]  }
0xa6: {  	s6 =	sand.u32 $0xFFFFFFFE, s1  }
0xa7: {  	p0 =	sne.s32 s1, s6  }
0xa8: {  	s6 =	sshll.u32 @p0 s6, $0xE  }
0xa9: {  	s6 =	sadd.s32 @p0 $0x11B8D, s6;
	s7 =	sshll.u32 @p0 s5, $0x11  }
0xaa: {  	s6 =	sor.u32 @p0 s7, s6  }
0xab: {  	[sflag:s6] =	ssyncadd.remote.s32 @p0 $0x1;
	_ =	sdelay $0x1  }
0xac: {  	s6 =	simm.s32 @p0 $0x1B8D  }
0xad: {  	_ =	swait.eq @p0 [sflag:s6], $0x1  }
0xae: {  	[sflag:s6] =	ssyncadd.s32 @p0 $0xFFFFFFFF  }
0xaf: {  	s7 =	sshll.u32 @!p0 s1, $0xE  }
0xb0: {  	s7 =	sor.u32 @!p0 $0x4000, s7;
	s6 =	simm.s32 @!p0 $0x1B8D  }
0xb1: {  	s5 =	sshll.u32 @!p0 s5, $0x11;
	s7 =	sadd.s32 @!p0 $0x11B8D, s7;
	_ =	swait.eq @!p0 [sflag:s6], $0x1  }
0xb2: {  	s5 =	sor.u32 @!p0 s5, s7;
	[sflag:s6] =	ssyncadd.s32 @!p0 $0xFFFFFFFF  }
0xb3: {  	s25 =	simm.s32 $0x1B8E;
	s24 =	sld [smem:$0x3FFE];
	[sflag:s5] =	ssyncadd.remote.s32 @!p0 $0x1  }
0xb4: {  	s26 =	simm.s32 $execute0_lowered;
	[smem:$0x3FD2] =	sst s25  }
0xb5: {  	s6 =	sshll.u32 s26, $0x1;
	_ =	strace $0x8000004F;
	[dreg:$0x1] =	wrdreg $0xFFFFFFFF  }
0xb6: {  	s28 =	simm.s32 $_size_execute0_lowered;
	s4 =	sadd.s32 s4, s6;
	[dreg:$0x0] =	wrdreg $0x0  }
0xb7: {  	s6 =	sshll.u32 s28, $0x1;
	[dreg:$0x2] =	wrdreg s4  }
0xb8: {  	[dreg:$0x3] =	wrdreg s6  }
0xb9: {  	[dreg:$0x4] =	wrdreg $0xC0  }
0xba: {  	_ =	task [dreg:s22], $0x5FFFF  }
0xbb: {  	[dreg:$0x1] =	wrdreg $0xFFFFFFFF  }
0xbc: {  	[dreg:$0x0] =	wrdreg $0x60  }
0xbd: {  	[dreg:$0x2] =	wrdreg s18  }
0xbe: {  	[dreg:$0x3] =	wrdreg s24  }
0xbf: {  	[dreg:$0x4] =	wrdreg $0xD  }
0xc0: {  	_ =	task.clear_ibuf [dreg:s22], $0x5FFFF;
	_ =	strace $0x9000004F  }
0xc1: {  	s29 =	simm.s32 $0xD;
	_ =	strace $0x80000051  }
0xc2: {  	_ =	swait.ge [sflag:s29], $0x1  }
0xc3: {  	[sflag:s29] =	ssyncadd.s32 $0xFFFFFFFF  }
0xc4: {  	_ =	strace $0x90000051  }
0xc5: {  	_ =	sfence  }
0xc6: {  	s30 =	sld [smem:$0x0];
	_ =	sdelay $0x2  }
0xc7: {  	s31 =	sshll.u32 s1, $0xD;
	s1 =	sshrl.u32 s1, $0x2  }
0xc8: {  	s4 =	sand.u32 $0x4000, s31;
	s1 =	sadd.s32 s1, s30  }
0xc9: {  	s0 =	sor.u32 s4, s0;
	s1 =	sshll.u32 s1, $0x11  }
0xca: {  	s0 =	sor.u32 s1, s0  }
0xcb: {  	s0 =	sadd.s32 $0x8F2B, s0  }
0xcc: {  	[sflag:s0] =	ssyncadd.remote.s32 $0x1  }
0xcd: {  	_ =	sfence.sel $0xFFFF  }
0xce: {  	[dreg:$0x0] =	wrdreg $0xFFFFFFFF;
	(pc) =	sbr.abs _section_cstart, $3  }
0xcf: {  	[dreg:$0x1] =	wrdreg $0xFFFFFFFF  }
0xd0: {  	_ =	task.clear_ibuf [dreg:s22], $0x2FFFF;
	_ =	strace $0x9FFFFFFF  }
0xd1: {  	(tm) =	ssettm $0x7FFFFFFF  }
tec
execute0_lowered:
.L_overlay_start_1:
0x0: {  	(tag) =	ssettag $0x1  }
0x1: {  	s1 =	srdreg.scid;
	s0 =	stileid.u32  }
0x2: {  	s31 =	sand.u32 $0x1, s1;
	s26 =	sshll.u32 s0, $0x1  }
0x3: {  	s2 =	rddreg [dreg:$0x0];
	s13 =	sor.u32 s31, s26  }
0x4: {  	s18 =	rddreg [dreg:$0x1];
	s3 =	simm.s32 $0x0;
	s4 =	sshll.u32 s13, $0x7  }
0x5: {  	[smem:$0x7FF] =	sst s3;
	s4 =	sadd.s32 s4, s18  }
0x6: {  	s5 =	simm.s32 $0x8;
	_ =	strace $0x80000050;
	s4 =	sadd.s32 $0x12B200, s4  }
0x7: {  	[tilespmem:s3], [sflag:$0x8] =	stream.linear.gather [hbm4b:s4+s3], $0x300, $0x38;
	[tilespmem:$0x18400] =	vst v63  }
0x8: {  	_ =	swait.ge [sflag:s5], $0x300  }
0x9: {  	[sflag:s5] =	ssyncset.done $0x0  }
0xa: {  	s6 =	simm.s32 $0x80;
	s7 =	simm.s32 $0x400;
	[sflag:s5] =	ssyncadd.s32 $0xFFFFFD00  }
0xb: {  	[tilespmem:s7], [sflag:$0x1] =	stream.indirect.gather [hbm4b:s2+s6], $0x80, s3, s6, $0xb8;
	[tilespmem:$0x18400] =	vst v63  }
0xc: {  	s8 =	simm.s32 $0x4400  }
0xd: {  	[tilespmem:s8], [sflag:$0x2] =	stream.indirect.gather [hbm4b:s2+s6], $0x80, s6, s6, $0xb8;
	[tilespmem:$0x18400] =	vst v63  }
0xe: {  	s9 =	simm.s32 $0x100;
	s10 =	simm.s32 $0x8400  }
0xf: {  	[tilespmem:s10], [sflag:$0x3] =	stream.indirect.gather [hbm4b:s2+s6], $0x80, s9, s6, $0xb8;
	[tilespmem:$0x18400] =	vst v63  }
0x10: {  	s11 =	simm.s32 $0x180;
	s12 =	simm.s32 $0xC400  }
0x11: {  	[tilespmem:s12], [sflag:$0x4] =	stream.indirect.gather [hbm4b:s2+s6], $0x80, s11, s6, $0xb8;
	[tilespmem:$0x18400] =	vst v63  }
0x12: {  	s14 =	simm.s32 $0x10400;
	s19 =	smul.u32 $0x18000, s13;
	s13 =	simm.s32 $0x200  }
0x13: {  	[tilespmem:s14], [sflag:$0x5] =	stream.indirect.gather [hbm4b:s2+s6], $0x80, s13, s6, $0xb8;
	[tilespmem:$0x18400] =	vst v63  }
0x14: {  	s15 =	simm.s32 $0x280;
	s16 =	simm.s32 $0x14400;
	s17 =	simm.s32 $0x1  }
0x15: {  	[tilespmem:s16], [sflag:$0x6] =	stream.indirect.gather [hbm4b:s2+s6], $0x80, s15, s6, $0xb8;
	[tilespmem:$0x18400] =	vst v63  }
0x16: {  	s19 =	sshrl.u32 s19, $0x3;
	_ =	swait.ge [sflag:s17], $0x4000  }
0x17: {  	s29 =	sadd.s32 s19, s18;
	[sflag:s17] =	ssyncset.done $0x0  }
0x18: {  	s19 =	simm.s32 $0x2;
	s18 =	sadd.s32 $0x12C200, s29;
	[sflag:s17] =	ssyncadd.s32 $0xFFFFC000  }
0x19: {  	[hbm4b:s18+s3] =	stream.linear.scatter [tilespmem:s7], [sflag:$0x7], $0x4000, $0x38;
	[tilespmem:$0x18400] =	vst v63  }
0x1a: {  	_ =	swait.ge [sflag:s19], $0x4000  }
0x1b: {  	[sflag:s19] =	ssyncset.done $0x0  }
0x1c: {  	s21 =	simm.s32 $0x3;
	s20 =	sadd.s32 $0x12CA00, s29;
	[sflag:s19] =	ssyncadd.s32 $0xFFFFC000  }
0x1d: {  	[hbm4b:s20+s3] =	stream.linear.scatter [tilespmem:s8], [sflag:$0x7], $0x4000, $0x38;
	[tilespmem:$0x18400] =	vst v63  }
0x1e: {  	_ =	swait.ge [sflag:s21], $0x4000  }
0x1f: {  	[sflag:s21] =	ssyncset.done $0x0  }
0x20: {  	s23 =	simm.s32 $0x4;
	s22 =	sadd.s32 $0x12D200, s29;
	[sflag:s21] =	ssyncadd.s32 $0xFFFFC000  }
0x21: {  	[hbm4b:s22+s3] =	stream.linear.scatter [tilespmem:s10], [sflag:$0x7], $0x4000, $0x38;
	[tilespmem:$0x18400] =	vst v63  }
0x22: {  	_ =	swait.ge [sflag:s23], $0x4000  }
0x23: {  	[sflag:s23] =	ssyncset.done $0x0  }
0x24: {  	s25 =	simm.s32 $0x5;
	s24 =	sadd.s32 $0x12DA00, s29;
	[sflag:s23] =	ssyncadd.s32 $0xFFFFC000  }
0x25: {  	[hbm4b:s24+s3] =	stream.linear.scatter [tilespmem:s12], [sflag:$0x7], $0x4000, $0x38;
	[tilespmem:$0x18400] =	vst v63  }
0x26: {  	_ =	swait.ge [sflag:s25], $0x4000  }
0x27: {  	[sflag:s25] =	ssyncset.done $0x0  }
0x28: {  	s28 =	simm.s32 $0x6;
	s26 =	sadd.s32 $0x12E200, s29;
	[sflag:s25] =	ssyncadd.s32 $0xFFFFC000  }
0x29: {  	[hbm4b:s26+s3] =	stream.linear.scatter [tilespmem:s14], [sflag:$0x7], $0x4000, $0x38;
	[tilespmem:$0x18400] =	vst v63  }
0x2a: {  	_ =	swait.ge [sflag:s28], $0x4000  }
0x2b: {  	[sflag:s28] =	ssyncset.done $0x0  }
0x2c: {  	s30 =	simm.s32 $0x7;
	s29 =	sadd.s32 $0x12EA00, s29;
	[sflag:s28] =	ssyncadd.s32 $0xFFFFC000  }
0x2d: {  	[hbm4b:s29+s3] =	stream.linear.scatter [tilespmem:s16], [sflag:$0x7], $0x4000, $0x38;
	[tilespmem:$0x18400] =	vst v63  }
0x2e: {  	_ =	swait.ge [sflag:s30], $0x4000  }
0x2f: {  	[sflag:s30] =	ssyncset.done $0x0  }
0x30: {  	[sflag:s30] =	ssyncadd.s32 $0xFFFFC000  }
0x31: {  	_ =	swait.ge [sflag:s30], $0x4000  }
0x32: {  	[sflag:s30] =	ssyncset.done $0x0  }
0x33: {  	[sflag:s30] =	ssyncadd.s32 $0xFFFFC000  }
0x34: {  	_ =	swait.ge [sflag:s30], $0x4000  }
0x35: {  	s31 =	ssub.s32 $0x2, s31;
	[sflag:s30] =	ssyncset.done $0x0  }
0x36: {  	s1 =	sshrl.u32 s31, $0x1;
	[sflag:s30] =	ssyncadd.s32 $0xFFFFC000  }
0x37: {  	s1 =	ssub.s32 s31, s1;
	_ =	swait.ge [sflag:s30], $0x4000  }
0x38: {  	s1 =	smax.u32 s1, $0x1;
	[sflag:s30] =	ssyncset.done $0x0  }
0x39: {  	p0 =	sne.s32 s1, $0x1;
	[sflag:s30] =	ssyncadd.s32 $0xFFFFC000  }
.Ltmp0:
0x3a: {  	_ =	swait.ge [sflag:s30], $0x4000;
	(pc) =	sbr.rel @!p0 .LBB2_2-.Ltmp0, $4  }
0x3b: {  	[sflag:s30] =	ssyncset.done $0x0  }
0x3c: {  	[sflag:s30] =	ssyncadd.s32 $0xFFFFC000  }
0x3d: {  	_ =	swait.ge [sflag:s30], $0x4000  }
0x3e: {  	s31 =	sadd.s32 $0xFFFFFFFF, s1;
	[sflag:s30] =	ssyncset.done $0x0  }
.LBB2_1:
0x3f: {  	p0 =	sne.s32 s31, $0x1;
	s31 =	sadd.s32 $0xFFFFFFFF, s31;
	[sflag:s30] =	ssyncadd.s32 $0xFFFFC000  }
0x40: {  	[tilespmem:s3], [sflag:$0x8] =	stream.linear.gather [hbm4b:s4+s3], $0x300, $0x38;
	[tilespmem:$0x18400] =	vst v63  }
0x41: {  	_ =	swait.ge [sflag:s5], $0x300  }
0x42: {  	[sflag:s5] =	ssyncset.done $0x0  }
0x43: {  	[sflag:s5] =	ssyncadd.s32 $0xFFFFFD00  }
0x44: {  	[tilespmem:s7], [sflag:$0x1] =	stream.indirect.gather [hbm4b:s2+s6], $0x80, s3, s6, $0xb8;
	[tilespmem:$0x18400] =	vst v63  }
0x45: {  	_ = 	snop  }
0x46: {  	[tilespmem:s8], [sflag:$0x2] =	stream.indirect.gather [hbm4b:s2+s6], $0x80, s6, s6, $0xb8;
	[tilespmem:$0x18400] =	vst v63  }
0x47: {  	_ = 	snop  }
0x48: {  	[tilespmem:s10], [sflag:$0x3] =	stream.indirect.gather [hbm4b:s2+s6], $0x80, s9, s6, $0xb8;
	[tilespmem:$0x18400] =	vst v63  }
0x49: {  	_ = 	snop  }
0x4a: {  	[tilespmem:s12], [sflag:$0x4] =	stream.indirect.gather [hbm4b:s2+s6], $0x80, s11, s6, $0xb8;
	[tilespmem:$0x18400] =	vst v63  }
0x4b: {  	_ = 	snop  }
0x4c: {  	[tilespmem:s14], [sflag:$0x5] =	stream.indirect.gather [hbm4b:s2+s6], $0x80, s13, s6, $0xb8;
	[tilespmem:$0x18400] =	vst v63  }
0x4d: {  	_ = 	snop  }
0x4e: {  	[tilespmem:s16], [sflag:$0x6] =	stream.indirect.gather [hbm4b:s2+s6], $0x80, s15, s6, $0xb8;
	[tilespmem:$0x18400] =	vst v63  }
0x4f: {  	_ =	swait.ge [sflag:s17], $0x4000  }
0x50: {  	[sflag:s17] =	ssyncset.done $0x0  }
0x51: {  	[sflag:s17] =	ssyncadd.s32 $0xFFFFC000  }
0x52: {  	[hbm4b:s18+s3] =	stream.linear.scatter [tilespmem:s7], [sflag:$0x7], $0x4000, $0x38;
	[tilespmem:$0x18400] =	vst v63  }
0x53: {  	_ =	swait.ge [sflag:s19], $0x4000  }
0x54: {  	[sflag:s19] =	ssyncset.done $0x0  }
0x55: {  	[sflag:s19] =	ssyncadd.s32 $0xFFFFC000  }
0x56: {  	[hbm4b:s20+s3] =	stream.linear.scatter [tilespmem:s8], [sflag:$0x7], $0x4000, $0x38;
	[tilespmem:$0x18400] =	vst v63  }
0x57: {  	_ =	swait.ge [sflag:s21], $0x4000  }
0x58: {  	[sflag:s21] =	ssyncset.done $0x0  }
0x59: {  	[sflag:s21] =	ssyncadd.s32 $0xFFFFC000  }
0x5a: {  	[hbm4b:s22+s3] =	stream.linear.scatter [tilespmem:s10], [sflag:$0x7], $0x4000, $0x38;
	[tilespmem:$0x18400] =	vst v63  }
0x5b: {  	_ =	swait.ge [sflag:s23], $0x4000  }
0x5c: {  	[sflag:s23] =	ssyncset.done $0x0  }
0x5d: {  	[sflag:s23] =	ssyncadd.s32 $0xFFFFC000  }
0x5e: {  	[hbm4b:s24+s3] =	stream.linear.scatter [tilespmem:s12], [sflag:$0x7], $0x4000, $0x38;
	[tilespmem:$0x18400] =	vst v63  }
0x5f: {  	_ =	swait.ge [sflag:s25], $0x4000  }
0x60: {  	[sflag:s25] =	ssyncset.done $0x0  }
0x61: {  	[sflag:s25] =	ssyncadd.s32 $0xFFFFC000  }
0x62: {  	[hbm4b:s26+s3] =	stream.linear.scatter [tilespmem:s14], [sflag:$0x7], $0x4000, $0x38;
	[tilespmem:$0x18400] =	vst v63  }
0x63: {  	_ =	swait.ge [sflag:s28], $0x4000  }
0x64: {  	[sflag:s28] =	ssyncset.done $0x0  }
0x65: {  	[sflag:s28] =	ssyncadd.s32 $0xFFFFC000  }
0x66: {  	[hbm4b:s29+s3] =	stream.linear.scatter [tilespmem:s16], [sflag:$0x7], $0x4000, $0x38;
	[tilespmem:$0x18400] =	vst v63  }
0x67: {  	_ =	swait.ge [sflag:s30], $0x4000  }
0x68: {  	[sflag:s30] =	ssyncset.done $0x0  }
0x69: {  	[sflag:s30] =	ssyncadd.s32 $0xFFFFC000  }
0x6a: {  	_ =	swait.ge [sflag:s30], $0x4000  }
0x6b: {  	[sflag:s30] =	ssyncset.done $0x0  }
0x6c: {  	[sflag:s30] =	ssyncadd.s32 $0xFFFFC000  }
0x6d: {  	_ =	swait.ge [sflag:s30], $0x4000  }
0x6e: {  	[sflag:s30] =	ssyncset.done $0x0  }
0x6f: {  	[sflag:s30] =	ssyncadd.s32 $0xFFFFC000  }
0x70: {  	_ =	swait.ge [sflag:s30], $0x4000  }
0x71: {  	[sflag:s30] =	ssyncset.done $0x0  }
0x72: {  	[sflag:s30] =	ssyncadd.s32 $0xFFFFC000  }
.Ltmp1:
0x73: {  	_ =	swait.ge [sflag:s30], $0x4000;
	(pc) =	sbr.rel @p0 .LBB2_1-.Ltmp1, $4  }
0x74: {  	[sflag:s30] =	ssyncset.done $0x0  }
0x75: {  	[sflag:s30] =	ssyncadd.s32 $0xFFFFC000  }
0x76: {  	_ =	swait.ge [sflag:s30], $0x4000  }
0x77: {  	[sflag:s30] =	ssyncset.done $0x0  }
.LBB2_2:
0x78: {  	[sflag:s30] =	ssyncadd.s32 $0xFFFFC000  }
0x79: {  	_ =	sfence.sel $0x180000  }
0x7a: {  	[bflag:$0x0] =	sbarrier.arrive $0xFFFF  }
0x7b: {  	_ =	strace $0x90000050  }
0x7c: {  	[bflag:$0x2] =	sbarrier.arrive $0xFFFF  }
0x7d: {  	p0 =	sne.s32 s0, $0x0;
	s0 =	rddreg [dreg:$0x2]  }
0x7e: {  	s0 =	sadd.s32 @!p0 $0x100000, s0  }
0x7f: {  	[sflag:s0] =	ssyncadd.tile.s32 @!p0 $0x1;
	_ =	shalt  }
.Lfunc_end2:
_tile_overlayer_lowered:
.L_overlay_start_2:
0x80: {  	(tag) =	ssettag $0x2  }
0x81: {  	s0 =	rddreg [dreg:$0x0];
	s2 =	stileid.u32  }
0x82: {  	s1 =	rddreg [dreg:$0x1];
	p0 =	sne.s32 s2, $0x0  }
0x83: {  	s3 =	rddreg [dreg:$0x2];
	[bflag:$0x3] =	sbarrier.arrive $0xFFFF;
	s2 =	simm.s32 @!p0 $0x1C08  }
0x84: {  	[timem:s3], [sflag:s2] =	dma.local @!p0 [hbm:s0], s1  }
0x85: {  	s0 =	simm.s32 @!p0 $0x8  }
0x86: {  	_ =	swait.ge @!p0 [sflag:s0], s1  }
0x87: {  	s1 =	ssub.s32 @!p0 $0x0, s1;
	[sflag:s0] =	ssyncset.done @!p0 $0x0  }
0x88: {  	[sflag:s0] =	ssyncadd.s32 @!p0 s1  }
0x89: {  	[bflag:$0x3] =	sbarrier.arrive $0xFFFF  }
0x8a: {  	_ =	shalt  }

// kernel: kernel.30.cloned.1.call-start
scs
__scs_entry_jumppad:
0x0: {  	(pc) =	sbr.rel $0x88, $3  }
0x1: {  	(tag) =	ssettag $0x0;
	lr =	simm.s32 $0x1  }
0x2: {  	[smem:$0x3F7F] =	sst lr;
	_ =	strace $0xD0000000  }
0x3: {  	_ = 	snop  }
0x4: {  	_ = 	snop  }
0x5: {  	_ = 	snop  }
0x6: {  	_ = 	snop  }
0x7: {  	_ = 	snop  }
__scs_overlays_trampoline_lowered:
0x8: {  	[smem:$0x3F8E] =	sst s0  }
0x9: {  	[smem:$0x3F8F] =	sst s1  }
0xa: {  	[smem:$0x3F90] =	sst s2  }
0xb: {  	[smem:$0x3F91] =	sst s3  }
0xc: {  	[smem:$0x3F92] =	sst s4  }
0xd: {  	[smem:$0x3F93] =	sst s5  }
0xe: {  	[smem:$0x3F94] =	sst s6  }
0xf: {  	[smem:$0x3F95] =	sst s7  }
0x10: {  	[smem:$0x3F96] =	sst s8  }
0x11: {  	[smem:$0x3F97] =	sst s9;
	s0 =	simm.s32 @!p0 $0x0  }
0x12: {  	s1 =	sld [smem:$0x3F7D];
	s0 =	simm.s32 @p0 $0x1  }
0x13: {  	[smem:$0x3F98] =	sst s0;
	s0 =	simm.s32 @!p1 $0x0  }
0x14: {  	s2 =	sld [smem:$0x3F7C];
	s0 =	simm.s32 @p1 $0x1  }
0x15: {  	[smem:$0x3F99] =	sst s0;
	s0 =	simm.s32 @!p2 $0x0  }
0x16: {  	s3 =	sld [smem:$0x3FDB];
	s0 =	simm.s32 @p2 $0x1  }
0x17: {  	s4 =	simm.s32 $0x1BF5;
	[smem:$0x3F9B] =	sst s0  }
0x18: {  	s0 =	sld [smem:$0x3F7E];
	_ =	swait.ge [sflag:s4], $0x0  }
0x19: {  	s7 =	sld [smem:$0x3F7F]  }
0x1a: {  	s8 =	sadd.s32 $0xFFFFE003, lr  }
0x1b: {  	s9 =	sadd.s32 $0xFFFFFEF7, lr;
	s5 =	simm.s32 $0xFFFFFFFF;
	p2 =	slt.u32 s8, $0xFFFFF086  }
0x1c: {  	p1 =	slt.u32 s9, $0xF7A;
	s5 =	simm.s32 @!p2 $0x0  }
0x1d: {  	s5 =	simm.s32 @p1 $0x1;
	p0 =	seq.s32 s7, s2  }
0x1e: {  	s7 =	smul.u32 @!p0 $0xF7A, s2;
	p2 =	seq.s32 @!p0 s5, $0x0  }
0x1f: {  	s9 =	smul.u32 $0xF7A, s1;
	s8 =	simm.s32 @!p0 $0x1BF5;
	p2 =	por !p2, p0  }
0x20: {  	[sflag:s8] =	ssyncset.s32 @!p0 $0xFFFFF086;
	s6 =	sadd.s32 @!p0 s3, s7;
	s7 =	simm.s32 @!p0 $0x108  }
0x21: {  	s3 =	sadd.s32 s3, s9;
	s6 =	sadd.s32 @!p0 $0x88, s6;
	s7 =	simm.s32 @p2 $0x1082  }
0x22: {  	[simem:s7], [sflag:s8] =	dma.local @!p0 [hbm:s6], $0xF7A  }
0x23: {  	s9 =	sor.u32 $0xD0000000, s2;
	s6 =	simm.s32 $0x108;
	_ =	swait.ge @!p0 [sflag:s8], $0x0  }
0x24: {  	s3 =	sadd.s32 $0x88, s3;
	s6 =	simm.s32 @!p1 $0x1082;
	[sflag:s4] =	ssyncset.s32 $0xFFFFF086  }
0x25: {  	[simem:s6], [sflag:s4] =	dma.local [hbm:s3], $0xF7A  }
0x26: {  	[smem:$0x3F7F] =	sst s1;
	(tag) =	ssettag s2;
	_ =	strace s9  }
0x27: {  	s1 =	sld [smem:$0x3F8F]  }
0x28: {  	s2 =	sld [smem:$0x3F90]  }
0x29: {  	s4 =	sld [smem:$0x3F92]  }
0x2a: {  	p0 =	seq.s32 s5, $0x0;
	s5 =	sld [smem:$0x3F93]  }
0x2b: {  	s6 =	sld [smem:$0x3F94]  }
0x2c: {  	s7 =	sld [smem:$0x3F95]  }
0x2d: {  	s3 =	simm.s32 $0x108;
	s8 =	sld [smem:$0x3F96]  }
0x2e: {  	s3 =	simm.s32 @!p0 $0x1082;
	s9 =	sld [smem:$0x3F97]  }
0x2f: {  	lr =	sadd.s32 s0, s3;
	s0 =	sld [smem:$0x3F8E]  }
0x30: {  	s3 =	sld [smem:$0x3F91]  }
0x31: {  	[smem:$0x3F9A] =	sst s10  }
0x32: {  	s10 =	sld [smem:$0x3F98];
	_ =	sdelay $0x3  }
0x33: {  	p0 =	seq.s32 s10, $0x1;
	s10 =	sld [smem:$0x3F9A];
	_ =	sdelay $0x3  }
0x34: {  	[smem:$0x3F9A] =	sst s10  }
0x35: {  	s10 =	sld [smem:$0x3F99];
	_ =	sdelay $0x3  }
0x36: {  	p1 =	seq.s32 s10, $0x1;
	s10 =	sld [smem:$0x3F9A];
	_ =	sdelay $0x3  }
0x37: {  	[smem:$0x3F9A] =	sst s10  }
0x38: {  	s10 =	sld [smem:$0x3F9B]  }
0x39: {  	_ = 	snop;
	(pc) =	sbr.ind lr, $3  }
0x3a: {  	_ = 	snop  }
0x3b: {  	_ = 	snop  }
0x3c: {  	p2 =	seq.s32 s10, $0x1;
	s10 =	sld [smem:$0x3F9A]  }
0x3d: {  	_ =	shalt  }
0x3e: {  	_ =	shalt  }
0x3f: {  	_ =	shalt  }
0x40: {  	_ =	shalt  }
0x41: {  	_ =	shalt  }
0x42: {  	_ =	shalt  }
0x43: {  	_ =	shalt  }
0x44: {  	_ =	shalt  }
0x45: {  	_ =	shalt  }
0x46: {  	_ =	shalt  }
0x47: {  	_ =	shalt  }
0x48: {  	_ =	shalt  }
0x49: {  	_ =	shalt  }
0x4a: {  	_ =	shalt  }
0x4b: {  	_ =	shalt  }
0x4c: {  	_ =	shalt  }
0x4d: {  	_ =	shalt  }
0x4e: {  	_ =	shalt  }
0x4f: {  	_ =	shalt  }
0x50: {  	_ =	shalt  }
0x51: {  	_ =	shalt  }
0x52: {  	_ =	shalt  }
0x53: {  	_ =	shalt  }
0x54: {  	_ =	shalt  }
0x55: {  	_ =	shalt  }
0x56: {  	_ =	shalt  }
0x57: {  	_ =	shalt  }
0x58: {  	_ =	shalt  }
0x59: {  	_ =	shalt  }
0x5a: {  	_ =	shalt  }
0x5b: {  	_ =	shalt  }
0x5c: {  	_ =	shalt  }
0x5d: {  	_ =	shalt  }
0x5e: {  	_ =	shalt  }
0x5f: {  	_ =	shalt  }
0x60: {  	_ =	shalt  }
0x61: {  	_ =	shalt  }
0x62: {  	_ =	shalt  }
0x63: {  	_ =	shalt  }
0x64: {  	_ =	shalt  }
0x65: {  	_ =	shalt  }
0x66: {  	_ =	shalt  }
0x67: {  	_ =	shalt  }
0x68: {  	_ =	shalt  }
0x69: {  	_ =	shalt  }
0x6a: {  	_ =	shalt  }
0x6b: {  	_ =	shalt  }
0x6c: {  	_ =	shalt  }
0x6d: {  	_ =	shalt  }
0x6e: {  	_ =	shalt  }
0x6f: {  	_ =	shalt  }
0x70: {  	_ =	shalt  }
0x71: {  	_ =	shalt  }
0x72: {  	_ =	shalt  }
0x73: {  	_ =	shalt  }
0x74: {  	_ =	shalt  }
0x75: {  	_ =	shalt  }
0x76: {  	_ =	shalt  }
0x77: {  	_ =	shalt  }
0x78: {  	_ =	shalt  }
0x79: {  	_ =	shalt  }
0x7a: {  	_ =	shalt  }
0x7b: {  	_ =	shalt  }
0x7c: {  	_ =	shalt  }
0x7d: {  	_ =	shalt  }
0x7e: {  	_ =	shalt  }
0x7f: {  	_ =	shalt  }
0x80: {  	_ =	shalt  }
0x81: {  	_ =	shalt  }
0x82: {  	_ =	shalt  }
0x83: {  	_ =	shalt  }
0x84: {  	_ =	shalt  }
0x85: {  	_ =	shalt  }
0x86: {  	_ =	shalt  }
0x87: {  	_ =	shalt  }
.Lfunc_end0:
.L_simem_size_0:
called_computation.5_lowered:
.L_overlay_start_0:
0x88: {  	s2 =	sld [smem:$0x3FD9]  }
0x89: {  	s3 =	sld [smem:$0x3FFE];
	_ =	sdelay $0x1  }
0x8a: {  	s1 =	srdreg.scid  }
0x8b: {  	s0 =	sand.u32 $0x1, s1  }
0x8c: {  	s17 =	sshll.u32 s0, $0xA;
	s2 =	sadd.s32 s3, s2  }
0x8d: {  	s2 =	sadd.s32 s2, s17  }
0x8e: {  	[smem:$0x3FA6] =	sst s2  }
0x8f: {  	_ = 	snop  }
0x90: {  	s18 =	sld [smem:$0x3FC5];
	(tm) =	ssettm $0x1  }
0x91: {  	s19 =	sld [smem:$0x3FFB];
	_ =	sdelay $0x3  }
0x92: {  	_ =	strace s19  }
0x93: {  	s2 =	sld [smem:$0x3FFC];
	_ =	sdelay $0x3  }
0x94: {  	_ =	strace s2  }
0x95: {  	s2 =	sld [smem:$0x3FFD];
	_ =	sdelay $0x3  }
0x96: {  	_ =	strace s2  }
0x97: {  	_ =	strace $0x8FFFFFFF  }
0x98: {  	s20 =	sld [smem:$0x3FDB];
	_ =	sdelay $0x1  }
0x99: {  	s4 =	simm.s32 $_scs_section_size  }
0x9a: {  	s5 =	simm.s32 $_size__tile_overlayer_lowered;
	s6 =	simm.s32 $_tile_overlayer_lowered  }
0x9b: {  	s7 =	simm.s32 $0x1BFF;
	s21 =	sshll.u32 s6, $0x1;
	s4 =	sadd.s32 s4, s20  }
0x9c: {  	s22 =	simm.s32 $0x0;
	s5 =	sshll.u32 s5, $0x1;
	s6 =	sadd.s32 s21, s4  }
0x9d: {  	[timem:s22], [sflag:s7] =	dma.local [hbm:s6], s5  }
0x9e: {  	_ =	swait.ge [sflag:s7], s5  }
0x9f: {  	s5 =	ssub.s32 $0x0, s5;
	[sflag:s7] =	ssyncset.done $0x0  }
0xa0: {  	[sflag:s7] =	ssyncadd.s32 s5;
	_ =	sdelay $0x1  }
0xa1: {  	s23 =	simm.s32 $0x1B8B  }
0xa2: {  	_ =	swait.ge [sflag:s23], $0x1  }
0xa3: {  	[sflag:s23] =	ssyncset.done $0x0  }
0xa4: {  	[sflag:s23] =	ssyncadd.s32 $0xFFFFFFFF  }
0xa5: {  	s5 =	sld [smem:$0x0]  }
0xa6: {  	s6 =	sand.u32 $0xFFFFFFFE, s1  }
0xa7: {  	p0 =	sne.s32 s1, s6  }
0xa8: {  	s6 =	sshll.u32 @p0 s6, $0xE  }
0xa9: {  	s6 =	sadd.s32 @p0 $0x11B8D, s6;
	s7 =	sshll.u32 @p0 s5, $0x11  }
0xaa: {  	s6 =	sor.u32 @p0 s7, s6  }
0xab: {  	[sflag:s6] =	ssyncadd.remote.s32 @p0 $0x1;
	_ =	sdelay $0x1  }
0xac: {  	s6 =	simm.s32 @p0 $0x1B8D  }
0xad: {  	_ =	swait.eq @p0 [sflag:s6], $0x1  }
0xae: {  	[sflag:s6] =	ssyncadd.s32 @p0 $0xFFFFFFFF  }
0xaf: {  	s7 =	sshll.u32 @!p0 s1, $0xE  }
0xb0: {  	s7 =	sor.u32 @!p0 $0x4000, s7;
	s6 =	simm.s32 @!p0 $0x1B8D  }
0xb1: {  	s5 =	sshll.u32 @!p0 s5, $0x11;
	s7 =	sadd.s32 @!p0 $0x11B8D, s7;
	_ =	swait.eq @!p0 [sflag:s6], $0x1  }
0xb2: {  	s5 =	sor.u32 @!p0 s5, s7;
	[sflag:s6] =	ssyncadd.s32 @!p0 $0xFFFFFFFF  }
0xb3: {  	s25 =	simm.s32 $0x1B8E;
	s24 =	sld [smem:$0x3FFE];
	[sflag:s5] =	ssyncadd.remote.s32 @!p0 $0x1  }
0xb4: {  	s26 =	simm.s32 $execute0_lowered;
	[smem:$0x3FD2] =	sst s25  }
0xb5: {  	s6 =	sshll.u32 s26, $0x1;
	_ =	strace $0x80000052;
	[dreg:$0x1] =	wrdreg $0xFFFFFFFF  }
0xb6: {  	s28 =	simm.s32 $_size_execute0_lowered;
	s4 =	sadd.s32 s4, s6;
	[dreg:$0x0] =	wrdreg $0x0  }
0xb7: {  	s6 =	sshll.u32 s28, $0x1;
	[dreg:$0x2] =	wrdreg s4  }
0xb8: {  	[dreg:$0x3] =	wrdreg s6  }
0xb9: {  	[dreg:$0x4] =	wrdreg $0xC0  }
0xba: {  	_ =	task [dreg:s22], $0x5FFFF  }
0xbb: {  	[dreg:$0x1] =	wrdreg $0xFFFFFFFF  }
0xbc: {  	[dreg:$0x0] =	wrdreg $0x60  }
0xbd: {  	[dreg:$0x2] =	wrdreg s18  }
0xbe: {  	[dreg:$0x3] =	wrdreg s24  }
0xbf: {  	[dreg:$0x4] =	wrdreg $0xE  }
0xc0: {  	_ =	task.clear_ibuf [dreg:s22], $0x5FFFF;
	_ =	strace $0x90000052  }
0xc1: {  	s29 =	simm.s32 $0xE;
	_ =	strace $0x80000054  }
0xc2: {  	_ =	swait.ge [sflag:s29], $0x1  }
0xc3: {  	[sflag:s29] =	ssyncadd.s32 $0xFFFFFFFF  }
0xc4: {  	_ =	strace $0x90000054  }
0xc5: {  	_ =	sfence  }
0xc6: {  	s30 =	sld [smem:$0x0];
	_ =	sdelay $0x2  }
0xc7: {  	s31 =	sshll.u32 s1, $0xD;
	s1 =	sshrl.u32 s1, $0x2  }
0xc8: {  	s4 =	sand.u32 $0x4000, s31;
	s1 =	sadd.s32 s1, s30  }
0xc9: {  	s0 =	sor.u32 s4, s0;
	s1 =	sshll.u32 s1, $0x11  }
0xca: {  	s0 =	sor.u32 s1, s0  }
0xcb: {  	s0 =	sadd.s32 $0x8F2B, s0  }
0xcc: {  	[sflag:s0] =	ssyncadd.remote.s32 $0x1  }
0xcd: {  	_ =	sfence.sel $0xFFFF  }
0xce: {  	[dreg:$0x0] =	wrdreg $0xFFFFFFFF;
	(pc) =	sbr.abs _section_cstart, $3  }
0xcf: {  	[dreg:$0x1] =	wrdreg $0xFFFFFFFF  }
0xd0: {  	_ =	task.clear_ibuf [dreg:s22], $0x2FFFF;
	_ =	strace $0x9FFFFFFF  }
0xd1: {  	(tm) =	ssettm $0x7FFFFFFF  }
tec
execute0_lowered:
.L_overlay_start_1:
0x0: {  	(tag) =	ssettag $0x1  }
0x1: {  	s1 =	srdreg.scid;
	s0 =	stileid.u32  }
0x2: {  	s31 =	sand.u32 $0x1, s1;
	s26 =	sshll.u32 s0, $0x1  }
0x3: {  	s2 =	rddreg [dreg:$0x0];
	s13 =	sor.u32 s31, s26  }
0x4: {  	s18 =	rddreg [dreg:$0x1];
	s3 =	simm.s32 $0x0;
	s4 =	sshll.u32 s13, $0x7  }
0x5: {  	[smem:$0x7FF] =	sst s3;
	s4 =	sadd.s32 s4, s18  }
0x6: {  	s5 =	simm.s32 $0x8;
	_ =	strace $0x80000053;
	s4 =	sadd.s32 $0x18C200, s4  }
0x7: {  	[tilespmem:s3], [sflag:$0x8] =	stream.linear.gather [hbm4b:s4+s3], $0x300, $0x38;
	[tilespmem:$0x18400] =	vst v63  }
0x8: {  	_ =	swait.ge [sflag:s5], $0x300  }
0x9: {  	[sflag:s5] =	ssyncset.done $0x0  }
0xa: {  	s6 =	simm.s32 $0x80;
	s7 =	simm.s32 $0x400;
	[sflag:s5] =	ssyncadd.s32 $0xFFFFFD00  }
0xb: {  	[tilespmem:s7], [sflag:$0x1] =	stream.indirect.gather [hbm4b:s2+s6], $0x80, s3, s6, $0xb8;
	[tilespmem:$0x18400] =	vst v63  }
0xc: {  	s8 =	simm.s32 $0x4400  }
0xd: {  	[tilespmem:s8], [sflag:$0x2] =	stream.indirect.gather [hbm4b:s2+s6], $0x80, s6, s6, $0xb8;
	[tilespmem:$0x18400] =	vst v63  }
0xe: {  	s9 =	simm.s32 $0x100;
	s10 =	simm.s32 $0x8400  }
0xf: {  	[tilespmem:s10], [sflag:$0x3] =	stream.indirect.gather [hbm4b:s2+s6], $0x80, s9, s6, $0xb8;
	[tilespmem:$0x18400] =	vst v63  }
0x10: {  	s11 =	simm.s32 $0x180;
	s12 =	simm.s32 $0xC400  }
0x11: {  	[tilespmem:s12], [sflag:$0x4] =	stream.indirect.gather [hbm4b:s2+s6], $0x80, s11, s6, $0xb8;
	[tilespmem:$0x18400] =	vst v63  }
0x12: {  	s14 =	simm.s32 $0x10400;
	s19 =	smul.u32 $0x18000, s13;
	s13 =	simm.s32 $0x200  }
0x13: {  	[tilespmem:s14], [sflag:$0x5] =	stream.indirect.gather [hbm4b:s2+s6], $0x80, s13, s6, $0xb8;
	[tilespmem:$0x18400] =	vst v63  }
0x14: {  	s15 =	simm.s32 $0x280;
	s16 =	simm.s32 $0x14400;
	s17 =	simm.s32 $0x1  }
0x15: {  	[tilespmem:s16], [sflag:$0x6] =	stream.indirect.gather [hbm4b:s2+s6], $0x80, s15, s6, $0xb8;
	[tilespmem:$0x18400] =	vst v63  }
0x16: {  	s19 =	sshrl.u32 s19, $0x3;
	_ =	swait.ge [sflag:s17], $0x4000  }
0x17: {  	s29 =	sadd.s32 s19, s18;
	[sflag:s17] =	ssyncset.done $0x0  }
0x18: {  	s19 =	simm.s32 $0x2;
	s18 =	sadd.s32 $0x18D200, s29;
	[sflag:s17] =	ssyncadd.s32 $0xFFFFC000  }
0x19: {  	[hbm4b:s18+s3] =	stream.linear.scatter [tilespmem:s7], [sflag:$0x7], $0x4000, $0x38;
	[tilespmem:$0x18400] =	vst v63  }
0x1a: {  	_ =	swait.ge [sflag:s19], $0x4000  }
0x1b: {  	[sflag:s19] =	ssyncset.done $0x0  }
0x1c: {  	s21 =	simm.s32 $0x3;
	s20 =	sadd.s32 $0x18DA00, s29;
	[sflag:s19] =	ssyncadd.s32 $0xFFFFC000  }
0x1d: {  	[hbm4b:s20+s3] =	stream.linear.scatter [tilespmem:s8], [sflag:$0x7], $0x4000, $0x38;
	[tilespmem:$0x18400] =	vst v63  }
0x1e: {  	_ =	swait.ge [sflag:s21], $0x4000  }
0x1f: {  	[sflag:s21] =	ssyncset.done $0x0  }
0x20: {  	s23 =	simm.s32 $0x4;
	s22 =	sadd.s32 $0x18E200, s29;
	[sflag:s21] =	ssyncadd.s32 $0xFFFFC000  }
0x21: {  	[hbm4b:s22+s3] =	stream.linear.scatter [tilespmem:s10], [sflag:$0x7], $0x4000, $0x38;
	[tilespmem:$0x18400] =	vst v63  }
0x22: {  	_ =	swait.ge [sflag:s23], $0x4000  }
0x23: {  	[sflag:s23] =	ssyncset.done $0x0  }
0x24: {  	s25 =	simm.s32 $0x5;
	s24 =	sadd.s32 $0x18EA00, s29;
	[sflag:s23] =	ssyncadd.s32 $0xFFFFC000  }
0x25: {  	[hbm4b:s24+s3] =	stream.linear.scatter [tilespmem:s12], [sflag:$0x7], $0x4000, $0x38;
	[tilespmem:$0x18400] =	vst v63  }
0x26: {  	_ =	swait.ge [sflag:s25], $0x4000  }
0x27: {  	[sflag:s25] =	ssyncset.done $0x0  }
0x28: {  	s28 =	simm.s32 $0x6;
	s26 =	sadd.s32 $0x18F200, s29;
	[sflag:s25] =	ssyncadd.s32 $0xFFFFC000  }
0x29: {  	[hbm4b:s26+s3] =	stream.linear.scatter [tilespmem:s14], [sflag:$0x7], $0x4000, $0x38;
	[tilespmem:$0x18400] =	vst v63  }
0x2a: {  	_ =	swait.ge [sflag:s28], $0x4000  }
0x2b: {  	[sflag:s28] =	ssyncset.done $0x0  }
0x2c: {  	s30 =	simm.s32 $0x7;
	s29 =	sadd.s32 $0x18FA00, s29;
	[sflag:s28] =	ssyncadd.s32 $0xFFFFC000  }
0x2d: {  	[hbm4b:s29+s3] =	stream.linear.scatter [tilespmem:s16], [sflag:$0x7], $0x4000, $0x38;
	[tilespmem:$0x18400] =	vst v63  }
0x2e: {  	_ =	swait.ge [sflag:s30], $0x4000  }
0x2f: {  	[sflag:s30] =	ssyncset.done $0x0  }
0x30: {  	[sflag:s30] =	ssyncadd.s32 $0xFFFFC000  }
0x31: {  	_ =	swait.ge [sflag:s30], $0x4000  }
0x32: {  	[sflag:s30] =	ssyncset.done $0x0  }
0x33: {  	[sflag:s30] =	ssyncadd.s32 $0xFFFFC000  }
0x34: {  	_ =	swait.ge [sflag:s30], $0x4000  }
0x35: {  	s31 =	ssub.s32 $0x2, s31;
	[sflag:s30] =	ssyncset.done $0x0  }
0x36: {  	s1 =	sshrl.u32 s31, $0x1;
	[sflag:s30] =	ssyncadd.s32 $0xFFFFC000  }
0x37: {  	s1 =	ssub.s32 s31, s1;
	_ =	swait.ge [sflag:s30], $0x4000  }
0x38: {  	s1 =	smax.u32 s1, $0x1;
	[sflag:s30] =	ssyncset.done $0x0  }
0x39: {  	p0 =	sne.s32 s1, $0x1;
	[sflag:s30] =	ssyncadd.s32 $0xFFFFC000  }
.Ltmp0:
0x3a: {  	_ =	swait.ge [sflag:s30], $0x4000;
	(pc) =	sbr.rel @!p0 .LBB2_2-.Ltmp0, $4  }
0x3b: {  	[sflag:s30] =	ssyncset.done $0x0  }
0x3c: {  	[sflag:s30] =	ssyncadd.s32 $0xFFFFC000  }
0x3d: {  	_ =	swait.ge [sflag:s30], $0x4000  }
0x3e: {  	s31 =	sadd.s32 $0xFFFFFFFF, s1;
	[sflag:s30] =	ssyncset.done $0x0  }
.LBB2_1:
0x3f: {  	p0 =	sne.s32 s31, $0x1;
	s31 =	sadd.s32 $0xFFFFFFFF, s31;
	[sflag:s30] =	ssyncadd.s32 $0xFFFFC000  }
0x40: {  	[tilespmem:s3], [sflag:$0x8] =	stream.linear.gather [hbm4b:s4+s3], $0x300, $0x38;
	[tilespmem:$0x18400] =	vst v63  }
0x41: {  	_ =	swait.ge [sflag:s5], $0x300  }
0x42: {  	[sflag:s5] =	ssyncset.done $0x0  }
0x43: {  	[sflag:s5] =	ssyncadd.s32 $0xFFFFFD00  }
0x44: {  	[tilespmem:s7], [sflag:$0x1] =	stream.indirect.gather [hbm4b:s2+s6], $0x80, s3, s6, $0xb8;
	[tilespmem:$0x18400] =	vst v63  }
0x45: {  	_ = 	snop  }
0x46: {  	[tilespmem:s8], [sflag:$0x2] =	stream.indirect.gather [hbm4b:s2+s6], $0x80, s6, s6, $0xb8;
	[tilespmem:$0x18400] =	vst v63  }
0x47: {  	_ = 	snop  }
0x48: {  	[tilespmem:s10], [sflag:$0x3] =	stream.indirect.gather [hbm4b:s2+s6], $0x80, s9, s6, $0xb8;
	[tilespmem:$0x18400] =	vst v63  }
0x49: {  	_ = 	snop  }
0x4a: {  	[tilespmem:s12], [sflag:$0x4] =	stream.indirect.gather [hbm4b:s2+s6], $0x80, s11, s6, $0xb8;
	[tilespmem:$0x18400] =	vst v63  }
0x4b: {  	_ = 	snop  }
0x4c: {  	[tilespmem:s14], [sflag:$0x5] =	stream.indirect.gather [hbm4b:s2+s6], $0x80, s13, s6, $0xb8;
	[tilespmem:$0x18400] =	vst v63  }
0x4d: {  	_ = 	snop  }
0x4e: {  	[tilespmem:s16], [sflag:$0x6] =	stream.indirect.gather [hbm4b:s2+s6], $0x80, s15, s6, $0xb8;
	[tilespmem:$0x18400] =	vst v63  }
0x4f: {  	_ =	swait.ge [sflag:s17], $0x4000  }
0x50: {  	[sflag:s17] =	ssyncset.done $0x0  }
0x51: {  	[sflag:s17] =	ssyncadd.s32 $0xFFFFC000  }
0x52: {  	[hbm4b:s18+s3] =	stream.linear.scatter [tilespmem:s7], [sflag:$0x7], $0x4000, $0x38;
	[tilespmem:$0x18400] =	vst v63  }
0x53: {  	_ =	swait.ge [sflag:s19], $0x4000  }
0x54: {  	[sflag:s19] =	ssyncset.done $0x0  }
0x55: {  	[sflag:s19] =	ssyncadd.s32 $0xFFFFC000  }
0x56: {  	[hbm4b:s20+s3] =	stream.linear.scatter [tilespmem:s8], [sflag:$0x7], $0x4000, $0x38;
	[tilespmem:$0x18400] =	vst v63  }
0x57: {  	_ =	swait.ge [sflag:s21], $0x4000  }
0x58: {  	[sflag:s21] =	ssyncset.done $0x0  }
0x59: {  	[sflag:s21] =	ssyncadd.s32 $0xFFFFC000  }
0x5a: {  	[hbm4b:s22+s3] =	stream.linear.scatter [tilespmem:s10], [sflag:$0x7], $0x4000, $0x38;
	[tilespmem:$0x18400] =	vst v63  }
0x5b: {  	_ =	swait.ge [sflag:s23], $0x4000  }
0x5c: {  	[sflag:s23] =	ssyncset.done $0x0  }
0x5d: {  	[sflag:s23] =	ssyncadd.s32 $0xFFFFC000  }
0x5e: {  	[hbm4b:s24+s3] =	stream.linear.scatter [tilespmem:s12], [sflag:$0x7], $0x4000, $0x38;
	[tilespmem:$0x18400] =	vst v63  }
0x5f: {  	_ =	swait.ge [sflag:s25], $0x4000  }
0x60: {  	[sflag:s25] =	ssyncset.done $0x0  }
0x61: {  	[sflag:s25] =	ssyncadd.s32 $0xFFFFC000  }
0x62: {  	[hbm4b:s26+s3] =	stream.linear.scatter [tilespmem:s14], [sflag:$0x7], $0x4000, $0x38;
	[tilespmem:$0x18400] =	vst v63  }
0x63: {  	_ =	swait.ge [sflag:s28], $0x4000  }
0x64: {  	[sflag:s28] =	ssyncset.done $0x0  }
0x65: {  	[sflag:s28] =	ssyncadd.s32 $0xFFFFC000  }
0x66: {  	[hbm4b:s29+s3] =	stream.linear.scatter [tilespmem:s16], [sflag:$0x7], $0x4000, $0x38;
	[tilespmem:$0x18400] =	vst v63  }
0x67: {  	_ =	swait.ge [sflag:s30], $0x4000  }
0x68: {  	[sflag:s30] =	ssyncset.done $0x0  }
0x69: {  	[sflag:s30] =	ssyncadd.s32 $0xFFFFC000  }
0x6a: {  	_ =	swait.ge [sflag:s30], $0x4000  }
0x6b: {  	[sflag:s30] =	ssyncset.done $0x0  }
0x6c: {  	[sflag:s30] =	ssyncadd.s32 $0xFFFFC000  }
0x6d: {  	_ =	swait.ge [sflag:s30], $0x4000  }
0x6e: {  	[sflag:s30] =	ssyncset.done $0x0  }
0x6f: {  	[sflag:s30] =	ssyncadd.s32 $0xFFFFC000  }
0x70: {  	_ =	swait.ge [sflag:s30], $0x4000  }
0x71: {  	[sflag:s30] =	ssyncset.done $0x0  }
0x72: {  	[sflag:s30] =	ssyncadd.s32 $0xFFFFC000  }
.Ltmp1:
0x73: {  	_ =	swait.ge [sflag:s30], $0x4000;
	(pc) =	sbr.rel @p0 .LBB2_1-.Ltmp1, $4  }
0x74: {  	[sflag:s30] =	ssyncset.done $0x0  }
0x75: {  	[sflag:s30] =	ssyncadd.s32 $0xFFFFC000  }
0x76: {  	_ =	swait.ge [sflag:s30], $0x4000  }
0x77: {  	[sflag:s30] =	ssyncset.done $0x0  }
.LBB2_2:
0x78: {  	[sflag:s30] =	ssyncadd.s32 $0xFFFFC000  }
0x79: {  	_ =	sfence.sel $0x180000  }
0x7a: {  	[bflag:$0x0] =	sbarrier.arrive $0xFFFF  }
0x7b: {  	_ =	strace $0x90000053  }
0x7c: {  	[bflag:$0x2] =	sbarrier.arrive $0xFFFF  }
0x7d: {  	p0 =	sne.s32 s0, $0x0;
	s0 =	rddreg [dreg:$0x2]  }
0x7e: {  	s0 =	sadd.s32 @!p0 $0x100000, s0  }
0x7f: {  	[sflag:s0] =	ssyncadd.tile.s32 @!p0 $0x1;
	_ =	shalt  }
.Lfunc_end2:
_tile_overlayer_lowered:
.L_overlay_start_2:
0x80: {  	(tag) =	ssettag $0x2  }
0x81: {  	s0 =	rddreg [dreg:$0x0];
	s2 =	stileid.u32  }
0x82: {  	s1 =	rddreg [dreg:$0x1];
	p0 =	sne.s32 s2, $0x0  }
0x83: {  	s3 =	rddreg [dreg:$0x2];
	[bflag:$0x3] =	sbarrier.arrive $0xFFFF;
	s2 =	simm.s32 @!p0 $0x1C08  }
0x84: {  	[timem:s3], [sflag:s2] =	dma.local @!p0 [hbm:s0], s1  }
0x85: {  	s0 =	simm.s32 @!p0 $0x8  }
0x86: {  	_ =	swait.ge @!p0 [sflag:s0], s1  }
0x87: {  	s1 =	ssub.s32 @!p0 $0x0, s1;
	[sflag:s0] =	ssyncset.done @!p0 $0x0  }
0x88: {  	[sflag:s0] =	ssyncadd.s32 @!p0 s1  }
0x89: {  	[bflag:$0x3] =	sbarrier.arrive $0xFFFF  }
0x8a: {  	_ =	shalt  }

</sc_bundles>
